<compile_context>
chip_gen: v7x
topology: tpu7x:2x2x1
jax: 0.10.2.dev20260603
libtpu: 0.0.44.dev20260713+nightly
codegen_flags: <defaults>
</compile_context>

<pallas_src>
import functools

import jax
import jax.numpy as jnp
from jax import lax
from jax.experimental import pallas as pl
from jax.experimental.pallas import tpu as pltpu
from jax.experimental.pallas import tpu_sc as plsc

N = 160000
D = 256
HD = 128
T = 512
QS = 16
NQ = N // QS
KT = 2 * T
TRASH = KT
HROWS = 1152
TROWS = 2 * HROWS
CQ = 16
C = 128
SUB = 2 * C
NCHUNK = N // C
NW = 32
RSTRIPE = TROWS // 16

QB = 1000
NQB = NQ // QB


MAXCH = (NCHUNK + NW - 1) // NW + 1
PRELOAD = MAXCH * C
KPAD = PRELOAD + 144


def _sc_seg_kernel(rows3, bidx, lbl, z1, z2, ones_h, tbl_out, cnt_out, q_out,
                   table_sh, counts_sh, rows_a, rows_b, bidx_v, lbl_v, idx_v,
                   ones_v, qbuf_v, sem_a, sem_b, sem_t, sem_u):
    cid = lax.axis_index("c")
    sid = lax.axis_index("s")
    wid = sid * 2 + cid

    n_w = jnp.where(wid < NCHUNK - NW * (NCHUNK // NW),
                    NCHUNK // NW + 1, NCHUNK // NW)
    start = wid * (NCHUNK // NW) + jnp.minimum(wid, NCHUNK - NW * (NCHUNK // NW))
    row0 = start * C
    p_row0 = jnp.minimum(row0, N - PRELOAD)
    doff = row0 - p_row0

    r0 = sid * RSTRIPE
    pltpu.sync_copy(z1.at[pl.ds(r0, RSTRIPE)], table_sh.at[pl.ds(r0, RSTRIPE)])
    pltpu.sync_copy(z2.at[pl.ds(r0, RSTRIPE)], counts_sh.at[pl.ds(r0, RSTRIPE)])
    pltpu.sync_copy(ones_h, ones_v)
    pltpu.sync_copy(bidx.at[pl.ds(p_row0, PRELOAD)], bidx_v.at[pl.ds(0, PRELOAD)])
    pltpu.sync_copy(lbl.at[pl.ds(p_row0, PRELOAD)], lbl_v.at[pl.ds(0, PRELOAD)])
    plsc.subcore_barrier()

    lane = lax.broadcasted_iota(jnp.int32, (16,), 0)
    lane8 = lane % 8

    def take16(v, idx):
        dnums = lax.GatherDimensionNumbers(
            offset_dims=(), collapsed_slice_dims=(0,), start_index_map=(0,))
        return lax.gather(v, idx[:, None], dnums, (1,),
                          mode=lax.GatherScatterMode.PROMISE_IN_BOUNDS)
    hofs = jnp.where(lane >= 8, HROWS, 0)
    qmask = lane8 == 0

    def chunk_of(k):
        return start + jnp.minimum(k, n_w - 1)

    pltpu.async_copy(rows3.at[chunk_of(0)], rows_a, sem_a)
    pltpu.async_copy(rows3.at[chunk_of(1)], rows_b, sem_b)

    def step(k_eff, rows_v, sem):
        chunk = chunk_of(k_eff)
        valid = k_eff < n_w
        pltpu.make_async_copy(rows3.at[0], rows_v, sem).wait()
        koff = doff + k_eff * C
        for j in range(16):
            bv = bidx_v[pl.ds(koff + 8 * j, 16)]
            lv = lbl_v[pl.ds(koff + 8 * j, 16)]
            b16 = take16(bv, lane8)
            l16 = take16(lv, lane8)
            key = l16 * T + b16
            if j % 2 == 0:
                key = jnp.where(qmask, TRASH, key)
            key = jnp.where(valid, key, TRASH)
            idx_v[j // 8, pl.ds((j % 8) * 16, 16)] = key + hofs
        lane0 = lane % QS == 0
        for j in range(8):
            b16 = bidx_v[pl.ds(koff + 16 * j, 16)]
            l16 = lbl_v[pl.ds(koff + 16 * j, 16)]
            ckey = jnp.where(lane0, TRASH, l16 * T + b16)
            ckey = jnp.where(valid, ckey, TRASH)
            idx_v[2, pl.ds(16 * j, 16)] = ckey
        for h in range(2):
            for m in range(8):
                for w in range(8):
                    qbuf_v[h * 8 + m, pl.ds(w * 16, 16)] = (
                        rows_v[32 * m + 8 * h, pl.ds(w * 16, 16)])
        dq = pltpu.async_copy(qbuf_v, q_out.at[chunk], sem_t)
        ds = pltpu.async_copy(rows_v.at[pl.ds(0, C)],
                              table_sh.at[idx_v.at[0]], sem_u, add=True)
        pltpu.sync_copy(rows_v.at[pl.ds(C, C)],
                        table_sh.at[idx_v.at[1]], add=True)
        pltpu.sync_copy(ones_v, counts_sh.at[idx_v.at[2]], add=True)
        ds.wait()
        dq.wait()
        pltpu.async_copy(rows3.at[chunk_of(k_eff + 2)], rows_v, sem)

    def body(i, carry):
        step(2 * i, rows_a, sem_a)
        step(2 * i + 1, rows_b, sem_b)
        return carry

    lax.fori_loop(0, MAXCH // 2, body, 0)
    pltpu.make_async_copy(rows3.at[0], rows_a, sem_a).wait()
    pltpu.make_async_copy(rows3.at[0], rows_b, sem_b).wait()
    plsc.subcore_barrier()

    pltpu.sync_copy(table_sh.at[pl.ds(r0, RSTRIPE)],
                    tbl_out.at[cid, pl.ds(r0, RSTRIPE)])
    pltpu.sync_copy(counts_sh.at[pl.ds(r0, RSTRIPE)],
                    cnt_out.at[cid, pl.ds(r0, RSTRIPE)])


def _query_kernel(tbl_ref, cnt_ref, qr_ref, qt_ref, scal_ref, out_ref, a_ref):
    @pl.when(pl.program_id(0) == 0)
    def _build_A():
        t = tbl_ref[0] + tbl_ref[1]
        s = jnp.concatenate([t[:KT, :], t[HROWS:HROWS + KT, :]], axis=1)
        c = cnt_ref[0] + cnt_ref[1]
        pos = s[T:KT, :]
        neg = s[:T, :]
        pc = c[T:KT, 0:1]
        nc = c[:T, 0:1]

        def norm_dir(v):
            n2 = jnp.sum(v * v, axis=1, keepdims=True)
            mask = n2 > 0.0
            inv = jax.lax.rsqrt(jnp.where(mask, n2, 1.0))
            return v * jnp.where(mask, inv, 0.0)

        scale = jnp.exp(scal_ref[0, 0])
        a_ref[...] = (norm_dir(pos) / jnp.clip(pc, 1.0, None)
                      - norm_dir(neg) / jnp.clip(nc, 1.0, None)) * scale

    A = a_ref[...]
    q = qr_ref[...]
    n2q = jnp.sum(q * q, axis=1, keepdims=True)
    maskq = n2q > 0.0
    qn = q * jnp.where(maskq, jax.lax.rsqrt(jnp.where(maskq, n2q, 1.0)), 0.0)

    M = jax.lax.dot_general(qn, A, (((1,), (1,)), ((), ())),
                            preferred_element_type=jnp.float32)
    tid = qt_ref[:, 0:1]
    sel = jax.lax.broadcasted_iota(jnp.int32, (QB, T), 1) == tid
    out_ref[0, 0, :] = jnp.sum(jnp.where(sel, M, 0.0), axis=1)


def kernel(graph_reprs, labels, is_query, batch_index, prediction_scaling):
    del is_query

    rows3 = jnp.transpose(graph_reprs.reshape(N // 8, 8, 2, HD),
                          (0, 2, 1, 3)).reshape(NCHUNK, SUB, HD)

    z1 = jnp.zeros((TROWS, HD), jnp.float32)
    z2 = jnp.zeros((TROWS, CQ), jnp.float32)
    ones_h = jnp.ones((C, CQ), jnp.float32)

    mesh = plsc.VectorSubcoreMesh(core_axis_name="c", subcore_axis_name="s")
    tbl, cnt, q4 = pl.kernel(
        _sc_seg_kernel,
        out_type=[
            jax.ShapeDtypeStruct((2, TROWS, HD), jnp.float32),
            jax.ShapeDtypeStruct((2, TROWS, CQ), jnp.float32),
            jax.ShapeDtypeStruct((NCHUNK, 16, HD), jnp.float32),
        ],
        mesh=mesh,
        compiler_params=pltpu.CompilerParams(use_tc_tiling_on_sc=False),
        scratch_types=[
            pltpu.VMEM_SHARED((TROWS, HD), jnp.float32),
            pltpu.VMEM_SHARED((TROWS, CQ), jnp.float32),
            pltpu.VMEM((SUB, HD), jnp.float32),
            pltpu.VMEM((SUB, HD), jnp.float32),
            pltpu.VMEM((KPAD,), jnp.int32),
            pltpu.VMEM((KPAD,), jnp.int32),
            pltpu.VMEM((3, C), jnp.int32),
            pltpu.VMEM((C, CQ), jnp.float32),
            pltpu.VMEM((16, HD), jnp.float32),
            pltpu.SemaphoreType.DMA,
            pltpu.SemaphoreType.DMA,
            pltpu.SemaphoreType.DMA,
            pltpu.SemaphoreType.DMA,
        ],
    )(rows3, batch_index, labels, z1, z2, ones_h)

    qreprs = jnp.transpose(q4.reshape(NCHUNK, 2, 8, HD),
                           (0, 2, 1, 3)).reshape(NQ, D)
    qtasks = batch_index.reshape(NQ, QS)
    scal = prediction_scaling.reshape(1, 1)

    out = pl.pallas_call(
        _query_kernel,
        grid=(NQB,),
        in_specs=[
            pl.BlockSpec((2, TROWS, HD), lambda i: (0, 0, 0)),
            pl.BlockSpec((2, TROWS, CQ), lambda i: (0, 0, 0)),
            pl.BlockSpec((QB, D), lambda i: (i, 0)),
            pl.BlockSpec((QB, QS), lambda i: (i, 0)),
            pl.BlockSpec((1, 1), lambda i: (0, 0)),
        ],
        out_specs=pl.BlockSpec((1, 1, QB), lambda i: (i, 0, 0)),
        out_shape=jax.ShapeDtypeStruct((NQB, 1, QB), jnp.float32),
        scratch_shapes=[pltpu.VMEM((T, D), jnp.float32)],
    )(tbl, cnt, qreprs, qtasks, scal)

    return out.reshape(NQ)

# --- scband reference (transcript-rebuilt; emitter-appended) ---
"""Pipeline reference for scband-cosine-weighted-mean-similarity-53541062311982 (READ-ONLY COPY).

The authoritative reference and input builder live on the scoring server;
editing this copy changes nothing except your own understanding.
"""

import jax, jax.numpy as jnp
import numpy as np

N = 160000
D = 256
NUM_TASKS = 512
QUERY_STRIDE = 16


def norm_tensor(t):
    norms = jnp.linalg.norm(t, axis=-1, keepdims=True)
    mask = (norms > 0).astype(t.dtype)
    return t * mask / (norms + (1.0 - mask))


def separate_qsl(graph_reprs, labels, is_query, batch_index, num_tasks):
    support_mask = jnp.logical_not(is_query)
    pos_mask = jnp.logical_and(support_mask, labels == 1).astype(graph_reprs.dtype)
    neg_mask = jnp.logical_and(support_mask, labels == 0).astype(graph_reprs.dtype)
    pos_sum = jax.ops.segment_sum(graph_reprs * pos_mask[:, None], batch_index, num_segments=num_tasks)
    neg_sum = jax.ops.segment_sum(graph_reprs * neg_mask[:, None], batch_index, num_segments=num_tasks)
    pos_cnt = jax.ops.segment_sum(pos_mask, batch_index, num_segments=num_tasks)
    neg_cnt = jax.ops.segment_sum(neg_mask, batch_index, num_segments=num_tasks)
    q_idx = jnp.nonzero(is_query, size=is_query.shape[0] // QUERY_STRIDE)[0]
    query_graphs = jnp.take(graph_reprs, q_idx, axis=0)
    query_labels = jnp.take(labels, q_idx, axis=0)
    q_tasks = jnp.take(batch_index, q_idx, axis=0)
    support_pos = jnp.take(pos_sum, q_tasks, axis=0)
    support_neg = jnp.take(neg_sum, q_tasks, axis=0)
    support_pos_sizes = jnp.take(pos_cnt, q_tasks, axis=0)
    support_neg_sizes = jnp.take(neg_cnt, q_tasks, axis=0)
    return support_neg, support_neg_sizes, support_pos, support_pos_sizes, query_graphs, query_labels


def similarity_module(query, support, sizes):
    q = norm_tensor(query)
    dots = jnp.sum(q * support, axis=-1)
    return dots / jnp.clip(sizes, 1.0, None)


def setup_inputs(seed: int = 0) -> dict:
    key = jax.random.key(seed)
    k1, k2, k3 = jax.random.split(key, 3)
    graph_reprs = jax.random.normal(k1, (N, D), dtype=jnp.float32)
    labels = jax.random.randint(k2, (N,), 0, 2, dtype=jnp.int32)
    batch_index = jnp.sort(jax.random.randint(k3, (N,), 0, NUM_TASKS, dtype=jnp.int32))
    is_query = (jnp.arange(N) % QUERY_STRIDE) == 0
    prediction_scaling = jnp.asarray(np.log(1.0 / 0.07), dtype=jnp.float32)
    return {
        'graph_reprs': graph_reprs,
        'labels': labels,
        'is_query': is_query,
        'batch_index': batch_index,
        'prediction_scaling': prediction_scaling,
    }


def reference(graph_reprs, labels, is_query, batch_index, prediction_scaling):
    support_neg, support_neg_sizes, support_pos, support_pos_sizes, query_graphs, query_labels = separate_qsl(
        graph_reprs, labels, is_query, batch_index, NUM_TASKS)
    # should_norm = True
    support_pos = norm_tensor(support_pos)
    support_neg = norm_tensor(support_neg)
    pos_vote = similarity_module(query_graphs, support_pos, support_pos_sizes)
    neg_vote = similarity_module(query_graphs, support_neg, support_neg_sizes)
    logit_scale = jnp.exp(prediction_scaling)
    logits = (pos_vote - neg_vote) * logit_scale
    return logits

if __name__ == "__main__":
    import jax
    _d = setup_inputs()
    print(jax.jit(kernel)(*tuple(_d.values())))

</pallas_src>

<mosaic_0001>
#map = affine_map<(d0, d1) -> (0, 0, 0)>
#map1 = affine_map<(d0, d1) -> (0)>
#map2 = affine_map<(d0, d1) -> (0, 0)>
module attributes {stable_mosaic.version = 14 : i64} {
  func.func @_sc_seg_kernel(%arg0: i32, %arg1: i32, %arg2: memref<1250x256x128xf32, #tpu.memory_space<hbm>>, %arg3: memref<160000xi32, #tpu.memory_space<hbm>>, %arg4: memref<160000xi32, #tpu.memory_space<hbm>>, %arg5: memref<2304x128xf32, #tpu.memory_space<hbm>>, %arg6: memref<2304x16xf32, #tpu.memory_space<hbm>>, %arg7: memref<128x16xf32, #tpu.memory_space<hbm>>, %arg8: memref<2x2304x128xf32, #tpu.memory_space<hbm>>, %arg9: memref<2x2304x16xf32, #tpu.memory_space<hbm>>, %arg10: memref<1250x16x128xf32, #tpu.memory_space<hbm>>, %arg11: memref<2304x128xf32, #tpu.memory_space<vmem_shared>>, %arg12: memref<2304x16xf32, #tpu.memory_space<vmem_shared>>, %arg13: memref<256x128xf32, #tpu.memory_space<vmem>>, %arg14: memref<256x128xf32, #tpu.memory_space<vmem>>, %arg15: memref<5392xi32, #tpu.memory_space<vmem>>, %arg16: memref<5392xi32, #tpu.memory_space<vmem>>, %arg17: memref<3x128xi32, #tpu.memory_space<vmem>>, %arg18: memref<128x16xf32, #tpu.memory_space<vmem>>, %arg19: memref<16x128xf32, #tpu.memory_space<vmem>>, %arg20: memref<!tpu.dma_semaphore, #tpu.memory_space<semaphore_mem>>, %arg21: memref<!tpu.dma_semaphore, #tpu.memory_space<semaphore_mem>>, %arg22: memref<!tpu.dma_semaphore, #tpu.memory_space<semaphore_mem>>, %arg23: memref<!tpu.dma_semaphore, #tpu.memory_space<semaphore_mem>>) attributes {dimension_semantics = [#tpu.dimension_semantics<core_parallel>, #tpu.dimension_semantics<subcore_parallel>], iteration_bounds = array<i64: 2, 16>, scalar_prefetch = 0 : i64, scratch_operands = 13 : i64, tpu.core_type = #tpu.core_type<sc_vector_subcore>, window_params = [{transform_indices = #map}, {transform_indices = #map1}, {transform_indices = #map1}, {transform_indices = #map2}, {transform_indices = #map2}, {transform_indices = #map2}, {transform_indices = #map}, {transform_indices = #map}, {transform_indices = #map}]} {
    %mul3A = arith.constant 2 : i32
    %mul3A_0 = arith.muli %arg1, %mul3A : i32
    %add3A = arith.addi %mul3A_0, %arg0 : i32
    %lt3A = arith.constant 2 : i32
    %lt3A_1 = arith.cmpi slt, %add3A, %lt3A : i32
    %jit3A = arith.constant 40 : i32
    %jit3A_2 = arith.constant 39 : i32
    %select_n3A = arith.select %lt3A_1, %jit3A, %jit3A_2 : i32
    %mul3A_3 = arith.constant 39 : i32
    %mul3A_4 = arith.muli %add3A, %mul3A_3 : i32
    %min3A = arith.constant 2 : i32
    %min3A_5 = arith.minsi %add3A, %min3A : i32
    %add3A_6 = arith.addi %mul3A_4, %min3A_5 : i32
    %mul3A_7 = arith.constant 128 : i32
    %mul3A_8 = arith.muli %add3A_6, %mul3A_7 : i32
    %min3A_9 = arith.constant 154752 : i32
    %min3A_10 = arith.minsi %mul3A_8, %min3A_9 : i32
    %sub3A = arith.subi %mul3A_8, %min3A_10 : i32
    %mul3A_11 = arith.constant 144 : i32
    %mul3A_12 = arith.muli %arg1, %mul3A_11 : i32
    "tpu.region"() ({
      %run_scoped3A = tpu.sem_alloc : memref<!tpu.dma_semaphore, #tpu.memory_space<semaphore_mem>>
      %dma_start3A_88 = arith.constant 0 : i32
      %dma_start3A_89 = tpu.memref_slice %arg11[%mul3A_12, %dma_start3A_88] : memref<2304x128xf32, #tpu.memory_space<vmem_shared>> -> memref<144x128xf32, #tpu.memory_space<vmem_shared>>
      %dma_start3A_90 = arith.constant 0 : i32
      %dma_start3A_91 = tpu.memref_slice %arg5[%mul3A_12, %dma_start3A_90] : memref<2304x128xf32, #tpu.memory_space<hbm>> -> memref<144x128xf32, #tpu.memory_space<hbm>>
      tpu.enqueue_dma source(%dma_start3A_91 : memref<144x128xf32, #tpu.memory_space<hbm>>) target(%dma_start3A_89 : memref<144x128xf32, #tpu.memory_space<vmem_shared>>) target_semaphore(%run_scoped3A : memref<!tpu.dma_semaphore, #tpu.memory_space<semaphore_mem>>)
      %dma_wait3A_92 = arith.constant 0 : i32
      %dma_wait3A_93 = tpu.memref_slice %arg11[%mul3A_12, %dma_wait3A_92] : memref<2304x128xf32, #tpu.memory_space<vmem_shared>> -> memref<144x128xf32, #tpu.memory_space<vmem_shared>>
      %dma_wait3A_94 = arith.constant 0 : i32
      %dma_wait3A_95 = tpu.memref_slice %arg5[%mul3A_12, %dma_wait3A_94] : memref<2304x128xf32, #tpu.memory_space<hbm>> -> memref<144x128xf32, #tpu.memory_space<hbm>>
      tpu.wait_dma2 semaphore(%run_scoped3A : memref<!tpu.dma_semaphore, #tpu.memory_space<semaphore_mem>>) src(%dma_wait3A_95 : memref<144x128xf32, #tpu.memory_space<hbm>>) dst(%dma_wait3A_93 : memref<144x128xf32, #tpu.memory_space<vmem_shared>>)
      tpu.yield
    }) : () -> ()
    "tpu.region"() ({
      %run_scoped3A = tpu.sem_alloc : memref<!tpu.dma_semaphore, #tpu.memory_space<semaphore_mem>>
      %dma_start3A_88 = arith.constant 0 : i32
      %dma_start3A_89 = tpu.memref_slice %arg12[%mul3A_12, %dma_start3A_88] : memref<2304x16xf32, #tpu.memory_space<vmem_shared>> -> memref<144x16xf32, #tpu.memory_space<vmem_shared>>
      %dma_start3A_90 = arith.constant 0 : i32
      %dma_start3A_91 = tpu.memref_slice %arg6[%mul3A_12, %dma_start3A_90] : memref<2304x16xf32, #tpu.memory_space<hbm>> -> memref<144x16xf32, #tpu.memory_space<hbm>>
      tpu.enqueue_dma source(%dma_start3A_91 : memref<144x16xf32, #tpu.memory_space<hbm>>) target(%dma_start3A_89 : memref<144x16xf32, #tpu.memory_space<vmem_shared>>) target_semaphore(%run_scoped3A : memref<!tpu.dma_semaphore, #tpu.memory_space<semaphore_mem>>)
      %dma_wait3A_92 = arith.constant 0 : i32
      %dma_wait3A_93 = tpu.memref_slice %arg12[%mul3A_12, %dma_wait3A_92] : memref<2304x16xf32, #tpu.memory_space<vmem_shared>> -> memref<144x16xf32, #tpu.memory_space<vmem_shared>>
      %dma_wait3A_94 = arith.constant 0 : i32
      %dma_wait3A_95 = tpu.memref_slice %arg6[%mul3A_12, %dma_wait3A_94] : memref<2304x16xf32, #tpu.memory_space<hbm>> -> memref<144x16xf32, #tpu.memory_space<hbm>>
      tpu.wait_dma2 semaphore(%run_scoped3A : memref<!tpu.dma_semaphore, #tpu.memory_space<semaphore_mem>>) src(%dma_wait3A_95 : memref<144x16xf32, #tpu.memory_space<hbm>>) dst(%dma_wait3A_93 : memref<144x16xf32, #tpu.memory_space<vmem_shared>>)
      tpu.yield
    }) : () -> ()
    "tpu.region"() ({
      %run_scoped3A = tpu.sem_alloc : memref<!tpu.dma_semaphore, #tpu.memory_space<semaphore_mem>>
      tpu.enqueue_dma source(%arg7 : memref<128x16xf32, #tpu.memory_space<hbm>>) target(%arg18 : memref<128x16xf32, #tpu.memory_space<vmem>>) target_semaphore(%run_scoped3A : memref<!tpu.dma_semaphore, #tpu.memory_space<semaphore_mem>>)
      tpu.wait_dma2 semaphore(%run_scoped3A : memref<!tpu.dma_semaphore, #tpu.memory_space<semaphore_mem>>) src(%arg7 : memref<128x16xf32, #tpu.memory_space<hbm>>) dst(%arg18 : memref<128x16xf32, #tpu.memory_space<vmem>>)
      tpu.yield
    }) : () -> ()
    "tpu.region"() ({
      %run_scoped3A = tpu.sem_alloc : memref<!tpu.dma_semaphore, #tpu.memory_space<semaphore_mem>>
      %dma_start3A_88 = arith.constant 0 : i32
      %dma_start3A_89 = tpu.memref_slice %arg15[%dma_start3A_88] : memref<5392xi32, #tpu.memory_space<vmem>> -> memref<5248xi32, #tpu.memory_space<vmem>>
      %dma_start3A_90 = tpu.memref_slice %arg3[%min3A_10] : memref<160000xi32, #tpu.memory_space<hbm>> -> memref<5248xi32, #tpu.memory_space<hbm>>
      %dma_start3A_91 = arith.constant 0 : i32
      %dma_start3A_92 = tpu.memref_slice %arg15[%dma_start3A_91] : memref<5392xi32, #tpu.memory_space<vmem>> -> memref<5248xi32, #tpu.memory_space<vmem>>
      %dma_start3A_93 = tpu.memref_slice %arg3[%min3A_10] : memref<160000xi32, #tpu.memory_space<hbm>> -> memref<5248xi32, #tpu.memory_space<hbm>>
      tpu.enqueue_dma source(%dma_start3A_93 : memref<5248xi32, #tpu.memory_space<hbm>>) target(%dma_start3A_92 : memref<5248xi32, #tpu.memory_space<vmem>>) target_semaphore(%run_scoped3A : memref<!tpu.dma_semaphore, #tpu.memory_space<semaphore_mem>>)
      %dma_wait3A_94 = arith.constant 0 : i32
      %dma_wait3A_95 = tpu.memref_slice %arg15[%dma_wait3A_94] : memref<5392xi32, #tpu.memory_space<vmem>> -> memref<5248xi32, #tpu.memory_space<vmem>>
      %dma_wait3A_96 = tpu.memref_slice %arg3[%min3A_10] : memref<160000xi32, #tpu.memory_space<hbm>> -> memref<5248xi32, #tpu.memory_space<hbm>>
      %dma_wait3A_97 = arith.constant 0 : i32
      %dma_wait3A_98 = tpu.memref_slice %arg15[%dma_wait3A_97] : memref<5392xi32, #tpu.memory_space<vmem>> -> memref<5248xi32, #tpu.memory_space<vmem>>
      %dma_wait3A_99 = tpu.memref_slice %arg3[%min3A_10] : memref<160000xi32, #tpu.memory_space<hbm>> -> memref<5248xi32, #tpu.memory_space<hbm>>
      tpu.wait_dma2 semaphore(%run_scoped3A : memref<!tpu.dma_semaphore, #tpu.memory_space<semaphore_mem>>) src(%dma_wait3A_99 : memref<5248xi32, #tpu.memory_space<hbm>>) dst(%dma_wait3A_98 : memref<5248xi32, #tpu.memory_space<vmem>>)
      tpu.yield
    }) : () -> ()
    "tpu.region"() ({
      %run_scoped3A = tpu.sem_alloc : memref<!tpu.dma_semaphore, #tpu.memory_space<semaphore_mem>>
      %dma_start3A_88 = arith.constant 0 : i32
      %dma_start3A_89 = tpu.memref_slice %arg16[%dma_start3A_88] : memref<5392xi32, #tpu.memory_space<vmem>> -> memref<5248xi32, #tpu.memory_space<vmem>>
      %dma_start3A_90 = tpu.memref_slice %arg4[%min3A_10] : memref<160000xi32, #tpu.memory_space<hbm>> -> memref<5248xi32, #tpu.memory_space<hbm>>
      %dma_start3A_91 = arith.constant 0 : i32
      %dma_start3A_92 = tpu.memref_slice %arg16[%dma_start3A_91] : memref<5392xi32, #tpu.memory_space<vmem>> -> memref<5248xi32, #tpu.memory_space<vmem>>
      %dma_start3A_93 = tpu.memref_slice %arg4[%min3A_10] : memref<160000xi32, #tpu.memory_space<hbm>> -> memref<5248xi32, #tpu.memory_space<hbm>>
      tpu.enqueue_dma source(%dma_start3A_93 : memref<5248xi32, #tpu.memory_space<hbm>>) target(%dma_start3A_92 : memref<5248xi32, #tpu.memory_space<vmem>>) target_semaphore(%run_scoped3A : memref<!tpu.dma_semaphore, #tpu.memory_space<semaphore_mem>>)
      %dma_wait3A_94 = arith.constant 0 : i32
      %dma_wait3A_95 = tpu.memref_slice %arg16[%dma_wait3A_94] : memref<5392xi32, #tpu.memory_space<vmem>> -> memref<5248xi32, #tpu.memory_space<vmem>>
      %dma_wait3A_96 = tpu.memref_slice %arg4[%min3A_10] : memref<160000xi32, #tpu.memory_space<hbm>> -> memref<5248xi32, #tpu.memory_space<hbm>>
      %dma_wait3A_97 = arith.constant 0 : i32
      %dma_wait3A_98 = tpu.memref_slice %arg16[%dma_wait3A_97] : memref<5392xi32, #tpu.memory_space<vmem>> -> memref<5248xi32, #tpu.memory_space<vmem>>
      %dma_wait3A_99 = tpu.memref_slice %arg4[%min3A_10] : memref<160000xi32, #tpu.memory_space<hbm>> -> memref<5248xi32, #tpu.memory_space<hbm>>
      tpu.wait_dma2 semaphore(%run_scoped3A : memref<!tpu.dma_semaphore, #tpu.memory_space<semaphore_mem>>) src(%dma_wait3A_99 : memref<5248xi32, #tpu.memory_space<hbm>>) dst(%dma_wait3A_98 : memref<5248xi32, #tpu.memory_space<vmem>>)
      tpu.yield
    }) : () -> ()
    %barrier3A = arith.constant 0 : index
    tpu.barrier barrier_id(%barrier3A)
    %iota3A = tpu.iota {dimensions = array<i32: 0>} : vector<16xi32>
    %jit3A_13 = arith.constant 8 : i32
    %eq3A = arith.constant 0 : i32
    %eq3A_14 = arith.cmpi eq, %jit3A_13, %eq3A : i32
    %jit3A_15 = arith.constant 1 : i32
    %select_n3A_16 = arith.select %eq3A_14, %jit3A_15, %jit3A_13 : i32
    %rem3A = vector.broadcast %select_n3A_16 : i32 to vector<16xi32>
    %rem3A_17 = arith.remsi %iota3A, %rem3A : vector<16xi32>
    %ne3A = arith.constant 0 : i32
    %ne3A_18 = vector.broadcast %ne3A : i32 to vector<16xi32>
    %ne3A_19 = arith.cmpi ne, %rem3A_17, %ne3A_18 : vector<16xi32>
    %lt3A_20 = arith.constant 0 : i32
    %lt3A_21 = vector.broadcast %lt3A_20 : i32 to vector<16xi32>
    %lt3A_22 = arith.cmpi slt, %rem3A_17, %lt3A_21 : vector<16xi32>
    %lt3A_23 = arith.constant 0 : i32
    %lt3A_24 = arith.cmpi slt, %select_n3A_16, %lt3A_23 : i32
    %ne3A_25 = vector.broadcast %lt3A_24 : i1 to vector<16xi1>
    %ne3A_26 = vector.broadcast %ne3A_25 : vector<16xi1> to vector<16xi1>
    %ne3A_27 = arith.xori %lt3A_22, %ne3A_26 : vector<16xi1>
    %and3A = arith.andi %ne3A_27, %ne3A_19 : vector<16xi1>
    %add3A_28 = vector.broadcast %select_n3A_16 : i32 to vector<16xi32>
    %add3A_29 = arith.addi %rem3A_17, %add3A_28 : vector<16xi32>
    %select_n3A_30 = arith.select %and3A, %add3A_29, %rem3A_17 : vector<16xi1>, vector<16xi32>
    %ge3A = arith.constant 8 : i32
    %ge3A_31 = vector.broadcast %ge3A : i32 to vector<16xi32>
    %ge3A_32 = arith.cmpi sge, %iota3A, %ge3A_31 : vector<16xi32>
    %jit3A_33 = arith.constant 1152 : i32
    %jit3A_34 = arith.constant 0 : i32
    %broadcast_in_dim3A = vector.broadcast %jit3A_33 : i32 to vector<16xi32>
    %broadcast_in_dim3A_35 = vector.broadcast %jit3A_34 : i32 to vector<16xi32>
    %select_n3A_36 = arith.select %ge3A_32, %broadcast_in_dim3A, %broadcast_in_dim3A_35 : vector<16xi1>, vector<16xi32>
    %eq3A_37 = arith.constant 0 : i32
    %eq3A_38 = vector.broadcast %eq3A_37 : i32 to vector<16xi32>
    %eq3A_39 = arith.cmpi eq, %select_n3A_30, %eq3A_38 : vector<16xi32>
    %sub3A_40 = arith.constant 1 : i32
    %sub3A_41 = arith.subi %select_n3A, %sub3A_40 : i32
    %min3A_42 = arith.constant 0 : i32
    %min3A_43 = arith.minsi %min3A_42, %sub3A_41 : i32
    %add3A_44 = arith.addi %add3A_6, %min3A_43 : i32
    %dma_start3A = arith.constant 0 : i32
    %dma_start3A_45 = arith.constant 0 : i32
    %dma_start3A_46 = tpu.memref_slice %arg2[%add3A_44, %dma_start3A, %dma_start3A_45] : memref<1250x256x128xf32, #tpu.memory_space<hbm>> -> memref<1x256x128xf32, #tpu.memory_space<hbm>>
    %dma_start3A_47 = tpu.memref_squeeze %dma_start3A_46 : memref<1x256x128xf32, #tpu.memory_space<hbm>> -> memref<256x128xf32, #tpu.memory_space<hbm>>
    %dma_start3A_48 = arith.constant 0 : i32
    %dma_start3A_49 = arith.constant 0 : i32
    %dma_start3A_50 = tpu.memref_slice %arg2[%add3A_44, %dma_start3A_48, %dma_start3A_49] : memref<1250x256x128xf32, #tpu.memory_space<hbm>> -> memref<1x256x128xf32, #tpu.memory_space<hbm>>
    %dma_start3A_51 = tpu.memref_squeeze %dma_start3A_50 : memref<1x256x128xf32, #tpu.memory_space<hbm>> -> memref<256x128xf32, #tpu.memory_space<hbm>>
    tpu.enqueue_dma source(%dma_start3A_51 : memref<256x128xf32, #tpu.memory_space<hbm>>) target(%arg13 : memref<256x128xf32, #tpu.memory_space<vmem>>) target_semaphore(%arg20 : memref<!tpu.dma_semaphore, #tpu.memory_space<semaphore_mem>>)
    %sub3A_52 = arith.constant 1 : i32
    %sub3A_53 = arith.subi %select_n3A, %sub3A_52 : i32
    %min3A_54 = arith.constant 1 : i32
    %min3A_55 = arith.minsi %min3A_54, %sub3A_53 : i32
    %add3A_56 = arith.addi %add3A_6, %min3A_55 : i32
    %dma_start3A_57 = arith.constant 0 : i32
    %dma_start3A_58 = arith.constant 0 : i32
    %dma_start3A_59 = tpu.memref_slice %arg2[%add3A_56, %dma_start3A_57, %dma_start3A_58] : memref<1250x256x128xf32, #tpu.memory_space<hbm>> -> memref<1x256x128xf32, #tpu.memory_space<hbm>>
    %dma_start3A_60 = tpu.memref_squeeze %dma_start3A_59 : memref<1x256x128xf32, #tpu.memory_space<hbm>> -> memref<256x128xf32, #tpu.memory_space<hbm>>
    %dma_start3A_61 = arith.constant 0 : i32
    %dma_start3A_62 = arith.constant 0 : i32
    %dma_start3A_63 = tpu.memref_slice %arg2[%add3A_56, %dma_start3A_61, %dma_start3A_62] : memref<1250x256x128xf32, #tpu.memory_space<hbm>> -> memref<1x256x128xf32, #tpu.memory_space<hbm>>
    %dma_start3A_64 = tpu.memref_squeeze %dma_start3A_63 : memref<1x256x128xf32, #tpu.memory_space<hbm>> -> memref<256x128xf32, #tpu.memory_space<hbm>>
    tpu.enqueue_dma source(%dma_start3A_64 : memref<256x128xf32, #tpu.memory_space<hbm>>) target(%arg14 : memref<256x128xf32, #tpu.memory_space<vmem>>) target_semaphore(%arg21 : memref<!tpu.dma_semaphore, #tpu.memory_space<semaphore_mem>>)
    %scan3A = arith.constant 0 : i32
    %scan3A_65 = arith.constant 0 : i32
    %scan3A_66 = arith.constant 20 : i32
    %scan3A_67 = arith.addi %scan3A_65, %scan3A_66 : i32
    %scan3A_68 = arith.constant 1 : i32
    scf.for %scan3A_88 = %scan3A_65 to %scan3A_67 step %scan3A_68  : i32 {
      %mul3A_89 = arith.constant 2 : i32
      %mul3A_90 = arith.muli %mul3A_89, %scan3A_88 : i32
      %sub3A_91 = arith.constant 1 : i32
      %sub3A_92 = arith.subi %select_n3A, %sub3A_91 : i32
      %min3A_93 = arith.minsi %mul3A_90, %sub3A_92 : i32
      %add3A_94 = arith.addi %add3A_6, %min3A_93 : i32
      %lt3A_95 = arith.cmpi slt, %mul3A_90, %select_n3A : i32
      %dma_wait3A_96 = arith.constant 0 : i32
      %dma_wait3A_97 = arith.constant 0 : i32
      %dma_wait3A_98 = arith.constant 0 : i32
      %dma_wait3A_99 = tpu.memref_slice %arg2[%dma_wait3A_96, %dma_wait3A_97, %dma_wait3A_98] : memref<1250x256x128xf32, #tpu.memory_space<hbm>> -> memref<1x256x128xf32, #tpu.memory_space<hbm>>
      %dma_wait3A_100 = tpu.memref_squeeze %dma_wait3A_99 : memref<1x256x128xf32, #tpu.memory_space<hbm>> -> memref<256x128xf32, #tpu.memory_space<hbm>>
      %dma_wait3A_101 = arith.constant 0 : i32
      %dma_wait3A_102 = arith.constant 0 : i32
      %dma_wait3A_103 = tpu.memref_slice %arg2[%dma_wait3A_96, %dma_wait3A_101, %dma_wait3A_102] : memref<1250x256x128xf32, #tpu.memory_space<hbm>> -> memref<1x256x128xf32, #tpu.memory_space<hbm>>
      %dma_wait3A_104 = tpu.memref_squeeze %dma_wait3A_103 : memref<1x256x128xf32, #tpu.memory_space<hbm>> -> memref<256x128xf32, #tpu.memory_space<hbm>>
      tpu.wait_dma2 semaphore(%arg20 : memref<!tpu.dma_semaphore, #tpu.memory_space<semaphore_mem>>) src(%dma_wait3A_104 : memref<256x128xf32, #tpu.memory_space<hbm>>) dst(%arg13 : memref<256x128xf32, #tpu.memory_space<vmem>>)
      %mul3A_105 = arith.constant 128 : i32
      %mul3A_106 = arith.muli %mul3A_90, %mul3A_105 : i32
      %add3A_107 = arith.addi %sub3A, %mul3A_106 : i32
      %add3A_108 = arith.constant 0 : i32
      %add3A_109 = arith.addi %add3A_107, %add3A_108 : i32
      %get3A = arith.index_cast %add3A_109 : i32 to index
      %get3A_110 = tpu.vector_load %arg15[%get3A] {strides = array<i32>} : memref<5392xi32, #tpu.memory_space<vmem>>, vector<16xi32>,
      %get3A_111 = vector.shape_cast %get3A_110 : vector<16xi32> to vector<16xi32>
      %add3A_112 = arith.constant 0 : i32
      %add3A_113 = arith.addi %add3A_107, %add3A_112 : i32
      %get3A_114 = arith.index_cast %add3A_113 : i32 to index
      %get3A_115 = tpu.vector_load %arg16[%get3A_114] {strides = array<i32>} : memref<5392xi32, #tpu.memory_space<vmem>>, vector<16xi32>,
      %get3A_116 = vector.shape_cast %get3A_115 : vector<16xi32> to vector<16xi32>
      %broadcast_in_dim3A_117 = vector.shape_cast %select_n3A_30 : vector<16xi32> to vector<16x1xi32>
      %gather3A = vector.shape_cast %broadcast_in_dim3A_117 : vector<16x1xi32> to vector<16xi32>
      %gather3A_118 = tpu.dynamic_gather %get3A_111[%gather3A] in [0] : vector<16xi32>, vector<16xi32> -> vector<16xi32>
      %broadcast_in_dim3A_119 = vector.shape_cast %select_n3A_30 : vector<16xi32> to vector<16x1xi32>
      %gather3A_120 = vector.shape_cast %broadcast_in_dim3A_119 : vector<16x1xi32> to vector<16xi32>
      %gather3A_121 = tpu.dynamic_gather %get3A_116[%gather3A_120] in [0] : vector<16xi32>, vector<16xi32> -> vector<16xi32>
      %mul3A_122 = arith.constant 512 : i32
      %mul3A_123 = vector.broadcast %mul3A_122 : i32 to vector<16xi32>
      %mul3A_124 = arith.muli %gather3A_121, %mul3A_123 : vector<16xi32>
      %add3A_125 = arith.addi %mul3A_124, %gather3A_118 : vector<16xi32>
      %jit3A_126 = arith.constant 1024 : i32
      %broadcast_in_dim3A_127 = vector.broadcast %jit3A_126 : i32 to vector<16xi32>
      %select_n3A_128 = arith.select %eq3A_39, %broadcast_in_dim3A_127, %add3A_125 : vector<16xi1>, vector<16xi32>
      %jit3A_129 = arith.constant 1024 : i32
      %broadcast_in_dim3A_130 = vector.broadcast %jit3A_129 : i32 to vector<16xi32>
      %select_n3A_131 = arith.select %lt3A_95, %select_n3A_128, %broadcast_in_dim3A_130 : vector<16xi32>
      %add3A_132 = arith.addi %select_n3A_131, %select_n3A_36 : vector<16xi32>
      %swap3A = arith.constant 0 : i32
      %swap3A_133 = arith.index_cast %swap3A : i32 to index
      %swap3A_134 = arith.constant 0 : index
      %swap3A_135 = tpu.vector_load %arg17[%swap3A_133, %swap3A_134] {strides = array<i32>} : memref<3x128xi32, #tpu.memory_space<vmem>>, vector<1x16xi32>,
      %swap3A_136 = vector.shape_cast %swap3A_135 : vector<1x16xi32> to vector<16xi32>
      %swap3A_137 = vector.shape_cast %add3A_132 : vector<16xi32> to vector<1x16xi32>
      tpu.vector_store %arg17[%swap3A_133, %swap3A_134], %swap3A_137 {strides = array<i32>} : memref<3x128xi32, #tpu.memory_space<vmem>>, vector<1x16xi32>,
      %add3A_138 = arith.constant 8 : i32
      %add3A_139 = arith.addi %add3A_107, %add3A_138 : i32
      %get3A_140 = arith.index_cast %add3A_139 : i32 to index
      %get3A_141 = tpu.vector_load %arg15[%get3A_140] {strides = array<i32>} : memref<5392xi32, #tpu.memory_space<vmem>>, vector<16xi32>,
      %get3A_142 = vector.shape_cast %get3A_141 : vector<16xi32> to vector<16xi32>
      %add3A_143 = arith.constant 8 : i32
      %add3A_144 = arith.addi %add3A_107, %add3A_143 : i32
      %get3A_145 = arith.index_cast %add3A_144 : i32 to index
      %get3A_146 = tpu.vector_load %arg16[%get3A_145] {strides = array<i32>} : memref<5392xi32, #tpu.memory_space<vmem>>, vector<16xi32>,
      %get3A_147 = vector.shape_cast %get3A_146 : vector<16xi32> to vector<16xi32>
      %broadcast_in_dim3A_148 = vector.shape_cast %select_n3A_30 : vector<16xi32> to vector<16x1xi32>
      %gather3A_149 = vector.shape_cast %broadcast_in_dim3A_148 : vector<16x1xi32> to vector<16xi32>
      %gather3A_150 = tpu.dynamic_gather %get3A_142[%gather3A_149] in [0] : vector<16xi32>, vector<16xi32> -> vector<16xi32>
      %broadcast_in_dim3A_151 = vector.shape_cast %select_n3A_30 : vector<16xi32> to vector<16x1xi32>
      %gather3A_152 = vector.shape_cast %broadcast_in_dim3A_151 : vector<16x1xi32> to vector<16xi32>
      %gather3A_153 = tpu.dynamic_gather %get3A_147[%gather3A_152] in [0] : vector<16xi32>, vector<16xi32> -> vector<16xi32>
      %mul3A_154 = arith.constant 512 : i32
      %mul3A_155 = vector.broadcast %mul3A_154 : i32 to vector<16xi32>
      %mul3A_156 = arith.muli %gather3A_153, %mul3A_155 : vector<16xi32>
      %add3A_157 = arith.addi %mul3A_156, %gather3A_150 : vector<16xi32>
      %jit3A_158 = arith.constant 1024 : i32
      %broadcast_in_dim3A_159 = vector.broadcast %jit3A_158 : i32 to vector<16xi32>
      %select_n3A_160 = arith.select %lt3A_95, %add3A_157, %broadcast_in_dim3A_159 : vector<16xi32>
      %add3A_161 = arith.addi %select_n3A_160, %select_n3A_36 : vector<16xi32>
      %swap3A_162 = arith.constant 0 : i32
      %swap3A_163 = arith.index_cast %swap3A_162 : i32 to index
      %swap3A_164 = arith.constant 16 : index
      %swap3A_165 = tpu.vector_load %arg17[%swap3A_163, %swap3A_164] {strides = array<i32>} : memref<3x128xi32, #tpu.memory_space<vmem>>, vector<1x16xi32>,
      %swap3A_166 = vector.shape_cast %swap3A_165 : vector<1x16xi32> to vector<16xi32>
      %swap3A_167 = vector.shape_cast %add3A_161 : vector<16xi32> to vector<1x16xi32>
      tpu.vector_store %arg17[%swap3A_163, %swap3A_164], %swap3A_167 {strides = array<i32>} : memref<3x128xi32, #tpu.memory_space<vmem>>, vector<1x16xi32>,
      %add3A_168 = arith.constant 16 : i32
      %add3A_169 = arith.addi %add3A_107, %add3A_168 : i32
      %get3A_170 = arith.index_cast %add3A_169 : i32 to index
      %get3A_171 = tpu.vector_load %arg15[%get3A_170] {strides = array<i32>} : memref<5392xi32, #tpu.memory_space<vmem>>, vector<16xi32>,
      %get3A_172 = vector.shape_cast %get3A_171 : vector<16xi32> to vector<16xi32>
      %add3A_173 = arith.constant 16 : i32
      %add3A_174 = arith.addi %add3A_107, %add3A_173 : i32
      %get3A_175 = arith.index_cast %add3A_174 : i32 to index
      %get3A_176 = tpu.vector_load %arg16[%get3A_175] {strides = array<i32>} : memref<5392xi32, #tpu.memory_space<vmem>>, vector<16xi32>,
      %get3A_177 = vector.shape_cast %get3A_176 : vector<16xi32> to vector<16xi32>
      %broadcast_in_dim3A_178 = vector.shape_cast %select_n3A_30 : vector<16xi32> to vector<16x1xi32>
      %gather3A_179 = vector.shape_cast %broadcast_in_dim3A_178 : vector<16x1xi32> to vector<16xi32>
      %gather3A_180 = tpu.dynamic_gather %get3A_172[%gather3A_179] in [0] : vector<16xi32>, vector<16xi32> -> vector<16xi32>
      %broadcast_in_dim3A_181 = vector.shape_cast %select_n3A_30 : vector<16xi32> to vector<16x1xi32>
      %gather3A_182 = vector.shape_cast %broadcast_in_dim3A_181 : vector<16x1xi32> to vector<16xi32>
      %gather3A_183 = tpu.dynamic_gather %get3A_177[%gather3A_182] in [0] : vector<16xi32>, vector<16xi32> -> vector<16xi32>
      %mul3A_184 = arith.constant 512 : i32
      %mul3A_185 = vector.broadcast %mul3A_184 : i32 to vector<16xi32>
      %mul3A_186 = arith.muli %gather3A_183, %mul3A_185 : vector<16xi32>
      %add3A_187 = arith.addi %mul3A_186, %gather3A_180 : vector<16xi32>
      %jit3A_188 = arith.constant 1024 : i32
      %broadcast_in_dim3A_189 = vector.broadcast %jit3A_188 : i32 to vector<16xi32>
      %select_n3A_190 = arith.select %eq3A_39, %broadcast_in_dim3A_189, %add3A_187 : vector<16xi1>, vector<16xi32>
      %jit3A_191 = arith.constant 1024 : i32
      %broadcast_in_dim3A_192 = vector.broadcast %jit3A_191 : i32 to vector<16xi32>
      %select_n3A_193 = arith.select %lt3A_95, %select_n3A_190, %broadcast_in_dim3A_192 : vector<16xi32>
      %add3A_194 = arith.addi %select_n3A_193, %select_n3A_36 : vector<16xi32>
      %swap3A_195 = arith.constant 0 : i32
      %swap3A_196 = arith.index_cast %swap3A_195 : i32 to index
      %swap3A_197 = arith.constant 32 : index
      %swap3A_198 = tpu.vector_load %arg17[%swap3A_196, %swap3A_197] {strides = array<i32>} : memref<3x128xi32, #tpu.memory_space<vmem>>, vector<1x16xi32>,
      %swap3A_199 = vector.shape_cast %swap3A_198 : vector<1x16xi32> to vector<16xi32>
      %swap3A_200 = vector.shape_cast %add3A_194 : vector<16xi32> to vector<1x16xi32>
      tpu.vector_store %arg17[%swap3A_196, %swap3A_197], %swap3A_200 {strides = array<i32>} : memref<3x128xi32, #tpu.memory_space<vmem>>, vector<1x16xi32>,
      %add3A_201 = arith.constant 24 : i32
      %add3A_202 = arith.addi %add3A_107, %add3A_201 : i32
      %get3A_203 = arith.index_cast %add3A_202 : i32 to index
      %get3A_204 = tpu.vector_load %arg15[%get3A_203] {strides = array<i32>} : memref<5392xi32, #tpu.memory_space<vmem>>, vector<16xi32>,
      %get3A_205 = vector.shape_cast %get3A_204 : vector<16xi32> to vector<16xi32>
      %add3A_206 = arith.constant 24 : i32
      %add3A_207 = arith.addi %add3A_107, %add3A_206 : i32
      %get3A_208 = arith.index_cast %add3A_207 : i32 to index
      %get3A_209 = tpu.vector_load %arg16[%get3A_208] {strides = array<i32>} : memref<5392xi32, #tpu.memory_space<vmem>>, vector<16xi32>,
      %get3A_210 = vector.shape_cast %get3A_209 : vector<16xi32> to vector<16xi32>
      %broadcast_in_dim3A_211 = vector.shape_cast %select_n3A_30 : vector<16xi32> to vector<16x1xi32>
      %gather3A_212 = vector.shape_cast %broadcast_in_dim3A_211 : vector<16x1xi32> to vector<16xi32>
      %gather3A_213 = tpu.dynamic_gather %get3A_205[%gather3A_212] in [0] : vector<16xi32>, vector<16xi32> -> vector<16xi32>
      %broadcast_in_dim3A_214 = vector.shape_cast %select_n3A_30 : vector<16xi32> to vector<16x1xi32>
      %gather3A_215 = vector.shape_cast %broadcast_in_dim3A_214 : vector<16x1xi32> to vector<16xi32>
      %gather3A_216 = tpu.dynamic_gather %get3A_210[%gather3A_215] in [0] : vector<16xi32>, vector<16xi32> -> vector<16xi32>
      %mul3A_217 = arith.constant 512 : i32
      %mul3A_218 = vector.broadcast %mul3A_217 : i32 to vector<16xi32>
      %mul3A_219 = arith.muli %gather3A_216, %mul3A_218 : vector<16xi32>
      %add3A_220 = arith.addi %mul3A_219, %gather3A_213 : vector<16xi32>
      %jit3A_221 = arith.constant 1024 : i32
      %broadcast_in_dim3A_222 = vector.broadcast %jit3A_221 : i32 to vector<16xi32>
      %select_n3A_223 = arith.select %lt3A_95, %add3A_220, %broadcast_in_dim3A_222 : vector<16xi32>
      %add3A_224 = arith.addi %select_n3A_223, %select_n3A_36 : vector<16xi32>
      %swap3A_225 = arith.constant 0 : i32
      %swap3A_226 = arith.index_cast %swap3A_225 : i32 to index
      %swap3A_227 = arith.constant 48 : index
      %swap3A_228 = tpu.vector_load %arg17[%swap3A_226, %swap3A_227] {strides = array<i32>} : memref<3x128xi32, #tpu.memory_space<vmem>>, vector<1x16xi32>,
      %swap3A_229 = vector.shape_cast %swap3A_228 : vector<1x16xi32> to vector<16xi32>
      %swap3A_230 = vector.shape_cast %add3A_224 : vector<16xi32> to vector<1x16xi32>
      tpu.vector_store %arg17[%swap3A_226, %swap3A_227], %swap3A_230 {strides = array<i32>} : memref<3x128xi32, #tpu.memory_space<vmem>>, vector<1x16xi32>,
      %add3A_231 = arith.constant 32 : i32
      %add3A_232 = arith.addi %add3A_107, %add3A_231 : i32
      %get3A_233 = arith.index_cast %add3A_232 : i32 to index
      %get3A_234 = tpu.vector_load %arg15[%get3A_233] {strides = array<i32>} : memref<5392xi32, #tpu.memory_space<vmem>>, vector<16xi32>,
      %get3A_235 = vector.shape_cast %get3A_234 : vector<16xi32> to vector<16xi32>
      %add3A_236 = arith.constant 32 : i32
      %add3A_237 = arith.addi %add3A_107, %add3A_236 : i32
      %get3A_238 = arith.index_cast %add3A_237 : i32 to index
      %get3A_239 = tpu.vector_load %arg16[%get3A_238] {strides = array<i32>} : memref<5392xi32, #tpu.memory_space<vmem>>, vector<16xi32>,
      %get3A_240 = vector.shape_cast %get3A_239 : vector<16xi32> to vector<16xi32>
      %broadcast_in_dim3A_241 = vector.shape_cast %select_n3A_30 : vector<16xi32> to vector<16x1xi32>
      %gather3A_242 = vector.shape_cast %broadcast_in_dim3A_241 : vector<16x1xi32> to vector<16xi32>
      %gather3A_243 = tpu.dynamic_gather %get3A_235[%gather3A_242] in [0] : vector<16xi32>, vector<16xi32> -> vector<16xi32>
      %broadcast_in_dim3A_244 = vector.shape_cast %select_n3A_30 : vector<16xi32> to vector<16x1xi32>
      %gather3A_245 = vector.shape_cast %broadcast_in_dim3A_244 : vector<16x1xi32> to vector<16xi32>
      %gather3A_246 = tpu.dynamic_gather %get3A_240[%gather3A_245] in [0] : vector<16xi32>, vector<16xi32> -> vector<16xi32>
      %mul3A_247 = arith.constant 512 : i32
      %mul3A_248 = vector.broadcast %mul3A_247 : i32 to vector<16xi32>
      %mul3A_249 = arith.muli %gather3A_246, %mul3A_248 : vector<16xi32>
      %add3A_250 = arith.addi %mul3A_249, %gather3A_243 : vector<16xi32>
      %jit3A_251 = arith.constant 1024 : i32
      %broadcast_in_dim3A_252 = vector.broadcast %jit3A_251 : i32 to vector<16xi32>
      %select_n3A_253 = arith.select %eq3A_39, %broadcast_in_dim3A_252, %add3A_250 : vector<16xi1>, vector<16xi32>
      %jit3A_254 = arith.constant 1024 : i32
      %broadcast_in_dim3A_255 = vector.broadcast %jit3A_254 : i32 to vector<16xi32>
      %select_n3A_256 = arith.select %lt3A_95, %select_n3A_253, %broadcast_in_dim3A_255 : vector<16xi32>
      %add3A_257 = arith.addi %select_n3A_256, %select_n3A_36 : vector<16xi32>
      %swap3A_258 = arith.constant 0 : i32
      %swap3A_259 = arith.index_cast %swap3A_258 : i32 to index
      %swap3A_260 = arith.constant 64 : index
      %swap3A_261 = tpu.vector_load %arg17[%swap3A_259, %swap3A_260] {strides = array<i32>} : memref<3x128xi32, #tpu.memory_space<vmem>>, vector<1x16xi32>,
      %swap3A_262 = vector.shape_cast %swap3A_261 : vector<1x16xi32> to vector<16xi32>
      %swap3A_263 = vector.shape_cast %add3A_257 : vector<16xi32> to vector<1x16xi32>
      tpu.vector_store %arg17[%swap3A_259, %swap3A_260], %swap3A_263 {strides = array<i32>} : memref<3x128xi32, #tpu.memory_space<vmem>>, vector<1x16xi32>,
      %add3A_264 = arith.constant 40 : i32
      %add3A_265 = arith.addi %add3A_107, %add3A_264 : i32
      %get3A_266 = arith.index_cast %add3A_265 : i32 to index
      %get3A_267 = tpu.vector_load %arg15[%get3A_266] {strides = array<i32>} : memref<5392xi32, #tpu.memory_space<vmem>>, vector<16xi32>,
      %get3A_268 = vector.shape_cast %get3A_267 : vector<16xi32> to vector<16xi32>
      %add3A_269 = arith.constant 40 : i32
      %add3A_270 = arith.addi %add3A_107, %add3A_269 : i32
      %get3A_271 = arith.index_cast %add3A_270 : i32 to index
      %get3A_272 = tpu.vector_load %arg16[%get3A_271] {strides = array<i32>} : memref<5392xi32, #tpu.memory_space<vmem>>, vector<16xi32>,
      %get3A_273 = vector.shape_cast %get3A_272 : vector<16xi32> to vector<16xi32>
      %broadcast_in_dim3A_274 = vector.shape_cast %select_n3A_30 : vector<16xi32> to vector<16x1xi32>
      %gather3A_275 = vector.shape_cast %broadcast_in_dim3A_274 : vector<16x1xi32> to vector<16xi32>
      %gather3A_276 = tpu.dynamic_gather %get3A_268[%gather3A_275] in [0] : vector<16xi32>, vector<16xi32> -> vector<16xi32>
      %broadcast_in_dim3A_277 = vector.shape_cast %select_n3A_30 : vector<16xi32> to vector<16x1xi32>
      %gather3A_278 = vector.shape_cast %broadcast_in_dim3A_277 : vector<16x1xi32> to vector<16xi32>
      %gather3A_279 = tpu.dynamic_gather %get3A_273[%gather3A_278] in [0] : vector<16xi32>, vector<16xi32> -> vector<16xi32>
      %mul3A_280 = arith.constant 512 : i32
      %mul3A_281 = vector.broadcast %mul3A_280 : i32 to vector<16xi32>
      %mul3A_282 = arith.muli %gather3A_279, %mul3A_281 : vector<16xi32>
      %add3A_283 = arith.addi %mul3A_282, %gather3A_276 : vector<16xi32>
      %jit3A_284 = arith.constant 1024 : i32
      %broadcast_in_dim3A_285 = vector.broadcast %jit3A_284 : i32 to vector<16xi32>
      %select_n3A_286 = arith.select %lt3A_95, %add3A_283, %broadcast_in_dim3A_285 : vector<16xi32>
      %add3A_287 = arith.addi %select_n3A_286, %select_n3A_36 : vector<16xi32>
      %swap3A_288 = arith.constant 0 : i32
      %swap3A_289 = arith.index_cast %swap3A_288 : i32 to index
      %swap3A_290 = arith.constant 80 : index
      %swap3A_291 = tpu.vector_load %arg17[%swap3A_289, %swap3A_290] {strides = array<i32>} : memref<3x128xi32, #tpu.memory_space<vmem>>, vector<1x16xi32>,
      %swap3A_292 = vector.shape_cast %swap3A_291 : vector<1x16xi32> to vector<16xi32>
      %swap3A_293 = vector.shape_cast %add3A_287 : vector<16xi32> to vector<1x16xi32>
      tpu.vector_store %arg17[%swap3A_289, %swap3A_290], %swap3A_293 {strides = array<i32>} : memref<3x128xi32, #tpu.memory_space<vmem>>, vector<1x16xi32>,
      %add3A_294 = arith.constant 48 : i32
      %add3A_295 = arith.addi %add3A_107, %add3A_294 : i32
      %get3A_296 = arith.index_cast %add3A_295 : i32 to index
      %get3A_297 = tpu.vector_load %arg15[%get3A_296] {strides = array<i32>} : memref<5392xi32, #tpu.memory_space<vmem>>, vector<16xi32>,
      %get3A_298 = vector.shape_cast %get3A_297 : vector<16xi32> to vector<16xi32>
      %add3A_299 = arith.constant 48 : i32
      %add3A_300 = arith.addi %add3A_107, %add3A_299 : i32
      %get3A_301 = arith.index_cast %add3A_300 : i32 to index
      %get3A_302 = tpu.vector_load %arg16[%get3A_301] {strides = array<i32>} : memref<5392xi32, #tpu.memory_space<vmem>>, vector<16xi32>,
      %get3A_303 = vector.shape_cast %get3A_302 : vector<16xi32> to vector<16xi32>
      %broadcast_in_dim3A_304 = vector.shape_cast %select_n3A_30 : vector<16xi32> to vector<16x1xi32>
      %gather3A_305 = vector.shape_cast %broadcast_in_dim3A_304 : vector<16x1xi32> to vector<16xi32>
      %gather3A_306 = tpu.dynamic_gather %get3A_298[%gather3A_305] in [0] : vector<16xi32>, vector<16xi32> -> vector<16xi32>
      %broadcast_in_dim3A_307 = vector.shape_cast %select_n3A_30 : vector<16xi32> to vector<16x1xi32>
      %gather3A_308 = vector.shape_cast %broadcast_in_dim3A_307 : vector<16x1xi32> to vector<16xi32>
      %gather3A_309 = tpu.dynamic_gather %get3A_303[%gather3A_308] in [0] : vector<16xi32>, vector<16xi32> -> vector<16xi32>
      %mul3A_310 = arith.constant 512 : i32
      %mul3A_311 = vector.broadcast %mul3A_310 : i32 to vector<16xi32>
      %mul3A_312 = arith.muli %gather3A_309, %mul3A_311 : vector<16xi32>
      %add3A_313 = arith.addi %mul3A_312, %gather3A_306 : vector<16xi32>
      %jit3A_314 = arith.constant 1024 : i32
      %broadcast_in_dim3A_315 = vector.broadcast %jit3A_314 : i32 to vector<16xi32>
      %select_n3A_316 = arith.select %eq3A_39, %broadcast_in_dim3A_315, %add3A_313 : vector<16xi1>, vector<16xi32>
      %jit3A_317 = arith.constant 1024 : i32
      %broadcast_in_dim3A_318 = vector.broadcast %jit3A_317 : i32 to vector<16xi32>
      %select_n3A_319 = arith.select %lt3A_95, %select_n3A_316, %broadcast_in_dim3A_318 : vector<16xi32>
      %add3A_320 = arith.addi %select_n3A_319, %select_n3A_36 : vector<16xi32>
      %swap3A_321 = arith.constant 0 : i32
      %swap3A_322 = arith.index_cast %swap3A_321 : i32 to index
      %swap3A_323 = arith.constant 96 : index
      %swap3A_324 = tpu.vector_load %arg17[%swap3A_322, %swap3A_323] {strides = array<i32>} : memref<3x128xi32, #tpu.memory_space<vmem>>, vector<1x16xi32>,
      %swap3A_325 = vector.shape_cast %swap3A_324 : vector<1x16xi32> to vector<16xi32>
      %swap3A_326 = vector.shape_cast %add3A_320 : vector<16xi32> to vector<1x16xi32>
      tpu.vector_store %arg17[%swap3A_322, %swap3A_323], %swap3A_326 {strides = array<i32>} : memref<3x128xi32, #tpu.memory_space<vmem>>, vector<1x16xi32>,
      %add3A_327 = arith.constant 56 : i32
      %add3A_328 = arith.addi %add3A_107, %add3A_327 : i32
      %get3A_329 = arith.index_cast %add3A_328 : i32 to index
      %get3A_330 = tpu.vector_load %arg15[%get3A_329] {strides = array<i32>} : memref<5392xi32, #tpu.memory_space<vmem>>, vector<16xi32>,
      %get3A_331 = vector.shape_cast %get3A_330 : vector<16xi32> to vector<16xi32>
      %add3A_332 = arith.constant 56 : i32
      %add3A_333 = arith.addi %add3A_107, %add3A_332 : i32
      %get3A_334 = arith.index_cast %add3A_333 : i32 to index
      %get3A_335 = tpu.vector_load %arg16[%get3A_334] {strides = array<i32>} : memref<5392xi32, #tpu.memory_space<vmem>>, vector<16xi32>,
      %get3A_336 = vector.shape_cast %get3A_335 : vector<16xi32> to vector<16xi32>
      %broadcast_in_dim3A_337 = vector.shape_cast %select_n3A_30 : vector<16xi32> to vector<16x1xi32>
      %gather3A_338 = vector.shape_cast %broadcast_in_dim3A_337 : vector<16x1xi32> to vector<16xi32>
      %gather3A_339 = tpu.dynamic_gather %get3A_331[%gather3A_338] in [0] : vector<16xi32>, vector<16xi32> -> vector<16xi32>
      %broadcast_in_dim3A_340 = vector.shape_cast %select_n3A_30 : vector<16xi32> to vector<16x1xi32>
      %gather3A_341 = vector.shape_cast %broadcast_in_dim3A_340 : vector<16x1xi32> to vector<16xi32>
      %gather3A_342 = tpu.dynamic_gather %get3A_336[%gather3A_341] in [0] : vector<16xi32>, vector<16xi32> -> vector<16xi32>
      %mul3A_343 = arith.constant 512 : i32
      %mul3A_344 = vector.broadcast %mul3A_343 : i32 to vector<16xi32>
      %mul3A_345 = arith.muli %gather3A_342, %mul3A_344 : vector<16xi32>
      %add3A_346 = arith.addi %mul3A_345, %gather3A_339 : vector<16xi32>
      %jit3A_347 = arith.constant 1024 : i32
      %broadcast_in_dim3A_348 = vector.broadcast %jit3A_347 : i32 to vector<16xi32>
      %select_n3A_349 = arith.select %lt3A_95, %add3A_346, %broadcast_in_dim3A_348 : vector<16xi32>
      %add3A_350 = arith.addi %select_n3A_349, %select_n3A_36 : vector<16xi32>
      %swap3A_351 = arith.constant 0 : i32
      %swap3A_352 = arith.index_cast %swap3A_351 : i32 to index
      %swap3A_353 = arith.constant 112 : index
      %swap3A_354 = tpu.vector_load %arg17[%swap3A_352, %swap3A_353] {strides = array<i32>} : memref<3x128xi32, #tpu.memory_space<vmem>>, vector<1x16xi32>,
      %swap3A_355 = vector.shape_cast %swap3A_354 : vector<1x16xi32> to vector<16xi32>
      %swap3A_356 = vector.shape_cast %add3A_350 : vector<16xi32> to vector<1x16xi32>
      tpu.vector_store %arg17[%swap3A_352, %swap3A_353], %swap3A_356 {strides = array<i32>} : memref<3x128xi32, #tpu.memory_space<vmem>>, vector<1x16xi32>,
      %add3A_357 = arith.constant 64 : i32
      %add3A_358 = arith.addi %add3A_107, %add3A_357 : i32
      %get3A_359 = arith.index_cast %add3A_358 : i32 to index
      %get3A_360 = tpu.vector_load %arg15[%get3A_359] {strides = array<i32>} : memref<5392xi32, #tpu.memory_space<vmem>>, vector<16xi32>,
      %get3A_361 = vector.shape_cast %get3A_360 : vector<16xi32> to vector<16xi32>
      %add3A_362 = arith.constant 64 : i32
      %add3A_363 = arith.addi %add3A_107, %add3A_362 : i32
      %get3A_364 = arith.index_cast %add3A_363 : i32 to index
      %get3A_365 = tpu.vector_load %arg16[%get3A_364] {strides = array<i32>} : memref<5392xi32, #tpu.memory_space<vmem>>, vector<16xi32>,
      %get3A_366 = vector.shape_cast %get3A_365 : vector<16xi32> to vector<16xi32>
      %broadcast_in_dim3A_367 = vector.shape_cast %select_n3A_30 : vector<16xi32> to vector<16x1xi32>
      %gather3A_368 = vector.shape_cast %broadcast_in_dim3A_367 : vector<16x1xi32> to vector<16xi32>
      %gather3A_369 = tpu.dynamic_gather %get3A_361[%gather3A_368] in [0] : vector<16xi32>, vector<16xi32> -> vector<16xi32>
      %broadcast_in_dim3A_370 = vector.shape_cast %select_n3A_30 : vector<16xi32> to vector<16x1xi32>
      %gather3A_371 = vector.shape_cast %broadcast_in_dim3A_370 : vector<16x1xi32> to vector<16xi32>
      %gather3A_372 = tpu.dynamic_gather %get3A_366[%gather3A_371] in [0] : vector<16xi32>, vector<16xi32> -> vector<16xi32>
      %mul3A_373 = arith.constant 512 : i32
      %mul3A_374 = vector.broadcast %mul3A_373 : i32 to vector<16xi32>
      %mul3A_375 = arith.muli %gather3A_372, %mul3A_374 : vector<16xi32>
      %add3A_376 = arith.addi %mul3A_375, %gather3A_369 : vector<16xi32>
      %jit3A_377 = arith.constant 1024 : i32
      %broadcast_in_dim3A_378 = vector.broadcast %jit3A_377 : i32 to vector<16xi32>
      %select_n3A_379 = arith.select %eq3A_39, %broadcast_in_dim3A_378, %add3A_376 : vector<16xi1>, vector<16xi32>
      %jit3A_380 = arith.constant 1024 : i32
      %broadcast_in_dim3A_381 = vector.broadcast %jit3A_380 : i32 to vector<16xi32>
      %select_n3A_382 = arith.select %lt3A_95, %select_n3A_379, %broadcast_in_dim3A_381 : vector<16xi32>
      %add3A_383 = arith.addi %select_n3A_382, %select_n3A_36 : vector<16xi32>
      %swap3A_384 = arith.constant 1 : i32
      %swap3A_385 = arith.index_cast %swap3A_384 : i32 to index
      %swap3A_386 = arith.constant 0 : index
      %swap3A_387 = tpu.vector_load %arg17[%swap3A_385, %swap3A_386] {strides = array<i32>} : memref<3x128xi32, #tpu.memory_space<vmem>>, vector<1x16xi32>,
      %swap3A_388 = vector.shape_cast %swap3A_387 : vector<1x16xi32> to vector<16xi32>
      %swap3A_389 = vector.shape_cast %add3A_383 : vector<16xi32> to vector<1x16xi32>
      tpu.vector_store %arg17[%swap3A_385, %swap3A_386], %swap3A_389 {strides = array<i32>} : memref<3x128xi32, #tpu.memory_space<vmem>>, vector<1x16xi32>,
      %add3A_390 = arith.constant 72 : i32
      %add3A_391 = arith.addi %add3A_107, %add3A_390 : i32
      %get3A_392 = arith.index_cast %add3A_391 : i32 to index
      %get3A_393 = tpu.vector_load %arg15[%get3A_392] {strides = array<i32>} : memref<5392xi32, #tpu.memory_space<vmem>>, vector<16xi32>,
      %get3A_394 = vector.shape_cast %get3A_393 : vector<16xi32> to vector<16xi32>
      %add3A_395 = arith.constant 72 : i32
      %add3A_396 = arith.addi %add3A_107, %add3A_395 : i32
      %get3A_397 = arith.index_cast %add3A_396 : i32 to index
      %get3A_398 = tpu.vector_load %arg16[%get3A_397] {strides = array<i32>} : memref<5392xi32, #tpu.memory_space<vmem>>, vector<16xi32>,
      %get3A_399 = vector.shape_cast %get3A_398 : vector<16xi32> to vector<16xi32>
      %broadcast_in_dim3A_400 = vector.shape_cast %select_n3A_30 : vector<16xi32> to vector<16x1xi32>
      %gather3A_401 = vector.shape_cast %broadcast_in_dim3A_400 : vector<16x1xi32> to vector<16xi32>
      %gather3A_402 = tpu.dynamic_gather %get3A_394[%gather3A_401] in [0] : vector<16xi32>, vector<16xi32> -> vector<16xi32>
      %broadcast_in_dim3A_403 = vector.shape_cast %select_n3A_30 : vector<16xi32> to vector<16x1xi32>
      %gather3A_404 = vector.shape_cast %broadcast_in_dim3A_403 : vector<16x1xi32> to vector<16xi32>
      %gather3A_405 = tpu.dynamic_gather %get3A_399[%gather3A_404] in [0] : vector<16xi32>, vector<16xi32> -> vector<16xi32>
      %mul3A_406 = arith.constant 512 : i32
      %mul3A_407 = vector.broadcast %mul3A_406 : i32 to vector<16xi32>
      %mul3A_408 = arith.muli %gather3A_405, %mul3A_407 : vector<16xi32>
      %add3A_409 = arith.addi %mul3A_408, %gather3A_402 : vector<16xi32>
      %jit3A_410 = arith.constant 1024 : i32
      %broadcast_in_dim3A_411 = vector.broadcast %jit3A_410 : i32 to vector<16xi32>
      %select_n3A_412 = arith.select %lt3A_95, %add3A_409, %broadcast_in_dim3A_411 : vector<16xi32>
      %add3A_413 = arith.addi %select_n3A_412, %select_n3A_36 : vector<16xi32>
      %swap3A_414 = arith.constant 1 : i32
      %swap3A_415 = arith.index_cast %swap3A_414 : i32 to index
      %swap3A_416 = arith.constant 16 : index
      %swap3A_417 = tpu.vector_load %arg17[%swap3A_415, %swap3A_416] {strides = array<i32>} : memref<3x128xi32, #tpu.memory_space<vmem>>, vector<1x16xi32>,
      %swap3A_418 = vector.shape_cast %swap3A_417 : vector<1x16xi32> to vector<16xi32>
      %swap3A_419 = vector.shape_cast %add3A_413 : vector<16xi32> to vector<1x16xi32>
      tpu.vector_store %arg17[%swap3A_415, %swap3A_416], %swap3A_419 {strides = array<i32>} : memref<3x128xi32, #tpu.memory_space<vmem>>, vector<1x16xi32>,
      %add3A_420 = arith.constant 80 : i32
      %add3A_421 = arith.addi %add3A_107, %add3A_420 : i32
      %get3A_422 = arith.index_cast %add3A_421 : i32 to index
      %get3A_423 = tpu.vector_load %arg15[%get3A_422] {strides = array<i32>} : memref<5392xi32, #tpu.memory_space<vmem>>, vector<16xi32>,
      %get3A_424 = vector.shape_cast %get3A_423 : vector<16xi32> to vector<16xi32>
      %add3A_425 = arith.constant 80 : i32
      %add3A_426 = arith.addi %add3A_107, %add3A_425 : i32
      %get3A_427 = arith.index_cast %add3A_426 : i32 to index
      %get3A_428 = tpu.vector_load %arg16[%get3A_427] {strides = array<i32>} : memref<5392xi32, #tpu.memory_space<vmem>>, vector<16xi32>,
      %get3A_429 = vector.shape_cast %get3A_428 : vector<16xi32> to vector<16xi32>
      %broadcast_in_dim3A_430 = vector.shape_cast %select_n3A_30 : vector<16xi32> to vector<16x1xi32>
      %gather3A_431 = vector.shape_cast %broadcast_in_dim3A_430 : vector<16x1xi32> to vector<16xi32>
      %gather3A_432 = tpu.dynamic_gather %get3A_424[%gather3A_431] in [0] : vector<16xi32>, vector<16xi32> -> vector<16xi32>
      %broadcast_in_dim3A_433 = vector.shape_cast %select_n3A_30 : vector<16xi32> to vector<16x1xi32>
      %gather3A_434 = vector.shape_cast %broadcast_in_dim3A_433 : vector<16x1xi32> to vector<16xi32>
      %gather3A_435 = tpu.dynamic_gather %get3A_429[%gather3A_434] in [0] : vector<16xi32>, vector<16xi32> -> vector<16xi32>
      %mul3A_436 = arith.constant 512 : i32
      %mul3A_437 = vector.broadcast %mul3A_436 : i32 to vector<16xi32>
      %mul3A_438 = arith.muli %gather3A_435, %mul3A_437 : vector<16xi32>
      %add3A_439 = arith.addi %mul3A_438, %gather3A_432 : vector<16xi32>
      %jit3A_440 = arith.constant 1024 : i32
      %broadcast_in_dim3A_441 = vector.broadcast %jit3A_440 : i32 to vector<16xi32>
      %select_n3A_442 = arith.select %eq3A_39, %broadcast_in_dim3A_441, %add3A_439 : vector<16xi1>, vector<16xi32>
      %jit3A_443 = arith.constant 1024 : i32
      %broadcast_in_dim3A_444 = vector.broadcast %jit3A_443 : i32 to vector<16xi32>
      %select_n3A_445 = arith.select %lt3A_95, %select_n3A_442, %broadcast_in_dim3A_444 : vector<16xi32>
      %add3A_446 = arith.addi %select_n3A_445, %select_n3A_36 : vector<16xi32>
      %swap3A_447 = arith.constant 1 : i32
      %swap3A_448 = arith.index_cast %swap3A_447 : i32 to index
      %swap3A_449 = arith.constant 32 : index
      %swap3A_450 = tpu.vector_load %arg17[%swap3A_448, %swap3A_449] {strides = array<i32>} : memref<3x128xi32, #tpu.memory_space<vmem>>, vector<1x16xi32>,
      %swap3A_451 = vector.shape_cast %swap3A_450 : vector<1x16xi32> to vector<16xi32>
      %swap3A_452 = vector.shape_cast %add3A_446 : vector<16xi32> to vector<1x16xi32>
      tpu.vector_store %arg17[%swap3A_448, %swap3A_449], %swap3A_452 {strides = array<i32>} : memref<3x128xi32, #tpu.memory_space<vmem>>, vector<1x16xi32>,
      %add3A_453 = arith.constant 88 : i32
      %add3A_454 = arith.addi %add3A_107, %add3A_453 : i32
      %get3A_455 = arith.index_cast %add3A_454 : i32 to index
      %get3A_456 = tpu.vector_load %arg15[%get3A_455] {strides = array<i32>} : memref<5392xi32, #tpu.memory_space<vmem>>, vector<16xi32>,
      %get3A_457 = vector.shape_cast %get3A_456 : vector<16xi32> to vector<16xi32>
      %add3A_458 = arith.constant 88 : i32
      %add3A_459 = arith.addi %add3A_107, %add3A_458 : i32
      %get3A_460 = arith.index_cast %add3A_459 : i32 to index
      %get3A_461 = tpu.vector_load %arg16[%get3A_460] {strides = array<i32>} : memref<5392xi32, #tpu.memory_space<vmem>>, vector<16xi32>,
      %get3A_462 = vector.shape_cast %get3A_461 : vector<16xi32> to vector<16xi32>
      %broadcast_in_dim3A_463 = vector.shape_cast %select_n3A_30 : vector<16xi32> to vector<16x1xi32>
      %gather3A_464 = vector.shape_cast %broadcast_in_dim3A_463 : vector<16x1xi32> to vector<16xi32>
      %gather3A_465 = tpu.dynamic_gather %get3A_457[%gather3A_464] in [0] : vector<16xi32>, vector<16xi32> -> vector<16xi32>
      %broadcast_in_dim3A_466 = vector.shape_cast %select_n3A_30 : vector<16xi32> to vector<16x1xi32>
      %gather3A_467 = vector.shape_cast %broadcast_in_dim3A_466 : vector<16x1xi32> to vector<16xi32>
      %gather3A_468 = tpu.dynamic_gather %get3A_462[%gather3A_467] in [0] : vector<16xi32>, vector<16xi32> -> vector<16xi32>
      %mul3A_469 = arith.constant 512 : i32
      %mul3A_470 = vector.broadcast %mul3A_469 : i32 to vector<16xi32>
      %mul3A_471 = arith.muli %gather3A_468, %mul3A_470 : vector<16xi32>
      %add3A_472 = arith.addi %mul3A_471, %gather3A_465 : vector<16xi32>
      %jit3A_473 = arith.constant 1024 : i32
      %broadcast_in_dim3A_474 = vector.broadcast %jit3A_473 : i32 to vector<16xi32>
      %select_n3A_475 = arith.select %lt3A_95, %add3A_472, %broadcast_in_dim3A_474 : vector<16xi32>
      %add3A_476 = arith.addi %select_n3A_475, %select_n3A_36 : vector<16xi32>
      %swap3A_477 = arith.constant 1 : i32
      %swap3A_478 = arith.index_cast %swap3A_477 : i32 to index
      %swap3A_479 = arith.constant 48 : index
      %swap3A_480 = tpu.vector_load %arg17[%swap3A_478, %swap3A_479] {strides = array<i32>} : memref<3x128xi32, #tpu.memory_space<vmem>>, vector<1x16xi32>,
      %swap3A_481 = vector.shape_cast %swap3A_480 : vector<1x16xi32> to vector<16xi32>
      %swap3A_482 = vector.shape_cast %add3A_476 : vector<16xi32> to vector<1x16xi32>
      tpu.vector_store %arg17[%swap3A_478, %swap3A_479], %swap3A_482 {strides = array<i32>} : memref<3x128xi32, #tpu.memory_space<vmem>>, vector<1x16xi32>,
      %add3A_483 = arith.constant 96 : i32
      %add3A_484 = arith.addi %add3A_107, %add3A_483 : i32
      %get3A_485 = arith.index_cast %add3A_484 : i32 to index
      %get3A_486 = tpu.vector_load %arg15[%get3A_485] {strides = array<i32>} : memref<5392xi32, #tpu.memory_space<vmem>>, vector<16xi32>,
      %get3A_487 = vector.shape_cast %get3A_486 : vector<16xi32> to vector<16xi32>
      %add3A_488 = arith.constant 96 : i32
      %add3A_489 = arith.addi %add3A_107, %add3A_488 : i32
      %get3A_490 = arith.index_cast %add3A_489 : i32 to index
      %get3A_491 = tpu.vector_load %arg16[%get3A_490] {strides = array<i32>} : memref<5392xi32, #tpu.memory_space<vmem>>, vector<16xi32>,
      %get3A_492 = vector.shape_cast %get3A_491 : vector<16xi32> to vector<16xi32>
      %broadcast_in_dim3A_493 = vector.shape_cast %select_n3A_30 : vector<16xi32> to vector<16x1xi32>
      %gather3A_494 = vector.shape_cast %broadcast_in_dim3A_493 : vector<16x1xi32> to vector<16xi32>
      %gather3A_495 = tpu.dynamic_gather %get3A_487[%gather3A_494] in [0] : vector<16xi32>, vector<16xi32> -> vector<16xi32>
      %broadcast_in_dim3A_496 = vector.shape_cast %select_n3A_30 : vector<16xi32> to vector<16x1xi32>
      %gather3A_497 = vector.shape_cast %broadcast_in_dim3A_496 : vector<16x1xi32> to vector<16xi32>
      %gather3A_498 = tpu.dynamic_gather %get3A_492[%gather3A_497] in [0] : vector<16xi32>, vector<16xi32> -> vector<16xi32>
      %mul3A_499 = arith.constant 512 : i32
      %mul3A_500 = vector.broadcast %mul3A_499 : i32 to vector<16xi32>
      %mul3A_501 = arith.muli %gather3A_498, %mul3A_500 : vector<16xi32>
      %add3A_502 = arith.addi %mul3A_501, %gather3A_495 : vector<16xi32>
      %jit3A_503 = arith.constant 1024 : i32
      %broadcast_in_dim3A_504 = vector.broadcast %jit3A_503 : i32 to vector<16xi32>
      %select_n3A_505 = arith.select %eq3A_39, %broadcast_in_dim3A_504, %add3A_502 : vector<16xi1>, vector<16xi32>
      %jit3A_506 = arith.constant 1024 : i32
      %broadcast_in_dim3A_507 = vector.broadcast %jit3A_506 : i32 to vector<16xi32>
      %select_n3A_508 = arith.select %lt3A_95, %select_n3A_505, %broadcast_in_dim3A_507 : vector<16xi32>
      %add3A_509 = arith.addi %select_n3A_508, %select_n3A_36 : vector<16xi32>
      %swap3A_510 = arith.constant 1 : i32
      %swap3A_511 = arith.index_cast %swap3A_510 : i32 to index
      %swap3A_512 = arith.constant 64 : index
      %swap3A_513 = tpu.vector_load %arg17[%swap3A_511, %swap3A_512] {strides = array<i32>} : memref<3x128xi32, #tpu.memory_space<vmem>>, vector<1x16xi32>,
      %swap3A_514 = vector.shape_cast %swap3A_513 : vector<1x16xi32> to vector<16xi32>
      %swap3A_515 = vector.shape_cast %add3A_509 : vector<16xi32> to vector<1x16xi32>
      tpu.vector_store %arg17[%swap3A_511, %swap3A_512], %swap3A_515 {strides = array<i32>} : memref<3x128xi32, #tpu.memory_space<vmem>>, vector<1x16xi32>,
      %add3A_516 = arith.constant 104 : i32
      %add3A_517 = arith.addi %add3A_107, %add3A_516 : i32
      %get3A_518 = arith.index_cast %add3A_517 : i32 to index
      %get3A_519 = tpu.vector_load %arg15[%get3A_518] {strides = array<i32>} : memref<5392xi32, #tpu.memory_space<vmem>>, vector<16xi32>,
      %get3A_520 = vector.shape_cast %get3A_519 : vector<16xi32> to vector<16xi32>
      %add3A_521 = arith.constant 104 : i32
      %add3A_522 = arith.addi %add3A_107, %add3A_521 : i32
      %get3A_523 = arith.index_cast %add3A_522 : i32 to index
      %get3A_524 = tpu.vector_load %arg16[%get3A_523] {strides = array<i32>} : memref<5392xi32, #tpu.memory_space<vmem>>, vector<16xi32>,
      %get3A_525 = vector.shape_cast %get3A_524 : vector<16xi32> to vector<16xi32>
      %broadcast_in_dim3A_526 = vector.shape_cast %select_n3A_30 : vector<16xi32> to vector<16x1xi32>
      %gather3A_527 = vector.shape_cast %broadcast_in_dim3A_526 : vector<16x1xi32> to vector<16xi32>
      %gather3A_528 = tpu.dynamic_gather %get3A_520[%gather3A_527] in [0] : vector<16xi32>, vector<16xi32> -> vector<16xi32>
      %broadcast_in_dim3A_529 = vector.shape_cast %select_n3A_30 : vector<16xi32> to vector<16x1xi32>
      %gather3A_530 = vector.shape_cast %broadcast_in_dim3A_529 : vector<16x1xi32> to vector<16xi32>
      %gather3A_531 = tpu.dynamic_gather %get3A_525[%gather3A_530] in [0] : vector<16xi32>, vector<16xi32> -> vector<16xi32>
      %mul3A_532 = arith.constant 512 : i32
      %mul3A_533 = vector.broadcast %mul3A_532 : i32 to vector<16xi32>
      %mul3A_534 = arith.muli %gather3A_531, %mul3A_533 : vector<16xi32>
      %add3A_535 = arith.addi %mul3A_534, %gather3A_528 : vector<16xi32>
      %jit3A_536 = arith.constant 1024 : i32
      %broadcast_in_dim3A_537 = vector.broadcast %jit3A_536 : i32 to vector<16xi32>
      %select_n3A_538 = arith.select %lt3A_95, %add3A_535, %broadcast_in_dim3A_537 : vector<16xi32>
      %add3A_539 = arith.addi %select_n3A_538, %select_n3A_36 : vector<16xi32>
      %swap3A_540 = arith.constant 1 : i32
      %swap3A_541 = arith.index_cast %swap3A_540 : i32 to index
      %swap3A_542 = arith.constant 80 : index
      %swap3A_543 = tpu.vector_load %arg17[%swap3A_541, %swap3A_542] {strides = array<i32>} : memref<3x128xi32, #tpu.memory_space<vmem>>, vector<1x16xi32>,
      %swap3A_544 = vector.shape_cast %swap3A_543 : vector<1x16xi32> to vector<16xi32>
      %swap3A_545 = vector.shape_cast %add3A_539 : vector<16xi32> to vector<1x16xi32>
      tpu.vector_store %arg17[%swap3A_541, %swap3A_542], %swap3A_545 {strides = array<i32>} : memref<3x128xi32, #tpu.memory_space<vmem>>, vector<1x16xi32>,
      %add3A_546 = arith.constant 112 : i32
      %add3A_547 = arith.addi %add3A_107, %add3A_546 : i32
      %get3A_548 = arith.index_cast %add3A_547 : i32 to index
      %get3A_549 = tpu.vector_load %arg15[%get3A_548] {strides = array<i32>} : memref<5392xi32, #tpu.memory_space<vmem>>, vector<16xi32>,
      %get3A_550 = vector.shape_cast %get3A_549 : vector<16xi32> to vector<16xi32>
      %add3A_551 = arith.constant 112 : i32
      %add3A_552 = arith.addi %add3A_107, %add3A_551 : i32
      %get3A_553 = arith.index_cast %add3A_552 : i32 to index
      %get3A_554 = tpu.vector_load %arg16[%get3A_553] {strides = array<i32>} : memref<5392xi32, #tpu.memory_space<vmem>>, vector<16xi32>,
      %get3A_555 = vector.shape_cast %get3A_554 : vector<16xi32> to vector<16xi32>
      %broadcast_in_dim3A_556 = vector.shape_cast %select_n3A_30 : vector<16xi32> to vector<16x1xi32>
      %gather3A_557 = vector.shape_cast %broadcast_in_dim3A_556 : vector<16x1xi32> to vector<16xi32>
      %gather3A_558 = tpu.dynamic_gather %get3A_550[%gather3A_557] in [0] : vector<16xi32>, vector<16xi32> -> vector<16xi32>
      %broadcast_in_dim3A_559 = vector.shape_cast %select_n3A_30 : vector<16xi32> to vector<16x1xi32>
      %gather3A_560 = vector.shape_cast %broadcast_in_dim3A_559 : vector<16x1xi32> to vector<16xi32>
      %gather3A_561 = tpu.dynamic_gather %get3A_555[%gather3A_560] in [0] : vector<16xi32>, vector<16xi32> -> vector<16xi32>
      %mul3A_562 = arith.constant 512 : i32
      %mul3A_563 = vector.broadcast %mul3A_562 : i32 to vector<16xi32>
      %mul3A_564 = arith.muli %gather3A_561, %mul3A_563 : vector<16xi32>
      %add3A_565 = arith.addi %mul3A_564, %gather3A_558 : vector<16xi32>
      %jit3A_566 = arith.constant 1024 : i32
      %broadcast_in_dim3A_567 = vector.broadcast %jit3A_566 : i32 to vector<16xi32>
      %select_n3A_568 = arith.select %eq3A_39, %broadcast_in_dim3A_567, %add3A_565 : vector<16xi1>, vector<16xi32>
      %jit3A_569 = arith.constant 1024 : i32
      %broadcast_in_dim3A_570 = vector.broadcast %jit3A_569 : i32 to vector<16xi32>
      %select_n3A_571 = arith.select %lt3A_95, %select_n3A_568, %broadcast_in_dim3A_570 : vector<16xi32>
      %add3A_572 = arith.addi %select_n3A_571, %select_n3A_36 : vector<16xi32>
      %swap3A_573 = arith.constant 1 : i32
      %swap3A_574 = arith.index_cast %swap3A_573 : i32 to index
      %swap3A_575 = arith.constant 96 : index
      %swap3A_576 = tpu.vector_load %arg17[%swap3A_574, %swap3A_575] {strides = array<i32>} : memref<3x128xi32, #tpu.memory_space<vmem>>, vector<1x16xi32>,
      %swap3A_577 = vector.shape_cast %swap3A_576 : vector<1x16xi32> to vector<16xi32>
      %swap3A_578 = vector.shape_cast %add3A_572 : vector<16xi32> to vector<1x16xi32>
      tpu.vector_store %arg17[%swap3A_574, %swap3A_575], %swap3A_578 {strides = array<i32>} : memref<3x128xi32, #tpu.memory_space<vmem>>, vector<1x16xi32>,
      %add3A_579 = arith.constant 120 : i32
      %add3A_580 = arith.addi %add3A_107, %add3A_579 : i32
      %get3A_581 = arith.index_cast %add3A_580 : i32 to index
      %get3A_582 = tpu.vector_load %arg15[%get3A_581] {strides = array<i32>} : memref<5392xi32, #tpu.memory_space<vmem>>, vector<16xi32>,
      %get3A_583 = vector.shape_cast %get3A_582 : vector<16xi32> to vector<16xi32>
      %add3A_584 = arith.constant 120 : i32
      %add3A_585 = arith.addi %add3A_107, %add3A_584 : i32
      %get3A_586 = arith.index_cast %add3A_585 : i32 to index
      %get3A_587 = tpu.vector_load %arg16[%get3A_586] {strides = array<i32>} : memref<5392xi32, #tpu.memory_space<vmem>>, vector<16xi32>,
      %get3A_588 = vector.shape_cast %get3A_587 : vector<16xi32> to vector<16xi32>
      %broadcast_in_dim3A_589 = vector.shape_cast %select_n3A_30 : vector<16xi32> to vector<16x1xi32>
      %gather3A_590 = vector.shape_cast %broadcast_in_dim3A_589 : vector<16x1xi32> to vector<16xi32>
      %gather3A_591 = tpu.dynamic_gather %get3A_583[%gather3A_590] in [0] : vector<16xi32>, vector<16xi32> -> vector<16xi32>
      %broadcast_in_dim3A_592 = vector.shape_cast %select_n3A_30 : vector<16xi32> to vector<16x1xi32>
      %gather3A_593 = vector.shape_cast %broadcast_in_dim3A_592 : vector<16x1xi32> to vector<16xi32>
      %gather3A_594 = tpu.dynamic_gather %get3A_588[%gather3A_593] in [0] : vector<16xi32>, vector<16xi32> -> vector<16xi32>
      %mul3A_595 = arith.constant 512 : i32
      %mul3A_596 = vector.broadcast %mul3A_595 : i32 to vector<16xi32>
      %mul3A_597 = arith.muli %gather3A_594, %mul3A_596 : vector<16xi32>
      %add3A_598 = arith.addi %mul3A_597, %gather3A_591 : vector<16xi32>
      %jit3A_599 = arith.constant 1024 : i32
      %broadcast_in_dim3A_600 = vector.broadcast %jit3A_599 : i32 to vector<16xi32>
      %select_n3A_601 = arith.select %lt3A_95, %add3A_598, %broadcast_in_dim3A_600 : vector<16xi32>
      %add3A_602 = arith.addi %select_n3A_601, %select_n3A_36 : vector<16xi32>
      %swap3A_603 = arith.constant 1 : i32
      %swap3A_604 = arith.index_cast %swap3A_603 : i32 to index
      %swap3A_605 = arith.constant 112 : index
      %swap3A_606 = tpu.vector_load %arg17[%swap3A_604, %swap3A_605] {strides = array<i32>} : memref<3x128xi32, #tpu.memory_space<vmem>>, vector<1x16xi32>,
      %swap3A_607 = vector.shape_cast %swap3A_606 : vector<1x16xi32> to vector<16xi32>
      %swap3A_608 = vector.shape_cast %add3A_602 : vector<16xi32> to vector<1x16xi32>
      tpu.vector_store %arg17[%swap3A_604, %swap3A_605], %swap3A_608 {strides = array<i32>} : memref<3x128xi32, #tpu.memory_space<vmem>>, vector<1x16xi32>,
      %jit3A_609 = arith.constant 16 : i32
      %eq3A_610 = arith.constant 0 : i32
      %eq3A_611 = arith.cmpi eq, %jit3A_609, %eq3A_610 : i32
      %jit3A_612 = arith.constant 1 : i32
      %select_n3A_613 = arith.select %eq3A_611, %jit3A_612, %jit3A_609 : i32
      %rem3A_614 = vector.broadcast %select_n3A_613 : i32 to vector<16xi32>
      %rem3A_615 = arith.remsi %iota3A, %rem3A_614 : vector<16xi32>
      %ne3A_616 = arith.constant 0 : i32
      %ne3A_617 = vector.broadcast %ne3A_616 : i32 to vector<16xi32>
      %ne3A_618 = arith.cmpi ne, %rem3A_615, %ne3A_617 : vector<16xi32>
      %lt3A_619 = arith.constant 0 : i32
      %lt3A_620 = vector.broadcast %lt3A_619 : i32 to vector<16xi32>
      %lt3A_621 = arith.cmpi slt, %rem3A_615, %lt3A_620 : vector<16xi32>
      %lt3A_622 = arith.constant 0 : i32
      %lt3A_623 = arith.cmpi slt, %select_n3A_613, %lt3A_622 : i32
      %ne3A_624 = vector.broadcast %lt3A_623 : i1 to vector<16xi1>
      %ne3A_625 = vector.broadcast %ne3A_624 : vector<16xi1> to vector<16xi1>
      %ne3A_626 = arith.xori %lt3A_621, %ne3A_625 : vector<16xi1>
      %and3A_627 = arith.andi %ne3A_626, %ne3A_618 : vector<16xi1>
      %add3A_628 = vector.broadcast %select_n3A_613 : i32 to vector<16xi32>
      %add3A_629 = arith.addi %rem3A_615, %add3A_628 : vector<16xi32>
      %select_n3A_630 = arith.select %and3A_627, %add3A_629, %rem3A_615 : vector<16xi1>, vector<16xi32>
      %eq3A_631 = arith.constant 0 : i32
      %eq3A_632 = vector.broadcast %eq3A_631 : i32 to vector<16xi32>
      %eq3A_633 = arith.cmpi eq, %select_n3A_630, %eq3A_632 : vector<16xi32>
      %add3A_634 = arith.constant 0 : i32
      %add3A_635 = arith.addi %add3A_107, %add3A_634 : i32
      %get3A_636 = arith.index_cast %add3A_635 : i32 to index
      %get3A_637 = tpu.vector_load %arg15[%get3A_636] {strides = array<i32>} : memref<5392xi32, #tpu.memory_space<vmem>>, vector<16xi32>,
      %get3A_638 = vector.shape_cast %get3A_637 : vector<16xi32> to vector<16xi32>
      %add3A_639 = arith.constant 0 : i32
      %add3A_640 = arith.addi %add3A_107, %add3A_639 : i32
      %get3A_641 = arith.index_cast %add3A_640 : i32 to index
      %get3A_642 = tpu.vector_load %arg16[%get3A_641] {strides = array<i32>} : memref<5392xi32, #tpu.memory_space<vmem>>, vector<16xi32>,
      %get3A_643 = vector.shape_cast %get3A_642 : vector<16xi32> to vector<16xi32>
      %mul3A_644 = arith.constant 512 : i32
      %mul3A_645 = vector.broadcast %mul3A_644 : i32 to vector<16xi32>
      %mul3A_646 = arith.muli %get3A_643, %mul3A_645 : vector<16xi32>
      %add3A_647 = arith.addi %mul3A_646, %get3A_638 : vector<16xi32>
      %jit3A_648 = arith.constant 1024 : i32
      %broadcast_in_dim3A_649 = vector.broadcast %jit3A_648 : i32 to vector<16xi32>
      %select_n3A_650 = arith.select %eq3A_633, %broadcast_in_dim3A_649, %add3A_647 : vector<16xi1>, vector<16xi32>
      %jit3A_651 = arith.constant 1024 : i32
      %broadcast_in_dim3A_652 = vector.broadcast %jit3A_651 : i32 to vector<16xi32>
      %select_n3A_653 = arith.select %lt3A_95, %select_n3A_650, %broadcast_in_dim3A_652 : vector<16xi32>
      %swap3A_654 = arith.constant 2 : i32
      %swap3A_655 = arith.index_cast %swap3A_654 : i32 to index
      %swap3A_656 = arith.constant 0 : index
      %swap3A_657 = tpu.vector_load %arg17[%swap3A_655, %swap3A_656] {strides = array<i32>} : memref<3x128xi32, #tpu.memory_space<vmem>>, vector<1x16xi32>,
      %swap3A_658 = vector.shape_cast %swap3A_657 : vector<1x16xi32> to vector<16xi32>
      %swap3A_659 = vector.shape_cast %select_n3A_653 : vector<16xi32> to vector<1x16xi32>
      tpu.vector_store %arg17[%swap3A_655, %swap3A_656], %swap3A_659 {strides = array<i32>} : memref<3x128xi32, #tpu.memory_space<vmem>>, vector<1x16xi32>,
      %add3A_660 = arith.constant 16 : i32
      %add3A_661 = arith.addi %add3A_107, %add3A_660 : i32
      %get3A_662 = arith.index_cast %add3A_661 : i32 to index
      %get3A_663 = tpu.vector_load %arg15[%get3A_662] {strides = array<i32>} : memref<5392xi32, #tpu.memory_space<vmem>>, vector<16xi32>,
      %get3A_664 = vector.shape_cast %get3A_663 : vector<16xi32> to vector<16xi32>
      %add3A_665 = arith.constant 16 : i32
      %add3A_666 = arith.addi %add3A_107, %add3A_665 : i32
      %get3A_667 = arith.index_cast %add3A_666 : i32 to index
      %get3A_668 = tpu.vector_load %arg16[%get3A_667] {strides = array<i32>} : memref<5392xi32, #tpu.memory_space<vmem>>, vector<16xi32>,
      %get3A_669 = vector.shape_cast %get3A_668 : vector<16xi32> to vector<16xi32>
      %mul3A_670 = arith.constant 512 : i32
      %mul3A_671 = vector.broadcast %mul3A_670 : i32 to vector<16xi32>
      %mul3A_672 = arith.muli %get3A_669, %mul3A_671 : vector<16xi32>
      %add3A_673 = arith.addi %mul3A_672, %get3A_664 : vector<16xi32>
      %jit3A_674 = arith.constant 1024 : i32
      %broadcast_in_dim3A_675 = vector.broadcast %jit3A_674 : i32 to vector<16xi32>
      %select_n3A_676 = arith.select %eq3A_633, %broadcast_in_dim3A_675, %add3A_673 : vector<16xi1>, vector<16xi32>
      %jit3A_677 = arith.constant 1024 : i32
      %broadcast_in_dim3A_678 = vector.broadcast %jit3A_677 : i32 to vector<16xi32>
      %select_n3A_679 = arith.select %lt3A_95, %select_n3A_676, %broadcast_in_dim3A_678 : vector<16xi32>
      %swap3A_680 = arith.constant 2 : i32
      %swap3A_681 = arith.index_cast %swap3A_680 : i32 to index
      %swap3A_682 = arith.constant 16 : index
      %swap3A_683 = tpu.vector_load %arg17[%swap3A_681, %swap3A_682] {strides = array<i32>} : memref<3x128xi32, #tpu.memory_space<vmem>>, vector<1x16xi32>,
      %swap3A_684 = vector.shape_cast %swap3A_683 : vector<1x16xi32> to vector<16xi32>
      %swap3A_685 = vector.shape_cast %select_n3A_679 : vector<16xi32> to vector<1x16xi32>
      tpu.vector_store %arg17[%swap3A_681, %swap3A_682], %swap3A_685 {strides = array<i32>} : memref<3x128xi32, #tpu.memory_space<vmem>>, vector<1x16xi32>,
      %add3A_686 = arith.constant 32 : i32
      %add3A_687 = arith.addi %add3A_107, %add3A_686 : i32
      %get3A_688 = arith.index_cast %add3A_687 : i32 to index
      %get3A_689 = tpu.vector_load %arg15[%get3A_688] {strides = array<i32>} : memref<5392xi32, #tpu.memory_space<vmem>>, vector<16xi32>,
      %get3A_690 = vector.shape_cast %get3A_689 : vector<16xi32> to vector<16xi32>
      %add3A_691 = arith.constant 32 : i32
      %add3A_692 = arith.addi %add3A_107, %add3A_691 : i32
      %get3A_693 = arith.index_cast %add3A_692 : i32 to index
      %get3A_694 = tpu.vector_load %arg16[%get3A_693] {strides = array<i32>} : memref<5392xi32, #tpu.memory_space<vmem>>, vector<16xi32>,
      %get3A_695 = vector.shape_cast %get3A_694 : vector<16xi32> to vector<16xi32>
      %mul3A_696 = arith.constant 512 : i32
      %mul3A_697 = vector.broadcast %mul3A_696 : i32 to vector<16xi32>
      %mul3A_698 = arith.muli %get3A_695, %mul3A_697 : vector<16xi32>
      %add3A_699 = arith.addi %mul3A_698, %get3A_690 : vector<16xi32>
      %jit3A_700 = arith.constant 1024 : i32
      %broadcast_in_dim3A_701 = vector.broadcast %jit3A_700 : i32 to vector<16xi32>
      %select_n3A_702 = arith.select %eq3A_633, %broadcast_in_dim3A_701, %add3A_699 : vector<16xi1>, vector<16xi32>
      %jit3A_703 = arith.constant 1024 : i32
      %broadcast_in_dim3A_704 = vector.broadcast %jit3A_703 : i32 to vector<16xi32>
      %select_n3A_705 = arith.select %lt3A_95, %select_n3A_702, %broadcast_in_dim3A_704 : vector<16xi32>
      %swap3A_706 = arith.constant 2 : i32
      %swap3A_707 = arith.index_cast %swap3A_706 : i32 to index
      %swap3A_708 = arith.constant 32 : index
      %swap3A_709 = tpu.vector_load %arg17[%swap3A_707, %swap3A_708] {strides = array<i32>} : memref<3x128xi32, #tpu.memory_space<vmem>>, vector<1x16xi32>,
      %swap3A_710 = vector.shape_cast %swap3A_709 : vector<1x16xi32> to vector<16xi32>
      %swap3A_711 = vector.shape_cast %select_n3A_705 : vector<16xi32> to vector<1x16xi32>
      tpu.vector_store %arg17[%swap3A_707, %swap3A_708], %swap3A_711 {strides = array<i32>} : memref<3x128xi32, #tpu.memory_space<vmem>>, vector<1x16xi32>,
      %add3A_712 = arith.constant 48 : i32
      %add3A_713 = arith.addi %add3A_107, %add3A_712 : i32
      %get3A_714 = arith.index_cast %add3A_713 : i32 to index
      %get3A_715 = tpu.vector_load %arg15[%get3A_714] {strides = array<i32>} : memref<5392xi32, #tpu.memory_space<vmem>>, vector<16xi32>,
      %get3A_716 = vector.shape_cast %get3A_715 : vector<16xi32> to vector<16xi32>
      %add3A_717 = arith.constant 48 : i32
      %add3A_718 = arith.addi %add3A_107, %add3A_717 : i32
      %get3A_719 = arith.index_cast %add3A_718 : i32 to index
      %get3A_720 = tpu.vector_load %arg16[%get3A_719] {strides = array<i32>} : memref<5392xi32, #tpu.memory_space<vmem>>, vector<16xi32>,
      %get3A_721 = vector.shape_cast %get3A_720 : vector<16xi32> to vector<16xi32>
      %mul3A_722 = arith.constant 512 : i32
      %mul3A_723 = vector.broadcast %mul3A_722 : i32 to vector<16xi32>
      %mul3A_724 = arith.muli %get3A_721, %mul3A_723 : vector<16xi32>
      %add3A_725 = arith.addi %mul3A_724, %get3A_716 : vector<16xi32>
      %jit3A_726 = arith.constant 1024 : i32
      %broadcast_in_dim3A_727 = vector.broadcast %jit3A_726 : i32 to vector<16xi32>
      %select_n3A_728 = arith.select %eq3A_633, %broadcast_in_dim3A_727, %add3A_725 : vector<16xi1>, vector<16xi32>
      %jit3A_729 = arith.constant 1024 : i32
      %broadcast_in_dim3A_730 = vector.broadcast %jit3A_729 : i32 to vector<16xi32>
      %select_n3A_731 = arith.select %lt3A_95, %select_n3A_728, %broadcast_in_dim3A_730 : vector<16xi32>
      %swap3A_732 = arith.constant 2 : i32
      %swap3A_733 = arith.index_cast %swap3A_732 : i32 to index
      %swap3A_734 = arith.constant 48 : index
      %swap3A_735 = tpu.vector_load %arg17[%swap3A_733, %swap3A_734] {strides = array<i32>} : memref<3x128xi32, #tpu.memory_space<vmem>>, vector<1x16xi32>,
      %swap3A_736 = vector.shape_cast %swap3A_735 : vector<1x16xi32> to vector<16xi32>
      %swap3A_737 = vector.shape_cast %select_n3A_731 : vector<16xi32> to vector<1x16xi32>
      tpu.vector_store %arg17[%swap3A_733, %swap3A_734], %swap3A_737 {strides = array<i32>} : memref<3x128xi32, #tpu.memory_space<vmem>>, vector<1x16xi32>,
      %add3A_738 = arith.constant 64 : i32
      %add3A_739 = arith.addi %add3A_107, %add3A_738 : i32
      %get3A_740 = arith.index_cast %add3A_739 : i32 to index
      %get3A_741 = tpu.vector_load %arg15[%get3A_740] {strides = array<i32>} : memref<5392xi32, #tpu.memory_space<vmem>>, vector<16xi32>,
      %get3A_742 = vector.shape_cast %get3A_741 : vector<16xi32> to vector<16xi32>
      %add3A_743 = arith.constant 64 : i32
      %add3A_744 = arith.addi %add3A_107, %add3A_743 : i32
      %get3A_745 = arith.index_cast %add3A_744 : i32 to index
      %get3A_746 = tpu.vector_load %arg16[%get3A_745] {strides = array<i32>} : memref<5392xi32, #tpu.memory_space<vmem>>, vector<16xi32>,
      %get3A_747 = vector.shape_cast %get3A_746 : vector<16xi32> to vector<16xi32>
      %mul3A_748 = arith.constant 512 : i32
      %mul3A_749 = vector.broadcast %mul3A_748 : i32 to vector<16xi32>
      %mul3A_750 = arith.muli %get3A_747, %mul3A_749 : vector<16xi32>
      %add3A_751 = arith.addi %mul3A_750, %get3A_742 : vector<16xi32>
      %jit3A_752 = arith.constant 1024 : i32
      %broadcast_in_dim3A_753 = vector.broadcast %jit3A_752 : i32 to vector<16xi32>
      %select_n3A_754 = arith.select %eq3A_633, %broadcast_in_dim3A_753, %add3A_751 : vector<16xi1>, vector<16xi32>
      %jit3A_755 = arith.constant 1024 : i32
      %broadcast_in_dim3A_756 = vector.broadcast %jit3A_755 : i32 to vector<16xi32>
      %select_n3A_757 = arith.select %lt3A_95, %select_n3A_754, %broadcast_in_dim3A_756 : vector<16xi32>
      %swap3A_758 = arith.constant 2 : i32
      %swap3A_759 = arith.index_cast %swap3A_758 : i32 to index
      %swap3A_760 = arith.constant 64 : index
      %swap3A_761 = tpu.vector_load %arg17[%swap3A_759, %swap3A_760] {strides = array<i32>} : memref<3x128xi32, #tpu.memory_space<vmem>>, vector<1x16xi32>,
      %swap3A_762 = vector.shape_cast %swap3A_761 : vector<1x16xi32> to vector<16xi32>
      %swap3A_763 = vector.shape_cast %select_n3A_757 : vector<16xi32> to vector<1x16xi32>
      tpu.vector_store %arg17[%swap3A_759, %swap3A_760], %swap3A_763 {strides = array<i32>} : memref<3x128xi32, #tpu.memory_space<vmem>>, vector<1x16xi32>,
      %add3A_764 = arith.constant 80 : i32
      %add3A_765 = arith.addi %add3A_107, %add3A_764 : i32
      %get3A_766 = arith.index_cast %add3A_765 : i32 to index
      %get3A_767 = tpu.vector_load %arg15[%get3A_766] {strides = array<i32>} : memref<5392xi32, #tpu.memory_space<vmem>>, vector<16xi32>,
      %get3A_768 = vector.shape_cast %get3A_767 : vector<16xi32> to vector<16xi32>
      %add3A_769 = arith.constant 80 : i32
      %add3A_770 = arith.addi %add3A_107, %add3A_769 : i32
      %get3A_771 = arith.index_cast %add3A_770 : i32 to index
      %get3A_772 = tpu.vector_load %arg16[%get3A_771] {strides = array<i32>} : memref<5392xi32, #tpu.memory_space<vmem>>, vector<16xi32>,
      %get3A_773 = vector.shape_cast %get3A_772 : vector<16xi32> to vector<16xi32>
      %mul3A_774 = arith.constant 512 : i32
      %mul3A_775 = vector.broadcast %mul3A_774 : i32 to vector<16xi32>
      %mul3A_776 = arith.muli %get3A_773, %mul3A_775 : vector<16xi32>
      %add3A_777 = arith.addi %mul3A_776, %get3A_768 : vector<16xi32>
      %jit3A_778 = arith.constant 1024 : i32
      %broadcast_in_dim3A_779 = vector.broadcast %jit3A_778 : i32 to vector<16xi32>
      %select_n3A_780 = arith.select %eq3A_633, %broadcast_in_dim3A_779, %add3A_777 : vector<16xi1>, vector<16xi32>
      %jit3A_781 = arith.constant 1024 : i32
      %broadcast_in_dim3A_782 = vector.broadcast %jit3A_781 : i32 to vector<16xi32>
      %select_n3A_783 = arith.select %lt3A_95, %select_n3A_780, %broadcast_in_dim3A_782 : vector<16xi32>
      %swap3A_784 = arith.constant 2 : i32
      %swap3A_785 = arith.index_cast %swap3A_784 : i32 to index
      %swap3A_786 = arith.constant 80 : index
      %swap3A_787 = tpu.vector_load %arg17[%swap3A_785, %swap3A_786] {strides = array<i32>} : memref<3x128xi32, #tpu.memory_space<vmem>>, vector<1x16xi32>,
      %swap3A_788 = vector.shape_cast %swap3A_787 : vector<1x16xi32> to vector<16xi32>
      %swap3A_789 = vector.shape_cast %select_n3A_783 : vector<16xi32> to vector<1x16xi32>
      tpu.vector_store %arg17[%swap3A_785, %swap3A_786], %swap3A_789 {strides = array<i32>} : memref<3x128xi32, #tpu.memory_space<vmem>>, vector<1x16xi32>,
      %add3A_790 = arith.constant 96 : i32
      %add3A_791 = arith.addi %add3A_107, %add3A_790 : i32
      %get3A_792 = arith.index_cast %add3A_791 : i32 to index
      %get3A_793 = tpu.vector_load %arg15[%get3A_792] {strides = array<i32>} : memref<5392xi32, #tpu.memory_space<vmem>>, vector<16xi32>,
      %get3A_794 = vector.shape_cast %get3A_793 : vector<16xi32> to vector<16xi32>
      %add3A_795 = arith.constant 96 : i32
      %add3A_796 = arith.addi %add3A_107, %add3A_795 : i32
      %get3A_797 = arith.index_cast %add3A_796 : i32 to index
      %get3A_798 = tpu.vector_load %arg16[%get3A_797] {strides = array<i32>} : memref<5392xi32, #tpu.memory_space<vmem>>, vector<16xi32>,
      %get3A_799 = vector.shape_cast %get3A_798 : vector<16xi32> to vector<16xi32>
      %mul3A_800 = arith.constant 512 : i32
      %mul3A_801 = vector.broadcast %mul3A_800 : i32 to vector<16xi32>
      %mul3A_802 = arith.muli %get3A_799, %mul3A_801 : vector<16xi32>
      %add3A_803 = arith.addi %mul3A_802, %get3A_794 : vector<16xi32>
      %jit3A_804 = arith.constant 1024 : i32
      %broadcast_in_dim3A_805 = vector.broadcast %jit3A_804 : i32 to vector<16xi32>
      %select_n3A_806 = arith.select %eq3A_633, %broadcast_in_dim3A_805, %add3A_803 : vector<16xi1>, vector<16xi32>
      %jit3A_807 = arith.constant 1024 : i32
      %broadcast_in_dim3A_808 = vector.broadcast %jit3A_807 : i32 to vector<16xi32>
      %select_n3A_809 = arith.select %lt3A_95, %select_n3A_806, %broadcast_in_dim3A_808 : vector<16xi32>
      %swap3A_810 = arith.constant 2 : i32
      %swap3A_811 = arith.index_cast %swap3A_810 : i32 to index
      %swap3A_812 = arith.constant 96 : index
      %swap3A_813 = tpu.vector_load %arg17[%swap3A_811, %swap3A_812] {strides = array<i32>} : memref<3x128xi32, #tpu.memory_space<vmem>>, vector<1x16xi32>,
      %swap3A_814 = vector.shape_cast %swap3A_813 : vector<1x16xi32> to vector<16xi32>
      %swap3A_815 = vector.shape_cast %select_n3A_809 : vector<16xi32> to vector<1x16xi32>
      tpu.vector_store %arg17[%swap3A_811, %swap3A_812], %swap3A_815 {strides = array<i32>} : memref<3x128xi32, #tpu.memory_space<vmem>>, vector<1x16xi32>,
      %add3A_816 = arith.constant 112 : i32
      %add3A_817 = arith.addi %add3A_107, %add3A_816 : i32
      %get3A_818 = arith.index_cast %add3A_817 : i32 to index
      %get3A_819 = tpu.vector_load %arg15[%get3A_818] {strides = array<i32>} : memref<5392xi32, #tpu.memory_space<vmem>>, vector<16xi32>,
      %get3A_820 = vector.shape_cast %get3A_819 : vector<16xi32> to vector<16xi32>
      %add3A_821 = arith.constant 112 : i32
      %add3A_822 = arith.addi %add3A_107, %add3A_821 : i32
      %get3A_823 = arith.index_cast %add3A_822 : i32 to index
      %get3A_824 = tpu.vector_load %arg16[%get3A_823] {strides = array<i32>} : memref<5392xi32, #tpu.memory_space<vmem>>, vector<16xi32>,
      %get3A_825 = vector.shape_cast %get3A_824 : vector<16xi32> to vector<16xi32>
      %mul3A_826 = arith.constant 512 : i32
      %mul3A_827 = vector.broadcast %mul3A_826 : i32 to vector<16xi32>
      %mul3A_828 = arith.muli %get3A_825, %mul3A_827 : vector<16xi32>
      %add3A_829 = arith.addi %mul3A_828, %get3A_820 : vector<16xi32>
      %jit3A_830 = arith.constant 1024 : i32
      %broadcast_in_dim3A_831 = vector.broadcast %jit3A_830 : i32 to vector<16xi32>
      %select_n3A_832 = arith.select %eq3A_633, %broadcast_in_dim3A_831, %add3A_829 : vector<16xi1>, vector<16xi32>
      %jit3A_833 = arith.constant 1024 : i32
      %broadcast_in_dim3A_834 = vector.broadcast %jit3A_833 : i32 to vector<16xi32>
      %select_n3A_835 = arith.select %lt3A_95, %select_n3A_832, %broadcast_in_dim3A_834 : vector<16xi32>
      %swap3A_836 = arith.constant 2 : i32
      %swap3A_837 = arith.index_cast %swap3A_836 : i32 to index
      %swap3A_838 = arith.constant 112 : index
      %swap3A_839 = tpu.vector_load %arg17[%swap3A_837, %swap3A_838] {strides = array<i32>} : memref<3x128xi32, #tpu.memory_space<vmem>>, vector<1x16xi32>,
      %swap3A_840 = vector.shape_cast %swap3A_839 : vector<1x16xi32> to vector<16xi32>
      %swap3A_841 = vector.shape_cast %select_n3A_835 : vector<16xi32> to vector<1x16xi32>
      tpu.vector_store %arg17[%swap3A_837, %swap3A_838], %swap3A_841 {strides = array<i32>} : memref<3x128xi32, #tpu.memory_space<vmem>>, vector<1x16xi32>,
      %get3A_842 = arith.constant 0 : i32
      %get3A_843 = arith.index_cast %get3A_842 : i32 to index
      %get3A_844 = arith.constant 0 : index
      %get3A_845 = tpu.vector_load %arg13[%get3A_843, %get3A_844] {strides = array<i32>} : memref<256x128xf32, #tpu.memory_space<vmem>>, vector<1x16xf32>,
      %get3A_846 = vector.shape_cast %get3A_845 : vector<1x16xf32> to vector<16xf32>
      %swap3A_847 = arith.constant 0 : i32
      %swap3A_848 = arith.index_cast %swap3A_847 : i32 to index
      %swap3A_849 = arith.constant 0 : index
      %swap3A_850 = tpu.vector_load %arg19[%swap3A_848, %swap3A_849] {strides = array<i32>} : memref<16x128xf32, #tpu.memory_space<vmem>>, vector<1x16xf32>,
      %swap3A_851 = vector.shape_cast %swap3A_850 : vector<1x16xf32> to vector<16xf32>
      %swap3A_852 = vector.shape_cast %get3A_846 : vector<16xf32> to vector<1x16xf32>
      tpu.vector_store %arg19[%swap3A_848, %swap3A_849], %swap3A_852 {strides = array<i32>} : memref<16x128xf32, #tpu.memory_space<vmem>>, vector<1x16xf32>,
      %get3A_853 = arith.constant 0 : i32
      %get3A_854 = arith.index_cast %get3A_853 : i32 to index
      %get3A_855 = arith.constant 16 : index
      %get3A_856 = tpu.vector_load %arg13[%get3A_854, %get3A_855] {strides = array<i32>} : memref<256x128xf32, #tpu.memory_space<vmem>>, vector<1x16xf32>,
      %get3A_857 = vector.shape_cast %get3A_856 : vector<1x16xf32> to vector<16xf32>
      %swap3A_858 = arith.constant 0 : i32
      %swap3A_859 = arith.index_cast %swap3A_858 : i32 to index
      %swap3A_860 = arith.constant 16 : index
      %swap3A_861 = tpu.vector_load %arg19[%swap3A_859, %swap3A_860] {strides = array<i32>} : memref<16x128xf32, #tpu.memory_space<vmem>>, vector<1x16xf32>,
      %swap3A_862 = vector.shape_cast %swap3A_861 : vector<1x16xf32> to vector<16xf32>
      %swap3A_863 = vector.shape_cast %get3A_857 : vector<16xf32> to vector<1x16xf32>
      tpu.vector_store %arg19[%swap3A_859, %swap3A_860], %swap3A_863 {strides = array<i32>} : memref<16x128xf32, #tpu.memory_space<vmem>>, vector<1x16xf32>,
      %get3A_864 = arith.constant 0 : i32
      %get3A_865 = arith.index_cast %get3A_864 : i32 to index
      %get3A_866 = arith.constant 32 : index
      %get3A_867 = tpu.vector_load %arg13[%get3A_865, %get3A_866] {strides = array<i32>} : memref<256x128xf32, #tpu.memory_space<vmem>>, vector<1x16xf32>,
      %get3A_868 = vector.shape_cast %get3A_867 : vector<1x16xf32> to vector<16xf32>
      %swap3A_869 = arith.constant 0 : i32
      %swap3A_870 = arith.index_cast %swap3A_869 : i32 to index
      %swap3A_871 = arith.constant 32 : index
      %swap3A_872 = tpu.vector_load %arg19[%swap3A_870, %swap3A_871] {strides = array<i32>} : memref<16x128xf32, #tpu.memory_space<vmem>>, vector<1x16xf32>,
      %swap3A_873 = vector.shape_cast %swap3A_872 : vector<1x16xf32> to vector<16xf32>
      %swap3A_874 = vector.shape_cast %get3A_868 : vector<16xf32> to vector<1x16xf32>
      tpu.vector_store %arg19[%swap3A_870, %swap3A_871], %swap3A_874 {strides = array<i32>} : memref<16x128xf32, #tpu.memory_space<vmem>>, vector<1x16xf32>,
      %get3A_875 = arith.constant 0 : i32
      %get3A_876 = arith.index_cast %get3A_875 : i32 to index
      %get3A_877 = arith.constant 48 : index
      %get3A_878 = tpu.vector_load %arg13[%get3A_876, %get3A_877] {strides = array<i32>} : memref<256x128xf32, #tpu.memory_space<vmem>>, vector<1x16xf32>,
      %get3A_879 = vector.shape_cast %get3A_878 : vector<1x16xf32> to vector<16xf32>
      %swap3A_880 = arith.constant 0 : i32
      %swap3A_881 = arith.index_cast %swap3A_880 : i32 to index
      %swap3A_882 = arith.constant 48 : index
      %swap3A_883 = tpu.vector_load %arg19[%swap3A_881, %swap3A_882] {strides = array<i32>} : memref<16x128xf32, #tpu.memory_space<vmem>>, vector<1x16xf32>,
      %swap3A_884 = vector.shape_cast %swap3A_883 : vector<1x16xf32> to vector<16xf32>
      %swap3A_885 = vector.shape_cast %get3A_879 : vector<16xf32> to vector<1x16xf32>
      tpu.vector_store %arg19[%swap3A_881, %swap3A_882], %swap3A_885 {strides = array<i32>} : memref<16x128xf32, #tpu.memory_space<vmem>>, vector<1x16xf32>,
      %get3A_886 = arith.constant 0 : i32
      %get3A_887 = arith.index_cast %get3A_886 : i32 to index
      %get3A_888 = arith.constant 64 : index
      %get3A_889 = tpu.vector_load %arg13[%get3A_887, %get3A_888] {strides = array<i32>} : memref<256x128xf32, #tpu.memory_space<vmem>>, vector<1x16xf32>,
      %get3A_890 = vector.shape_cast %get3A_889 : vector<1x16xf32> to vector<16xf32>
      %swap3A_891 = arith.constant 0 : i32
      %swap3A_892 = arith.index_cast %swap3A_891 : i32 to index
      %swap3A_893 = arith.constant 64 : index
      %swap3A_894 = tpu.vector_load %arg19[%swap3A_892, %swap3A_893] {strides = array<i32>} : memref<16x128xf32, #tpu.memory_space<vmem>>, vector<1x16xf32>,
      %swap3A_895 = vector.shape_cast %swap3A_894 : vector<1x16xf32> to vector<16xf32>
      %swap3A_896 = vector.shape_cast %get3A_890 : vector<16xf32> to vector<1x16xf32>
      tpu.vector_store %arg19[%swap3A_892, %swap3A_893], %swap3A_896 {strides = array<i32>} : memref<16x128xf32, #tpu.memory_space<vmem>>, vector<1x16xf32>,
      %get3A_897 = arith.constant 0 : i32
      %get3A_898 = arith.index_cast %get3A_897 : i32 to index
      %get3A_899 = arith.constant 80 : index
      %get3A_900 = tpu.vector_load %arg13[%get3A_898, %get3A_899] {strides = array<i32>} : memref<256x128xf32, #tpu.memory_space<vmem>>, vector<1x16xf32>,
      %get3A_901 = vector.shape_cast %get3A_900 : vector<1x16xf32> to vector<16xf32>
      %swap3A_902 = arith.constant 0 : i32
      %swap3A_903 = arith.index_cast %swap3A_902 : i32 to index
      %swap3A_904 = arith.constant 80 : index
      %swap3A_905 = tpu.vector_load %arg19[%swap3A_903, %swap3A_904] {strides = array<i32>} : memref<16x128xf32, #tpu.memory_space<vmem>>, vector<1x16xf32>,
      %swap3A_906 = vector.shape_cast %swap3A_905 : vector<1x16xf32> to vector<16xf32>
      %swap3A_907 = vector.shape_cast %get3A_901 : vector<16xf32> to vector<1x16xf32>
      tpu.vector_store %arg19[%swap3A_903, %swap3A_904], %swap3A_907 {strides = array<i32>} : memref<16x128xf32, #tpu.memory_space<vmem>>, vector<1x16xf32>,
      %get3A_908 = arith.constant 0 : i32
      %get3A_909 = arith.index_cast %get3A_908 : i32 to index
      %get3A_910 = arith.constant 96 : index
      %get3A_911 = tpu.vector_load %arg13[%get3A_909, %get3A_910] {strides = array<i32>} : memref<256x128xf32, #tpu.memory_space<vmem>>, vector<1x16xf32>,
      %get3A_912 = vector.shape_cast %get3A_911 : vector<1x16xf32> to vector<16xf32>
      %swap3A_913 = arith.constant 0 : i32
      %swap3A_914 = arith.index_cast %swap3A_913 : i32 to index
      %swap3A_915 = arith.constant 96 : index
      %swap3A_916 = tpu.vector_load %arg19[%swap3A_914, %swap3A_915] {strides = array<i32>} : memref<16x128xf32, #tpu.memory_space<vmem>>, vector<1x16xf32>,
      %swap3A_917 = vector.shape_cast %swap3A_916 : vector<1x16xf32> to vector<16xf32>
      %swap3A_918 = vector.shape_cast %get3A_912 : vector<16xf32> to vector<1x16xf32>
      tpu.vector_store %arg19[%swap3A_914, %swap3A_915], %swap3A_918 {strides = array<i32>} : memref<16x128xf32, #tpu.memory_space<vmem>>, vector<1x16xf32>,
      %get3A_919 = arith.constant 0 : i32
      %get3A_920 = arith.index_cast %get3A_919 : i32 to index
      %get3A_921 = arith.constant 112 : index
      %get3A_922 = tpu.vector_load %arg13[%get3A_920, %get3A_921] {strides = array<i32>} : memref<256x128xf32, #tpu.memory_space<vmem>>, vector<1x16xf32>,
      %get3A_923 = vector.shape_cast %get3A_922 : vector<1x16xf32> to vector<16xf32>
      %swap3A_924 = arith.constant 0 : i32
      %swap3A_925 = arith.index_cast %swap3A_924 : i32 to index
      %swap3A_926 = arith.constant 112 : index
      %swap3A_927 = tpu.vector_load %arg19[%swap3A_925, %swap3A_926] {strides = array<i32>} : memref<16x128xf32, #tpu.memory_space<vmem>>, vector<1x16xf32>,
      %swap3A_928 = vector.shape_cast %swap3A_927 : vector<1x16xf32> to vector<16xf32>
      %swap3A_929 = vector.shape_cast %get3A_923 : vector<16xf32> to vector<1x16xf32>
      tpu.vector_store %arg19[%swap3A_925, %swap3A_926], %swap3A_929 {strides = array<i32>} : memref<16x128xf32, #tpu.memory_space<vmem>>, vector<1x16xf32>,
      %get3A_930 = arith.constant 32 : i32
      %get3A_931 = arith.index_cast %get3A_930 : i32 to index
      %get3A_932 = arith.constant 0 : index
      %get3A_933 = tpu.vector_load %arg13[%get3A_931, %get3A_932] {strides = array<i32>} : memref<256x128xf32, #tpu.memory_space<vmem>>, vector<1x16xf32>,
      %get3A_934 = vector.shape_cast %get3A_933 : vector<1x16xf32> to vector<16xf32>
      %swap3A_935 = arith.constant 1 : i32
      %swap3A_936 = arith.index_cast %swap3A_935 : i32 to index
      %swap3A_937 = arith.constant 0 : index
      %swap3A_938 = tpu.vector_load %arg19[%swap3A_936, %swap3A_937] {strides = array<i32>} : memref<16x128xf32, #tpu.memory_space<vmem>>, vector<1x16xf32>,
      %swap3A_939 = vector.shape_cast %swap3A_938 : vector<1x16xf32> to vector<16xf32>
      %swap3A_940 = vector.shape_cast %get3A_934 : vector<16xf32> to vector<1x16xf32>
      tpu.vector_store %arg19[%swap3A_936, %swap3A_937], %swap3A_940 {strides = array<i32>} : memref<16x128xf32, #tpu.memory_space<vmem>>, vector<1x16xf32>,
      %get3A_941 = arith.constant 32 : i32
      %get3A_942 = arith.index_cast %get3A_941 : i32 to index
      %get3A_943 = arith.constant 16 : index
      %get3A_944 = tpu.vector_load %arg13[%get3A_942, %get3A_943] {strides = array<i32>} : memref<256x128xf32, #tpu.memory_space<vmem>>, vector<1x16xf32>,
      %get3A_945 = vector.shape_cast %get3A_944 : vector<1x16xf32> to vector<16xf32>
      %swap3A_946 = arith.constant 1 : i32
      %swap3A_947 = arith.index_cast %swap3A_946 : i32 to index
      %swap3A_948 = arith.constant 16 : index
      %swap3A_949 = tpu.vector_load %arg19[%swap3A_947, %swap3A_948] {strides = array<i32>} : memref<16x128xf32, #tpu.memory_space<vmem>>, vector<1x16xf32>,
      %swap3A_950 = vector.shape_cast %swap3A_949 : vector<1x16xf32> to vector<16xf32>
      %swap3A_951 = vector.shape_cast %get3A_945 : vector<16xf32> to vector<1x16xf32>
      tpu.vector_store %arg19[%swap3A_947, %swap3A_948], %swap3A_951 {strides = array<i32>} : memref<16x128xf32, #tpu.memory_space<vmem>>, vector<1x16xf32>,
      %get3A_952 = arith.constant 32 : i32
      %get3A_953 = arith.index_cast %get3A_952 : i32 to index
      %get3A_954 = arith.constant 32 : index
      %get3A_955 = tpu.vector_load %arg13[%get3A_953, %get3A_954] {strides = array<i32>} : memref<256x128xf32, #tpu.memory_space<vmem>>, vector<1x16xf32>,
      %get3A_956 = vector.shape_cast %get3A_955 : vector<1x16xf32> to vector<16xf32>
      %swap3A_957 = arith.constant 1 : i32
      %swap3A_958 = arith.index_cast %swap3A_957 : i32 to index
      %swap3A_959 = arith.constant 32 : index
      %swap3A_960 = tpu.vector_load %arg19[%swap3A_958, %swap3A_959] {strides = array<i32>} : memref<16x128xf32, #tpu.memory_space<vmem>>, vector<1x16xf32>,
      %swap3A_961 = vector.shape_cast %swap3A_960 : vector<1x16xf32> to vector<16xf32>
      %swap3A_962 = vector.shape_cast %get3A_956 : vector<16xf32> to vector<1x16xf32>
      tpu.vector_store %arg19[%swap3A_958, %swap3A_959], %swap3A_962 {strides = array<i32>} : memref<16x128xf32, #tpu.memory_space<vmem>>, vector<1x16xf32>,
      %get3A_963 = arith.constant 32 : i32
      %get3A_964 = arith.index_cast %get3A_963 : i32 to index
      %get3A_965 = arith.constant 48 : index
      %get3A_966 = tpu.vector_load %arg13[%get3A_964, %get3A_965] {strides = array<i32>} : memref<256x128xf32, #tpu.memory_space<vmem>>, vector<1x16xf32>,
      %get3A_967 = vector.shape_cast %get3A_966 : vector<1x16xf32> to vector<16xf32>
      %swap3A_968 = arith.constant 1 : i32
      %swap3A_969 = arith.index_cast %swap3A_968 : i32 to index
      %swap3A_970 = arith.constant 48 : index
      %swap3A_971 = tpu.vector_load %arg19[%swap3A_969, %swap3A_970] {strides = array<i32>} : memref<16x128xf32, #tpu.memory_space<vmem>>, vector<1x16xf32>,
      %swap3A_972 = vector.shape_cast %swap3A_971 : vector<1x16xf32> to vector<16xf32>
      %swap3A_973 = vector.shape_cast %get3A_967 : vector<16xf32> to vector<1x16xf32>
      tpu.vector_store %arg19[%swap3A_969, %swap3A_970], %swap3A_973 {strides = array<i32>} : memref<16x128xf32, #tpu.memory_space<vmem>>, vector<1x16xf32>,
      %get3A_974 = arith.constant 32 : i32
      %get3A_975 = arith.index_cast %get3A_974 : i32 to index
      %get3A_976 = arith.constant 64 : index
      %get3A_977 = tpu.vector_load %arg13[%get3A_975, %get3A_976] {strides = array<i32>} : memref<256x128xf32, #tpu.memory_space<vmem>>, vector<1x16xf32>,
      %get3A_978 = vector.shape_cast %get3A_977 : vector<1x16xf32> to vector<16xf32>
      %swap3A_979 = arith.constant 1 : i32
      %swap3A_980 = arith.index_cast %swap3A_979 : i32 to index
      %swap3A_981 = arith.constant 64 : index
      %swap3A_982 = tpu.vector_load %arg19[%swap3A_980, %swap3A_981] {strides = array<i32>} : memref<16x128xf32, #tpu.memory_space<vmem>>, vector<1x16xf32>,
      %swap3A_983 = vector.shape_cast %swap3A_982 : vector<1x16xf32> to vector<16xf32>
      %swap3A_984 = vector.shape_cast %get3A_978 : vector<16xf32> to vector<1x16xf32>
      tpu.vector_store %arg19[%swap3A_980, %swap3A_981], %swap3A_984 {strides = array<i32>} : memref<16x128xf32, #tpu.memory_space<vmem>>, vector<1x16xf32>,
      %get3A_985 = arith.constant 32 : i32
      %get3A_986 = arith.index_cast %get3A_985 : i32 to index
      %get3A_987 = arith.constant 80 : index
      %get3A_988 = tpu.vector_load %arg13[%get3A_986, %get3A_987] {strides = array<i32>} : memref<256x128xf32, #tpu.memory_space<vmem>>, vector<1x16xf32>,
      %get3A_989 = vector.shape_cast %get3A_988 : vector<1x16xf32> to vector<16xf32>
      %swap3A_990 = arith.constant 1 : i32
      %swap3A_991 = arith.index_cast %swap3A_990 : i32 to index
      %swap3A_992 = arith.constant 80 : index
      %swap3A_993 = tpu.vector_load %arg19[%swap3A_991, %swap3A_992] {strides = array<i32>} : memref<16x128xf32, #tpu.memory_space<vmem>>, vector<1x16xf32>,
      %swap3A_994 = vector.shape_cast %swap3A_993 : vector<1x16xf32> to vector<16xf32>
      %swap3A_995 = vector.shape_cast %get3A_989 : vector<16xf32> to vector<1x16xf32>
      tpu.vector_store %arg19[%swap3A_991, %swap3A_992], %swap3A_995 {strides = array<i32>} : memref<16x128xf32, #tpu.memory_space<vmem>>, vector<1x16xf32>,
      %get3A_996 = arith.constant 32 : i32
      %get3A_997 = arith.index_cast %get3A_996 : i32 to index
      %get3A_998 = arith.constant 96 : index
      %get3A_999 = tpu.vector_load %arg13[%get3A_997, %get3A_998] {strides = array<i32>} : memref<256x128xf32, #tpu.memory_space<vmem>>, vector<1x16xf32>,
      %get3A_1000 = vector.shape_cast %get3A_999 : vector<1x16xf32> to vector<16xf32>
      %swap3A_1001 = arith.constant 1 : i32
      %swap3A_1002 = arith.index_cast %swap3A_1001 : i32 to index
      %swap3A_1003 = arith.constant 96 : index
      %swap3A_1004 = tpu.vector_load %arg19[%swap3A_1002, %swap3A_1003] {strides = array<i32>} : memref<16x128xf32, #tpu.memory_space<vmem>>, vector<1x16xf32>,
      %swap3A_1005 = vector.shape_cast %swap3A_1004 : vector<1x16xf32> to vector<16xf32>
      %swap3A_1006 = vector.shape_cast %get3A_1000 : vector<16xf32> to vector<1x16xf32>
      tpu.vector_store %arg19[%swap3A_1002, %swap3A_1003], %swap3A_1006 {strides = array<i32>} : memref<16x128xf32, #tpu.memory_space<vmem>>, vector<1x16xf32>,
      %get3A_1007 = arith.constant 32 : i32
      %get3A_1008 = arith.index_cast %get3A_1007 : i32 to index
      %get3A_1009 = arith.constant 112 : index
      %get3A_1010 = tpu.vector_load %arg13[%get3A_1008, %get3A_1009] {strides = array<i32>} : memref<256x128xf32, #tpu.memory_space<vmem>>, vector<1x16xf32>,
      %get3A_1011 = vector.shape_cast %get3A_1010 : vector<1x16xf32> to vector<16xf32>
      %swap3A_1012 = arith.constant 1 : i32
      %swap3A_1013 = arith.index_cast %swap3A_1012 : i32 to index
      %swap3A_1014 = arith.constant 112 : index
      %swap3A_1015 = tpu.vector_load %arg19[%swap3A_1013, %swap3A_1014] {strides = array<i32>} : memref<16x128xf32, #tpu.memory_space<vmem>>, vector<1x16xf32>,
      %swap3A_1016 = vector.shape_cast %swap3A_1015 : vector<1x16xf32> to vector<16xf32>
      %swap3A_1017 = vector.shape_cast %get3A_1011 : vector<16xf32> to vector<1x16xf32>
      tpu.vector_store %arg19[%swap3A_1013, %swap3A_1014], %swap3A_1017 {strides = array<i32>} : memref<16x128xf32, #tpu.memory_space<vmem>>, vector<1x16xf32>,
      %get3A_1018 = arith.constant 64 : i32
      %get3A_1019 = arith.index_cast %get3A_1018 : i32 to index
      %get3A_1020 = arith.constant 0 : index
      %get3A_1021 = tpu.vector_load %arg13[%get3A_1019, %get3A_1020] {strides = array<i32>} : memref<256x128xf32, #tpu.memory_space<vmem>>, vector<1x16xf32>,
      %get3A_1022 = vector.shape_cast %get3A_1021 : vector<1x16xf32> to vector<16xf32>
      %swap3A_1023 = arith.constant 2 : i32
      %swap3A_1024 = arith.index_cast %swap3A_1023 : i32 to index
      %swap3A_1025 = arith.constant 0 : index
      %swap3A_1026 = tpu.vector_load %arg19[%swap3A_1024, %swap3A_1025] {strides = array<i32>} : memref<16x128xf32, #tpu.memory_space<vmem>>, vector<1x16xf32>,
      %swap3A_1027 = vector.shape_cast %swap3A_1026 : vector<1x16xf32> to vector<16xf32>
      %swap3A_1028 = vector.shape_cast %get3A_1022 : vector<16xf32> to vector<1x16xf32>
      tpu.vector_store %arg19[%swap3A_1024, %swap3A_1025], %swap3A_1028 {strides = array<i32>} : memref<16x128xf32, #tpu.memory_space<vmem>>, vector<1x16xf32>,
      %get3A_1029 = arith.constant 64 : i32
      %get3A_1030 = arith.index_cast %get3A_1029 : i32 to index
      %get3A_1031 = arith.constant 16 : index
      %get3A_1032 = tpu.vector_load %arg13[%get3A_1030, %get3A_1031] {strides = array<i32>} : memref<256x128xf32, #tpu.memory_space<vmem>>, vector<1x16xf32>,
      %get3A_1033 = vector.shape_cast %get3A_1032 : vector<1x16xf32> to vector<16xf32>
      %swap3A_1034 = arith.constant 2 : i32
      %swap3A_1035 = arith.index_cast %swap3A_1034 : i32 to index
      %swap3A_1036 = arith.constant 16 : index
      %swap3A_1037 = tpu.vector_load %arg19[%swap3A_1035, %swap3A_1036] {strides = array<i32>} : memref<16x128xf32, #tpu.memory_space<vmem>>, vector<1x16xf32>,
      %swap3A_1038 = vector.shape_cast %swap3A_1037 : vector<1x16xf32> to vector<16xf32>
      %swap3A_1039 = vector.shape_cast %get3A_1033 : vector<16xf32> to vector<1x16xf32>
      tpu.vector_store %arg19[%swap3A_1035, %swap3A_1036], %swap3A_1039 {strides = array<i32>} : memref<16x128xf32, #tpu.memory_space<vmem>>, vector<1x16xf32>,
      %get3A_1040 = arith.constant 64 : i32
      %get3A_1041 = arith.index_cast %get3A_1040 : i32 to index
      %get3A_1042 = arith.constant 32 : index
      %get3A_1043 = tpu.vector_load %arg13[%get3A_1041, %get3A_1042] {strides = array<i32>} : memref<256x128xf32, #tpu.memory_space<vmem>>, vector<1x16xf32>,
      %get3A_1044 = vector.shape_cast %get3A_1043 : vector<1x16xf32> to vector<16xf32>
      %swap3A_1045 = arith.constant 2 : i32
      %swap3A_1046 = arith.index_cast %swap3A_1045 : i32 to index
      %swap3A_1047 = arith.constant 32 : index
      %swap3A_1048 = tpu.vector_load %arg19[%swap3A_1046, %swap3A_1047] {strides = array<i32>} : memref<16x128xf32, #tpu.memory_space<vmem>>, vector<1x16xf32>,
      %swap3A_1049 = vector.shape_cast %swap3A_1048 : vector<1x16xf32> to vector<16xf32>
      %swap3A_1050 = vector.shape_cast %get3A_1044 : vector<16xf32> to vector<1x16xf32>
      tpu.vector_store %arg19[%swap3A_1046, %swap3A_1047], %swap3A_1050 {strides = array<i32>} : memref<16x128xf32, #tpu.memory_space<vmem>>, vector<1x16xf32>,
      %get3A_1051 = arith.constant 64 : i32
      %get3A_1052 = arith.index_cast %get3A_1051 : i32 to index
      %get3A_1053 = arith.constant 48 : index
      %get3A_1054 = tpu.vector_load %arg13[%get3A_1052, %get3A_1053] {strides = array<i32>} : memref<256x128xf32, #tpu.memory_space<vmem>>, vector<1x16xf32>,
      %get3A_1055 = vector.shape_cast %get3A_1054 : vector<1x16xf32> to vector<16xf32>
      %swap3A_1056 = arith.constant 2 : i32
      %swap3A_1057 = arith.index_cast %swap3A_1056 : i32 to index
      %swap3A_1058 = arith.constant 48 : index
      %swap3A_1059 = tpu.vector_load %arg19[%swap3A_1057, %swap3A_1058] {strides = array<i32>} : memref<16x128xf32, #tpu.memory_space<vmem>>, vector<1x16xf32>,
      %swap3A_1060 = vector.shape_cast %swap3A_1059 : vector<1x16xf32> to vector<16xf32>
      %swap3A_1061 = vector.shape_cast %get3A_1055 : vector<16xf32> to vector<1x16xf32>
      tpu.vector_store %arg19[%swap3A_1057, %swap3A_1058], %swap3A_1061 {strides = array<i32>} : memref<16x128xf32, #tpu.memory_space<vmem>>, vector<1x16xf32>,
      %get3A_1062 = arith.constant 64 : i32
      %get3A_1063 = arith.index_cast %get3A_1062 : i32 to index
      %get3A_1064 = arith.constant 64 : index
      %get3A_1065 = tpu.vector_load %arg13[%get3A_1063, %get3A_1064] {strides = array<i32>} : memref<256x128xf32, #tpu.memory_space<vmem>>, vector<1x16xf32>,
      %get3A_1066 = vector.shape_cast %get3A_1065 : vector<1x16xf32> to vector<16xf32>
      %swap3A_1067 = arith.constant 2 : i32
      %swap3A_1068 = arith.index_cast %swap3A_1067 : i32 to index
      %swap3A_1069 = arith.constant 64 : index
      %swap3A_1070 = tpu.vector_load %arg19[%swap3A_1068, %swap3A_1069] {strides = array<i32>} : memref<16x128xf32, #tpu.memory_space<vmem>>, vector<1x16xf32>,
      %swap3A_1071 = vector.shape_cast %swap3A_1070 : vector<1x16xf32> to vector<16xf32>
      %swap3A_1072 = vector.shape_cast %get3A_1066 : vector<16xf32> to vector<1x16xf32>
      tpu.vector_store %arg19[%swap3A_1068, %swap3A_1069], %swap3A_1072 {strides = array<i32>} : memref<16x128xf32, #tpu.memory_space<vmem>>, vector<1x16xf32>,
      %get3A_1073 = arith.constant 64 : i32
      %get3A_1074 = arith.index_cast %get3A_1073 : i32 to index
      %get3A_1075 = arith.constant 80 : index
      %get3A_1076 = tpu.vector_load %arg13[%get3A_1074, %get3A_1075] {strides = array<i32>} : memref<256x128xf32, #tpu.memory_space<vmem>>, vector<1x16xf32>,
      %get3A_1077 = vector.shape_cast %get3A_1076 : vector<1x16xf32> to vector<16xf32>
      %swap3A_1078 = arith.constant 2 : i32
      %swap3A_1079 = arith.index_cast %swap3A_1078 : i32 to index
      %swap3A_1080 = arith.constant 80 : index
      %swap3A_1081 = tpu.vector_load %arg19[%swap3A_1079, %swap3A_1080] {strides = array<i32>} : memref<16x128xf32, #tpu.memory_space<vmem>>, vector<1x16xf32>,
      %swap3A_1082 = vector.shape_cast %swap3A_1081 : vector<1x16xf32> to vector<16xf32>
      %swap3A_1083 = vector.shape_cast %get3A_1077 : vector<16xf32> to vector<1x16xf32>
      tpu.vector_store %arg19[%swap3A_1079, %swap3A_1080], %swap3A_1083 {strides = array<i32>} : memref<16x128xf32, #tpu.memory_space<vmem>>, vector<1x16xf32>,
      %get3A_1084 = arith.constant 64 : i32
      %get3A_1085 = arith.index_cast %get3A_1084 : i32 to index
      %get3A_1086 = arith.constant 96 : index
      %get3A_1087 = tpu.vector_load %arg13[%get3A_1085, %get3A_1086] {strides = array<i32>} : memref<256x128xf32, #tpu.memory_space<vmem>>, vector<1x16xf32>,
      %get3A_1088 = vector.shape_cast %get3A_1087 : vector<1x16xf32> to vector<16xf32>
      %swap3A_1089 = arith.constant 2 : i32
      %swap3A_1090 = arith.index_cast %swap3A_1089 : i32 to index
      %swap3A_1091 = arith.constant 96 : index
      %swap3A_1092 = tpu.vector_load %arg19[%swap3A_1090, %swap3A_1091] {strides = array<i32>} : memref<16x128xf32, #tpu.memory_space<vmem>>, vector<1x16xf32>,
      %swap3A_1093 = vector.shape_cast %swap3A_1092 : vector<1x16xf32> to vector<16xf32>
      %swap3A_1094 = vector.shape_cast %get3A_1088 : vector<16xf32> to vector<1x16xf32>
      tpu.vector_store %arg19[%swap3A_1090, %swap3A_1091], %swap3A_1094 {strides = array<i32>} : memref<16x128xf32, #tpu.memory_space<vmem>>, vector<1x16xf32>,
      %get3A_1095 = arith.constant 64 : i32
      %get3A_1096 = arith.index_cast %get3A_1095 : i32 to index
      %get3A_1097 = arith.constant 112 : index
      %get3A_1098 = tpu.vector_load %arg13[%get3A_1096, %get3A_1097] {strides = array<i32>} : memref<256x128xf32, #tpu.memory_space<vmem>>, vector<1x16xf32>,
      %get3A_1099 = vector.shape_cast %get3A_1098 : vector<1x16xf32> to vector<16xf32>
      %swap3A_1100 = arith.constant 2 : i32
      %swap3A_1101 = arith.index_cast %swap3A_1100 : i32 to index
      %swap3A_1102 = arith.constant 112 : index
      %swap3A_1103 = tpu.vector_load %arg19[%swap3A_1101, %swap3A_1102] {strides = array<i32>} : memref<16x128xf32, #tpu.memory_space<vmem>>, vector<1x16xf32>,
      %swap3A_1104 = vector.shape_cast %swap3A_1103 : vector<1x16xf32> to vector<16xf32>
      %swap3A_1105 = vector.shape_cast %get3A_1099 : vector<16xf32> to vector<1x16xf32>
      tpu.vector_store %arg19[%swap3A_1101, %swap3A_1102], %swap3A_1105 {strides = array<i32>} : memref<16x128xf32, #tpu.memory_space<vmem>>, vector<1x16xf32>,
      %get3A_1106 = arith.constant 96 : i32
      %get3A_1107 = arith.index_cast %get3A_1106 : i32 to index
      %get3A_1108 = arith.constant 0 : index
      %get3A_1109 = tpu.vector_load %arg13[%get3A_1107, %get3A_1108] {strides = array<i32>} : memref<256x128xf32, #tpu.memory_space<vmem>>, vector<1x16xf32>,
      %get3A_1110 = vector.shape_cast %get3A_1109 : vector<1x16xf32> to vector<16xf32>
      %swap3A_1111 = arith.constant 3 : i32
      %swap3A_1112 = arith.index_cast %swap3A_1111 : i32 to index
      %swap3A_1113 = arith.constant 0 : index
      %swap3A_1114 = tpu.vector_load %arg19[%swap3A_1112, %swap3A_1113] {strides = array<i32>} : memref<16x128xf32, #tpu.memory_space<vmem>>, vector<1x16xf32>,
      %swap3A_1115 = vector.shape_cast %swap3A_1114 : vector<1x16xf32> to vector<16xf32>
      %swap3A_1116 = vector.shape_cast %get3A_1110 : vector<16xf32> to vector<1x16xf32>
      tpu.vector_store %arg19[%swap3A_1112, %swap3A_1113], %swap3A_1116 {strides = array<i32>} : memref<16x128xf32, #tpu.memory_space<vmem>>, vector<1x16xf32>,
      %get3A_1117 = arith.constant 96 : i32
      %get3A_1118 = arith.index_cast %get3A_1117 : i32 to index
      %get3A_1119 = arith.constant 16 : index
      %get3A_1120 = tpu.vector_load %arg13[%get3A_1118, %get3A_1119] {strides = array<i32>} : memref<256x128xf32, #tpu.memory_space<vmem>>, vector<1x16xf32>,
      %get3A_1121 = vector.shape_cast %get3A_1120 : vector<1x16xf32> to vector<16xf32>
      %swap3A_1122 = arith.constant 3 : i32
      %swap3A_1123 = arith.index_cast %swap3A_1122 : i32 to index
      %swap3A_1124 = arith.constant 16 : index
      %swap3A_1125 = tpu.vector_load %arg19[%swap3A_1123, %swap3A_1124] {strides = array<i32>} : memref<16x128xf32, #tpu.memory_space<vmem>>, vector<1x16xf32>,
      %swap3A_1126 = vector.shape_cast %swap3A_1125 : vector<1x16xf32> to vector<16xf32>
      %swap3A_1127 = vector.shape_cast %get3A_1121 : vector<16xf32> to vector<1x16xf32>
      tpu.vector_store %arg19[%swap3A_1123, %swap3A_1124], %swap3A_1127 {strides = array<i32>} : memref<16x128xf32, #tpu.memory_space<vmem>>, vector<1x16xf32>,
      %get3A_1128 = arith.constant 96 : i32
      %get3A_1129 = arith.index_cast %get3A_1128 : i32 to index
      %get3A_1130 = arith.constant 32 : index
      %get3A_1131 = tpu.vector_load %arg13[%get3A_1129, %get3A_1130] {strides = array<i32>} : memref<256x128xf32, #tpu.memory_space<vmem>>, vector<1x16xf32>,
      %get3A_1132 = vector.shape_cast %get3A_1131 : vector<1x16xf32> to vector<16xf32>
      %swap3A_1133 = arith.constant 3 : i32
      %swap3A_1134 = arith.index_cast %swap3A_1133 : i32 to index
      %swap3A_1135 = arith.constant 32 : index
      %swap3A_1136 = tpu.vector_load %arg19[%swap3A_1134, %swap3A_1135] {strides = array<i32>} : memref<16x128xf32, #tpu.memory_space<vmem>>, vector<1x16xf32>,
      %swap3A_1137 = vector.shape_cast %swap3A_1136 : vector<1x16xf32> to vector<16xf32>
      %swap3A_1138 = vector.shape_cast %get3A_1132 : vector<16xf32> to vector<1x16xf32>
      tpu.vector_store %arg19[%swap3A_1134, %swap3A_1135], %swap3A_1138 {strides = array<i32>} : memref<16x128xf32, #tpu.memory_space<vmem>>, vector<1x16xf32>,
      %get3A_1139 = arith.constant 96 : i32
      %get3A_1140 = arith.index_cast %get3A_1139 : i32 to index
      %get3A_1141 = arith.constant 48 : index
      %get3A_1142 = tpu.vector_load %arg13[%get3A_1140, %get3A_1141] {strides = array<i32>} : memref<256x128xf32, #tpu.memory_space<vmem>>, vector<1x16xf32>,
      %get3A_1143 = vector.shape_cast %get3A_1142 : vector<1x16xf32> to vector<16xf32>
      %swap3A_1144 = arith.constant 3 : i32
      %swap3A_1145 = arith.index_cast %swap3A_1144 : i32 to index
      %swap3A_1146 = arith.constant 48 : index
      %swap3A_1147 = tpu.vector_load %arg19[%swap3A_1145, %swap3A_1146] {strides = array<i32>} : memref<16x128xf32, #tpu.memory_space<vmem>>, vector<1x16xf32>,
      %swap3A_1148 = vector.shape_cast %swap3A_1147 : vector<1x16xf32> to vector<16xf32>
      %swap3A_1149 = vector.shape_cast %get3A_1143 : vector<16xf32> to vector<1x16xf32>
      tpu.vector_store %arg19[%swap3A_1145, %swap3A_1146], %swap3A_1149 {strides = array<i32>} : memref<16x128xf32, #tpu.memory_space<vmem>>, vector<1x16xf32>,
      %get3A_1150 = arith.constant 96 : i32
      %get3A_1151 = arith.index_cast %get3A_1150 : i32 to index
      %get3A_1152 = arith.constant 64 : index
      %get3A_1153 = tpu.vector_load %arg13[%get3A_1151, %get3A_1152] {strides = array<i32>} : memref<256x128xf32, #tpu.memory_space<vmem>>, vector<1x16xf32>,
      %get3A_1154 = vector.shape_cast %get3A_1153 : vector<1x16xf32> to vector<16xf32>
      %swap3A_1155 = arith.constant 3 : i32
      %swap3A_1156 = arith.index_cast %swap3A_1155 : i32 to index
      %swap3A_1157 = arith.constant 64 : index
      %swap3A_1158 = tpu.vector_load %arg19[%swap3A_1156, %swap3A_1157] {strides = array<i32>} : memref<16x128xf32, #tpu.memory_space<vmem>>, vector<1x16xf32>,
      %swap3A_1159 = vector.shape_cast %swap3A_1158 : vector<1x16xf32> to vector<16xf32>
      %swap3A_1160 = vector.shape_cast %get3A_1154 : vector<16xf32> to vector<1x16xf32>
      tpu.vector_store %arg19[%swap3A_1156, %swap3A_1157], %swap3A_1160 {strides = array<i32>} : memref<16x128xf32, #tpu.memory_space<vmem>>, vector<1x16xf32>,
      %get3A_1161 = arith.constant 96 : i32
      %get3A_1162 = arith.index_cast %get3A_1161 : i32 to index
      %get3A_1163 = arith.constant 80 : index
      %get3A_1164 = tpu.vector_load %arg13[%get3A_1162, %get3A_1163] {strides = array<i32>} : memref<256x128xf32, #tpu.memory_space<vmem>>, vector<1x16xf32>,
      %get3A_1165 = vector.shape_cast %get3A_1164 : vector<1x16xf32> to vector<16xf32>
      %swap3A_1166 = arith.constant 3 : i32
      %swap3A_1167 = arith.index_cast %swap3A_1166 : i32 to index
      %swap3A_1168 = arith.constant 80 : index
      %swap3A_1169 = tpu.vector_load %arg19[%swap3A_1167, %swap3A_1168] {strides = array<i32>} : memref<16x128xf32, #tpu.memory_space<vmem>>, vector<1x16xf32>,
      %swap3A_1170 = vector.shape_cast %swap3A_1169 : vector<1x16xf32> to vector<16xf32>
      %swap3A_1171 = vector.shape_cast %get3A_1165 : vector<16xf32> to vector<1x16xf32>
      tpu.vector_store %arg19[%swap3A_1167, %swap3A_1168], %swap3A_1171 {strides = array<i32>} : memref<16x128xf32, #tpu.memory_space<vmem>>, vector<1x16xf32>,
      %get3A_1172 = arith.constant 96 : i32
      %get3A_1173 = arith.index_cast %get3A_1172 : i32 to index
      %get3A_1174 = arith.constant 96 : index
      %get3A_1175 = tpu.vector_load %arg13[%get3A_1173, %get3A_1174] {strides = array<i32>} : memref<256x128xf32, #tpu.memory_space<vmem>>, vector<1x16xf32>,
      %get3A_1176 = vector.shape_cast %get3A_1175 : vector<1x16xf32> to vector<16xf32>
      %swap3A_1177 = arith.constant 3 : i32
      %swap3A_1178 = arith.index_cast %swap3A_1177 : i32 to index
      %swap3A_1179 = arith.constant 96 : index
      %swap3A_1180 = tpu.vector_load %arg19[%swap3A_1178, %swap3A_1179] {strides = array<i32>} : memref<16x128xf32, #tpu.memory_space<vmem>>, vector<1x16xf32>,
      %swap3A_1181 = vector.shape_cast %swap3A_1180 : vector<1x16xf32> to vector<16xf32>
      %swap3A_1182 = vector.shape_cast %get3A_1176 : vector<16xf32> to vector<1x16xf32>
      tpu.vector_store %arg19[%swap3A_1178, %swap3A_1179], %swap3A_1182 {strides = array<i32>} : memref<16x128xf32, #tpu.memory_space<vmem>>, vector<1x16xf32>,
      %get3A_1183 = arith.constant 96 : i32
      %get3A_1184 = arith.index_cast %get3A_1183 : i32 to index
      %get3A_1185 = arith.constant 112 : index
      %get3A_1186 = tpu.vector_load %arg13[%get3A_1184, %get3A_1185] {strides = array<i32>} : memref<256x128xf32, #tpu.memory_space<vmem>>, vector<1x16xf32>,
      %get3A_1187 = vector.shape_cast %get3A_1186 : vector<1x16xf32> to vector<16xf32>
      %swap3A_1188 = arith.constant 3 : i32
      %swap3A_1189 = arith.index_cast %swap3A_1188 : i32 to index
      %swap3A_1190 = arith.constant 112 : index
      %swap3A_1191 = tpu.vector_load %arg19[%swap3A_1189, %swap3A_1190] {strides = array<i32>} : memref<16x128xf32, #tpu.memory_space<vmem>>, vector<1x16xf32>,
      %swap3A_1192 = vector.shape_cast %swap3A_1191 : vector<1x16xf32> to vector<16xf32>
      %swap3A_1193 = vector.shape_cast %get3A_1187 : vector<16xf32> to vector<1x16xf32>
      tpu.vector_store %arg19[%swap3A_1189, %swap3A_1190], %swap3A_1193 {strides = array<i32>} : memref<16x128xf32, #tpu.memory_space<vmem>>, vector<1x16xf32>,
      %get3A_1194 = arith.constant 128 : i32
      %get3A_1195 = arith.index_cast %get3A_1194 : i32 to index
      %get3A_1196 = arith.constant 0 : index
      %get3A_1197 = tpu.vector_load %arg13[%get3A_1195, %get3A_1196] {strides = array<i32>} : memref<256x128xf32, #tpu.memory_space<vmem>>, vector<1x16xf32>,
      %get3A_1198 = vector.shape_cast %get3A_1197 : vector<1x16xf32> to vector<16xf32>
      %swap3A_1199 = arith.constant 4 : i32
      %swap3A_1200 = arith.index_cast %swap3A_1199 : i32 to index
      %swap3A_1201 = arith.constant 0 : index
      %swap3A_1202 = tpu.vector_load %arg19[%swap3A_1200, %swap3A_1201] {strides = array<i32>} : memref<16x128xf32, #tpu.memory_space<vmem>>, vector<1x16xf32>,
      %swap3A_1203 = vector.shape_cast %swap3A_1202 : vector<1x16xf32> to vector<16xf32>
      %swap3A_1204 = vector.shape_cast %get3A_1198 : vector<16xf32> to vector<1x16xf32>
      tpu.vector_store %arg19[%swap3A_1200, %swap3A_1201], %swap3A_1204 {strides = array<i32>} : memref<16x128xf32, #tpu.memory_space<vmem>>, vector<1x16xf32>,
      %get3A_1205 = arith.constant 128 : i32
      %get3A_1206 = arith.index_cast %get3A_1205 : i32 to index
      %get3A_1207 = arith.constant 16 : index
      %get3A_1208 = tpu.vector_load %arg13[%get3A_1206, %get3A_1207] {strides = array<i32>} : memref<256x128xf32, #tpu.memory_space<vmem>>, vector<1x16xf32>,
      %get3A_1209 = vector.shape_cast %get3A_1208 : vector<1x16xf32> to vector<16xf32>
      %swap3A_1210 = arith.constant 4 : i32
      %swap3A_1211 = arith.index_cast %swap3A_1210 : i32 to index
      %swap3A_1212 = arith.constant 16 : index
      %swap3A_1213 = tpu.vector_load %arg19[%swap3A_1211, %swap3A_1212] {strides = array<i32>} : memref<16x128xf32, #tpu.memory_space<vmem>>, vector<1x16xf32>,
      %swap3A_1214 = vector.shape_cast %swap3A_1213 : vector<1x16xf32> to vector<16xf32>
      %swap3A_1215 = vector.shape_cast %get3A_1209 : vector<16xf32> to vector<1x16xf32>
      tpu.vector_store %arg19[%swap3A_1211, %swap3A_1212], %swap3A_1215 {strides = array<i32>} : memref<16x128xf32, #tpu.memory_space<vmem>>, vector<1x16xf32>,
      %get3A_1216 = arith.constant 128 : i32
      %get3A_1217 = arith.index_cast %get3A_1216 : i32 to index
      %get3A_1218 = arith.constant 32 : index
      %get3A_1219 = tpu.vector_load %arg13[%get3A_1217, %get3A_1218] {strides = array<i32>} : memref<256x128xf32, #tpu.memory_space<vmem>>, vector<1x16xf32>,
      %get3A_1220 = vector.shape_cast %get3A_1219 : vector<1x16xf32> to vector<16xf32>
      %swap3A_1221 = arith.constant 4 : i32
      %swap3A_1222 = arith.index_cast %swap3A_1221 : i32 to index
      %swap3A_1223 = arith.constant 32 : index
      %swap3A_1224 = tpu.vector_load %arg19[%swap3A_1222, %swap3A_1223] {strides = array<i32>} : memref<16x128xf32, #tpu.memory_space<vmem>>, vector<1x16xf32>,
      %swap3A_1225 = vector.shape_cast %swap3A_1224 : vector<1x16xf32> to vector<16xf32>
      %swap3A_1226 = vector.shape_cast %get3A_1220 : vector<16xf32> to vector<1x16xf32>
      tpu.vector_store %arg19[%swap3A_1222, %swap3A_1223], %swap3A_1226 {strides = array<i32>} : memref<16x128xf32, #tpu.memory_space<vmem>>, vector<1x16xf32>,
      %get3A_1227 = arith.constant 128 : i32
      %get3A_1228 = arith.index_cast %get3A_1227 : i32 to index
      %get3A_1229 = arith.constant 48 : index
      %get3A_1230 = tpu.vector_load %arg13[%get3A_1228, %get3A_1229] {strides = array<i32>} : memref<256x128xf32, #tpu.memory_space<vmem>>, vector<1x16xf32>,
      %get3A_1231 = vector.shape_cast %get3A_1230 : vector<1x16xf32> to vector<16xf32>
      %swap3A_1232 = arith.constant 4 : i32
      %swap3A_1233 = arith.index_cast %swap3A_1232 : i32 to index
      %swap3A_1234 = arith.constant 48 : index
      %swap3A_1235 = tpu.vector_load %arg19[%swap3A_1233, %swap3A_1234] {strides = array<i32>} : memref<16x128xf32, #tpu.memory_space<vmem>>, vector<1x16xf32>,
      %swap3A_1236 = vector.shape_cast %swap3A_1235 : vector<1x16xf32> to vector<16xf32>
      %swap3A_1237 = vector.shape_cast %get3A_1231 : vector<16xf32> to vector<1x16xf32>
      tpu.vector_store %arg19[%swap3A_1233, %swap3A_1234], %swap3A_1237 {strides = array<i32>} : memref<16x128xf32, #tpu.memory_space<vmem>>, vector<1x16xf32>,
      %get3A_1238 = arith.constant 128 : i32
      %get3A_1239 = arith.index_cast %get3A_1238 : i32 to index
      %get3A_1240 = arith.constant 64 : index
      %get3A_1241 = tpu.vector_load %arg13[%get3A_1239, %get3A_1240] {strides = array<i32>} : memref<256x128xf32, #tpu.memory_space<vmem>>, vector<1x16xf32>,
      %get3A_1242 = vector.shape_cast %get3A_1241 : vector<1x16xf32> to vector<16xf32>
      %swap3A_1243 = arith.constant 4 : i32
      %swap3A_1244 = arith.index_cast %swap3A_1243 : i32 to index
      %swap3A_1245 = arith.constant 64 : index
      %swap3A_1246 = tpu.vector_load %arg19[%swap3A_1244, %swap3A_1245] {strides = array<i32>} : memref<16x128xf32, #tpu.memory_space<vmem>>, vector<1x16xf32>,
      %swap3A_1247 = vector.shape_cast %swap3A_1246 : vector<1x16xf32> to vector<16xf32>
      %swap3A_1248 = vector.shape_cast %get3A_1242 : vector<16xf32> to vector<1x16xf32>
      tpu.vector_store %arg19[%swap3A_1244, %swap3A_1245], %swap3A_1248 {strides = array<i32>} : memref<16x128xf32, #tpu.memory_space<vmem>>, vector<1x16xf32>,
      %get3A_1249 = arith.constant 128 : i32
      %get3A_1250 = arith.index_cast %get3A_1249 : i32 to index
      %get3A_1251 = arith.constant 80 : index
      %get3A_1252 = tpu.vector_load %arg13[%get3A_1250, %get3A_1251] {strides = array<i32>} : memref<256x128xf32, #tpu.memory_space<vmem>>, vector<1x16xf32>,
      %get3A_1253 = vector.shape_cast %get3A_1252 : vector<1x16xf32> to vector<16xf32>
      %swap3A_1254 = arith.constant 4 : i32
      %swap3A_1255 = arith.index_cast %swap3A_1254 : i32 to index
      %swap3A_1256 = arith.constant 80 : index
      %swap3A_1257 = tpu.vector_load %arg19[%swap3A_1255, %swap3A_1256] {strides = array<i32>} : memref<16x128xf32, #tpu.memory_space<vmem>>, vector<1x16xf32>,
      %swap3A_1258 = vector.shape_cast %swap3A_1257 : vector<1x16xf32> to vector<16xf32>
      %swap3A_1259 = vector.shape_cast %get3A_1253 : vector<16xf32> to vector<1x16xf32>
      tpu.vector_store %arg19[%swap3A_1255, %swap3A_1256], %swap3A_1259 {strides = array<i32>} : memref<16x128xf32, #tpu.memory_space<vmem>>, vector<1x16xf32>,
      %get3A_1260 = arith.constant 128 : i32
      %get3A_1261 = arith.index_cast %get3A_1260 : i32 to index
      %get3A_1262 = arith.constant 96 : index
      %get3A_1263 = tpu.vector_load %arg13[%get3A_1261, %get3A_1262] {strides = array<i32>} : memref<256x128xf32, #tpu.memory_space<vmem>>, vector<1x16xf32>,
      %get3A_1264 = vector.shape_cast %get3A_1263 : vector<1x16xf32> to vector<16xf32>
      %swap3A_1265 = arith.constant 4 : i32
      %swap3A_1266 = arith.index_cast %swap3A_1265 : i32 to index
      %swap3A_1267 = arith.constant 96 : index
      %swap3A_1268 = tpu.vector_load %arg19[%swap3A_1266, %swap3A_1267] {strides = array<i32>} : memref<16x128xf32, #tpu.memory_space<vmem>>, vector<1x16xf32>,
      %swap3A_1269 = vector.shape_cast %swap3A_1268 : vector<1x16xf32> to vector<16xf32>
      %swap3A_1270 = vector.shape_cast %get3A_1264 : vector<16xf32> to vector<1x16xf32>
      tpu.vector_store %arg19[%swap3A_1266, %swap3A_1267], %swap3A_1270 {strides = array<i32>} : memref<16x128xf32, #tpu.memory_space<vmem>>, vector<1x16xf32>,
      %get3A_1271 = arith.constant 128 : i32
      %get3A_1272 = arith.index_cast %get3A_1271 : i32 to index
      %get3A_1273 = arith.constant 112 : index
      %get3A_1274 = tpu.vector_load %arg13[%get3A_1272, %get3A_1273] {strides = array<i32>} : memref<256x128xf32, #tpu.memory_space<vmem>>, vector<1x16xf32>,
      %get3A_1275 = vector.shape_cast %get3A_1274 : vector<1x16xf32> to vector<16xf32>
      %swap3A_1276 = arith.constant 4 : i32
      %swap3A_1277 = arith.index_cast %swap3A_1276 : i32 to index
      %swap3A_1278 = arith.constant 112 : index
      %swap3A_1279 = tpu.vector_load %arg19[%swap3A_1277, %swap3A_1278] {strides = array<i32>} : memref<16x128xf32, #tpu.memory_space<vmem>>, vector<1x16xf32>,
      %swap3A_1280 = vector.shape_cast %swap3A_1279 : vector<1x16xf32> to vector<16xf32>
      %swap3A_1281 = vector.shape_cast %get3A_1275 : vector<16xf32> to vector<1x16xf32>
      tpu.vector_store %arg19[%swap3A_1277, %swap3A_1278], %swap3A_1281 {strides = array<i32>} : memref<16x128xf32, #tpu.memory_space<vmem>>, vector<1x16xf32>,
      %get3A_1282 = arith.constant 160 : i32
      %get3A_1283 = arith.index_cast %get3A_1282 : i32 to index
      %get3A_1284 = arith.constant 0 : index
      %get3A_1285 = tpu.vector_load %arg13[%get3A_1283, %get3A_1284] {strides = array<i32>} : memref<256x128xf32, #tpu.memory_space<vmem>>, vector<1x16xf32>,
      %get3A_1286 = vector.shape_cast %get3A_1285 : vector<1x16xf32> to vector<16xf32>
      %swap3A_1287 = arith.constant 5 : i32
      %swap3A_1288 = arith.index_cast %swap3A_1287 : i32 to index
      %swap3A_1289 = arith.constant 0 : index
      %swap3A_1290 = tpu.vector_load %arg19[%swap3A_1288, %swap3A_1289] {strides = array<i32>} : memref<16x128xf32, #tpu.memory_space<vmem>>, vector<1x16xf32>,
      %swap3A_1291 = vector.shape_cast %swap3A_1290 : vector<1x16xf32> to vector<16xf32>
      %swap3A_1292 = vector.shape_cast %get3A_1286 : vector<16xf32> to vector<1x16xf32>
      tpu.vector_store %arg19[%swap3A_1288, %swap3A_1289], %swap3A_1292 {strides = array<i32>} : memref<16x128xf32, #tpu.memory_space<vmem>>, vector<1x16xf32>,
      %get3A_1293 = arith.constant 160 : i32
      %get3A_1294 = arith.index_cast %get3A_1293 : i32 to index
      %get3A_1295 = arith.constant 16 : index
      %get3A_1296 = tpu.vector_load %arg13[%get3A_1294, %get3A_1295] {strides = array<i32>} : memref<256x128xf32, #tpu.memory_space<vmem>>, vector<1x16xf32>,
      %get3A_1297 = vector.shape_cast %get3A_1296 : vector<1x16xf32> to vector<16xf32>
      %swap3A_1298 = arith.constant 5 : i32
      %swap3A_1299 = arith.index_cast %swap3A_1298 : i32 to index
      %swap3A_1300 = arith.constant 16 : index
      %swap3A_1301 = tpu.vector_load %arg19[%swap3A_1299, %swap3A_1300] {strides = array<i32>} : memref<16x128xf32, #tpu.memory_space<vmem>>, vector<1x16xf32>,
      %swap3A_1302 = vector.shape_cast %swap3A_1301 : vector<1x16xf32> to vector<16xf32>
      %swap3A_1303 = vector.shape_cast %get3A_1297 : vector<16xf32> to vector<1x16xf32>
      tpu.vector_store %arg19[%swap3A_1299, %swap3A_1300], %swap3A_1303 {strides = array<i32>} : memref<16x128xf32, #tpu.memory_space<vmem>>, vector<1x16xf32>,
      %get3A_1304 = arith.constant 160 : i32
      %get3A_1305 = arith.index_cast %get3A_1304 : i32 to index
      %get3A_1306 = arith.constant 32 : index
      %get3A_1307 = tpu.vector_load %arg13[%get3A_1305, %get3A_1306] {strides = array<i32>} : memref<256x128xf32, #tpu.memory_space<vmem>>, vector<1x16xf32>,
      %get3A_1308 = vector.shape_cast %get3A_1307 : vector<1x16xf32> to vector<16xf32>
      %swap3A_1309 = arith.constant 5 : i32
      %swap3A_1310 = arith.index_cast %swap3A_1309 : i32 to index
      %swap3A_1311 = arith.constant 32 : index
      %swap3A_1312 = tpu.vector_load %arg19[%swap3A_1310, %swap3A_1311] {strides = array<i32>} : memref<16x128xf32, #tpu.memory_space<vmem>>, vector<1x16xf32>,
      %swap3A_1313 = vector.shape_cast %swap3A_1312 : vector<1x16xf32> to vector<16xf32>
      %swap3A_1314 = vector.shape_cast %get3A_1308 : vector<16xf32> to vector<1x16xf32>
      tpu.vector_store %arg19[%swap3A_1310, %swap3A_1311], %swap3A_1314 {strides = array<i32>} : memref<16x128xf32, #tpu.memory_space<vmem>>, vector<1x16xf32>,
      %get3A_1315 = arith.constant 160 : i32
      %get3A_1316 = arith.index_cast %get3A_1315 : i32 to index
      %get3A_1317 = arith.constant 48 : index
      %get3A_1318 = tpu.vector_load %arg13[%get3A_1316, %get3A_1317] {strides = array<i32>} : memref<256x128xf32, #tpu.memory_space<vmem>>, vector<1x16xf32>,
      %get3A_1319 = vector.shape_cast %get3A_1318 : vector<1x16xf32> to vector<16xf32>
      %swap3A_1320 = arith.constant 5 : i32
      %swap3A_1321 = arith.index_cast %swap3A_1320 : i32 to index
      %swap3A_1322 = arith.constant 48 : index
      %swap3A_1323 = tpu.vector_load %arg19[%swap3A_1321, %swap3A_1322] {strides = array<i32>} : memref<16x128xf32, #tpu.memory_space<vmem>>, vector<1x16xf32>,
      %swap3A_1324 = vector.shape_cast %swap3A_1323 : vector<1x16xf32> to vector<16xf32>
      %swap3A_1325 = vector.shape_cast %get3A_1319 : vector<16xf32> to vector<1x16xf32>
      tpu.vector_store %arg19[%swap3A_1321, %swap3A_1322], %swap3A_1325 {strides = array<i32>} : memref<16x128xf32, #tpu.memory_space<vmem>>, vector<1x16xf32>,
      %get3A_1326 = arith.constant 160 : i32
      %get3A_1327 = arith.index_cast %get3A_1326 : i32 to index
      %get3A_1328 = arith.constant 64 : index
      %get3A_1329 = tpu.vector_load %arg13[%get3A_1327, %get3A_1328] {strides = array<i32>} : memref<256x128xf32, #tpu.memory_space<vmem>>, vector<1x16xf32>,
      %get3A_1330 = vector.shape_cast %get3A_1329 : vector<1x16xf32> to vector<16xf32>
      %swap3A_1331 = arith.constant 5 : i32
      %swap3A_1332 = arith.index_cast %swap3A_1331 : i32 to index
      %swap3A_1333 = arith.constant 64 : index
      %swap3A_1334 = tpu.vector_load %arg19[%swap3A_1332, %swap3A_1333] {strides = array<i32>} : memref<16x128xf32, #tpu.memory_space<vmem>>, vector<1x16xf32>,
      %swap3A_1335 = vector.shape_cast %swap3A_1334 : vector<1x16xf32> to vector<16xf32>
      %swap3A_1336 = vector.shape_cast %get3A_1330 : vector<16xf32> to vector<1x16xf32>
      tpu.vector_store %arg19[%swap3A_1332, %swap3A_1333], %swap3A_1336 {strides = array<i32>} : memref<16x128xf32, #tpu.memory_space<vmem>>, vector<1x16xf32>,
      %get3A_1337 = arith.constant 160 : i32
      %get3A_1338 = arith.index_cast %get3A_1337 : i32 to index
      %get3A_1339 = arith.constant 80 : index
      %get3A_1340 = tpu.vector_load %arg13[%get3A_1338, %get3A_1339] {strides = array<i32>} : memref<256x128xf32, #tpu.memory_space<vmem>>, vector<1x16xf32>,
      %get3A_1341 = vector.shape_cast %get3A_1340 : vector<1x16xf32> to vector<16xf32>
      %swap3A_1342 = arith.constant 5 : i32
      %swap3A_1343 = arith.index_cast %swap3A_1342 : i32 to index
      %swap3A_1344 = arith.constant 80 : index
      %swap3A_1345 = tpu.vector_load %arg19[%swap3A_1343, %swap3A_1344] {strides = array<i32>} : memref<16x128xf32, #tpu.memory_space<vmem>>, vector<1x16xf32>,
      %swap3A_1346 = vector.shape_cast %swap3A_1345 : vector<1x16xf32> to vector<16xf32>
      %swap3A_1347 = vector.shape_cast %get3A_1341 : vector<16xf32> to vector<1x16xf32>
      tpu.vector_store %arg19[%swap3A_1343, %swap3A_1344], %swap3A_1347 {strides = array<i32>} : memref<16x128xf32, #tpu.memory_space<vmem>>, vector<1x16xf32>,
      %get3A_1348 = arith.constant 160 : i32
      %get3A_1349 = arith.index_cast %get3A_1348 : i32 to index
      %get3A_1350 = arith.constant 96 : index
      %get3A_1351 = tpu.vector_load %arg13[%get3A_1349, %get3A_1350] {strides = array<i32>} : memref<256x128xf32, #tpu.memory_space<vmem>>, vector<1x16xf32>,
      %get3A_1352 = vector.shape_cast %get3A_1351 : vector<1x16xf32> to vector<16xf32>
      %swap3A_1353 = arith.constant 5 : i32
      %swap3A_1354 = arith.index_cast %swap3A_1353 : i32 to index
      %swap3A_1355 = arith.constant 96 : index
      %swap3A_1356 = tpu.vector_load %arg19[%swap3A_1354, %swap3A_1355] {strides = array<i32>} : memref<16x128xf32, #tpu.memory_space<vmem>>, vector<1x16xf32>,
      %swap3A_1357 = vector.shape_cast %swap3A_1356 : vector<1x16xf32> to vector<16xf32>
      %swap3A_1358 = vector.shape_cast %get3A_1352 : vector<16xf32> to vector<1x16xf32>
      tpu.vector_store %arg19[%swap3A_1354, %swap3A_1355], %swap3A_1358 {strides = array<i32>} : memref<16x128xf32, #tpu.memory_space<vmem>>, vector<1x16xf32>,
      %get3A_1359 = arith.constant 160 : i32
      %get3A_1360 = arith.index_cast %get3A_1359 : i32 to index
      %get3A_1361 = arith.constant 112 : index
      %get3A_1362 = tpu.vector_load %arg13[%get3A_1360, %get3A_1361] {strides = array<i32>} : memref<256x128xf32, #tpu.memory_space<vmem>>, vector<1x16xf32>,
      %get3A_1363 = vector.shape_cast %get3A_1362 : vector<1x16xf32> to vector<16xf32>
      %swap3A_1364 = arith.constant 5 : i32
      %swap3A_1365 = arith.index_cast %swap3A_1364 : i32 to index
      %swap3A_1366 = arith.constant 112 : index
      %swap3A_1367 = tpu.vector_load %arg19[%swap3A_1365, %swap3A_1366] {strides = array<i32>} : memref<16x128xf32, #tpu.memory_space<vmem>>, vector<1x16xf32>,
      %swap3A_1368 = vector.shape_cast %swap3A_1367 : vector<1x16xf32> to vector<16xf32>
      %swap3A_1369 = vector.shape_cast %get3A_1363 : vector<16xf32> to vector<1x16xf32>
      tpu.vector_store %arg19[%swap3A_1365, %swap3A_1366], %swap3A_1369 {strides = array<i32>} : memref<16x128xf32, #tpu.memory_space<vmem>>, vector<1x16xf32>,
      %get3A_1370 = arith.constant 192 : i32
      %get3A_1371 = arith.index_cast %get3A_1370 : i32 to index
      %get3A_1372 = arith.constant 0 : index
      %get3A_1373 = tpu.vector_load %arg13[%get3A_1371, %get3A_1372] {strides = array<i32>} : memref<256x128xf32, #tpu.memory_space<vmem>>, vector<1x16xf32>,
      %get3A_1374 = vector.shape_cast %get3A_1373 : vector<1x16xf32> to vector<16xf32>
      %swap3A_1375 = arith.constant 6 : i32
      %swap3A_1376 = arith.index_cast %swap3A_1375 : i32 to index
      %swap3A_1377 = arith.constant 0 : index
      %swap3A_1378 = tpu.vector_load %arg19[%swap3A_1376, %swap3A_1377] {strides = array<i32>} : memref<16x128xf32, #tpu.memory_space<vmem>>, vector<1x16xf32>,
      %swap3A_1379 = vector.shape_cast %swap3A_1378 : vector<1x16xf32> to vector<16xf32>
      %swap3A_1380 = vector.shape_cast %get3A_1374 : vector<16xf32> to vector<1x16xf32>
      tpu.vector_store %arg19[%swap3A_1376, %swap3A_1377], %swap3A_1380 {strides = array<i32>} : memref<16x128xf32, #tpu.memory_space<vmem>>, vector<1x16xf32>,
      %get3A_1381 = arith.constant 192 : i32
      %get3A_1382 = arith.index_cast %get3A_1381 : i32 to index
      %get3A_1383 = arith.constant 16 : index
      %get3A_1384 = tpu.vector_load %arg13[%get3A_1382, %get3A_1383] {strides = array<i32>} : memref<256x128xf32, #tpu.memory_space<vmem>>, vector<1x16xf32>,
      %get3A_1385 = vector.shape_cast %get3A_1384 : vector<1x16xf32> to vector<16xf32>
      %swap3A_1386 = arith.constant 6 : i32
      %swap3A_1387 = arith.index_cast %swap3A_1386 : i32 to index
      %swap3A_1388 = arith.constant 16 : index
      %swap3A_1389 = tpu.vector_load %arg19[%swap3A_1387, %swap3A_1388] {strides = array<i32>} : memref<16x128xf32, #tpu.memory_space<vmem>>, vector<1x16xf32>,
      %swap3A_1390 = vector.shape_cast %swap3A_1389 : vector<1x16xf32> to vector<16xf32>
      %swap3A_1391 = vector.shape_cast %get3A_1385 : vector<16xf32> to vector<1x16xf32>
      tpu.vector_store %arg19[%swap3A_1387, %swap3A_1388], %swap3A_1391 {strides = array<i32>} : memref<16x128xf32, #tpu.memory_space<vmem>>, vector<1x16xf32>,
      %get3A_1392 = arith.constant 192 : i32
      %get3A_1393 = arith.index_cast %get3A_1392 : i32 to index
      %get3A_1394 = arith.constant 32 : index
      %get3A_1395 = tpu.vector_load %arg13[%get3A_1393, %get3A_1394] {strides = array<i32>} : memref<256x128xf32, #tpu.memory_space<vmem>>, vector<1x16xf32>,
      %get3A_1396 = vector.shape_cast %get3A_1395 : vector<1x16xf32> to vector<16xf32>
      %swap3A_1397 = arith.constant 6 : i32
      %swap3A_1398 = arith.index_cast %swap3A_1397 : i32 to index
      %swap3A_1399 = arith.constant 32 : index
      %swap3A_1400 = tpu.vector_load %arg19[%swap3A_1398, %swap3A_1399] {strides = array<i32>} : memref<16x128xf32, #tpu.memory_space<vmem>>, vector<1x16xf32>,
      %swap3A_1401 = vector.shape_cast %swap3A_1400 : vector<1x16xf32> to vector<16xf32>
      %swap3A_1402 = vector.shape_cast %get3A_1396 : vector<16xf32> to vector<1x16xf32>
      tpu.vector_store %arg19[%swap3A_1398, %swap3A_1399], %swap3A_1402 {strides = array<i32>} : memref<16x128xf32, #tpu.memory_space<vmem>>, vector<1x16xf32>,
      %get3A_1403 = arith.constant 192 : i32
      %get3A_1404 = arith.index_cast %get3A_1403 : i32 to index
      %get3A_1405 = arith.constant 48 : index
      %get3A_1406 = tpu.vector_load %arg13[%get3A_1404, %get3A_1405] {strides = array<i32>} : memref<256x128xf32, #tpu.memory_space<vmem>>, vector<1x16xf32>,
      %get3A_1407 = vector.shape_cast %get3A_1406 : vector<1x16xf32> to vector<16xf32>
      %swap3A_1408 = arith.constant 6 : i32
      %swap3A_1409 = arith.index_cast %swap3A_1408 : i32 to index
      %swap3A_1410 = arith.constant 48 : index
      %swap3A_1411 = tpu.vector_load %arg19[%swap3A_1409, %swap3A_1410] {strides = array<i32>} : memref<16x128xf32, #tpu.memory_space<vmem>>, vector<1x16xf32>,
      %swap3A_1412 = vector.shape_cast %swap3A_1411 : vector<1x16xf32> to vector<16xf32>
      %swap3A_1413 = vector.shape_cast %get3A_1407 : vector<16xf32> to vector<1x16xf32>
      tpu.vector_store %arg19[%swap3A_1409, %swap3A_1410], %swap3A_1413 {strides = array<i32>} : memref<16x128xf32, #tpu.memory_space<vmem>>, vector<1x16xf32>,
      %get3A_1414 = arith.constant 192 : i32
      %get3A_1415 = arith.index_cast %get3A_1414 : i32 to index
      %get3A_1416 = arith.constant 64 : index
      %get3A_1417 = tpu.vector_load %arg13[%get3A_1415, %get3A_1416] {strides = array<i32>} : memref<256x128xf32, #tpu.memory_space<vmem>>, vector<1x16xf32>,
      %get3A_1418 = vector.shape_cast %get3A_1417 : vector<1x16xf32> to vector<16xf32>
      %swap3A_1419 = arith.constant 6 : i32
      %swap3A_1420 = arith.index_cast %swap3A_1419 : i32 to index
      %swap3A_1421 = arith.constant 64 : index
      %swap3A_1422 = tpu.vector_load %arg19[%swap3A_1420, %swap3A_1421] {strides = array<i32>} : memref<16x128xf32, #tpu.memory_space<vmem>>, vector<1x16xf32>,
      %swap3A_1423 = vector.shape_cast %swap3A_1422 : vector<1x16xf32> to vector<16xf32>
      %swap3A_1424 = vector.shape_cast %get3A_1418 : vector<16xf32> to vector<1x16xf32>
      tpu.vector_store %arg19[%swap3A_1420, %swap3A_1421], %swap3A_1424 {strides = array<i32>} : memref<16x128xf32, #tpu.memory_space<vmem>>, vector<1x16xf32>,
      %get3A_1425 = arith.constant 192 : i32
      %get3A_1426 = arith.index_cast %get3A_1425 : i32 to index
      %get3A_1427 = arith.constant 80 : index
      %get3A_1428 = tpu.vector_load %arg13[%get3A_1426, %get3A_1427] {strides = array<i32>} : memref<256x128xf32, #tpu.memory_space<vmem>>, vector<1x16xf32>,
      %get3A_1429 = vector.shape_cast %get3A_1428 : vector<1x16xf32> to vector<16xf32>
      %swap3A_1430 = arith.constant 6 : i32
      %swap3A_1431 = arith.index_cast %swap3A_1430 : i32 to index
      %swap3A_1432 = arith.constant 80 : index
      %swap3A_1433 = tpu.vector_load %arg19[%swap3A_1431, %swap3A_1432] {strides = array<i32>} : memref<16x128xf32, #tpu.memory_space<vmem>>, vector<1x16xf32>,
      %swap3A_1434 = vector.shape_cast %swap3A_1433 : vector<1x16xf32> to vector<16xf32>
      %swap3A_1435 = vector.shape_cast %get3A_1429 : vector<16xf32> to vector<1x16xf32>
      tpu.vector_store %arg19[%swap3A_1431, %swap3A_1432], %swap3A_1435 {strides = array<i32>} : memref<16x128xf32, #tpu.memory_space<vmem>>, vector<1x16xf32>,
      %get3A_1436 = arith.constant 192 : i32
      %get3A_1437 = arith.index_cast %get3A_1436 : i32 to index
      %get3A_1438 = arith.constant 96 : index
      %get3A_1439 = tpu.vector_load %arg13[%get3A_1437, %get3A_1438] {strides = array<i32>} : memref<256x128xf32, #tpu.memory_space<vmem>>, vector<1x16xf32>,
      %get3A_1440 = vector.shape_cast %get3A_1439 : vector<1x16xf32> to vector<16xf32>
      %swap3A_1441 = arith.constant 6 : i32
      %swap3A_1442 = arith.index_cast %swap3A_1441 : i32 to index
      %swap3A_1443 = arith.constant 96 : index
      %swap3A_1444 = tpu.vector_load %arg19[%swap3A_1442, %swap3A_1443] {strides = array<i32>} : memref<16x128xf32, #tpu.memory_space<vmem>>, vector<1x16xf32>,
      %swap3A_1445 = vector.shape_cast %swap3A_1444 : vector<1x16xf32> to vector<16xf32>
      %swap3A_1446 = vector.shape_cast %get3A_1440 : vector<16xf32> to vector<1x16xf32>
      tpu.vector_store %arg19[%swap3A_1442, %swap3A_1443], %swap3A_1446 {strides = array<i32>} : memref<16x128xf32, #tpu.memory_space<vmem>>, vector<1x16xf32>,
      %get3A_1447 = arith.constant 192 : i32
      %get3A_1448 = arith.index_cast %get3A_1447 : i32 to index
      %get3A_1449 = arith.constant 112 : index
      %get3A_1450 = tpu.vector_load %arg13[%get3A_1448, %get3A_1449] {strides = array<i32>} : memref<256x128xf32, #tpu.memory_space<vmem>>, vector<1x16xf32>,
      %get3A_1451 = vector.shape_cast %get3A_1450 : vector<1x16xf32> to vector<16xf32>
      %swap3A_1452 = arith.constant 6 : i32
      %swap3A_1453 = arith.index_cast %swap3A_1452 : i32 to index
      %swap3A_1454 = arith.constant 112 : index
      %swap3A_1455 = tpu.vector_load %arg19[%swap3A_1453, %swap3A_1454] {strides = array<i32>} : memref<16x128xf32, #tpu.memory_space<vmem>>, vector<1x16xf32>,
      %swap3A_1456 = vector.shape_cast %swap3A_1455 : vector<1x16xf32> to vector<16xf32>
      %swap3A_1457 = vector.shape_cast %get3A_1451 : vector<16xf32> to vector<1x16xf32>
      tpu.vector_store %arg19[%swap3A_1453, %swap3A_1454], %swap3A_1457 {strides = array<i32>} : memref<16x128xf32, #tpu.memory_space<vmem>>, vector<1x16xf32>,
      %get3A_1458 = arith.constant 224 : i32
      %get3A_1459 = arith.index_cast %get3A_1458 : i32 to index
      %get3A_1460 = arith.constant 0 : index
      %get3A_1461 = tpu.vector_load %arg13[%get3A_1459, %get3A_1460] {strides = array<i32>} : memref<256x128xf32, #tpu.memory_space<vmem>>, vector<1x16xf32>,
      %get3A_1462 = vector.shape_cast %get3A_1461 : vector<1x16xf32> to vector<16xf32>
      %swap3A_1463 = arith.constant 7 : i32
      %swap3A_1464 = arith.index_cast %swap3A_1463 : i32 to index
      %swap3A_1465 = arith.constant 0 : index
      %swap3A_1466 = tpu.vector_load %arg19[%swap3A_1464, %swap3A_1465] {strides = array<i32>} : memref<16x128xf32, #tpu.memory_space<vmem>>, vector<1x16xf32>,
      %swap3A_1467 = vector.shape_cast %swap3A_1466 : vector<1x16xf32> to vector<16xf32>
      %swap3A_1468 = vector.shape_cast %get3A_1462 : vector<16xf32> to vector<1x16xf32>
      tpu.vector_store %arg19[%swap3A_1464, %swap3A_1465], %swap3A_1468 {strides = array<i32>} : memref<16x128xf32, #tpu.memory_space<vmem>>, vector<1x16xf32>,
      %get3A_1469 = arith.constant 224 : i32
      %get3A_1470 = arith.index_cast %get3A_1469 : i32 to index
      %get3A_1471 = arith.constant 16 : index
      %get3A_1472 = tpu.vector_load %arg13[%get3A_1470, %get3A_1471] {strides = array<i32>} : memref<256x128xf32, #tpu.memory_space<vmem>>, vector<1x16xf32>,
      %get3A_1473 = vector.shape_cast %get3A_1472 : vector<1x16xf32> to vector<16xf32>
      %swap3A_1474 = arith.constant 7 : i32
      %swap3A_1475 = arith.index_cast %swap3A_1474 : i32 to index
      %swap3A_1476 = arith.constant 16 : index
      %swap3A_1477 = tpu.vector_load %arg19[%swap3A_1475, %swap3A_1476] {strides = array<i32>} : memref<16x128xf32, #tpu.memory_space<vmem>>, vector<1x16xf32>,
      %swap3A_1478 = vector.shape_cast %swap3A_1477 : vector<1x16xf32> to vector<16xf32>
      %swap3A_1479 = vector.shape_cast %get3A_1473 : vector<16xf32> to vector<1x16xf32>
      tpu.vector_store %arg19[%swap3A_1475, %swap3A_1476], %swap3A_1479 {strides = array<i32>} : memref<16x128xf32, #tpu.memory_space<vmem>>, vector<1x16xf32>,
      %get3A_1480 = arith.constant 224 : i32
      %get3A_1481 = arith.index_cast %get3A_1480 : i32 to index
      %get3A_1482 = arith.constant 32 : index
      %get3A_1483 = tpu.vector_load %arg13[%get3A_1481, %get3A_1482] {strides = array<i32>} : memref<256x128xf32, #tpu.memory_space<vmem>>, vector<1x16xf32>,
      %get3A_1484 = vector.shape_cast %get3A_1483 : vector<1x16xf32> to vector<16xf32>
      %swap3A_1485 = arith.constant 7 : i32
      %swap3A_1486 = arith.index_cast %swap3A_1485 : i32 to index
      %swap3A_1487 = arith.constant 32 : index
      %swap3A_1488 = tpu.vector_load %arg19[%swap3A_1486, %swap3A_1487] {strides = array<i32>} : memref<16x128xf32, #tpu.memory_space<vmem>>, vector<1x16xf32>,
      %swap3A_1489 = vector.shape_cast %swap3A_1488 : vector<1x16xf32> to vector<16xf32>
      %swap3A_1490 = vector.shape_cast %get3A_1484 : vector<16xf32> to vector<1x16xf32>
      tpu.vector_store %arg19[%swap3A_1486, %swap3A_1487], %swap3A_1490 {strides = array<i32>} : memref<16x128xf32, #tpu.memory_space<vmem>>, vector<1x16xf32>,
      %get3A_1491 = arith.constant 224 : i32
      %get3A_1492 = arith.index_cast %get3A_1491 : i32 to index
      %get3A_1493 = arith.constant 48 : index
      %get3A_1494 = tpu.vector_load %arg13[%get3A_1492, %get3A_1493] {strides = array<i32>} : memref<256x128xf32, #tpu.memory_space<vmem>>, vector<1x16xf32>,
      %get3A_1495 = vector.shape_cast %get3A_1494 : vector<1x16xf32> to vector<16xf32>
      %swap3A_1496 = arith.constant 7 : i32
      %swap3A_1497 = arith.index_cast %swap3A_1496 : i32 to index
      %swap3A_1498 = arith.constant 48 : index
      %swap3A_1499 = tpu.vector_load %arg19[%swap3A_1497, %swap3A_1498] {strides = array<i32>} : memref<16x128xf32, #tpu.memory_space<vmem>>, vector<1x16xf32>,
      %swap3A_1500 = vector.shape_cast %swap3A_1499 : vector<1x16xf32> to vector<16xf32>
      %swap3A_1501 = vector.shape_cast %get3A_1495 : vector<16xf32> to vector<1x16xf32>
      tpu.vector_store %arg19[%swap3A_1497, %swap3A_1498], %swap3A_1501 {strides = array<i32>} : memref<16x128xf32, #tpu.memory_space<vmem>>, vector<1x16xf32>,
      %get3A_1502 = arith.constant 224 : i32
      %get3A_1503 = arith.index_cast %get3A_1502 : i32 to index
      %get3A_1504 = arith.constant 64 : index
      %get3A_1505 = tpu.vector_load %arg13[%get3A_1503, %get3A_1504] {strides = array<i32>} : memref<256x128xf32, #tpu.memory_space<vmem>>, vector<1x16xf32>,
      %get3A_1506 = vector.shape_cast %get3A_1505 : vector<1x16xf32> to vector<16xf32>
      %swap3A_1507 = arith.constant 7 : i32
      %swap3A_1508 = arith.index_cast %swap3A_1507 : i32 to index
      %swap3A_1509 = arith.constant 64 : index
      %swap3A_1510 = tpu.vector_load %arg19[%swap3A_1508, %swap3A_1509] {strides = array<i32>} : memref<16x128xf32, #tpu.memory_space<vmem>>, vector<1x16xf32>,
      %swap3A_1511 = vector.shape_cast %swap3A_1510 : vector<1x16xf32> to vector<16xf32>
      %swap3A_1512 = vector.shape_cast %get3A_1506 : vector<16xf32> to vector<1x16xf32>
      tpu.vector_store %arg19[%swap3A_1508, %swap3A_1509], %swap3A_1512 {strides = array<i32>} : memref<16x128xf32, #tpu.memory_space<vmem>>, vector<1x16xf32>,
      %get3A_1513 = arith.constant 224 : i32
      %get3A_1514 = arith.index_cast %get3A_1513 : i32 to index
      %get3A_1515 = arith.constant 80 : index
      %get3A_1516 = tpu.vector_load %arg13[%get3A_1514, %get3A_1515] {strides = array<i32>} : memref<256x128xf32, #tpu.memory_space<vmem>>, vector<1x16xf32>,
      %get3A_1517 = vector.shape_cast %get3A_1516 : vector<1x16xf32> to vector<16xf32>
      %swap3A_1518 = arith.constant 7 : i32
      %swap3A_1519 = arith.index_cast %swap3A_1518 : i32 to index
      %swap3A_1520 = arith.constant 80 : index
      %swap3A_1521 = tpu.vector_load %arg19[%swap3A_1519, %swap3A_1520] {strides = array<i32>} : memref<16x128xf32, #tpu.memory_space<vmem>>, vector<1x16xf32>,
      %swap3A_1522 = vector.shape_cast %swap3A_1521 : vector<1x16xf32> to vector<16xf32>
      %swap3A_1523 = vector.shape_cast %get3A_1517 : vector<16xf32> to vector<1x16xf32>
      tpu.vector_store %arg19[%swap3A_1519, %swap3A_1520], %swap3A_1523 {strides = array<i32>} : memref<16x128xf32, #tpu.memory_space<vmem>>, vector<1x16xf32>,
      %get3A_1524 = arith.constant 224 : i32
      %get3A_1525 = arith.index_cast %get3A_1524 : i32 to index
      %get3A_1526 = arith.constant 96 : index
      %get3A_1527 = tpu.vector_load %arg13[%get3A_1525, %get3A_1526] {strides = array<i32>} : memref<256x128xf32, #tpu.memory_space<vmem>>, vector<1x16xf32>,
      %get3A_1528 = vector.shape_cast %get3A_1527 : vector<1x16xf32> to vector<16xf32>
      %swap3A_1529 = arith.constant 7 : i32
      %swap3A_1530 = arith.index_cast %swap3A_1529 : i32 to index
      %swap3A_1531 = arith.constant 96 : index
      %swap3A_1532 = tpu.vector_load %arg19[%swap3A_1530, %swap3A_1531] {strides = array<i32>} : memref<16x128xf32, #tpu.memory_space<vmem>>, vector<1x16xf32>,
      %swap3A_1533 = vector.shape_cast %swap3A_1532 : vector<1x16xf32> to vector<16xf32>
      %swap3A_1534 = vector.shape_cast %get3A_1528 : vector<16xf32> to vector<1x16xf32>
      tpu.vector_store %arg19[%swap3A_1530, %swap3A_1531], %swap3A_1534 {strides = array<i32>} : memref<16x128xf32, #tpu.memory_space<vmem>>, vector<1x16xf32>,
      %get3A_1535 = arith.constant 224 : i32
      %get3A_1536 = arith.index_cast %get3A_1535 : i32 to index
      %get3A_1537 = arith.constant 112 : index
      %get3A_1538 = tpu.vector_load %arg13[%get3A_1536, %get3A_1537] {strides = array<i32>} : memref<256x128xf32, #tpu.memory_space<vmem>>, vector<1x16xf32>,
      %get3A_1539 = vector.shape_cast %get3A_1538 : vector<1x16xf32> to vector<16xf32>
      %swap3A_1540 = arith.constant 7 : i32
      %swap3A_1541 = arith.index_cast %swap3A_1540 : i32 to index
      %swap3A_1542 = arith.constant 112 : index
      %swap3A_1543 = tpu.vector_load %arg19[%swap3A_1541, %swap3A_1542] {strides = array<i32>} : memref<16x128xf32, #tpu.memory_space<vmem>>, vector<1x16xf32>,
      %swap3A_1544 = vector.shape_cast %swap3A_1543 : vector<1x16xf32> to vector<16xf32>
      %swap3A_1545 = vector.shape_cast %get3A_1539 : vector<16xf32> to vector<1x16xf32>
      tpu.vector_store %arg19[%swap3A_1541, %swap3A_1542], %swap3A_1545 {strides = array<i32>} : memref<16x128xf32, #tpu.memory_space<vmem>>, vector<1x16xf32>,
      %get3A_1546 = arith.constant 8 : i32
      %get3A_1547 = arith.index_cast %get3A_1546 : i32 to index
      %get3A_1548 = arith.constant 0 : index
      %get3A_1549 = tpu.vector_load %arg13[%get3A_1547, %get3A_1548] {strides = array<i32>} : memref<256x128xf32, #tpu.memory_space<vmem>>, vector<1x16xf32>,
      %get3A_1550 = vector.shape_cast %get3A_1549 : vector<1x16xf32> to vector<16xf32>
      %swap3A_1551 = arith.constant 8 : i32
      %swap3A_1552 = arith.index_cast %swap3A_1551 : i32 to index
      %swap3A_1553 = arith.constant 0 : index
      %swap3A_1554 = tpu.vector_load %arg19[%swap3A_1552, %swap3A_1553] {strides = array<i32>} : memref<16x128xf32, #tpu.memory_space<vmem>>, vector<1x16xf32>,
      %swap3A_1555 = vector.shape_cast %swap3A_1554 : vector<1x16xf32> to vector<16xf32>
      %swap3A_1556 = vector.shape_cast %get3A_1550 : vector<16xf32> to vector<1x16xf32>
      tpu.vector_store %arg19[%swap3A_1552, %swap3A_1553], %swap3A_1556 {strides = array<i32>} : memref<16x128xf32, #tpu.memory_space<vmem>>, vector<1x16xf32>,
      %get3A_1557 = arith.constant 8 : i32
      %get3A_1558 = arith.index_cast %get3A_1557 : i32 to index
      %get3A_1559 = arith.constant 16 : index
      %get3A_1560 = tpu.vector_load %arg13[%get3A_1558, %get3A_1559] {strides = array<i32>} : memref<256x128xf32, #tpu.memory_space<vmem>>, vector<1x16xf32>,
      %get3A_1561 = vector.shape_cast %get3A_1560 : vector<1x16xf32> to vector<16xf32>
      %swap3A_1562 = arith.constant 8 : i32
      %swap3A_1563 = arith.index_cast %swap3A_1562 : i32 to index
      %swap3A_1564 = arith.constant 16 : index
      %swap3A_1565 = tpu.vector_load %arg19[%swap3A_1563, %swap3A_1564] {strides = array<i32>} : memref<16x128xf32, #tpu.memory_space<vmem>>, vector<1x16xf32>,
      %swap3A_1566 = vector.shape_cast %swap3A_1565 : vector<1x16xf32> to vector<16xf32>
      %swap3A_1567 = vector.shape_cast %get3A_1561 : vector<16xf32> to vector<1x16xf32>
      tpu.vector_store %arg19[%swap3A_1563, %swap3A_1564], %swap3A_1567 {strides = array<i32>} : memref<16x128xf32, #tpu.memory_space<vmem>>, vector<1x16xf32>,
      %get3A_1568 = arith.constant 8 : i32
      %get3A_1569 = arith.index_cast %get3A_1568 : i32 to index
      %get3A_1570 = arith.constant 32 : index
      %get3A_1571 = tpu.vector_load %arg13[%get3A_1569, %get3A_1570] {strides = array<i32>} : memref<256x128xf32, #tpu.memory_space<vmem>>, vector<1x16xf32>,
      %get3A_1572 = vector.shape_cast %get3A_1571 : vector<1x16xf32> to vector<16xf32>
      %swap3A_1573 = arith.constant 8 : i32
      %swap3A_1574 = arith.index_cast %swap3A_1573 : i32 to index
      %swap3A_1575 = arith.constant 32 : index
      %swap3A_1576 = tpu.vector_load %arg19[%swap3A_1574, %swap3A_1575] {strides = array<i32>} : memref<16x128xf32, #tpu.memory_space<vmem>>, vector<1x16xf32>,
      %swap3A_1577 = vector.shape_cast %swap3A_1576 : vector<1x16xf32> to vector<16xf32>
      %swap3A_1578 = vector.shape_cast %get3A_1572 : vector<16xf32> to vector<1x16xf32>
      tpu.vector_store %arg19[%swap3A_1574, %swap3A_1575], %swap3A_1578 {strides = array<i32>} : memref<16x128xf32, #tpu.memory_space<vmem>>, vector<1x16xf32>,
      %get3A_1579 = arith.constant 8 : i32
      %get3A_1580 = arith.index_cast %get3A_1579 : i32 to index
      %get3A_1581 = arith.constant 48 : index
      %get3A_1582 = tpu.vector_load %arg13[%get3A_1580, %get3A_1581] {strides = array<i32>} : memref<256x128xf32, #tpu.memory_space<vmem>>, vector<1x16xf32>,
      %get3A_1583 = vector.shape_cast %get3A_1582 : vector<1x16xf32> to vector<16xf32>
      %swap3A_1584 = arith.constant 8 : i32
      %swap3A_1585 = arith.index_cast %swap3A_1584 : i32 to index
      %swap3A_1586 = arith.constant 48 : index
      %swap3A_1587 = tpu.vector_load %arg19[%swap3A_1585, %swap3A_1586] {strides = array<i32>} : memref<16x128xf32, #tpu.memory_space<vmem>>, vector<1x16xf32>,
      %swap3A_1588 = vector.shape_cast %swap3A_1587 : vector<1x16xf32> to vector<16xf32>
      %swap3A_1589 = vector.shape_cast %get3A_1583 : vector<16xf32> to vector<1x16xf32>
      tpu.vector_store %arg19[%swap3A_1585, %swap3A_1586], %swap3A_1589 {strides = array<i32>} : memref<16x128xf32, #tpu.memory_space<vmem>>, vector<1x16xf32>,
      %get3A_1590 = arith.constant 8 : i32
      %get3A_1591 = arith.index_cast %get3A_1590 : i32 to index
      %get3A_1592 = arith.constant 64 : index
      %get3A_1593 = tpu.vector_load %arg13[%get3A_1591, %get3A_1592] {strides = array<i32>} : memref<256x128xf32, #tpu.memory_space<vmem>>, vector<1x16xf32>,
      %get3A_1594 = vector.shape_cast %get3A_1593 : vector<1x16xf32> to vector<16xf32>
      %swap3A_1595 = arith.constant 8 : i32
      %swap3A_1596 = arith.index_cast %swap3A_1595 : i32 to index
      %swap3A_1597 = arith.constant 64 : index
      %swap3A_1598 = tpu.vector_load %arg19[%swap3A_1596, %swap3A_1597] {strides = array<i32>} : memref<16x128xf32, #tpu.memory_space<vmem>>, vector<1x16xf32>,
      %swap3A_1599 = vector.shape_cast %swap3A_1598 : vector<1x16xf32> to vector<16xf32>
      %swap3A_1600 = vector.shape_cast %get3A_1594 : vector<16xf32> to vector<1x16xf32>
      tpu.vector_store %arg19[%swap3A_1596, %swap3A_1597], %swap3A_1600 {strides = array<i32>} : memref<16x128xf32, #tpu.memory_space<vmem>>, vector<1x16xf32>,
      %get3A_1601 = arith.constant 8 : i32
      %get3A_1602 = arith.index_cast %get3A_1601 : i32 to index
      %get3A_1603 = arith.constant 80 : index
      %get3A_1604 = tpu.vector_load %arg13[%get3A_1602, %get3A_1603] {strides = array<i32>} : memref<256x128xf32, #tpu.memory_space<vmem>>, vector<1x16xf32>,
      %get3A_1605 = vector.shape_cast %get3A_1604 : vector<1x16xf32> to vector<16xf32>
      %swap3A_1606 = arith.constant 8 : i32
      %swap3A_1607 = arith.index_cast %swap3A_1606 : i32 to index
      %swap3A_1608 = arith.constant 80 : index
      %swap3A_1609 = tpu.vector_load %arg19[%swap3A_1607, %swap3A_1608] {strides = array<i32>} : memref<16x128xf32, #tpu.memory_space<vmem>>, vector<1x16xf32>,
      %swap3A_1610 = vector.shape_cast %swap3A_1609 : vector<1x16xf32> to vector<16xf32>
      %swap3A_1611 = vector.shape_cast %get3A_1605 : vector<16xf32> to vector<1x16xf32>
      tpu.vector_store %arg19[%swap3A_1607, %swap3A_1608], %swap3A_1611 {strides = array<i32>} : memref<16x128xf32, #tpu.memory_space<vmem>>, vector<1x16xf32>,
      %get3A_1612 = arith.constant 8 : i32
      %get3A_1613 = arith.index_cast %get3A_1612 : i32 to index
      %get3A_1614 = arith.constant 96 : index
      %get3A_1615 = tpu.vector_load %arg13[%get3A_1613, %get3A_1614] {strides = array<i32>} : memref<256x128xf32, #tpu.memory_space<vmem>>, vector<1x16xf32>,
      %get3A_1616 = vector.shape_cast %get3A_1615 : vector<1x16xf32> to vector<16xf32>
      %swap3A_1617 = arith.constant 8 : i32
      %swap3A_1618 = arith.index_cast %swap3A_1617 : i32 to index
      %swap3A_1619 = arith.constant 96 : index
      %swap3A_1620 = tpu.vector_load %arg19[%swap3A_1618, %swap3A_1619] {strides = array<i32>} : memref<16x128xf32, #tpu.memory_space<vmem>>, vector<1x16xf32>,
      %swap3A_1621 = vector.shape_cast %swap3A_1620 : vector<1x16xf32> to vector<16xf32>
      %swap3A_1622 = vector.shape_cast %get3A_1616 : vector<16xf32> to vector<1x16xf32>
      tpu.vector_store %arg19[%swap3A_1618, %swap3A_1619], %swap3A_1622 {strides = array<i32>} : memref<16x128xf32, #tpu.memory_space<vmem>>, vector<1x16xf32>,
      %get3A_1623 = arith.constant 8 : i32
      %get3A_1624 = arith.index_cast %get3A_1623 : i32 to index
      %get3A_1625 = arith.constant 112 : index
      %get3A_1626 = tpu.vector_load %arg13[%get3A_1624, %get3A_1625] {strides = array<i32>} : memref<256x128xf32, #tpu.memory_space<vmem>>, vector<1x16xf32>,
      %get3A_1627 = vector.shape_cast %get3A_1626 : vector<1x16xf32> to vector<16xf32>
      %swap3A_1628 = arith.constant 8 : i32
      %swap3A_1629 = arith.index_cast %swap3A_1628 : i32 to index
      %swap3A_1630 = arith.constant 112 : index
      %swap3A_1631 = tpu.vector_load %arg19[%swap3A_1629, %swap3A_1630] {strides = array<i32>} : memref<16x128xf32, #tpu.memory_space<vmem>>, vector<1x16xf32>,
      %swap3A_1632 = vector.shape_cast %swap3A_1631 : vector<1x16xf32> to vector<16xf32>
      %swap3A_1633 = vector.shape_cast %get3A_1627 : vector<16xf32> to vector<1x16xf32>
      tpu.vector_store %arg19[%swap3A_1629, %swap3A_1630], %swap3A_1633 {strides = array<i32>} : memref<16x128xf32, #tpu.memory_space<vmem>>, vector<1x16xf32>,
      %get3A_1634 = arith.constant 40 : i32
      %get3A_1635 = arith.index_cast %get3A_1634 : i32 to index
      %get3A_1636 = arith.constant 0 : index
      %get3A_1637 = tpu.vector_load %arg13[%get3A_1635, %get3A_1636] {strides = array<i32>} : memref<256x128xf32, #tpu.memory_space<vmem>>, vector<1x16xf32>,
      %get3A_1638 = vector.shape_cast %get3A_1637 : vector<1x16xf32> to vector<16xf32>
      %swap3A_1639 = arith.constant 9 : i32
      %swap3A_1640 = arith.index_cast %swap3A_1639 : i32 to index
      %swap3A_1641 = arith.constant 0 : index
      %swap3A_1642 = tpu.vector_load %arg19[%swap3A_1640, %swap3A_1641] {strides = array<i32>} : memref<16x128xf32, #tpu.memory_space<vmem>>, vector<1x16xf32>,
      %swap3A_1643 = vector.shape_cast %swap3A_1642 : vector<1x16xf32> to vector<16xf32>
      %swap3A_1644 = vector.shape_cast %get3A_1638 : vector<16xf32> to vector<1x16xf32>
      tpu.vector_store %arg19[%swap3A_1640, %swap3A_1641], %swap3A_1644 {strides = array<i32>} : memref<16x128xf32, #tpu.memory_space<vmem>>, vector<1x16xf32>,
      %get3A_1645 = arith.constant 40 : i32
      %get3A_1646 = arith.index_cast %get3A_1645 : i32 to index
      %get3A_1647 = arith.constant 16 : index
      %get3A_1648 = tpu.vector_load %arg13[%get3A_1646, %get3A_1647] {strides = array<i32>} : memref<256x128xf32, #tpu.memory_space<vmem>>, vector<1x16xf32>,
      %get3A_1649 = vector.shape_cast %get3A_1648 : vector<1x16xf32> to vector<16xf32>
      %swap3A_1650 = arith.constant 9 : i32
      %swap3A_1651 = arith.index_cast %swap3A_1650 : i32 to index
      %swap3A_1652 = arith.constant 16 : index
      %swap3A_1653 = tpu.vector_load %arg19[%swap3A_1651, %swap3A_1652] {strides = array<i32>} : memref<16x128xf32, #tpu.memory_space<vmem>>, vector<1x16xf32>,
      %swap3A_1654 = vector.shape_cast %swap3A_1653 : vector<1x16xf32> to vector<16xf32>
      %swap3A_1655 = vector.shape_cast %get3A_1649 : vector<16xf32> to vector<1x16xf32>
      tpu.vector_store %arg19[%swap3A_1651, %swap3A_1652], %swap3A_1655 {strides = array<i32>} : memref<16x128xf32, #tpu.memory_space<vmem>>, vector<1x16xf32>,
      %get3A_1656 = arith.constant 40 : i32
      %get3A_1657 = arith.index_cast %get3A_1656 : i32 to index
      %get3A_1658 = arith.constant 32 : index
      %get3A_1659 = tpu.vector_load %arg13[%get3A_1657, %get3A_1658] {strides = array<i32>} : memref<256x128xf32, #tpu.memory_space<vmem>>, vector<1x16xf32>,
      %get3A_1660 = vector.shape_cast %get3A_1659 : vector<1x16xf32> to vector<16xf32>
      %swap3A_1661 = arith.constant 9 : i32
      %swap3A_1662 = arith.index_cast %swap3A_1661 : i32 to index
      %swap3A_1663 = arith.constant 32 : index
      %swap3A_1664 = tpu.vector_load %arg19[%swap3A_1662, %swap3A_1663] {strides = array<i32>} : memref<16x128xf32, #tpu.memory_space<vmem>>, vector<1x16xf32>,
      %swap3A_1665 = vector.shape_cast %swap3A_1664 : vector<1x16xf32> to vector<16xf32>
      %swap3A_1666 = vector.shape_cast %get3A_1660 : vector<16xf32> to vector<1x16xf32>
      tpu.vector_store %arg19[%swap3A_1662, %swap3A_1663], %swap3A_1666 {strides = array<i32>} : memref<16x128xf32, #tpu.memory_space<vmem>>, vector<1x16xf32>,
      %get3A_1667 = arith.constant 40 : i32
      %get3A_1668 = arith.index_cast %get3A_1667 : i32 to index
      %get3A_1669 = arith.constant 48 : index
      %get3A_1670 = tpu.vector_load %arg13[%get3A_1668, %get3A_1669] {strides = array<i32>} : memref<256x128xf32, #tpu.memory_space<vmem>>, vector<1x16xf32>,
      %get3A_1671 = vector.shape_cast %get3A_1670 : vector<1x16xf32> to vector<16xf32>
      %swap3A_1672 = arith.constant 9 : i32
      %swap3A_1673 = arith.index_cast %swap3A_1672 : i32 to index
      %swap3A_1674 = arith.constant 48 : index
      %swap3A_1675 = tpu.vector_load %arg19[%swap3A_1673, %swap3A_1674] {strides = array<i32>} : memref<16x128xf32, #tpu.memory_space<vmem>>, vector<1x16xf32>,
      %swap3A_1676 = vector.shape_cast %swap3A_1675 : vector<1x16xf32> to vector<16xf32>
      %swap3A_1677 = vector.shape_cast %get3A_1671 : vector<16xf32> to vector<1x16xf32>
      tpu.vector_store %arg19[%swap3A_1673, %swap3A_1674], %swap3A_1677 {strides = array<i32>} : memref<16x128xf32, #tpu.memory_space<vmem>>, vector<1x16xf32>,
      %get3A_1678 = arith.constant 40 : i32
      %get3A_1679 = arith.index_cast %get3A_1678 : i32 to index
      %get3A_1680 = arith.constant 64 : index
      %get3A_1681 = tpu.vector_load %arg13[%get3A_1679, %get3A_1680] {strides = array<i32>} : memref<256x128xf32, #tpu.memory_space<vmem>>, vector<1x16xf32>,
      %get3A_1682 = vector.shape_cast %get3A_1681 : vector<1x16xf32> to vector<16xf32>
      %swap3A_1683 = arith.constant 9 : i32
      %swap3A_1684 = arith.index_cast %swap3A_1683 : i32 to index
      %swap3A_1685 = arith.constant 64 : index
      %swap3A_1686 = tpu.vector_load %arg19[%swap3A_1684, %swap3A_1685] {strides = array<i32>} : memref<16x128xf32, #tpu.memory_space<vmem>>, vector<1x16xf32>,
      %swap3A_1687 = vector.shape_cast %swap3A_1686 : vector<1x16xf32> to vector<16xf32>
      %swap3A_1688 = vector.shape_cast %get3A_1682 : vector<16xf32> to vector<1x16xf32>
      tpu.vector_store %arg19[%swap3A_1684, %swap3A_1685], %swap3A_1688 {strides = array<i32>} : memref<16x128xf32, #tpu.memory_space<vmem>>, vector<1x16xf32>,
      %get3A_1689 = arith.constant 40 : i32
      %get3A_1690 = arith.index_cast %get3A_1689 : i32 to index
      %get3A_1691 = arith.constant 80 : index
      %get3A_1692 = tpu.vector_load %arg13[%get3A_1690, %get3A_1691] {strides = array<i32>} : memref<256x128xf32, #tpu.memory_space<vmem>>, vector<1x16xf32>,
      %get3A_1693 = vector.shape_cast %get3A_1692 : vector<1x16xf32> to vector<16xf32>
      %swap3A_1694 = arith.constant 9 : i32
      %swap3A_1695 = arith.index_cast %swap3A_1694 : i32 to index
      %swap3A_1696 = arith.constant 80 : index
      %swap3A_1697 = tpu.vector_load %arg19[%swap3A_1695, %swap3A_1696] {strides = array<i32>} : memref<16x128xf32, #tpu.memory_space<vmem>>, vector<1x16xf32>,
      %swap3A_1698 = vector.shape_cast %swap3A_1697 : vector<1x16xf32> to vector<16xf32>
      %swap3A_1699 = vector.shape_cast %get3A_1693 : vector<16xf32> to vector<1x16xf32>
      tpu.vector_store %arg19[%swap3A_1695, %swap3A_1696], %swap3A_1699 {strides = array<i32>} : memref<16x128xf32, #tpu.memory_space<vmem>>, vector<1x16xf32>,
      %get3A_1700 = arith.constant 40 : i32
      %get3A_1701 = arith.index_cast %get3A_1700 : i32 to index
      %get3A_1702 = arith.constant 96 : index
      %get3A_1703 = tpu.vector_load %arg13[%get3A_1701, %get3A_1702] {strides = array<i32>} : memref<256x128xf32, #tpu.memory_space<vmem>>, vector<1x16xf32>,
      %get3A_1704 = vector.shape_cast %get3A_1703 : vector<1x16xf32> to vector<16xf32>
      %swap3A_1705 = arith.constant 9 : i32
      %swap3A_1706 = arith.index_cast %swap3A_1705 : i32 to index
      %swap3A_1707 = arith.constant 96 : index
      %swap3A_1708 = tpu.vector_load %arg19[%swap3A_1706, %swap3A_1707] {strides = array<i32>} : memref<16x128xf32, #tpu.memory_space<vmem>>, vector<1x16xf32>,
      %swap3A_1709 = vector.shape_cast %swap3A_1708 : vector<1x16xf32> to vector<16xf32>
      %swap3A_1710 = vector.shape_cast %get3A_1704 : vector<16xf32> to vector<1x16xf32>
      tpu.vector_store %arg19[%swap3A_1706, %swap3A_1707], %swap3A_1710 {strides = array<i32>} : memref<16x128xf32, #tpu.memory_space<vmem>>, vector<1x16xf32>,
      %get3A_1711 = arith.constant 40 : i32
      %get3A_1712 = arith.index_cast %get3A_1711 : i32 to index
      %get3A_1713 = arith.constant 112 : index
      %get3A_1714 = tpu.vector_load %arg13[%get3A_1712, %get3A_1713] {strides = array<i32>} : memref<256x128xf32, #tpu.memory_space<vmem>>, vector<1x16xf32>,
      %get3A_1715 = vector.shape_cast %get3A_1714 : vector<1x16xf32> to vector<16xf32>
      %swap3A_1716 = arith.constant 9 : i32
      %swap3A_1717 = arith.index_cast %swap3A_1716 : i32 to index
      %swap3A_1718 = arith.constant 112 : index
      %swap3A_1719 = tpu.vector_load %arg19[%swap3A_1717, %swap3A_1718] {strides = array<i32>} : memref<16x128xf32, #tpu.memory_space<vmem>>, vector<1x16xf32>,
      %swap3A_1720 = vector.shape_cast %swap3A_1719 : vector<1x16xf32> to vector<16xf32>
      %swap3A_1721 = vector.shape_cast %get3A_1715 : vector<16xf32> to vector<1x16xf32>
      tpu.vector_store %arg19[%swap3A_1717, %swap3A_1718], %swap3A_1721 {strides = array<i32>} : memref<16x128xf32, #tpu.memory_space<vmem>>, vector<1x16xf32>,
      %get3A_1722 = arith.constant 72 : i32
      %get3A_1723 = arith.index_cast %get3A_1722 : i32 to index
      %get3A_1724 = arith.constant 0 : index
      %get3A_1725 = tpu.vector_load %arg13[%get3A_1723, %get3A_1724] {strides = array<i32>} : memref<256x128xf32, #tpu.memory_space<vmem>>, vector<1x16xf32>,
      %get3A_1726 = vector.shape_cast %get3A_1725 : vector<1x16xf32> to vector<16xf32>
      %swap3A_1727 = arith.constant 10 : i32
      %swap3A_1728 = arith.index_cast %swap3A_1727 : i32 to index
      %swap3A_1729 = arith.constant 0 : index
      %swap3A_1730 = tpu.vector_load %arg19[%swap3A_1728, %swap3A_1729] {strides = array<i32>} : memref<16x128xf32, #tpu.memory_space<vmem>>, vector<1x16xf32>,
      %swap3A_1731 = vector.shape_cast %swap3A_1730 : vector<1x16xf32> to vector<16xf32>
      %swap3A_1732 = vector.shape_cast %get3A_1726 : vector<16xf32> to vector<1x16xf32>
      tpu.vector_store %arg19[%swap3A_1728, %swap3A_1729], %swap3A_1732 {strides = array<i32>} : memref<16x128xf32, #tpu.memory_space<vmem>>, vector<1x16xf32>,
      %get3A_1733 = arith.constant 72 : i32
      %get3A_1734 = arith.index_cast %get3A_1733 : i32 to index
      %get3A_1735 = arith.constant 16 : index
      %get3A_1736 = tpu.vector_load %arg13[%get3A_1734, %get3A_1735] {strides = array<i32>} : memref<256x128xf32, #tpu.memory_space<vmem>>, vector<1x16xf32>,
      %get3A_1737 = vector.shape_cast %get3A_1736 : vector<1x16xf32> to vector<16xf32>
      %swap3A_1738 = arith.constant 10 : i32
      %swap3A_1739 = arith.index_cast %swap3A_1738 : i32 to index
      %swap3A_1740 = arith.constant 16 : index
      %swap3A_1741 = tpu.vector_load %arg19[%swap3A_1739, %swap3A_1740] {strides = array<i32>} : memref<16x128xf32, #tpu.memory_space<vmem>>, vector<1x16xf32>,
      %swap3A_1742 = vector.shape_cast %swap3A_1741 : vector<1x16xf32> to vector<16xf32>
      %swap3A_1743 = vector.shape_cast %get3A_1737 : vector<16xf32> to vector<1x16xf32>
      tpu.vector_store %arg19[%swap3A_1739, %swap3A_1740], %swap3A_1743 {strides = array<i32>} : memref<16x128xf32, #tpu.memory_space<vmem>>, vector<1x16xf32>,
      %get3A_1744 = arith.constant 72 : i32
      %get3A_1745 = arith.index_cast %get3A_1744 : i32 to index
      %get3A_1746 = arith.constant 32 : index
      %get3A_1747 = tpu.vector_load %arg13[%get3A_1745, %get3A_1746] {strides = array<i32>} : memref<256x128xf32, #tpu.memory_space<vmem>>, vector<1x16xf32>,
      %get3A_1748 = vector.shape_cast %get3A_1747 : vector<1x16xf32> to vector<16xf32>
      %swap3A_1749 = arith.constant 10 : i32
      %swap3A_1750 = arith.index_cast %swap3A_1749 : i32 to index
      %swap3A_1751 = arith.constant 32 : index
      %swap3A_1752 = tpu.vector_load %arg19[%swap3A_1750, %swap3A_1751] {strides = array<i32>} : memref<16x128xf32, #tpu.memory_space<vmem>>, vector<1x16xf32>,
      %swap3A_1753 = vector.shape_cast %swap3A_1752 : vector<1x16xf32> to vector<16xf32>
      %swap3A_1754 = vector.shape_cast %get3A_1748 : vector<16xf32> to vector<1x16xf32>
      tpu.vector_store %arg19[%swap3A_1750, %swap3A_1751], %swap3A_1754 {strides = array<i32>} : memref<16x128xf32, #tpu.memory_space<vmem>>, vector<1x16xf32>,
      %get3A_1755 = arith.constant 72 : i32
      %get3A_1756 = arith.index_cast %get3A_1755 : i32 to index
      %get3A_1757 = arith.constant 48 : index
      %get3A_1758 = tpu.vector_load %arg13[%get3A_1756, %get3A_1757] {strides = array<i32>} : memref<256x128xf32, #tpu.memory_space<vmem>>, vector<1x16xf32>,
      %get3A_1759 = vector.shape_cast %get3A_1758 : vector<1x16xf32> to vector<16xf32>
      %swap3A_1760 = arith.constant 10 : i32
      %swap3A_1761 = arith.index_cast %swap3A_1760 : i32 to index
      %swap3A_1762 = arith.constant 48 : index
      %swap3A_1763 = tpu.vector_load %arg19[%swap3A_1761, %swap3A_1762] {strides = array<i32>} : memref<16x128xf32, #tpu.memory_space<vmem>>, vector<1x16xf32>,
      %swap3A_1764 = vector.shape_cast %swap3A_1763 : vector<1x16xf32> to vector<16xf32>
      %swap3A_1765 = vector.shape_cast %get3A_1759 : vector<16xf32> to vector<1x16xf32>
      tpu.vector_store %arg19[%swap3A_1761, %swap3A_1762], %swap3A_1765 {strides = array<i32>} : memref<16x128xf32, #tpu.memory_space<vmem>>, vector<1x16xf32>,
      %get3A_1766 = arith.constant 72 : i32
      %get3A_1767 = arith.index_cast %get3A_1766 : i32 to index
      %get3A_1768 = arith.constant 64 : index
      %get3A_1769 = tpu.vector_load %arg13[%get3A_1767, %get3A_1768] {strides = array<i32>} : memref<256x128xf32, #tpu.memory_space<vmem>>, vector<1x16xf32>,
      %get3A_1770 = vector.shape_cast %get3A_1769 : vector<1x16xf32> to vector<16xf32>
      %swap3A_1771 = arith.constant 10 : i32
      %swap3A_1772 = arith.index_cast %swap3A_1771 : i32 to index
      %swap3A_1773 = arith.constant 64 : index
      %swap3A_1774 = tpu.vector_load %arg19[%swap3A_1772, %swap3A_1773] {strides = array<i32>} : memref<16x128xf32, #tpu.memory_space<vmem>>, vector<1x16xf32>,
      %swap3A_1775 = vector.shape_cast %swap3A_1774 : vector<1x16xf32> to vector<16xf32>
      %swap3A_1776 = vector.shape_cast %get3A_1770 : vector<16xf32> to vector<1x16xf32>
      tpu.vector_store %arg19[%swap3A_1772, %swap3A_1773], %swap3A_1776 {strides = array<i32>} : memref<16x128xf32, #tpu.memory_space<vmem>>, vector<1x16xf32>,
      %get3A_1777 = arith.constant 72 : i32
      %get3A_1778 = arith.index_cast %get3A_1777 : i32 to index
      %get3A_1779 = arith.constant 80 : index
      %get3A_1780 = tpu.vector_load %arg13[%get3A_1778, %get3A_1779] {strides = array<i32>} : memref<256x128xf32, #tpu.memory_space<vmem>>, vector<1x16xf32>,
      %get3A_1781 = vector.shape_cast %get3A_1780 : vector<1x16xf32> to vector<16xf32>
      %swap3A_1782 = arith.constant 10 : i32
      %swap3A_1783 = arith.index_cast %swap3A_1782 : i32 to index
      %swap3A_1784 = arith.constant 80 : index
      %swap3A_1785 = tpu.vector_load %arg19[%swap3A_1783, %swap3A_1784] {strides = array<i32>} : memref<16x128xf32, #tpu.memory_space<vmem>>, vector<1x16xf32>,
      %swap3A_1786 = vector.shape_cast %swap3A_1785 : vector<1x16xf32> to vector<16xf32>
      %swap3A_1787 = vector.shape_cast %get3A_1781 : vector<16xf32> to vector<1x16xf32>
      tpu.vector_store %arg19[%swap3A_1783, %swap3A_1784], %swap3A_1787 {strides = array<i32>} : memref<16x128xf32, #tpu.memory_space<vmem>>, vector<1x16xf32>,
      %get3A_1788 = arith.constant 72 : i32
      %get3A_1789 = arith.index_cast %get3A_1788 : i32 to index
      %get3A_1790 = arith.constant 96 : index
      %get3A_1791 = tpu.vector_load %arg13[%get3A_1789, %get3A_1790] {strides = array<i32>} : memref<256x128xf32, #tpu.memory_space<vmem>>, vector<1x16xf32>,
      %get3A_1792 = vector.shape_cast %get3A_1791 : vector<1x16xf32> to vector<16xf32>
      %swap3A_1793 = arith.constant 10 : i32
      %swap3A_1794 = arith.index_cast %swap3A_1793 : i32 to index
      %swap3A_1795 = arith.constant 96 : index
      %swap3A_1796 = tpu.vector_load %arg19[%swap3A_1794, %swap3A_1795] {strides = array<i32>} : memref<16x128xf32, #tpu.memory_space<vmem>>, vector<1x16xf32>,
      %swap3A_1797 = vector.shape_cast %swap3A_1796 : vector<1x16xf32> to vector<16xf32>
      %swap3A_1798 = vector.shape_cast %get3A_1792 : vector<16xf32> to vector<1x16xf32>
      tpu.vector_store %arg19[%swap3A_1794, %swap3A_1795], %swap3A_1798 {strides = array<i32>} : memref<16x128xf32, #tpu.memory_space<vmem>>, vector<1x16xf32>,
      %get3A_1799 = arith.constant 72 : i32
      %get3A_1800 = arith.index_cast %get3A_1799 : i32 to index
      %get3A_1801 = arith.constant 112 : index
      %get3A_1802 = tpu.vector_load %arg13[%get3A_1800, %get3A_1801] {strides = array<i32>} : memref<256x128xf32, #tpu.memory_space<vmem>>, vector<1x16xf32>,
      %get3A_1803 = vector.shape_cast %get3A_1802 : vector<1x16xf32> to vector<16xf32>
      %swap3A_1804 = arith.constant 10 : i32
      %swap3A_1805 = arith.index_cast %swap3A_1804 : i32 to index
      %swap3A_1806 = arith.constant 112 : index
      %swap3A_1807 = tpu.vector_load %arg19[%swap3A_1805, %swap3A_1806] {strides = array<i32>} : memref<16x128xf32, #tpu.memory_space<vmem>>, vector<1x16xf32>,
      %swap3A_1808 = vector.shape_cast %swap3A_1807 : vector<1x16xf32> to vector<16xf32>
      %swap3A_1809 = vector.shape_cast %get3A_1803 : vector<16xf32> to vector<1x16xf32>
      tpu.vector_store %arg19[%swap3A_1805, %swap3A_1806], %swap3A_1809 {strides = array<i32>} : memref<16x128xf32, #tpu.memory_space<vmem>>, vector<1x16xf32>,
      %get3A_1810 = arith.constant 104 : i32
      %get3A_1811 = arith.index_cast %get3A_1810 : i32 to index
      %get3A_1812 = arith.constant 0 : index
      %get3A_1813 = tpu.vector_load %arg13[%get3A_1811, %get3A_1812] {strides = array<i32>} : memref<256x128xf32, #tpu.memory_space<vmem>>, vector<1x16xf32>,
      %get3A_1814 = vector.shape_cast %get3A_1813 : vector<1x16xf32> to vector<16xf32>
      %swap3A_1815 = arith.constant 11 : i32
      %swap3A_1816 = arith.index_cast %swap3A_1815 : i32 to index
      %swap3A_1817 = arith.constant 0 : index
      %swap3A_1818 = tpu.vector_load %arg19[%swap3A_1816, %swap3A_1817] {strides = array<i32>} : memref<16x128xf32, #tpu.memory_space<vmem>>, vector<1x16xf32>,
      %swap3A_1819 = vector.shape_cast %swap3A_1818 : vector<1x16xf32> to vector<16xf32>
      %swap3A_1820 = vector.shape_cast %get3A_1814 : vector<16xf32> to vector<1x16xf32>
      tpu.vector_store %arg19[%swap3A_1816, %swap3A_1817], %swap3A_1820 {strides = array<i32>} : memref<16x128xf32, #tpu.memory_space<vmem>>, vector<1x16xf32>,
      %get3A_1821 = arith.constant 104 : i32
      %get3A_1822 = arith.index_cast %get3A_1821 : i32 to index
      %get3A_1823 = arith.constant 16 : index
      %get3A_1824 = tpu.vector_load %arg13[%get3A_1822, %get3A_1823] {strides = array<i32>} : memref<256x128xf32, #tpu.memory_space<vmem>>, vector<1x16xf32>,
      %get3A_1825 = vector.shape_cast %get3A_1824 : vector<1x16xf32> to vector<16xf32>
      %swap3A_1826 = arith.constant 11 : i32
      %swap3A_1827 = arith.index_cast %swap3A_1826 : i32 to index
      %swap3A_1828 = arith.constant 16 : index
      %swap3A_1829 = tpu.vector_load %arg19[%swap3A_1827, %swap3A_1828] {strides = array<i32>} : memref<16x128xf32, #tpu.memory_space<vmem>>, vector<1x16xf32>,
      %swap3A_1830 = vector.shape_cast %swap3A_1829 : vector<1x16xf32> to vector<16xf32>
      %swap3A_1831 = vector.shape_cast %get3A_1825 : vector<16xf32> to vector<1x16xf32>
      tpu.vector_store %arg19[%swap3A_1827, %swap3A_1828], %swap3A_1831 {strides = array<i32>} : memref<16x128xf32, #tpu.memory_space<vmem>>, vector<1x16xf32>,
      %get3A_1832 = arith.constant 104 : i32
      %get3A_1833 = arith.index_cast %get3A_1832 : i32 to index
      %get3A_1834 = arith.constant 32 : index
      %get3A_1835 = tpu.vector_load %arg13[%get3A_1833, %get3A_1834] {strides = array<i32>} : memref<256x128xf32, #tpu.memory_space<vmem>>, vector<1x16xf32>,
      %get3A_1836 = vector.shape_cast %get3A_1835 : vector<1x16xf32> to vector<16xf32>
      %swap3A_1837 = arith.constant 11 : i32
      %swap3A_1838 = arith.index_cast %swap3A_1837 : i32 to index
      %swap3A_1839 = arith.constant 32 : index
      %swap3A_1840 = tpu.vector_load %arg19[%swap3A_1838, %swap3A_1839] {strides = array<i32>} : memref<16x128xf32, #tpu.memory_space<vmem>>, vector<1x16xf32>,
      %swap3A_1841 = vector.shape_cast %swap3A_1840 : vector<1x16xf32> to vector<16xf32>
      %swap3A_1842 = vector.shape_cast %get3A_1836 : vector<16xf32> to vector<1x16xf32>
      tpu.vector_store %arg19[%swap3A_1838, %swap3A_1839], %swap3A_1842 {strides = array<i32>} : memref<16x128xf32, #tpu.memory_space<vmem>>, vector<1x16xf32>,
      %get3A_1843 = arith.constant 104 : i32
      %get3A_1844 = arith.index_cast %get3A_1843 : i32 to index
      %get3A_1845 = arith.constant 48 : index
      %get3A_1846 = tpu.vector_load %arg13[%get3A_1844, %get3A_1845] {strides = array<i32>} : memref<256x128xf32, #tpu.memory_space<vmem>>, vector<1x16xf32>,
      %get3A_1847 = vector.shape_cast %get3A_1846 : vector<1x16xf32> to vector<16xf32>
      %swap3A_1848 = arith.constant 11 : i32
      %swap3A_1849 = arith.index_cast %swap3A_1848 : i32 to index
      %swap3A_1850 = arith.constant 48 : index
      %swap3A_1851 = tpu.vector_load %arg19[%swap3A_1849, %swap3A_1850] {strides = array<i32>} : memref<16x128xf32, #tpu.memory_space<vmem>>, vector<1x16xf32>,
      %swap3A_1852 = vector.shape_cast %swap3A_1851 : vector<1x16xf32> to vector<16xf32>
      %swap3A_1853 = vector.shape_cast %get3A_1847 : vector<16xf32> to vector<1x16xf32>
      tpu.vector_store %arg19[%swap3A_1849, %swap3A_1850], %swap3A_1853 {strides = array<i32>} : memref<16x128xf32, #tpu.memory_space<vmem>>, vector<1x16xf32>,
      %get3A_1854 = arith.constant 104 : i32
      %get3A_1855 = arith.index_cast %get3A_1854 : i32 to index
      %get3A_1856 = arith.constant 64 : index
      %get3A_1857 = tpu.vector_load %arg13[%get3A_1855, %get3A_1856] {strides = array<i32>} : memref<256x128xf32, #tpu.memory_space<vmem>>, vector<1x16xf32>,
      %get3A_1858 = vector.shape_cast %get3A_1857 : vector<1x16xf32> to vector<16xf32>
      %swap3A_1859 = arith.constant 11 : i32
      %swap3A_1860 = arith.index_cast %swap3A_1859 : i32 to index
      %swap3A_1861 = arith.constant 64 : index
      %swap3A_1862 = tpu.vector_load %arg19[%swap3A_1860, %swap3A_1861] {strides = array<i32>} : memref<16x128xf32, #tpu.memory_space<vmem>>, vector<1x16xf32>,
      %swap3A_1863 = vector.shape_cast %swap3A_1862 : vector<1x16xf32> to vector<16xf32>
      %swap3A_1864 = vector.shape_cast %get3A_1858 : vector<16xf32> to vector<1x16xf32>
      tpu.vector_store %arg19[%swap3A_1860, %swap3A_1861], %swap3A_1864 {strides = array<i32>} : memref<16x128xf32, #tpu.memory_space<vmem>>, vector<1x16xf32>,
      %get3A_1865 = arith.constant 104 : i32
      %get3A_1866 = arith.index_cast %get3A_1865 : i32 to index
      %get3A_1867 = arith.constant 80 : index
      %get3A_1868 = tpu.vector_load %arg13[%get3A_1866, %get3A_1867] {strides = array<i32>} : memref<256x128xf32, #tpu.memory_space<vmem>>, vector<1x16xf32>,
      %get3A_1869 = vector.shape_cast %get3A_1868 : vector<1x16xf32> to vector<16xf32>
      %swap3A_1870 = arith.constant 11 : i32
      %swap3A_1871 = arith.index_cast %swap3A_1870 : i32 to index
      %swap3A_1872 = arith.constant 80 : index
      %swap3A_1873 = tpu.vector_load %arg19[%swap3A_1871, %swap3A_1872] {strides = array<i32>} : memref<16x128xf32, #tpu.memory_space<vmem>>, vector<1x16xf32>,
      %swap3A_1874 = vector.shape_cast %swap3A_1873 : vector<1x16xf32> to vector<16xf32>
      %swap3A_1875 = vector.shape_cast %get3A_1869 : vector<16xf32> to vector<1x16xf32>
      tpu.vector_store %arg19[%swap3A_1871, %swap3A_1872], %swap3A_1875 {strides = array<i32>} : memref<16x128xf32, #tpu.memory_space<vmem>>, vector<1x16xf32>,
      %get3A_1876 = arith.constant 104 : i32
      %get3A_1877 = arith.index_cast %get3A_1876 : i32 to index
      %get3A_1878 = arith.constant 96 : index
      %get3A_1879 = tpu.vector_load %arg13[%get3A_1877, %get3A_1878] {strides = array<i32>} : memref<256x128xf32, #tpu.memory_space<vmem>>, vector<1x16xf32>,
      %get3A_1880 = vector.shape_cast %get3A_1879 : vector<1x16xf32> to vector<16xf32>
      %swap3A_1881 = arith.constant 11 : i32
      %swap3A_1882 = arith.index_cast %swap3A_1881 : i32 to index
      %swap3A_1883 = arith.constant 96 : index
      %swap3A_1884 = tpu.vector_load %arg19[%swap3A_1882, %swap3A_1883] {strides = array<i32>} : memref<16x128xf32, #tpu.memory_space<vmem>>, vector<1x16xf32>,
      %swap3A_1885 = vector.shape_cast %swap3A_1884 : vector<1x16xf32> to vector<16xf32>
      %swap3A_1886 = vector.shape_cast %get3A_1880 : vector<16xf32> to vector<1x16xf32>
      tpu.vector_store %arg19[%swap3A_1882, %swap3A_1883], %swap3A_1886 {strides = array<i32>} : memref<16x128xf32, #tpu.memory_space<vmem>>, vector<1x16xf32>,
      %get3A_1887 = arith.constant 104 : i32
      %get3A_1888 = arith.index_cast %get3A_1887 : i32 to index
      %get3A_1889 = arith.constant 112 : index
      %get3A_1890 = tpu.vector_load %arg13[%get3A_1888, %get3A_1889] {strides = array<i32>} : memref<256x128xf32, #tpu.memory_space<vmem>>, vector<1x16xf32>,
      %get3A_1891 = vector.shape_cast %get3A_1890 : vector<1x16xf32> to vector<16xf32>
      %swap3A_1892 = arith.constant 11 : i32
      %swap3A_1893 = arith.index_cast %swap3A_1892 : i32 to index
      %swap3A_1894 = arith.constant 112 : index
      %swap3A_1895 = tpu.vector_load %arg19[%swap3A_1893, %swap3A_1894] {strides = array<i32>} : memref<16x128xf32, #tpu.memory_space<vmem>>, vector<1x16xf32>,
      %swap3A_1896 = vector.shape_cast %swap3A_1895 : vector<1x16xf32> to vector<16xf32>
      %swap3A_1897 = vector.shape_cast %get3A_1891 : vector<16xf32> to vector<1x16xf32>
      tpu.vector_store %arg19[%swap3A_1893, %swap3A_1894], %swap3A_1897 {strides = array<i32>} : memref<16x128xf32, #tpu.memory_space<vmem>>, vector<1x16xf32>,
      %get3A_1898 = arith.constant 136 : i32
      %get3A_1899 = arith.index_cast %get3A_1898 : i32 to index
      %get3A_1900 = arith.constant 0 : index
      %get3A_1901 = tpu.vector_load %arg13[%get3A_1899, %get3A_1900] {strides = array<i32>} : memref<256x128xf32, #tpu.memory_space<vmem>>, vector<1x16xf32>,
      %get3A_1902 = vector.shape_cast %get3A_1901 : vector<1x16xf32> to vector<16xf32>
      %swap3A_1903 = arith.constant 12 : i32
      %swap3A_1904 = arith.index_cast %swap3A_1903 : i32 to index
      %swap3A_1905 = arith.constant 0 : index
      %swap3A_1906 = tpu.vector_load %arg19[%swap3A_1904, %swap3A_1905] {strides = array<i32>} : memref<16x128xf32, #tpu.memory_space<vmem>>, vector<1x16xf32>,
      %swap3A_1907 = vector.shape_cast %swap3A_1906 : vector<1x16xf32> to vector<16xf32>
      %swap3A_1908 = vector.shape_cast %get3A_1902 : vector<16xf32> to vector<1x16xf32>
      tpu.vector_store %arg19[%swap3A_1904, %swap3A_1905], %swap3A_1908 {strides = array<i32>} : memref<16x128xf32, #tpu.memory_space<vmem>>, vector<1x16xf32>,
      %get3A_1909 = arith.constant 136 : i32
      %get3A_1910 = arith.index_cast %get3A_1909 : i32 to index
      %get3A_1911 = arith.constant 16 : index
      %get3A_1912 = tpu.vector_load %arg13[%get3A_1910, %get3A_1911] {strides = array<i32>} : memref<256x128xf32, #tpu.memory_space<vmem>>, vector<1x16xf32>,
      %get3A_1913 = vector.shape_cast %get3A_1912 : vector<1x16xf32> to vector<16xf32>
      %swap3A_1914 = arith.constant 12 : i32
      %swap3A_1915 = arith.index_cast %swap3A_1914 : i32 to index
      %swap3A_1916 = arith.constant 16 : index
      %swap3A_1917 = tpu.vector_load %arg19[%swap3A_1915, %swap3A_1916] {strides = array<i32>} : memref<16x128xf32, #tpu.memory_space<vmem>>, vector<1x16xf32>,
      %swap3A_1918 = vector.shape_cast %swap3A_1917 : vector<1x16xf32> to vector<16xf32>
      %swap3A_1919 = vector.shape_cast %get3A_1913 : vector<16xf32> to vector<1x16xf32>
      tpu.vector_store %arg19[%swap3A_1915, %swap3A_1916], %swap3A_1919 {strides = array<i32>} : memref<16x128xf32, #tpu.memory_space<vmem>>, vector<1x16xf32>,
      %get3A_1920 = arith.constant 136 : i32
      %get3A_1921 = arith.index_cast %get3A_1920 : i32 to index
      %get3A_1922 = arith.constant 32 : index
      %get3A_1923 = tpu.vector_load %arg13[%get3A_1921, %get3A_1922] {strides = array<i32>} : memref<256x128xf32, #tpu.memory_space<vmem>>, vector<1x16xf32>,
      %get3A_1924 = vector.shape_cast %get3A_1923 : vector<1x16xf32> to vector<16xf32>
      %swap3A_1925 = arith.constant 12 : i32
      %swap3A_1926 = arith.index_cast %swap3A_1925 : i32 to index
      %swap3A_1927 = arith.constant 32 : index
      %swap3A_1928 = tpu.vector_load %arg19[%swap3A_1926, %swap3A_1927] {strides = array<i32>} : memref<16x128xf32, #tpu.memory_space<vmem>>, vector<1x16xf32>,
      %swap3A_1929 = vector.shape_cast %swap3A_1928 : vector<1x16xf32> to vector<16xf32>
      %swap3A_1930 = vector.shape_cast %get3A_1924 : vector<16xf32> to vector<1x16xf32>
      tpu.vector_store %arg19[%swap3A_1926, %swap3A_1927], %swap3A_1930 {strides = array<i32>} : memref<16x128xf32, #tpu.memory_space<vmem>>, vector<1x16xf32>,
      %get3A_1931 = arith.constant 136 : i32
      %get3A_1932 = arith.index_cast %get3A_1931 : i32 to index
      %get3A_1933 = arith.constant 48 : index
      %get3A_1934 = tpu.vector_load %arg13[%get3A_1932, %get3A_1933] {strides = array<i32>} : memref<256x128xf32, #tpu.memory_space<vmem>>, vector<1x16xf32>,
      %get3A_1935 = vector.shape_cast %get3A_1934 : vector<1x16xf32> to vector<16xf32>
      %swap3A_1936 = arith.constant 12 : i32
      %swap3A_1937 = arith.index_cast %swap3A_1936 : i32 to index
      %swap3A_1938 = arith.constant 48 : index
      %swap3A_1939 = tpu.vector_load %arg19[%swap3A_1937, %swap3A_1938] {strides = array<i32>} : memref<16x128xf32, #tpu.memory_space<vmem>>, vector<1x16xf32>,
      %swap3A_1940 = vector.shape_cast %swap3A_1939 : vector<1x16xf32> to vector<16xf32>
      %swap3A_1941 = vector.shape_cast %get3A_1935 : vector<16xf32> to vector<1x16xf32>
      tpu.vector_store %arg19[%swap3A_1937, %swap3A_1938], %swap3A_1941 {strides = array<i32>} : memref<16x128xf32, #tpu.memory_space<vmem>>, vector<1x16xf32>,
      %get3A_1942 = arith.constant 136 : i32
      %get3A_1943 = arith.index_cast %get3A_1942 : i32 to index
      %get3A_1944 = arith.constant 64 : index
      %get3A_1945 = tpu.vector_load %arg13[%get3A_1943, %get3A_1944] {strides = array<i32>} : memref<256x128xf32, #tpu.memory_space<vmem>>, vector<1x16xf32>,
      %get3A_1946 = vector.shape_cast %get3A_1945 : vector<1x16xf32> to vector<16xf32>
      %swap3A_1947 = arith.constant 12 : i32
      %swap3A_1948 = arith.index_cast %swap3A_1947 : i32 to index
      %swap3A_1949 = arith.constant 64 : index
      %swap3A_1950 = tpu.vector_load %arg19[%swap3A_1948, %swap3A_1949] {strides = array<i32>} : memref<16x128xf32, #tpu.memory_space<vmem>>, vector<1x16xf32>,
      %swap3A_1951 = vector.shape_cast %swap3A_1950 : vector<1x16xf32> to vector<16xf32>
      %swap3A_1952 = vector.shape_cast %get3A_1946 : vector<16xf32> to vector<1x16xf32>
      tpu.vector_store %arg19[%swap3A_1948, %swap3A_1949], %swap3A_1952 {strides = array<i32>} : memref<16x128xf32, #tpu.memory_space<vmem>>, vector<1x16xf32>,
      %get3A_1953 = arith.constant 136 : i32
      %get3A_1954 = arith.index_cast %get3A_1953 : i32 to index
      %get3A_1955 = arith.constant 80 : index
      %get3A_1956 = tpu.vector_load %arg13[%get3A_1954, %get3A_1955] {strides = array<i32>} : memref<256x128xf32, #tpu.memory_space<vmem>>, vector<1x16xf32>,
      %get3A_1957 = vector.shape_cast %get3A_1956 : vector<1x16xf32> to vector<16xf32>
      %swap3A_1958 = arith.constant 12 : i32
      %swap3A_1959 = arith.index_cast %swap3A_1958 : i32 to index
      %swap3A_1960 = arith.constant 80 : index
      %swap3A_1961 = tpu.vector_load %arg19[%swap3A_1959, %swap3A_1960] {strides = array<i32>} : memref<16x128xf32, #tpu.memory_space<vmem>>, vector<1x16xf32>,
      %swap3A_1962 = vector.shape_cast %swap3A_1961 : vector<1x16xf32> to vector<16xf32>
      %swap3A_1963 = vector.shape_cast %get3A_1957 : vector<16xf32> to vector<1x16xf32>
      tpu.vector_store %arg19[%swap3A_1959, %swap3A_1960], %swap3A_1963 {strides = array<i32>} : memref<16x128xf32, #tpu.memory_space<vmem>>, vector<1x16xf32>,
      %get3A_1964 = arith.constant 136 : i32
      %get3A_1965 = arith.index_cast %get3A_1964 : i32 to index
      %get3A_1966 = arith.constant 96 : index
      %get3A_1967 = tpu.vector_load %arg13[%get3A_1965, %get3A_1966] {strides = array<i32>} : memref<256x128xf32, #tpu.memory_space<vmem>>, vector<1x16xf32>,
      %get3A_1968 = vector.shape_cast %get3A_1967 : vector<1x16xf32> to vector<16xf32>
      %swap3A_1969 = arith.constant 12 : i32
      %swap3A_1970 = arith.index_cast %swap3A_1969 : i32 to index
      %swap3A_1971 = arith.constant 96 : index
      %swap3A_1972 = tpu.vector_load %arg19[%swap3A_1970, %swap3A_1971] {strides = array<i32>} : memref<16x128xf32, #tpu.memory_space<vmem>>, vector<1x16xf32>,
      %swap3A_1973 = vector.shape_cast %swap3A_1972 : vector<1x16xf32> to vector<16xf32>
      %swap3A_1974 = vector.shape_cast %get3A_1968 : vector<16xf32> to vector<1x16xf32>
      tpu.vector_store %arg19[%swap3A_1970, %swap3A_1971], %swap3A_1974 {strides = array<i32>} : memref<16x128xf32, #tpu.memory_space<vmem>>, vector<1x16xf32>,
      %get3A_1975 = arith.constant 136 : i32
      %get3A_1976 = arith.index_cast %get3A_1975 : i32 to index
      %get3A_1977 = arith.constant 112 : index
      %get3A_1978 = tpu.vector_load %arg13[%get3A_1976, %get3A_1977] {strides = array<i32>} : memref<256x128xf32, #tpu.memory_space<vmem>>, vector<1x16xf32>,
      %get3A_1979 = vector.shape_cast %get3A_1978 : vector<1x16xf32> to vector<16xf32>
      %swap3A_1980 = arith.constant 12 : i32
      %swap3A_1981 = arith.index_cast %swap3A_1980 : i32 to index
      %swap3A_1982 = arith.constant 112 : index
      %swap3A_1983 = tpu.vector_load %arg19[%swap3A_1981, %swap3A_1982] {strides = array<i32>} : memref<16x128xf32, #tpu.memory_space<vmem>>, vector<1x16xf32>,
      %swap3A_1984 = vector.shape_cast %swap3A_1983 : vector<1x16xf32> to vector<16xf32>
      %swap3A_1985 = vector.shape_cast %get3A_1979 : vector<16xf32> to vector<1x16xf32>
      tpu.vector_store %arg19[%swap3A_1981, %swap3A_1982], %swap3A_1985 {strides = array<i32>} : memref<16x128xf32, #tpu.memory_space<vmem>>, vector<1x16xf32>,
      %get3A_1986 = arith.constant 168 : i32
      %get3A_1987 = arith.index_cast %get3A_1986 : i32 to index
      %get3A_1988 = arith.constant 0 : index
      %get3A_1989 = tpu.vector_load %arg13[%get3A_1987, %get3A_1988] {strides = array<i32>} : memref<256x128xf32, #tpu.memory_space<vmem>>, vector<1x16xf32>,
      %get3A_1990 = vector.shape_cast %get3A_1989 : vector<1x16xf32> to vector<16xf32>
      %swap3A_1991 = arith.constant 13 : i32
      %swap3A_1992 = arith.index_cast %swap3A_1991 : i32 to index
      %swap3A_1993 = arith.constant 0 : index
      %swap3A_1994 = tpu.vector_load %arg19[%swap3A_1992, %swap3A_1993] {strides = array<i32>} : memref<16x128xf32, #tpu.memory_space<vmem>>, vector<1x16xf32>,
      %swap3A_1995 = vector.shape_cast %swap3A_1994 : vector<1x16xf32> to vector<16xf32>
      %swap3A_1996 = vector.shape_cast %get3A_1990 : vector<16xf32> to vector<1x16xf32>
      tpu.vector_store %arg19[%swap3A_1992, %swap3A_1993], %swap3A_1996 {strides = array<i32>} : memref<16x128xf32, #tpu.memory_space<vmem>>, vector<1x16xf32>,
      %get3A_1997 = arith.constant 168 : i32
      %get3A_1998 = arith.index_cast %get3A_1997 : i32 to index
      %get3A_1999 = arith.constant 16 : index
      %get3A_2000 = tpu.vector_load %arg13[%get3A_1998, %get3A_1999] {strides = array<i32>} : memref<256x128xf32, #tpu.memory_space<vmem>>, vector<1x16xf32>,
      %get3A_2001 = vector.shape_cast %get3A_2000 : vector<1x16xf32> to vector<16xf32>
      %swap3A_2002 = arith.constant 13 : i32
      %swap3A_2003 = arith.index_cast %swap3A_2002 : i32 to index
      %swap3A_2004 = arith.constant 16 : index
      %swap3A_2005 = tpu.vector_load %arg19[%swap3A_2003, %swap3A_2004] {strides = array<i32>} : memref<16x128xf32, #tpu.memory_space<vmem>>, vector<1x16xf32>,
      %swap3A_2006 = vector.shape_cast %swap3A_2005 : vector<1x16xf32> to vector<16xf32>
      %swap3A_2007 = vector.shape_cast %get3A_2001 : vector<16xf32> to vector<1x16xf32>
      tpu.vector_store %arg19[%swap3A_2003, %swap3A_2004], %swap3A_2007 {strides = array<i32>} : memref<16x128xf32, #tpu.memory_space<vmem>>, vector<1x16xf32>,
      %get3A_2008 = arith.constant 168 : i32
      %get3A_2009 = arith.index_cast %get3A_2008 : i32 to index
      %get3A_2010 = arith.constant 32 : index
      %get3A_2011 = tpu.vector_load %arg13[%get3A_2009, %get3A_2010] {strides = array<i32>} : memref<256x128xf32, #tpu.memory_space<vmem>>, vector<1x16xf32>,
      %get3A_2012 = vector.shape_cast %get3A_2011 : vector<1x16xf32> to vector<16xf32>
      %swap3A_2013 = arith.constant 13 : i32
      %swap3A_2014 = arith.index_cast %swap3A_2013 : i32 to index
      %swap3A_2015 = arith.constant 32 : index
      %swap3A_2016 = tpu.vector_load %arg19[%swap3A_2014, %swap3A_2015] {strides = array<i32>} : memref<16x128xf32, #tpu.memory_space<vmem>>, vector<1x16xf32>,
      %swap3A_2017 = vector.shape_cast %swap3A_2016 : vector<1x16xf32> to vector<16xf32>
      %swap3A_2018 = vector.shape_cast %get3A_2012 : vector<16xf32> to vector<1x16xf32>
      tpu.vector_store %arg19[%swap3A_2014, %swap3A_2015], %swap3A_2018 {strides = array<i32>} : memref<16x128xf32, #tpu.memory_space<vmem>>, vector<1x16xf32>,
      %get3A_2019 = arith.constant 168 : i32
      %get3A_2020 = arith.index_cast %get3A_2019 : i32 to index
      %get3A_2021 = arith.constant 48 : index
      %get3A_2022 = tpu.vector_load %arg13[%get3A_2020, %get3A_2021] {strides = array<i32>} : memref<256x128xf32, #tpu.memory_space<vmem>>, vector<1x16xf32>,
      %get3A_2023 = vector.shape_cast %get3A_2022 : vector<1x16xf32> to vector<16xf32>
      %swap3A_2024 = arith.constant 13 : i32
      %swap3A_2025 = arith.index_cast %swap3A_2024 : i32 to index
      %swap3A_2026 = arith.constant 48 : index
      %swap3A_2027 = tpu.vector_load %arg19[%swap3A_2025, %swap3A_2026] {strides = array<i32>} : memref<16x128xf32, #tpu.memory_space<vmem>>, vector<1x16xf32>,
      %swap3A_2028 = vector.shape_cast %swap3A_2027 : vector<1x16xf32> to vector<16xf32>
      %swap3A_2029 = vector.shape_cast %get3A_2023 : vector<16xf32> to vector<1x16xf32>
      tpu.vector_store %arg19[%swap3A_2025, %swap3A_2026], %swap3A_2029 {strides = array<i32>} : memref<16x128xf32, #tpu.memory_space<vmem>>, vector<1x16xf32>,
      %get3A_2030 = arith.constant 168 : i32
      %get3A_2031 = arith.index_cast %get3A_2030 : i32 to index
      %get3A_2032 = arith.constant 64 : index
      %get3A_2033 = tpu.vector_load %arg13[%get3A_2031, %get3A_2032] {strides = array<i32>} : memref<256x128xf32, #tpu.memory_space<vmem>>, vector<1x16xf32>,
      %get3A_2034 = vector.shape_cast %get3A_2033 : vector<1x16xf32> to vector<16xf32>
      %swap3A_2035 = arith.constant 13 : i32
      %swap3A_2036 = arith.index_cast %swap3A_2035 : i32 to index
      %swap3A_2037 = arith.constant 64 : index
      %swap3A_2038 = tpu.vector_load %arg19[%swap3A_2036, %swap3A_2037] {strides = array<i32>} : memref<16x128xf32, #tpu.memory_space<vmem>>, vector<1x16xf32>,
      %swap3A_2039 = vector.shape_cast %swap3A_2038 : vector<1x16xf32> to vector<16xf32>
      %swap3A_2040 = vector.shape_cast %get3A_2034 : vector<16xf32> to vector<1x16xf32>
      tpu.vector_store %arg19[%swap3A_2036, %swap3A_2037], %swap3A_2040 {strides = array<i32>} : memref<16x128xf32, #tpu.memory_space<vmem>>, vector<1x16xf32>,
      %get3A_2041 = arith.constant 168 : i32
      %get3A_2042 = arith.index_cast %get3A_2041 : i32 to index
      %get3A_2043 = arith.constant 80 : index
      %get3A_2044 = tpu.vector_load %arg13[%get3A_2042, %get3A_2043] {strides = array<i32>} : memref<256x128xf32, #tpu.memory_space<vmem>>, vector<1x16xf32>,
      %get3A_2045 = vector.shape_cast %get3A_2044 : vector<1x16xf32> to vector<16xf32>
      %swap3A_2046 = arith.constant 13 : i32
      %swap3A_2047 = arith.index_cast %swap3A_2046 : i32 to index
      %swap3A_2048 = arith.constant 80 : index
      %swap3A_2049 = tpu.vector_load %arg19[%swap3A_2047, %swap3A_2048] {strides = array<i32>} : memref<16x128xf32, #tpu.memory_space<vmem>>, vector<1x16xf32>,
      %swap3A_2050 = vector.shape_cast %swap3A_2049 : vector<1x16xf32> to vector<16xf32>
      %swap3A_2051 = vector.shape_cast %get3A_2045 : vector<16xf32> to vector<1x16xf32>
      tpu.vector_store %arg19[%swap3A_2047, %swap3A_2048], %swap3A_2051 {strides = array<i32>} : memref<16x128xf32, #tpu.memory_space<vmem>>, vector<1x16xf32>,
      %get3A_2052 = arith.constant 168 : i32
      %get3A_2053 = arith.index_cast %get3A_2052 : i32 to index
      %get3A_2054 = arith.constant 96 : index
      %get3A_2055 = tpu.vector_load %arg13[%get3A_2053, %get3A_2054] {strides = array<i32>} : memref<256x128xf32, #tpu.memory_space<vmem>>, vector<1x16xf32>,
      %get3A_2056 = vector.shape_cast %get3A_2055 : vector<1x16xf32> to vector<16xf32>
      %swap3A_2057 = arith.constant 13 : i32
      %swap3A_2058 = arith.index_cast %swap3A_2057 : i32 to index
      %swap3A_2059 = arith.constant 96 : index
      %swap3A_2060 = tpu.vector_load %arg19[%swap3A_2058, %swap3A_2059] {strides = array<i32>} : memref<16x128xf32, #tpu.memory_space<vmem>>, vector<1x16xf32>,
      %swap3A_2061 = vector.shape_cast %swap3A_2060 : vector<1x16xf32> to vector<16xf32>
      %swap3A_2062 = vector.shape_cast %get3A_2056 : vector<16xf32> to vector<1x16xf32>
      tpu.vector_store %arg19[%swap3A_2058, %swap3A_2059], %swap3A_2062 {strides = array<i32>} : memref<16x128xf32, #tpu.memory_space<vmem>>, vector<1x16xf32>,
      %get3A_2063 = arith.constant 168 : i32
      %get3A_2064 = arith.index_cast %get3A_2063 : i32 to index
      %get3A_2065 = arith.constant 112 : index
      %get3A_2066 = tpu.vector_load %arg13[%get3A_2064, %get3A_2065] {strides = array<i32>} : memref<256x128xf32, #tpu.memory_space<vmem>>, vector<1x16xf32>,
      %get3A_2067 = vector.shape_cast %get3A_2066 : vector<1x16xf32> to vector<16xf32>
      %swap3A_2068 = arith.constant 13 : i32
      %swap3A_2069 = arith.index_cast %swap3A_2068 : i32 to index
      %swap3A_2070 = arith.constant 112 : index
      %swap3A_2071 = tpu.vector_load %arg19[%swap3A_2069, %swap3A_2070] {strides = array<i32>} : memref<16x128xf32, #tpu.memory_space<vmem>>, vector<1x16xf32>,
      %swap3A_2072 = vector.shape_cast %swap3A_2071 : vector<1x16xf32> to vector<16xf32>
      %swap3A_2073 = vector.shape_cast %get3A_2067 : vector<16xf32> to vector<1x16xf32>
      tpu.vector_store %arg19[%swap3A_2069, %swap3A_2070], %swap3A_2073 {strides = array<i32>} : memref<16x128xf32, #tpu.memory_space<vmem>>, vector<1x16xf32>,
      %get3A_2074 = arith.constant 200 : i32
      %get3A_2075 = arith.index_cast %get3A_2074 : i32 to index
      %get3A_2076 = arith.constant 0 : index
      %get3A_2077 = tpu.vector_load %arg13[%get3A_2075, %get3A_2076] {strides = array<i32>} : memref<256x128xf32, #tpu.memory_space<vmem>>, vector<1x16xf32>,
      %get3A_2078 = vector.shape_cast %get3A_2077 : vector<1x16xf32> to vector<16xf32>
      %swap3A_2079 = arith.constant 14 : i32
      %swap3A_2080 = arith.index_cast %swap3A_2079 : i32 to index
      %swap3A_2081 = arith.constant 0 : index
      %swap3A_2082 = tpu.vector_load %arg19[%swap3A_2080, %swap3A_2081] {strides = array<i32>} : memref<16x128xf32, #tpu.memory_space<vmem>>, vector<1x16xf32>,
      %swap3A_2083 = vector.shape_cast %swap3A_2082 : vector<1x16xf32> to vector<16xf32>
      %swap3A_2084 = vector.shape_cast %get3A_2078 : vector<16xf32> to vector<1x16xf32>
      tpu.vector_store %arg19[%swap3A_2080, %swap3A_2081], %swap3A_2084 {strides = array<i32>} : memref<16x128xf32, #tpu.memory_space<vmem>>, vector<1x16xf32>,
      %get3A_2085 = arith.constant 200 : i32
      %get3A_2086 = arith.index_cast %get3A_2085 : i32 to index
      %get3A_2087 = arith.constant 16 : index
      %get3A_2088 = tpu.vector_load %arg13[%get3A_2086, %get3A_2087] {strides = array<i32>} : memref<256x128xf32, #tpu.memory_space<vmem>>, vector<1x16xf32>,
      %get3A_2089 = vector.shape_cast %get3A_2088 : vector<1x16xf32> to vector<16xf32>
      %swap3A_2090 = arith.constant 14 : i32
      %swap3A_2091 = arith.index_cast %swap3A_2090 : i32 to index
      %swap3A_2092 = arith.constant 16 : index
      %swap3A_2093 = tpu.vector_load %arg19[%swap3A_2091, %swap3A_2092] {strides = array<i32>} : memref<16x128xf32, #tpu.memory_space<vmem>>, vector<1x16xf32>,
      %swap3A_2094 = vector.shape_cast %swap3A_2093 : vector<1x16xf32> to vector<16xf32>
      %swap3A_2095 = vector.shape_cast %get3A_2089 : vector<16xf32> to vector<1x16xf32>
      tpu.vector_store %arg19[%swap3A_2091, %swap3A_2092], %swap3A_2095 {strides = array<i32>} : memref<16x128xf32, #tpu.memory_space<vmem>>, vector<1x16xf32>,
      %get3A_2096 = arith.constant 200 : i32
      %get3A_2097 = arith.index_cast %get3A_2096 : i32 to index
      %get3A_2098 = arith.constant 32 : index
      %get3A_2099 = tpu.vector_load %arg13[%get3A_2097, %get3A_2098] {strides = array<i32>} : memref<256x128xf32, #tpu.memory_space<vmem>>, vector<1x16xf32>,
      %get3A_2100 = vector.shape_cast %get3A_2099 : vector<1x16xf32> to vector<16xf32>
      %swap3A_2101 = arith.constant 14 : i32
      %swap3A_2102 = arith.index_cast %swap3A_2101 : i32 to index
      %swap3A_2103 = arith.constant 32 : index
      %swap3A_2104 = tpu.vector_load %arg19[%swap3A_2102, %swap3A_2103] {strides = array<i32>} : memref<16x128xf32, #tpu.memory_space<vmem>>, vector<1x16xf32>,
      %swap3A_2105 = vector.shape_cast %swap3A_2104 : vector<1x16xf32> to vector<16xf32>
      %swap3A_2106 = vector.shape_cast %get3A_2100 : vector<16xf32> to vector<1x16xf32>
      tpu.vector_store %arg19[%swap3A_2102, %swap3A_2103], %swap3A_2106 {strides = array<i32>} : memref<16x128xf32, #tpu.memory_space<vmem>>, vector<1x16xf32>,
      %get3A_2107 = arith.constant 200 : i32
      %get3A_2108 = arith.index_cast %get3A_2107 : i32 to index
      %get3A_2109 = arith.constant 48 : index
      %get3A_2110 = tpu.vector_load %arg13[%get3A_2108, %get3A_2109] {strides = array<i32>} : memref<256x128xf32, #tpu.memory_space<vmem>>, vector<1x16xf32>,
      %get3A_2111 = vector.shape_cast %get3A_2110 : vector<1x16xf32> to vector<16xf32>
      %swap3A_2112 = arith.constant 14 : i32
      %swap3A_2113 = arith.index_cast %swap3A_2112 : i32 to index
      %swap3A_2114 = arith.constant 48 : index
      %swap3A_2115 = tpu.vector_load %arg19[%swap3A_2113, %swap3A_2114] {strides = array<i32>} : memref<16x128xf32, #tpu.memory_space<vmem>>, vector<1x16xf32>,
      %swap3A_2116 = vector.shape_cast %swap3A_2115 : vector<1x16xf32> to vector<16xf32>
      %swap3A_2117 = vector.shape_cast %get3A_2111 : vector<16xf32> to vector<1x16xf32>
      tpu.vector_store %arg19[%swap3A_2113, %swap3A_2114], %swap3A_2117 {strides = array<i32>} : memref<16x128xf32, #tpu.memory_space<vmem>>, vector<1x16xf32>,
      %get3A_2118 = arith.constant 200 : i32
      %get3A_2119 = arith.index_cast %get3A_2118 : i32 to index
      %get3A_2120 = arith.constant 64 : index
      %get3A_2121 = tpu.vector_load %arg13[%get3A_2119, %get3A_2120] {strides = array<i32>} : memref<256x128xf32, #tpu.memory_space<vmem>>, vector<1x16xf32>,
      %get3A_2122 = vector.shape_cast %get3A_2121 : vector<1x16xf32> to vector<16xf32>
      %swap3A_2123 = arith.constant 14 : i32
      %swap3A_2124 = arith.index_cast %swap3A_2123 : i32 to index
      %swap3A_2125 = arith.constant 64 : index
      %swap3A_2126 = tpu.vector_load %arg19[%swap3A_2124, %swap3A_2125] {strides = array<i32>} : memref<16x128xf32, #tpu.memory_space<vmem>>, vector<1x16xf32>,
      %swap3A_2127 = vector.shape_cast %swap3A_2126 : vector<1x16xf32> to vector<16xf32>
      %swap3A_2128 = vector.shape_cast %get3A_2122 : vector<16xf32> to vector<1x16xf32>
      tpu.vector_store %arg19[%swap3A_2124, %swap3A_2125], %swap3A_2128 {strides = array<i32>} : memref<16x128xf32, #tpu.memory_space<vmem>>, vector<1x16xf32>,
      %get3A_2129 = arith.constant 200 : i32
      %get3A_2130 = arith.index_cast %get3A_2129 : i32 to index
      %get3A_2131 = arith.constant 80 : index
      %get3A_2132 = tpu.vector_load %arg13[%get3A_2130, %get3A_2131] {strides = array<i32>} : memref<256x128xf32, #tpu.memory_space<vmem>>, vector<1x16xf32>,
      %get3A_2133 = vector.shape_cast %get3A_2132 : vector<1x16xf32> to vector<16xf32>
      %swap3A_2134 = arith.constant 14 : i32
      %swap3A_2135 = arith.index_cast %swap3A_2134 : i32 to index
      %swap3A_2136 = arith.constant 80 : index
      %swap3A_2137 = tpu.vector_load %arg19[%swap3A_2135, %swap3A_2136] {strides = array<i32>} : memref<16x128xf32, #tpu.memory_space<vmem>>, vector<1x16xf32>,
      %swap3A_2138 = vector.shape_cast %swap3A_2137 : vector<1x16xf32> to vector<16xf32>
      %swap3A_2139 = vector.shape_cast %get3A_2133 : vector<16xf32> to vector<1x16xf32>
      tpu.vector_store %arg19[%swap3A_2135, %swap3A_2136], %swap3A_2139 {strides = array<i32>} : memref<16x128xf32, #tpu.memory_space<vmem>>, vector<1x16xf32>,
      %get3A_2140 = arith.constant 200 : i32
      %get3A_2141 = arith.index_cast %get3A_2140 : i32 to index
      %get3A_2142 = arith.constant 96 : index
      %get3A_2143 = tpu.vector_load %arg13[%get3A_2141, %get3A_2142] {strides = array<i32>} : memref<256x128xf32, #tpu.memory_space<vmem>>, vector<1x16xf32>,
      %get3A_2144 = vector.shape_cast %get3A_2143 : vector<1x16xf32> to vector<16xf32>
      %swap3A_2145 = arith.constant 14 : i32
      %swap3A_2146 = arith.index_cast %swap3A_2145 : i32 to index
      %swap3A_2147 = arith.constant 96 : index
      %swap3A_2148 = tpu.vector_load %arg19[%swap3A_2146, %swap3A_2147] {strides = array<i32>} : memref<16x128xf32, #tpu.memory_space<vmem>>, vector<1x16xf32>,
      %swap3A_2149 = vector.shape_cast %swap3A_2148 : vector<1x16xf32> to vector<16xf32>
      %swap3A_2150 = vector.shape_cast %get3A_2144 : vector<16xf32> to vector<1x16xf32>
      tpu.vector_store %arg19[%swap3A_2146, %swap3A_2147], %swap3A_2150 {strides = array<i32>} : memref<16x128xf32, #tpu.memory_space<vmem>>, vector<1x16xf32>,
      %get3A_2151 = arith.constant 200 : i32
      %get3A_2152 = arith.index_cast %get3A_2151 : i32 to index
      %get3A_2153 = arith.constant 112 : index
      %get3A_2154 = tpu.vector_load %arg13[%get3A_2152, %get3A_2153] {strides = array<i32>} : memref<256x128xf32, #tpu.memory_space<vmem>>, vector<1x16xf32>,
      %get3A_2155 = vector.shape_cast %get3A_2154 : vector<1x16xf32> to vector<16xf32>
      %swap3A_2156 = arith.constant 14 : i32
      %swap3A_2157 = arith.index_cast %swap3A_2156 : i32 to index
      %swap3A_2158 = arith.constant 112 : index
      %swap3A_2159 = tpu.vector_load %arg19[%swap3A_2157, %swap3A_2158] {strides = array<i32>} : memref<16x128xf32, #tpu.memory_space<vmem>>, vector<1x16xf32>,
      %swap3A_2160 = vector.shape_cast %swap3A_2159 : vector<1x16xf32> to vector<16xf32>
      %swap3A_2161 = vector.shape_cast %get3A_2155 : vector<16xf32> to vector<1x16xf32>
      tpu.vector_store %arg19[%swap3A_2157, %swap3A_2158], %swap3A_2161 {strides = array<i32>} : memref<16x128xf32, #tpu.memory_space<vmem>>, vector<1x16xf32>,
      %get3A_2162 = arith.constant 232 : i32
      %get3A_2163 = arith.index_cast %get3A_2162 : i32 to index
      %get3A_2164 = arith.constant 0 : index
      %get3A_2165 = tpu.vector_load %arg13[%get3A_2163, %get3A_2164] {strides = array<i32>} : memref<256x128xf32, #tpu.memory_space<vmem>>, vector<1x16xf32>,
      %get3A_2166 = vector.shape_cast %get3A_2165 : vector<1x16xf32> to vector<16xf32>
      %swap3A_2167 = arith.constant 15 : i32
      %swap3A_2168 = arith.index_cast %swap3A_2167 : i32 to index
      %swap3A_2169 = arith.constant 0 : index
      %swap3A_2170 = tpu.vector_load %arg19[%swap3A_2168, %swap3A_2169] {strides = array<i32>} : memref<16x128xf32, #tpu.memory_space<vmem>>, vector<1x16xf32>,
      %swap3A_2171 = vector.shape_cast %swap3A_2170 : vector<1x16xf32> to vector<16xf32>
      %swap3A_2172 = vector.shape_cast %get3A_2166 : vector<16xf32> to vector<1x16xf32>
      tpu.vector_store %arg19[%swap3A_2168, %swap3A_2169], %swap3A_2172 {strides = array<i32>} : memref<16x128xf32, #tpu.memory_space<vmem>>, vector<1x16xf32>,
      %get3A_2173 = arith.constant 232 : i32
      %get3A_2174 = arith.index_cast %get3A_2173 : i32 to index
      %get3A_2175 = arith.constant 16 : index
      %get3A_2176 = tpu.vector_load %arg13[%get3A_2174, %get3A_2175] {strides = array<i32>} : memref<256x128xf32, #tpu.memory_space<vmem>>, vector<1x16xf32>,
      %get3A_2177 = vector.shape_cast %get3A_2176 : vector<1x16xf32> to vector<16xf32>
      %swap3A_2178 = arith.constant 15 : i32
      %swap3A_2179 = arith.index_cast %swap3A_2178 : i32 to index
      %swap3A_2180 = arith.constant 16 : index
      %swap3A_2181 = tpu.vector_load %arg19[%swap3A_2179, %swap3A_2180] {strides = array<i32>} : memref<16x128xf32, #tpu.memory_space<vmem>>, vector<1x16xf32>,
      %swap3A_2182 = vector.shape_cast %swap3A_2181 : vector<1x16xf32> to vector<16xf32>
      %swap3A_2183 = vector.shape_cast %get3A_2177 : vector<16xf32> to vector<1x16xf32>
      tpu.vector_store %arg19[%swap3A_2179, %swap3A_2180], %swap3A_2183 {strides = array<i32>} : memref<16x128xf32, #tpu.memory_space<vmem>>, vector<1x16xf32>,
      %get3A_2184 = arith.constant 232 : i32
      %get3A_2185 = arith.index_cast %get3A_2184 : i32 to index
      %get3A_2186 = arith.constant 32 : index
      %get3A_2187 = tpu.vector_load %arg13[%get3A_2185, %get3A_2186] {strides = array<i32>} : memref<256x128xf32, #tpu.memory_space<vmem>>, vector<1x16xf32>,
      %get3A_2188 = vector.shape_cast %get3A_2187 : vector<1x16xf32> to vector<16xf32>
      %swap3A_2189 = arith.constant 15 : i32
      %swap3A_2190 = arith.index_cast %swap3A_2189 : i32 to index
      %swap3A_2191 = arith.constant 32 : index
      %swap3A_2192 = tpu.vector_load %arg19[%swap3A_2190, %swap3A_2191] {strides = array<i32>} : memref<16x128xf32, #tpu.memory_space<vmem>>, vector<1x16xf32>,
      %swap3A_2193 = vector.shape_cast %swap3A_2192 : vector<1x16xf32> to vector<16xf32>
      %swap3A_2194 = vector.shape_cast %get3A_2188 : vector<16xf32> to vector<1x16xf32>
      tpu.vector_store %arg19[%swap3A_2190, %swap3A_2191], %swap3A_2194 {strides = array<i32>} : memref<16x128xf32, #tpu.memory_space<vmem>>, vector<1x16xf32>,
      %get3A_2195 = arith.constant 232 : i32
      %get3A_2196 = arith.index_cast %get3A_2195 : i32 to index
      %get3A_2197 = arith.constant 48 : index
      %get3A_2198 = tpu.vector_load %arg13[%get3A_2196, %get3A_2197] {strides = array<i32>} : memref<256x128xf32, #tpu.memory_space<vmem>>, vector<1x16xf32>,
      %get3A_2199 = vector.shape_cast %get3A_2198 : vector<1x16xf32> to vector<16xf32>
      %swap3A_2200 = arith.constant 15 : i32
      %swap3A_2201 = arith.index_cast %swap3A_2200 : i32 to index
      %swap3A_2202 = arith.constant 48 : index
      %swap3A_2203 = tpu.vector_load %arg19[%swap3A_2201, %swap3A_2202] {strides = array<i32>} : memref<16x128xf32, #tpu.memory_space<vmem>>, vector<1x16xf32>,
      %swap3A_2204 = vector.shape_cast %swap3A_2203 : vector<1x16xf32> to vector<16xf32>
      %swap3A_2205 = vector.shape_cast %get3A_2199 : vector<16xf32> to vector<1x16xf32>
      tpu.vector_store %arg19[%swap3A_2201, %swap3A_2202], %swap3A_2205 {strides = array<i32>} : memref<16x128xf32, #tpu.memory_space<vmem>>, vector<1x16xf32>,
      %get3A_2206 = arith.constant 232 : i32
      %get3A_2207 = arith.index_cast %get3A_2206 : i32 to index
      %get3A_2208 = arith.constant 64 : index
      %get3A_2209 = tpu.vector_load %arg13[%get3A_2207, %get3A_2208] {strides = array<i32>} : memref<256x128xf32, #tpu.memory_space<vmem>>, vector<1x16xf32>,
      %get3A_2210 = vector.shape_cast %get3A_2209 : vector<1x16xf32> to vector<16xf32>
      %swap3A_2211 = arith.constant 15 : i32
      %swap3A_2212 = arith.index_cast %swap3A_2211 : i32 to index
      %swap3A_2213 = arith.constant 64 : index
      %swap3A_2214 = tpu.vector_load %arg19[%swap3A_2212, %swap3A_2213] {strides = array<i32>} : memref<16x128xf32, #tpu.memory_space<vmem>>, vector<1x16xf32>,
      %swap3A_2215 = vector.shape_cast %swap3A_2214 : vector<1x16xf32> to vector<16xf32>
      %swap3A_2216 = vector.shape_cast %get3A_2210 : vector<16xf32> to vector<1x16xf32>
      tpu.vector_store %arg19[%swap3A_2212, %swap3A_2213], %swap3A_2216 {strides = array<i32>} : memref<16x128xf32, #tpu.memory_space<vmem>>, vector<1x16xf32>,
      %get3A_2217 = arith.constant 232 : i32
      %get3A_2218 = arith.index_cast %get3A_2217 : i32 to index
      %get3A_2219 = arith.constant 80 : index
      %get3A_2220 = tpu.vector_load %arg13[%get3A_2218, %get3A_2219] {strides = array<i32>} : memref<256x128xf32, #tpu.memory_space<vmem>>, vector<1x16xf32>,
      %get3A_2221 = vector.shape_cast %get3A_2220 : vector<1x16xf32> to vector<16xf32>
      %swap3A_2222 = arith.constant 15 : i32
      %swap3A_2223 = arith.index_cast %swap3A_2222 : i32 to index
      %swap3A_2224 = arith.constant 80 : index
      %swap3A_2225 = tpu.vector_load %arg19[%swap3A_2223, %swap3A_2224] {strides = array<i32>} : memref<16x128xf32, #tpu.memory_space<vmem>>, vector<1x16xf32>,
      %swap3A_2226 = vector.shape_cast %swap3A_2225 : vector<1x16xf32> to vector<16xf32>
      %swap3A_2227 = vector.shape_cast %get3A_2221 : vector<16xf32> to vector<1x16xf32>
      tpu.vector_store %arg19[%swap3A_2223, %swap3A_2224], %swap3A_2227 {strides = array<i32>} : memref<16x128xf32, #tpu.memory_space<vmem>>, vector<1x16xf32>,
      %get3A_2228 = arith.constant 232 : i32
      %get3A_2229 = arith.index_cast %get3A_2228 : i32 to index
      %get3A_2230 = arith.constant 96 : index
      %get3A_2231 = tpu.vector_load %arg13[%get3A_2229, %get3A_2230] {strides = array<i32>} : memref<256x128xf32, #tpu.memory_space<vmem>>, vector<1x16xf32>,
      %get3A_2232 = vector.shape_cast %get3A_2231 : vector<1x16xf32> to vector<16xf32>
      %swap3A_2233 = arith.constant 15 : i32
      %swap3A_2234 = arith.index_cast %swap3A_2233 : i32 to index
      %swap3A_2235 = arith.constant 96 : index
      %swap3A_2236 = tpu.vector_load %arg19[%swap3A_2234, %swap3A_2235] {strides = array<i32>} : memref<16x128xf32, #tpu.memory_space<vmem>>, vector<1x16xf32>,
      %swap3A_2237 = vector.shape_cast %swap3A_2236 : vector<1x16xf32> to vector<16xf32>
      %swap3A_2238 = vector.shape_cast %get3A_2232 : vector<16xf32> to vector<1x16xf32>
      tpu.vector_store %arg19[%swap3A_2234, %swap3A_2235], %swap3A_2238 {strides = array<i32>} : memref<16x128xf32, #tpu.memory_space<vmem>>, vector<1x16xf32>,
      %get3A_2239 = arith.constant 232 : i32
      %get3A_2240 = arith.index_cast %get3A_2239 : i32 to index
      %get3A_2241 = arith.constant 112 : index
      %get3A_2242 = tpu.vector_load %arg13[%get3A_2240, %get3A_2241] {strides = array<i32>} : memref<256x128xf32, #tpu.memory_space<vmem>>, vector<1x16xf32>,
      %get3A_2243 = vector.shape_cast %get3A_2242 : vector<1x16xf32> to vector<16xf32>
      %swap3A_2244 = arith.constant 15 : i32
      %swap3A_2245 = arith.index_cast %swap3A_2244 : i32 to index
      %swap3A_2246 = arith.constant 112 : index
      %swap3A_2247 = tpu.vector_load %arg19[%swap3A_2245, %swap3A_2246] {strides = array<i32>} : memref<16x128xf32, #tpu.memory_space<vmem>>, vector<1x16xf32>,
      %swap3A_2248 = vector.shape_cast %swap3A_2247 : vector<1x16xf32> to vector<16xf32>
      %swap3A_2249 = vector.shape_cast %get3A_2243 : vector<16xf32> to vector<1x16xf32>
      tpu.vector_store %arg19[%swap3A_2245, %swap3A_2246], %swap3A_2249 {strides = array<i32>} : memref<16x128xf32, #tpu.memory_space<vmem>>, vector<1x16xf32>,
      %dma_start3A_2250 = arith.constant 0 : i32
      %dma_start3A_2251 = arith.constant 0 : i32
      %dma_start3A_2252 = tpu.memref_slice %arg10[%add3A_94, %dma_start3A_2250, %dma_start3A_2251] : memref<1250x16x128xf32, #tpu.memory_space<hbm>> -> memref<1x16x128xf32, #tpu.memory_space<hbm>>
      %dma_start3A_2253 = tpu.memref_squeeze %dma_start3A_2252 : memref<1x16x128xf32, #tpu.memory_space<hbm>> -> memref<16x128xf32, #tpu.memory_space<hbm>>
      %dma_start3A_2254 = arith.constant 0 : i32
      %dma_start3A_2255 = arith.constant 0 : i32
      %dma_start3A_2256 = tpu.memref_slice %arg10[%add3A_94, %dma_start3A_2254, %dma_start3A_2255] : memref<1250x16x128xf32, #tpu.memory_space<hbm>> -> memref<1x16x128xf32, #tpu.memory_space<hbm>>
      %dma_start3A_2257 = tpu.memref_squeeze %dma_start3A_2256 : memref<1x16x128xf32, #tpu.memory_space<hbm>> -> memref<16x128xf32, #tpu.memory_space<hbm>>
      tpu.enqueue_dma source(%arg19 : memref<16x128xf32, #tpu.memory_space<vmem>>) target(%dma_start3A_2257 : memref<16x128xf32, #tpu.memory_space<hbm>>) target_semaphore(%arg22 : memref<!tpu.dma_semaphore, #tpu.memory_space<semaphore_mem>>)
      %dma_start3A_2258 = arith.constant 0 : i32
      %dma_start3A_2259 = arith.constant 0 : i32
      %dma_start3A_2260 = arith.constant 0 : i32
      %dma_start3A_2261 = tpu.memref_slice %arg13[%dma_start3A_2259, %dma_start3A_2260] : memref<256x128xf32, #tpu.memory_space<vmem>> -> memref<128x128xf32, #tpu.memory_space<vmem>>
      %dma_start3A_2262 = arith.constant 0 : i32
      %dma_start3A_2263 = tpu.memref_slice %arg17[%dma_start3A_2258, %dma_start3A_2262] : memref<3x128xi32, #tpu.memory_space<vmem>> -> memref<1x128xi32, #tpu.memory_space<vmem>>
      %dma_start3A_2264 = tpu.memref_squeeze %dma_start3A_2263 : memref<1x128xi32, #tpu.memory_space<vmem>> -> memref<128xi32, #tpu.memory_space<vmem>>
      %dma_start3A_2265 = arith.constant 0 : i32
      %dma_start3A_2266 = arith.constant 0 : i32
      %dma_start3A_2267 = tpu.memref_slice %arg11[%dma_start3A_2265, %dma_start3A_2266] : memref<2304x128xf32, #tpu.memory_space<vmem_shared>> -> memref<2304x128xf32, #tpu.memory_space<vmem_shared>>
      tpu.enqueue_indirect_dma source(%dma_start3A_2261 : memref<128x128xf32, #tpu.memory_space<vmem>>) target(%dma_start3A_2267 : memref<2304x128xf32, #tpu.memory_space<vmem_shared>>) offsets(%dma_start3A_2264 : memref<128xi32, #tpu.memory_space<vmem>>) semaphore(%arg23 : memref<!tpu.dma_semaphore, #tpu.memory_space<semaphore_mem>>) {add = true}
      %run_scoped3A = arith.constant 1 : i32
      "tpu.region"() ({
        %run_scoped3A_4519 = tpu.sem_alloc : memref<!tpu.dma_semaphore, #tpu.memory_space<semaphore_mem>>
        %dma_start3A_4520 = arith.constant 128 : i32
        %dma_start3A_4521 = arith.constant 0 : i32
        %dma_start3A_4522 = tpu.memref_slice %arg13[%dma_start3A_4520, %dma_start3A_4521] : memref<256x128xf32, #tpu.memory_space<vmem>> -> memref<128x128xf32, #tpu.memory_space<vmem>>
        %dma_start3A_4523 = arith.constant 0 : i32
        %dma_start3A_4524 = tpu.memref_slice %arg17[%run_scoped3A, %dma_start3A_4523] : memref<3x128xi32, #tpu.memory_space<vmem>> -> memref<1x128xi32, #tpu.memory_space<vmem>>
        %dma_start3A_4525 = tpu.memref_squeeze %dma_start3A_4524 : memref<1x128xi32, #tpu.memory_space<vmem>> -> memref<128xi32, #tpu.memory_space<vmem>>
        %dma_start3A_4526 = arith.constant 0 : i32
        %dma_start3A_4527 = arith.constant 0 : i32
        %dma_start3A_4528 = tpu.memref_slice %arg11[%dma_start3A_4526, %dma_start3A_4527] : memref<2304x128xf32, #tpu.memory_space<vmem_shared>> -> memref<2304x128xf32, #tpu.memory_space<vmem_shared>>
        tpu.enqueue_indirect_dma source(%dma_start3A_4522 : memref<128x128xf32, #tpu.memory_space<vmem>>) target(%dma_start3A_4528 : memref<2304x128xf32, #tpu.memory_space<vmem_shared>>) offsets(%dma_start3A_4525 : memref<128xi32, #tpu.memory_space<vmem>>) semaphore(%run_scoped3A_4519 : memref<!tpu.dma_semaphore, #tpu.memory_space<semaphore_mem>>) {add = true}
        %dma_wait3A_4529 = arith.constant 128 : i32
        %dma_wait3A_4530 = arith.constant 0 : i32
        %dma_wait3A_4531 = tpu.memref_slice %arg13[%dma_wait3A_4529, %dma_wait3A_4530] : memref<256x128xf32, #tpu.memory_space<vmem>> -> memref<128x128xf32, #tpu.memory_space<vmem>>
        %dma_wait3A_4532 = arith.constant 0 : i32
        %dma_wait3A_4533 = tpu.memref_slice %arg17[%run_scoped3A, %dma_wait3A_4532] : memref<3x128xi32, #tpu.memory_space<vmem>> -> memref<1x128xi32, #tpu.memory_space<vmem>>
        %dma_wait3A_4534 = tpu.memref_squeeze %dma_wait3A_4533 : memref<1x128xi32, #tpu.memory_space<vmem>> -> memref<128xi32, #tpu.memory_space<vmem>>
        %dma_wait3A_4535 = arith.constant 0 : i32
        %dma_wait3A_4536 = arith.constant 0 : i32
        %dma_wait3A_4537 = tpu.memref_slice %arg11[%dma_wait3A_4535, %dma_wait3A_4536] : memref<2304x128xf32, #tpu.memory_space<vmem_shared>> -> memref<2304x128xf32, #tpu.memory_space<vmem_shared>>
        tpu.wait_indirect_dma semaphore(%run_scoped3A_4519 : memref<!tpu.dma_semaphore, #tpu.memory_space<semaphore_mem>>) src(%dma_wait3A_4531 : memref<128x128xf32, #tpu.memory_space<vmem>>) dst(%dma_wait3A_4537 : memref<2304x128xf32, #tpu.memory_space<vmem_shared>>)
        tpu.yield
      }) : () -> ()
      %run_scoped3A_2268 = arith.constant 2 : i32
      "tpu.region"() ({
        %run_scoped3A_4519 = tpu.sem_alloc : memref<!tpu.dma_semaphore, #tpu.memory_space<semaphore_mem>>
        %dma_start3A_4520 = arith.constant 0 : i32
        %dma_start3A_4521 = tpu.memref_slice %arg17[%run_scoped3A_2268, %dma_start3A_4520] : memref<3x128xi32, #tpu.memory_space<vmem>> -> memref<1x128xi32, #tpu.memory_space<vmem>>
        %dma_start3A_4522 = tpu.memref_squeeze %dma_start3A_4521 : memref<1x128xi32, #tpu.memory_space<vmem>> -> memref<128xi32, #tpu.memory_space<vmem>>
        %dma_start3A_4523 = arith.constant 0 : i32
        %dma_start3A_4524 = arith.constant 0 : i32
        %dma_start3A_4525 = tpu.memref_slice %arg12[%dma_start3A_4523, %dma_start3A_4524] : memref<2304x16xf32, #tpu.memory_space<vmem_shared>> -> memref<2304x16xf32, #tpu.memory_space<vmem_shared>>
        tpu.enqueue_indirect_dma source(%arg18 : memref<128x16xf32, #tpu.memory_space<vmem>>) target(%dma_start3A_4525 : memref<2304x16xf32, #tpu.memory_space<vmem_shared>>) offsets(%dma_start3A_4522 : memref<128xi32, #tpu.memory_space<vmem>>) semaphore(%run_scoped3A_4519 : memref<!tpu.dma_semaphore, #tpu.memory_space<semaphore_mem>>) {add = true}
        %dma_wait3A_4526 = arith.constant 0 : i32
        %dma_wait3A_4527 = tpu.memref_slice %arg17[%run_scoped3A_2268, %dma_wait3A_4526] : memref<3x128xi32, #tpu.memory_space<vmem>> -> memref<1x128xi32, #tpu.memory_space<vmem>>
        %dma_wait3A_4528 = tpu.memref_squeeze %dma_wait3A_4527 : memref<1x128xi32, #tpu.memory_space<vmem>> -> memref<128xi32, #tpu.memory_space<vmem>>
        %dma_wait3A_4529 = arith.constant 0 : i32
        %dma_wait3A_4530 = arith.constant 0 : i32
        %dma_wait3A_4531 = tpu.memref_slice %arg12[%dma_wait3A_4529, %dma_wait3A_4530] : memref<2304x16xf32, #tpu.memory_space<vmem_shared>> -> memref<2304x16xf32, #tpu.memory_space<vmem_shared>>
        tpu.wait_indirect_dma semaphore(%run_scoped3A_4519 : memref<!tpu.dma_semaphore, #tpu.memory_space<semaphore_mem>>) src(%arg18 : memref<128x16xf32, #tpu.memory_space<vmem>>) dst(%dma_wait3A_4531 : memref<2304x16xf32, #tpu.memory_space<vmem_shared>>)
        tpu.yield
      }) : () -> ()
      %dma_wait3A_2269 = arith.constant 0 : i32
      %dma_wait3A_2270 = arith.constant 0 : i32
      %dma_wait3A_2271 = arith.constant 0 : i32
      %dma_wait3A_2272 = tpu.memref_slice %arg13[%dma_wait3A_2270, %dma_wait3A_2271] : memref<256x128xf32, #tpu.memory_space<vmem>> -> memref<128x128xf32, #tpu.memory_space<vmem>>
      %dma_wait3A_2273 = arith.constant 0 : i32
      %dma_wait3A_2274 = tpu.memref_slice %arg17[%dma_wait3A_2269, %dma_wait3A_2273] : memref<3x128xi32, #tpu.memory_space<vmem>> -> memref<1x128xi32, #tpu.memory_space<vmem>>
      %dma_wait3A_2275 = tpu.memref_squeeze %dma_wait3A_2274 : memref<1x128xi32, #tpu.memory_space<vmem>> -> memref<128xi32, #tpu.memory_space<vmem>>
      %dma_wait3A_2276 = arith.constant 0 : i32
      %dma_wait3A_2277 = arith.constant 0 : i32
      %dma_wait3A_2278 = tpu.memref_slice %arg11[%dma_wait3A_2276, %dma_wait3A_2277] : memref<2304x128xf32, #tpu.memory_space<vmem_shared>> -> memref<2304x128xf32, #tpu.memory_space<vmem_shared>>
      tpu.wait_indirect_dma semaphore(%arg23 : memref<!tpu.dma_semaphore, #tpu.memory_space<semaphore_mem>>) src(%dma_wait3A_2272 : memref<128x128xf32, #tpu.memory_space<vmem>>) dst(%dma_wait3A_2278 : memref<2304x128xf32, #tpu.memory_space<vmem_shared>>)
      %dma_wait3A_2279 = arith.constant 0 : i32
      %dma_wait3A_2280 = arith.constant 0 : i32
      %dma_wait3A_2281 = tpu.memref_slice %arg10[%add3A_94, %dma_wait3A_2279, %dma_wait3A_2280] : memref<1250x16x128xf32, #tpu.memory_space<hbm>> -> memref<1x16x128xf32, #tpu.memory_space<hbm>>
      %dma_wait3A_2282 = tpu.memref_squeeze %dma_wait3A_2281 : memref<1x16x128xf32, #tpu.memory_space<hbm>> -> memref<16x128xf32, #tpu.memory_space<hbm>>
      %dma_wait3A_2283 = arith.constant 0 : i32
      %dma_wait3A_2284 = arith.constant 0 : i32
      %dma_wait3A_2285 = tpu.memref_slice %arg10[%add3A_94, %dma_wait3A_2283, %dma_wait3A_2284] : memref<1250x16x128xf32, #tpu.memory_space<hbm>> -> memref<1x16x128xf32, #tpu.memory_space<hbm>>
      %dma_wait3A_2286 = tpu.memref_squeeze %dma_wait3A_2285 : memref<1x16x128xf32, #tpu.memory_space<hbm>> -> memref<16x128xf32, #tpu.memory_space<hbm>>
      tpu.wait_dma2 semaphore(%arg22 : memref<!tpu.dma_semaphore, #tpu.memory_space<semaphore_mem>>) src(%arg19 : memref<16x128xf32, #tpu.memory_space<vmem>>) dst(%dma_wait3A_2286 : memref<16x128xf32, #tpu.memory_space<hbm>>)
      %add3A_2287 = arith.constant 2 : i32
      %add3A_2288 = arith.addi %mul3A_90, %add3A_2287 : i32
      %sub3A_2289 = arith.constant 1 : i32
      %sub3A_2290 = arith.subi %select_n3A, %sub3A_2289 : i32
      %min3A_2291 = arith.minsi %add3A_2288, %sub3A_2290 : i32
      %add3A_2292 = arith.addi %add3A_6, %min3A_2291 : i32
      %dma_start3A_2293 = arith.constant 0 : i32
      %dma_start3A_2294 = arith.constant 0 : i32
      %dma_start3A_2295 = tpu.memref_slice %arg2[%add3A_2292, %dma_start3A_2293, %dma_start3A_2294] : memref<1250x256x128xf32, #tpu.memory_space<hbm>> -> memref<1x256x128xf32, #tpu.memory_space<hbm>>
      %dma_start3A_2296 = tpu.memref_squeeze %dma_start3A_2295 : memref<1x256x128xf32, #tpu.memory_space<hbm>> -> memref<256x128xf32, #tpu.memory_space<hbm>>
      %dma_start3A_2297 = arith.constant 0 : i32
      %dma_start3A_2298 = arith.constant 0 : i32
      %dma_start3A_2299 = tpu.memref_slice %arg2[%add3A_2292, %dma_start3A_2297, %dma_start3A_2298] : memref<1250x256x128xf32, #tpu.memory_space<hbm>> -> memref<1x256x128xf32, #tpu.memory_space<hbm>>
      %dma_start3A_2300 = tpu.memref_squeeze %dma_start3A_2299 : memref<1x256x128xf32, #tpu.memory_space<hbm>> -> memref<256x128xf32, #tpu.memory_space<hbm>>
      tpu.enqueue_dma source(%dma_start3A_2300 : memref<256x128xf32, #tpu.memory_space<hbm>>) target(%arg13 : memref<256x128xf32, #tpu.memory_space<vmem>>) target_semaphore(%arg20 : memref<!tpu.dma_semaphore, #tpu.memory_space<semaphore_mem>>)
      %mul3A_2301 = arith.constant 2 : i32
      %mul3A_2302 = arith.muli %mul3A_2301, %scan3A_88 : i32
      %add3A_2303 = arith.constant 1 : i32
      %add3A_2304 = arith.addi %mul3A_2302, %add3A_2303 : i32
      %sub3A_2305 = arith.constant 1 : i32
      %sub3A_2306 = arith.subi %select_n3A, %sub3A_2305 : i32
      %min3A_2307 = arith.minsi %add3A_2304, %sub3A_2306 : i32
      %add3A_2308 = arith.addi %add3A_6, %min3A_2307 : i32
      %lt3A_2309 = arith.cmpi slt, %add3A_2304, %select_n3A : i32
      %dma_wait3A_2310 = arith.constant 0 : i32
      %dma_wait3A_2311 = arith.constant 0 : i32
      %dma_wait3A_2312 = arith.constant 0 : i32
      %dma_wait3A_2313 = tpu.memref_slice %arg2[%dma_wait3A_2310, %dma_wait3A_2311, %dma_wait3A_2312] : memref<1250x256x128xf32, #tpu.memory_space<hbm>> -> memref<1x256x128xf32, #tpu.memory_space<hbm>>
      %dma_wait3A_2314 = tpu.memref_squeeze %dma_wait3A_2313 : memref<1x256x128xf32, #tpu.memory_space<hbm>> -> memref<256x128xf32, #tpu.memory_space<hbm>>
      %dma_wait3A_2315 = arith.constant 0 : i32
      %dma_wait3A_2316 = arith.constant 0 : i32
      %dma_wait3A_2317 = tpu.memref_slice %arg2[%dma_wait3A_2310, %dma_wait3A_2315, %dma_wait3A_2316] : memref<1250x256x128xf32, #tpu.memory_space<hbm>> -> memref<1x256x128xf32, #tpu.memory_space<hbm>>
      %dma_wait3A_2318 = tpu.memref_squeeze %dma_wait3A_2317 : memref<1x256x128xf32, #tpu.memory_space<hbm>> -> memref<256x128xf32, #tpu.memory_space<hbm>>
      tpu.wait_dma2 semaphore(%arg21 : memref<!tpu.dma_semaphore, #tpu.memory_space<semaphore_mem>>) src(%dma_wait3A_2318 : memref<256x128xf32, #tpu.memory_space<hbm>>) dst(%arg14 : memref<256x128xf32, #tpu.memory_space<vmem>>)
      %mul3A_2319 = arith.constant 128 : i32
      %mul3A_2320 = arith.muli %add3A_2304, %mul3A_2319 : i32
      %add3A_2321 = arith.addi %sub3A, %mul3A_2320 : i32
      %add3A_2322 = arith.constant 0 : i32
      %add3A_2323 = arith.addi %add3A_2321, %add3A_2322 : i32
      %get3A_2324 = arith.index_cast %add3A_2323 : i32 to index
      %get3A_2325 = tpu.vector_load %arg15[%get3A_2324] {strides = array<i32>} : memref<5392xi32, #tpu.memory_space<vmem>>, vector<16xi32>,
      %get3A_2326 = vector.shape_cast %get3A_2325 : vector<16xi32> to vector<16xi32>
      %add3A_2327 = arith.constant 0 : i32
      %add3A_2328 = arith.addi %add3A_2321, %add3A_2327 : i32
      %get3A_2329 = arith.index_cast %add3A_2328 : i32 to index
      %get3A_2330 = tpu.vector_load %arg16[%get3A_2329] {strides = array<i32>} : memref<5392xi32, #tpu.memory_space<vmem>>, vector<16xi32>,
      %get3A_2331 = vector.shape_cast %get3A_2330 : vector<16xi32> to vector<16xi32>
      %broadcast_in_dim3A_2332 = vector.shape_cast %select_n3A_30 : vector<16xi32> to vector<16x1xi32>
      %gather3A_2333 = vector.shape_cast %broadcast_in_dim3A_2332 : vector<16x1xi32> to vector<16xi32>
      %gather3A_2334 = tpu.dynamic_gather %get3A_2326[%gather3A_2333] in [0] : vector<16xi32>, vector<16xi32> -> vector<16xi32>
      %broadcast_in_dim3A_2335 = vector.shape_cast %select_n3A_30 : vector<16xi32> to vector<16x1xi32>
      %gather3A_2336 = vector.shape_cast %broadcast_in_dim3A_2335 : vector<16x1xi32> to vector<16xi32>
      %gather3A_2337 = tpu.dynamic_gather %get3A_2331[%gather3A_2336] in [0] : vector<16xi32>, vector<16xi32> -> vector<16xi32>
      %mul3A_2338 = arith.constant 512 : i32
      %mul3A_2339 = vector.broadcast %mul3A_2338 : i32 to vector<16xi32>
      %mul3A_2340 = arith.muli %gather3A_2337, %mul3A_2339 : vector<16xi32>
      %add3A_2341 = arith.addi %mul3A_2340, %gather3A_2334 : vector<16xi32>
      %jit3A_2342 = arith.constant 1024 : i32
      %broadcast_in_dim3A_2343 = vector.broadcast %jit3A_2342 : i32 to vector<16xi32>
      %select_n3A_2344 = arith.select %eq3A_39, %broadcast_in_dim3A_2343, %add3A_2341 : vector<16xi1>, vector<16xi32>
      %jit3A_2345 = arith.constant 1024 : i32
      %broadcast_in_dim3A_2346 = vector.broadcast %jit3A_2345 : i32 to vector<16xi32>
      %select_n3A_2347 = arith.select %lt3A_2309, %select_n3A_2344, %broadcast_in_dim3A_2346 : vector<16xi32>
      %add3A_2348 = arith.addi %select_n3A_2347, %select_n3A_36 : vector<16xi32>
      %swap3A_2349 = arith.constant 0 : i32
      %swap3A_2350 = arith.index_cast %swap3A_2349 : i32 to index
      %swap3A_2351 = arith.constant 0 : index
      %swap3A_2352 = tpu.vector_load %arg17[%swap3A_2350, %swap3A_2351] {strides = array<i32>} : memref<3x128xi32, #tpu.memory_space<vmem>>, vector<1x16xi32>,
      %swap3A_2353 = vector.shape_cast %swap3A_2352 : vector<1x16xi32> to vector<16xi32>
      %swap3A_2354 = vector.shape_cast %add3A_2348 : vector<16xi32> to vector<1x16xi32>
      tpu.vector_store %arg17[%swap3A_2350, %swap3A_2351], %swap3A_2354 {strides = array<i32>} : memref<3x128xi32, #tpu.memory_space<vmem>>, vector<1x16xi32>,
      %add3A_2355 = arith.constant 8 : i32
      %add3A_2356 = arith.addi %add3A_2321, %add3A_2355 : i32
      %get3A_2357 = arith.index_cast %add3A_2356 : i32 to index
      %get3A_2358 = tpu.vector_load %arg15[%get3A_2357] {strides = array<i32>} : memref<5392xi32, #tpu.memory_space<vmem>>, vector<16xi32>,
      %get3A_2359 = vector.shape_cast %get3A_2358 : vector<16xi32> to vector<16xi32>
      %add3A_2360 = arith.constant 8 : i32
      %add3A_2361 = arith.addi %add3A_2321, %add3A_2360 : i32
      %get3A_2362 = arith.index_cast %add3A_2361 : i32 to index
      %get3A_2363 = tpu.vector_load %arg16[%get3A_2362] {strides = array<i32>} : memref<5392xi32, #tpu.memory_space<vmem>>, vector<16xi32>,
      %get3A_2364 = vector.shape_cast %get3A_2363 : vector<16xi32> to vector<16xi32>
      %broadcast_in_dim3A_2365 = vector.shape_cast %select_n3A_30 : vector<16xi32> to vector<16x1xi32>
      %gather3A_2366 = vector.shape_cast %broadcast_in_dim3A_2365 : vector<16x1xi32> to vector<16xi32>
      %gather3A_2367 = tpu.dynamic_gather %get3A_2359[%gather3A_2366] in [0] : vector<16xi32>, vector<16xi32> -> vector<16xi32>
      %broadcast_in_dim3A_2368 = vector.shape_cast %select_n3A_30 : vector<16xi32> to vector<16x1xi32>
      %gather3A_2369 = vector.shape_cast %broadcast_in_dim3A_2368 : vector<16x1xi32> to vector<16xi32>
      %gather3A_2370 = tpu.dynamic_gather %get3A_2364[%gather3A_2369] in [0] : vector<16xi32>, vector<16xi32> -> vector<16xi32>
      %mul3A_2371 = arith.constant 512 : i32
      %mul3A_2372 = vector.broadcast %mul3A_2371 : i32 to vector<16xi32>
      %mul3A_2373 = arith.muli %gather3A_2370, %mul3A_2372 : vector<16xi32>
      %add3A_2374 = arith.addi %mul3A_2373, %gather3A_2367 : vector<16xi32>
      %jit3A_2375 = arith.constant 1024 : i32
      %broadcast_in_dim3A_2376 = vector.broadcast %jit3A_2375 : i32 to vector<16xi32>
      %select_n3A_2377 = arith.select %lt3A_2309, %add3A_2374, %broadcast_in_dim3A_2376 : vector<16xi32>
      %add3A_2378 = arith.addi %select_n3A_2377, %select_n3A_36 : vector<16xi32>
      %swap3A_2379 = arith.constant 0 : i32
      %swap3A_2380 = arith.index_cast %swap3A_2379 : i32 to index
      %swap3A_2381 = arith.constant 16 : index
      %swap3A_2382 = tpu.vector_load %arg17[%swap3A_2380, %swap3A_2381] {strides = array<i32>} : memref<3x128xi32, #tpu.memory_space<vmem>>, vector<1x16xi32>,
      %swap3A_2383 = vector.shape_cast %swap3A_2382 : vector<1x16xi32> to vector<16xi32>
      %swap3A_2384 = vector.shape_cast %add3A_2378 : vector<16xi32> to vector<1x16xi32>
      tpu.vector_store %arg17[%swap3A_2380, %swap3A_2381], %swap3A_2384 {strides = array<i32>} : memref<3x128xi32, #tpu.memory_space<vmem>>, vector<1x16xi32>,
      %add3A_2385 = arith.constant 16 : i32
      %add3A_2386 = arith.addi %add3A_2321, %add3A_2385 : i32
      %get3A_2387 = arith.index_cast %add3A_2386 : i32 to index
      %get3A_2388 = tpu.vector_load %arg15[%get3A_2387] {strides = array<i32>} : memref<5392xi32, #tpu.memory_space<vmem>>, vector<16xi32>,
      %get3A_2389 = vector.shape_cast %get3A_2388 : vector<16xi32> to vector<16xi32>
      %add3A_2390 = arith.constant 16 : i32
      %add3A_2391 = arith.addi %add3A_2321, %add3A_2390 : i32
      %get3A_2392 = arith.index_cast %add3A_2391 : i32 to index
      %get3A_2393 = tpu.vector_load %arg16[%get3A_2392] {strides = array<i32>} : memref<5392xi32, #tpu.memory_space<vmem>>, vector<16xi32>,
      %get3A_2394 = vector.shape_cast %get3A_2393 : vector<16xi32> to vector<16xi32>
      %broadcast_in_dim3A_2395 = vector.shape_cast %select_n3A_30 : vector<16xi32> to vector<16x1xi32>
      %gather3A_2396 = vector.shape_cast %broadcast_in_dim3A_2395 : vector<16x1xi32> to vector<16xi32>
      %gather3A_2397 = tpu.dynamic_gather %get3A_2389[%gather3A_2396] in [0] : vector<16xi32>, vector<16xi32> -> vector<16xi32>
      %broadcast_in_dim3A_2398 = vector.shape_cast %select_n3A_30 : vector<16xi32> to vector<16x1xi32>
      %gather3A_2399 = vector.shape_cast %broadcast_in_dim3A_2398 : vector<16x1xi32> to vector<16xi32>
      %gather3A_2400 = tpu.dynamic_gather %get3A_2394[%gather3A_2399] in [0] : vector<16xi32>, vector<16xi32> -> vector<16xi32>
      %mul3A_2401 = arith.constant 512 : i32
      %mul3A_2402 = vector.broadcast %mul3A_2401 : i32 to vector<16xi32>
      %mul3A_2403 = arith.muli %gather3A_2400, %mul3A_2402 : vector<16xi32>
      %add3A_2404 = arith.addi %mul3A_2403, %gather3A_2397 : vector<16xi32>
      %jit3A_2405 = arith.constant 1024 : i32
      %broadcast_in_dim3A_2406 = vector.broadcast %jit3A_2405 : i32 to vector<16xi32>
      %select_n3A_2407 = arith.select %eq3A_39, %broadcast_in_dim3A_2406, %add3A_2404 : vector<16xi1>, vector<16xi32>
      %jit3A_2408 = arith.constant 1024 : i32
      %broadcast_in_dim3A_2409 = vector.broadcast %jit3A_2408 : i32 to vector<16xi32>
      %select_n3A_2410 = arith.select %lt3A_2309, %select_n3A_2407, %broadcast_in_dim3A_2409 : vector<16xi32>
      %add3A_2411 = arith.addi %select_n3A_2410, %select_n3A_36 : vector<16xi32>
      %swap3A_2412 = arith.constant 0 : i32
      %swap3A_2413 = arith.index_cast %swap3A_2412 : i32 to index
      %swap3A_2414 = arith.constant 32 : index
      %swap3A_2415 = tpu.vector_load %arg17[%swap3A_2413, %swap3A_2414] {strides = array<i32>} : memref<3x128xi32, #tpu.memory_space<vmem>>, vector<1x16xi32>,
      %swap3A_2416 = vector.shape_cast %swap3A_2415 : vector<1x16xi32> to vector<16xi32>
      %swap3A_2417 = vector.shape_cast %add3A_2411 : vector<16xi32> to vector<1x16xi32>
      tpu.vector_store %arg17[%swap3A_2413, %swap3A_2414], %swap3A_2417 {strides = array<i32>} : memref<3x128xi32, #tpu.memory_space<vmem>>, vector<1x16xi32>,
      %add3A_2418 = arith.constant 24 : i32
      %add3A_2419 = arith.addi %add3A_2321, %add3A_2418 : i32
      %get3A_2420 = arith.index_cast %add3A_2419 : i32 to index
      %get3A_2421 = tpu.vector_load %arg15[%get3A_2420] {strides = array<i32>} : memref<5392xi32, #tpu.memory_space<vmem>>, vector<16xi32>,
      %get3A_2422 = vector.shape_cast %get3A_2421 : vector<16xi32> to vector<16xi32>
      %add3A_2423 = arith.constant 24 : i32
      %add3A_2424 = arith.addi %add3A_2321, %add3A_2423 : i32
      %get3A_2425 = arith.index_cast %add3A_2424 : i32 to index
      %get3A_2426 = tpu.vector_load %arg16[%get3A_2425] {strides = array<i32>} : memref<5392xi32, #tpu.memory_space<vmem>>, vector<16xi32>,
      %get3A_2427 = vector.shape_cast %get3A_2426 : vector<16xi32> to vector<16xi32>
      %broadcast_in_dim3A_2428 = vector.shape_cast %select_n3A_30 : vector<16xi32> to vector<16x1xi32>
      %gather3A_2429 = vector.shape_cast %broadcast_in_dim3A_2428 : vector<16x1xi32> to vector<16xi32>
      %gather3A_2430 = tpu.dynamic_gather %get3A_2422[%gather3A_2429] in [0] : vector<16xi32>, vector<16xi32> -> vector<16xi32>
      %broadcast_in_dim3A_2431 = vector.shape_cast %select_n3A_30 : vector<16xi32> to vector<16x1xi32>
      %gather3A_2432 = vector.shape_cast %broadcast_in_dim3A_2431 : vector<16x1xi32> to vector<16xi32>
      %gather3A_2433 = tpu.dynamic_gather %get3A_2427[%gather3A_2432] in [0] : vector<16xi32>, vector<16xi32> -> vector<16xi32>
      %mul3A_2434 = arith.constant 512 : i32
      %mul3A_2435 = vector.broadcast %mul3A_2434 : i32 to vector<16xi32>
      %mul3A_2436 = arith.muli %gather3A_2433, %mul3A_2435 : vector<16xi32>
      %add3A_2437 = arith.addi %mul3A_2436, %gather3A_2430 : vector<16xi32>
      %jit3A_2438 = arith.constant 1024 : i32
      %broadcast_in_dim3A_2439 = vector.broadcast %jit3A_2438 : i32 to vector<16xi32>
      %select_n3A_2440 = arith.select %lt3A_2309, %add3A_2437, %broadcast_in_dim3A_2439 : vector<16xi32>
      %add3A_2441 = arith.addi %select_n3A_2440, %select_n3A_36 : vector<16xi32>
      %swap3A_2442 = arith.constant 0 : i32
      %swap3A_2443 = arith.index_cast %swap3A_2442 : i32 to index
      %swap3A_2444 = arith.constant 48 : index
      %swap3A_2445 = tpu.vector_load %arg17[%swap3A_2443, %swap3A_2444] {strides = array<i32>} : memref<3x128xi32, #tpu.memory_space<vmem>>, vector<1x16xi32>,
      %swap3A_2446 = vector.shape_cast %swap3A_2445 : vector<1x16xi32> to vector<16xi32>
      %swap3A_2447 = vector.shape_cast %add3A_2441 : vector<16xi32> to vector<1x16xi32>
      tpu.vector_store %arg17[%swap3A_2443, %swap3A_2444], %swap3A_2447 {strides = array<i32>} : memref<3x128xi32, #tpu.memory_space<vmem>>, vector<1x16xi32>,
      %add3A_2448 = arith.constant 32 : i32
      %add3A_2449 = arith.addi %add3A_2321, %add3A_2448 : i32
      %get3A_2450 = arith.index_cast %add3A_2449 : i32 to index
      %get3A_2451 = tpu.vector_load %arg15[%get3A_2450] {strides = array<i32>} : memref<5392xi32, #tpu.memory_space<vmem>>, vector<16xi32>,
      %get3A_2452 = vector.shape_cast %get3A_2451 : vector<16xi32> to vector<16xi32>
      %add3A_2453 = arith.constant 32 : i32
      %add3A_2454 = arith.addi %add3A_2321, %add3A_2453 : i32
      %get3A_2455 = arith.index_cast %add3A_2454 : i32 to index
      %get3A_2456 = tpu.vector_load %arg16[%get3A_2455] {strides = array<i32>} : memref<5392xi32, #tpu.memory_space<vmem>>, vector<16xi32>,
      %get3A_2457 = vector.shape_cast %get3A_2456 : vector<16xi32> to vector<16xi32>
      %broadcast_in_dim3A_2458 = vector.shape_cast %select_n3A_30 : vector<16xi32> to vector<16x1xi32>
      %gather3A_2459 = vector.shape_cast %broadcast_in_dim3A_2458 : vector<16x1xi32> to vector<16xi32>
      %gather3A_2460 = tpu.dynamic_gather %get3A_2452[%gather3A_2459] in [0] : vector<16xi32>, vector<16xi32> -> vector<16xi32>
      %broadcast_in_dim3A_2461 = vector.shape_cast %select_n3A_30 : vector<16xi32> to vector<16x1xi32>
      %gather3A_2462 = vector.shape_cast %broadcast_in_dim3A_2461 : vector<16x1xi32> to vector<16xi32>
      %gather3A_2463 = tpu.dynamic_gather %get3A_2457[%gather3A_2462] in [0] : vector<16xi32>, vector<16xi32> -> vector<16xi32>
      %mul3A_2464 = arith.constant 512 : i32
      %mul3A_2465 = vector.broadcast %mul3A_2464 : i32 to vector<16xi32>
      %mul3A_2466 = arith.muli %gather3A_2463, %mul3A_2465 : vector<16xi32>
      %add3A_2467 = arith.addi %mul3A_2466, %gather3A_2460 : vector<16xi32>
      %jit3A_2468 = arith.constant 1024 : i32
      %broadcast_in_dim3A_2469 = vector.broadcast %jit3A_2468 : i32 to vector<16xi32>
      %select_n3A_2470 = arith.select %eq3A_39, %broadcast_in_dim3A_2469, %add3A_2467 : vector<16xi1>, vector<16xi32>
      %jit3A_2471 = arith.constant 1024 : i32
      %broadcast_in_dim3A_2472 = vector.broadcast %jit3A_2471 : i32 to vector<16xi32>
      %select_n3A_2473 = arith.select %lt3A_2309, %select_n3A_2470, %broadcast_in_dim3A_2472 : vector<16xi32>
      %add3A_2474 = arith.addi %select_n3A_2473, %select_n3A_36 : vector<16xi32>
      %swap3A_2475 = arith.constant 0 : i32
      %swap3A_2476 = arith.index_cast %swap3A_2475 : i32 to index
      %swap3A_2477 = arith.constant 64 : index
      %swap3A_2478 = tpu.vector_load %arg17[%swap3A_2476, %swap3A_2477] {strides = array<i32>} : memref<3x128xi32, #tpu.memory_space<vmem>>, vector<1x16xi32>,
      %swap3A_2479 = vector.shape_cast %swap3A_2478 : vector<1x16xi32> to vector<16xi32>
      %swap3A_2480 = vector.shape_cast %add3A_2474 : vector<16xi32> to vector<1x16xi32>
      tpu.vector_store %arg17[%swap3A_2476, %swap3A_2477], %swap3A_2480 {strides = array<i32>} : memref<3x128xi32, #tpu.memory_space<vmem>>, vector<1x16xi32>,
      %add3A_2481 = arith.constant 40 : i32
      %add3A_2482 = arith.addi %add3A_2321, %add3A_2481 : i32
      %get3A_2483 = arith.index_cast %add3A_2482 : i32 to index
      %get3A_2484 = tpu.vector_load %arg15[%get3A_2483] {strides = array<i32>} : memref<5392xi32, #tpu.memory_space<vmem>>, vector<16xi32>,
      %get3A_2485 = vector.shape_cast %get3A_2484 : vector<16xi32> to vector<16xi32>
      %add3A_2486 = arith.constant 40 : i32
      %add3A_2487 = arith.addi %add3A_2321, %add3A_2486 : i32
      %get3A_2488 = arith.index_cast %add3A_2487 : i32 to index
      %get3A_2489 = tpu.vector_load %arg16[%get3A_2488] {strides = array<i32>} : memref<5392xi32, #tpu.memory_space<vmem>>, vector<16xi32>,
      %get3A_2490 = vector.shape_cast %get3A_2489 : vector<16xi32> to vector<16xi32>
      %broadcast_in_dim3A_2491 = vector.shape_cast %select_n3A_30 : vector<16xi32> to vector<16x1xi32>
      %gather3A_2492 = vector.shape_cast %broadcast_in_dim3A_2491 : vector<16x1xi32> to vector<16xi32>
      %gather3A_2493 = tpu.dynamic_gather %get3A_2485[%gather3A_2492] in [0] : vector<16xi32>, vector<16xi32> -> vector<16xi32>
      %broadcast_in_dim3A_2494 = vector.shape_cast %select_n3A_30 : vector<16xi32> to vector<16x1xi32>
      %gather3A_2495 = vector.shape_cast %broadcast_in_dim3A_2494 : vector<16x1xi32> to vector<16xi32>
      %gather3A_2496 = tpu.dynamic_gather %get3A_2490[%gather3A_2495] in [0] : vector<16xi32>, vector<16xi32> -> vector<16xi32>
      %mul3A_2497 = arith.constant 512 : i32
      %mul3A_2498 = vector.broadcast %mul3A_2497 : i32 to vector<16xi32>
      %mul3A_2499 = arith.muli %gather3A_2496, %mul3A_2498 : vector<16xi32>
      %add3A_2500 = arith.addi %mul3A_2499, %gather3A_2493 : vector<16xi32>
      %jit3A_2501 = arith.constant 1024 : i32
      %broadcast_in_dim3A_2502 = vector.broadcast %jit3A_2501 : i32 to vector<16xi32>
      %select_n3A_2503 = arith.select %lt3A_2309, %add3A_2500, %broadcast_in_dim3A_2502 : vector<16xi32>
      %add3A_2504 = arith.addi %select_n3A_2503, %select_n3A_36 : vector<16xi32>
      %swap3A_2505 = arith.constant 0 : i32
      %swap3A_2506 = arith.index_cast %swap3A_2505 : i32 to index
      %swap3A_2507 = arith.constant 80 : index
      %swap3A_2508 = tpu.vector_load %arg17[%swap3A_2506, %swap3A_2507] {strides = array<i32>} : memref<3x128xi32, #tpu.memory_space<vmem>>, vector<1x16xi32>,
      %swap3A_2509 = vector.shape_cast %swap3A_2508 : vector<1x16xi32> to vector<16xi32>
      %swap3A_2510 = vector.shape_cast %add3A_2504 : vector<16xi32> to vector<1x16xi32>
      tpu.vector_store %arg17[%swap3A_2506, %swap3A_2507], %swap3A_2510 {strides = array<i32>} : memref<3x128xi32, #tpu.memory_space<vmem>>, vector<1x16xi32>,
      %add3A_2511 = arith.constant 48 : i32
      %add3A_2512 = arith.addi %add3A_2321, %add3A_2511 : i32
      %get3A_2513 = arith.index_cast %add3A_2512 : i32 to index
      %get3A_2514 = tpu.vector_load %arg15[%get3A_2513] {strides = array<i32>} : memref<5392xi32, #tpu.memory_space<vmem>>, vector<16xi32>,
      %get3A_2515 = vector.shape_cast %get3A_2514 : vector<16xi32> to vector<16xi32>
      %add3A_2516 = arith.constant 48 : i32
      %add3A_2517 = arith.addi %add3A_2321, %add3A_2516 : i32
      %get3A_2518 = arith.index_cast %add3A_2517 : i32 to index
      %get3A_2519 = tpu.vector_load %arg16[%get3A_2518] {strides = array<i32>} : memref<5392xi32, #tpu.memory_space<vmem>>, vector<16xi32>,
      %get3A_2520 = vector.shape_cast %get3A_2519 : vector<16xi32> to vector<16xi32>
      %broadcast_in_dim3A_2521 = vector.shape_cast %select_n3A_30 : vector<16xi32> to vector<16x1xi32>
      %gather3A_2522 = vector.shape_cast %broadcast_in_dim3A_2521 : vector<16x1xi32> to vector<16xi32>
      %gather3A_2523 = tpu.dynamic_gather %get3A_2515[%gather3A_2522] in [0] : vector<16xi32>, vector<16xi32> -> vector<16xi32>
      %broadcast_in_dim3A_2524 = vector.shape_cast %select_n3A_30 : vector<16xi32> to vector<16x1xi32>
      %gather3A_2525 = vector.shape_cast %broadcast_in_dim3A_2524 : vector<16x1xi32> to vector<16xi32>
      %gather3A_2526 = tpu.dynamic_gather %get3A_2520[%gather3A_2525] in [0] : vector<16xi32>, vector<16xi32> -> vector<16xi32>
      %mul3A_2527 = arith.constant 512 : i32
      %mul3A_2528 = vector.broadcast %mul3A_2527 : i32 to vector<16xi32>
      %mul3A_2529 = arith.muli %gather3A_2526, %mul3A_2528 : vector<16xi32>
      %add3A_2530 = arith.addi %mul3A_2529, %gather3A_2523 : vector<16xi32>
      %jit3A_2531 = arith.constant 1024 : i32
      %broadcast_in_dim3A_2532 = vector.broadcast %jit3A_2531 : i32 to vector<16xi32>
      %select_n3A_2533 = arith.select %eq3A_39, %broadcast_in_dim3A_2532, %add3A_2530 : vector<16xi1>, vector<16xi32>
      %jit3A_2534 = arith.constant 1024 : i32
      %broadcast_in_dim3A_2535 = vector.broadcast %jit3A_2534 : i32 to vector<16xi32>
      %select_n3A_2536 = arith.select %lt3A_2309, %select_n3A_2533, %broadcast_in_dim3A_2535 : vector<16xi32>
      %add3A_2537 = arith.addi %select_n3A_2536, %select_n3A_36 : vector<16xi32>
      %swap3A_2538 = arith.constant 0 : i32
      %swap3A_2539 = arith.index_cast %swap3A_2538 : i32 to index
      %swap3A_2540 = arith.constant 96 : index
      %swap3A_2541 = tpu.vector_load %arg17[%swap3A_2539, %swap3A_2540] {strides = array<i32>} : memref<3x128xi32, #tpu.memory_space<vmem>>, vector<1x16xi32>,
      %swap3A_2542 = vector.shape_cast %swap3A_2541 : vector<1x16xi32> to vector<16xi32>
      %swap3A_2543 = vector.shape_cast %add3A_2537 : vector<16xi32> to vector<1x16xi32>
      tpu.vector_store %arg17[%swap3A_2539, %swap3A_2540], %swap3A_2543 {strides = array<i32>} : memref<3x128xi32, #tpu.memory_space<vmem>>, vector<1x16xi32>,
      %add3A_2544 = arith.constant 56 : i32
      %add3A_2545 = arith.addi %add3A_2321, %add3A_2544 : i32
      %get3A_2546 = arith.index_cast %add3A_2545 : i32 to index
      %get3A_2547 = tpu.vector_load %arg15[%get3A_2546] {strides = array<i32>} : memref<5392xi32, #tpu.memory_space<vmem>>, vector<16xi32>,
      %get3A_2548 = vector.shape_cast %get3A_2547 : vector<16xi32> to vector<16xi32>
      %add3A_2549 = arith.constant 56 : i32
      %add3A_2550 = arith.addi %add3A_2321, %add3A_2549 : i32
      %get3A_2551 = arith.index_cast %add3A_2550 : i32 to index
      %get3A_2552 = tpu.vector_load %arg16[%get3A_2551] {strides = array<i32>} : memref<5392xi32, #tpu.memory_space<vmem>>, vector<16xi32>,
      %get3A_2553 = vector.shape_cast %get3A_2552 : vector<16xi32> to vector<16xi32>
      %broadcast_in_dim3A_2554 = vector.shape_cast %select_n3A_30 : vector<16xi32> to vector<16x1xi32>
      %gather3A_2555 = vector.shape_cast %broadcast_in_dim3A_2554 : vector<16x1xi32> to vector<16xi32>
      %gather3A_2556 = tpu.dynamic_gather %get3A_2548[%gather3A_2555] in [0] : vector<16xi32>, vector<16xi32> -> vector<16xi32>
      %broadcast_in_dim3A_2557 = vector.shape_cast %select_n3A_30 : vector<16xi32> to vector<16x1xi32>
      %gather3A_2558 = vector.shape_cast %broadcast_in_dim3A_2557 : vector<16x1xi32> to vector<16xi32>
      %gather3A_2559 = tpu.dynamic_gather %get3A_2553[%gather3A_2558] in [0] : vector<16xi32>, vector<16xi32> -> vector<16xi32>
      %mul3A_2560 = arith.constant 512 : i32
      %mul3A_2561 = vector.broadcast %mul3A_2560 : i32 to vector<16xi32>
      %mul3A_2562 = arith.muli %gather3A_2559, %mul3A_2561 : vector<16xi32>
      %add3A_2563 = arith.addi %mul3A_2562, %gather3A_2556 : vector<16xi32>
      %jit3A_2564 = arith.constant 1024 : i32
      %broadcast_in_dim3A_2565 = vector.broadcast %jit3A_2564 : i32 to vector<16xi32>
      %select_n3A_2566 = arith.select %lt3A_2309, %add3A_2563, %broadcast_in_dim3A_2565 : vector<16xi32>
      %add3A_2567 = arith.addi %select_n3A_2566, %select_n3A_36 : vector<16xi32>
      %swap3A_2568 = arith.constant 0 : i32
      %swap3A_2569 = arith.index_cast %swap3A_2568 : i32 to index
      %swap3A_2570 = arith.constant 112 : index
      %swap3A_2571 = tpu.vector_load %arg17[%swap3A_2569, %swap3A_2570] {strides = array<i32>} : memref<3x128xi32, #tpu.memory_space<vmem>>, vector<1x16xi32>,
      %swap3A_2572 = vector.shape_cast %swap3A_2571 : vector<1x16xi32> to vector<16xi32>
      %swap3A_2573 = vector.shape_cast %add3A_2567 : vector<16xi32> to vector<1x16xi32>
      tpu.vector_store %arg17[%swap3A_2569, %swap3A_2570], %swap3A_2573 {strides = array<i32>} : memref<3x128xi32, #tpu.memory_space<vmem>>, vector<1x16xi32>,
      %add3A_2574 = arith.constant 64 : i32
      %add3A_2575 = arith.addi %add3A_2321, %add3A_2574 : i32
      %get3A_2576 = arith.index_cast %add3A_2575 : i32 to index
      %get3A_2577 = tpu.vector_load %arg15[%get3A_2576] {strides = array<i32>} : memref<5392xi32, #tpu.memory_space<vmem>>, vector<16xi32>,
      %get3A_2578 = vector.shape_cast %get3A_2577 : vector<16xi32> to vector<16xi32>
      %add3A_2579 = arith.constant 64 : i32
      %add3A_2580 = arith.addi %add3A_2321, %add3A_2579 : i32
      %get3A_2581 = arith.index_cast %add3A_2580 : i32 to index
      %get3A_2582 = tpu.vector_load %arg16[%get3A_2581] {strides = array<i32>} : memref<5392xi32, #tpu.memory_space<vmem>>, vector<16xi32>,
      %get3A_2583 = vector.shape_cast %get3A_2582 : vector<16xi32> to vector<16xi32>
      %broadcast_in_dim3A_2584 = vector.shape_cast %select_n3A_30 : vector<16xi32> to vector<16x1xi32>
      %gather3A_2585 = vector.shape_cast %broadcast_in_dim3A_2584 : vector<16x1xi32> to vector<16xi32>
      %gather3A_2586 = tpu.dynamic_gather %get3A_2578[%gather3A_2585] in [0] : vector<16xi32>, vector<16xi32> -> vector<16xi32>
      %broadcast_in_dim3A_2587 = vector.shape_cast %select_n3A_30 : vector<16xi32> to vector<16x1xi32>
      %gather3A_2588 = vector.shape_cast %broadcast_in_dim3A_2587 : vector<16x1xi32> to vector<16xi32>
      %gather3A_2589 = tpu.dynamic_gather %get3A_2583[%gather3A_2588] in [0] : vector<16xi32>, vector<16xi32> -> vector<16xi32>
      %mul3A_2590 = arith.constant 512 : i32
      %mul3A_2591 = vector.broadcast %mul3A_2590 : i32 to vector<16xi32>
      %mul3A_2592 = arith.muli %gather3A_2589, %mul3A_2591 : vector<16xi32>
      %add3A_2593 = arith.addi %mul3A_2592, %gather3A_2586 : vector<16xi32>
      %jit3A_2594 = arith.constant 1024 : i32
      %broadcast_in_dim3A_2595 = vector.broadcast %jit3A_2594 : i32 to vector<16xi32>
      %select_n3A_2596 = arith.select %eq3A_39, %broadcast_in_dim3A_2595, %add3A_2593 : vector<16xi1>, vector<16xi32>
      %jit3A_2597 = arith.constant 1024 : i32
      %broadcast_in_dim3A_2598 = vector.broadcast %jit3A_2597 : i32 to vector<16xi32>
      %select_n3A_2599 = arith.select %lt3A_2309, %select_n3A_2596, %broadcast_in_dim3A_2598 : vector<16xi32>
      %add3A_2600 = arith.addi %select_n3A_2599, %select_n3A_36 : vector<16xi32>
      %swap3A_2601 = arith.constant 1 : i32
      %swap3A_2602 = arith.index_cast %swap3A_2601 : i32 to index
      %swap3A_2603 = arith.constant 0 : index
      %swap3A_2604 = tpu.vector_load %arg17[%swap3A_2602, %swap3A_2603] {strides = array<i32>} : memref<3x128xi32, #tpu.memory_space<vmem>>, vector<1x16xi32>,
      %swap3A_2605 = vector.shape_cast %swap3A_2604 : vector<1x16xi32> to vector<16xi32>
      %swap3A_2606 = vector.shape_cast %add3A_2600 : vector<16xi32> to vector<1x16xi32>
      tpu.vector_store %arg17[%swap3A_2602, %swap3A_2603], %swap3A_2606 {strides = array<i32>} : memref<3x128xi32, #tpu.memory_space<vmem>>, vector<1x16xi32>,
      %add3A_2607 = arith.constant 72 : i32
      %add3A_2608 = arith.addi %add3A_2321, %add3A_2607 : i32
      %get3A_2609 = arith.index_cast %add3A_2608 : i32 to index
      %get3A_2610 = tpu.vector_load %arg15[%get3A_2609] {strides = array<i32>} : memref<5392xi32, #tpu.memory_space<vmem>>, vector<16xi32>,
      %get3A_2611 = vector.shape_cast %get3A_2610 : vector<16xi32> to vector<16xi32>
      %add3A_2612 = arith.constant 72 : i32
      %add3A_2613 = arith.addi %add3A_2321, %add3A_2612 : i32
      %get3A_2614 = arith.index_cast %add3A_2613 : i32 to index
      %get3A_2615 = tpu.vector_load %arg16[%get3A_2614] {strides = array<i32>} : memref<5392xi32, #tpu.memory_space<vmem>>, vector<16xi32>,
      %get3A_2616 = vector.shape_cast %get3A_2615 : vector<16xi32> to vector<16xi32>
      %broadcast_in_dim3A_2617 = vector.shape_cast %select_n3A_30 : vector<16xi32> to vector<16x1xi32>
      %gather3A_2618 = vector.shape_cast %broadcast_in_dim3A_2617 : vector<16x1xi32> to vector<16xi32>
      %gather3A_2619 = tpu.dynamic_gather %get3A_2611[%gather3A_2618] in [0] : vector<16xi32>, vector<16xi32> -> vector<16xi32>
      %broadcast_in_dim3A_2620 = vector.shape_cast %select_n3A_30 : vector<16xi32> to vector<16x1xi32>
      %gather3A_2621 = vector.shape_cast %broadcast_in_dim3A_2620 : vector<16x1xi32> to vector<16xi32>
      %gather3A_2622 = tpu.dynamic_gather %get3A_2616[%gather3A_2621] in [0] : vector<16xi32>, vector<16xi32> -> vector<16xi32>
      %mul3A_2623 = arith.constant 512 : i32
      %mul3A_2624 = vector.broadcast %mul3A_2623 : i32 to vector<16xi32>
      %mul3A_2625 = arith.muli %gather3A_2622, %mul3A_2624 : vector<16xi32>
      %add3A_2626 = arith.addi %mul3A_2625, %gather3A_2619 : vector<16xi32>
      %jit3A_2627 = arith.constant 1024 : i32
      %broadcast_in_dim3A_2628 = vector.broadcast %jit3A_2627 : i32 to vector<16xi32>
      %select_n3A_2629 = arith.select %lt3A_2309, %add3A_2626, %broadcast_in_dim3A_2628 : vector<16xi32>
      %add3A_2630 = arith.addi %select_n3A_2629, %select_n3A_36 : vector<16xi32>
      %swap3A_2631 = arith.constant 1 : i32
      %swap3A_2632 = arith.index_cast %swap3A_2631 : i32 to index
      %swap3A_2633 = arith.constant 16 : index
      %swap3A_2634 = tpu.vector_load %arg17[%swap3A_2632, %swap3A_2633] {strides = array<i32>} : memref<3x128xi32, #tpu.memory_space<vmem>>, vector<1x16xi32>,
      %swap3A_2635 = vector.shape_cast %swap3A_2634 : vector<1x16xi32> to vector<16xi32>
      %swap3A_2636 = vector.shape_cast %add3A_2630 : vector<16xi32> to vector<1x16xi32>
      tpu.vector_store %arg17[%swap3A_2632, %swap3A_2633], %swap3A_2636 {strides = array<i32>} : memref<3x128xi32, #tpu.memory_space<vmem>>, vector<1x16xi32>,
      %add3A_2637 = arith.constant 80 : i32
      %add3A_2638 = arith.addi %add3A_2321, %add3A_2637 : i32
      %get3A_2639 = arith.index_cast %add3A_2638 : i32 to index
      %get3A_2640 = tpu.vector_load %arg15[%get3A_2639] {strides = array<i32>} : memref<5392xi32, #tpu.memory_space<vmem>>, vector<16xi32>,
      %get3A_2641 = vector.shape_cast %get3A_2640 : vector<16xi32> to vector<16xi32>
      %add3A_2642 = arith.constant 80 : i32
      %add3A_2643 = arith.addi %add3A_2321, %add3A_2642 : i32
      %get3A_2644 = arith.index_cast %add3A_2643 : i32 to index
      %get3A_2645 = tpu.vector_load %arg16[%get3A_2644] {strides = array<i32>} : memref<5392xi32, #tpu.memory_space<vmem>>, vector<16xi32>,
      %get3A_2646 = vector.shape_cast %get3A_2645 : vector<16xi32> to vector<16xi32>
      %broadcast_in_dim3A_2647 = vector.shape_cast %select_n3A_30 : vector<16xi32> to vector<16x1xi32>
      %gather3A_2648 = vector.shape_cast %broadcast_in_dim3A_2647 : vector<16x1xi32> to vector<16xi32>
      %gather3A_2649 = tpu.dynamic_gather %get3A_2641[%gather3A_2648] in [0] : vector<16xi32>, vector<16xi32> -> vector<16xi32>
      %broadcast_in_dim3A_2650 = vector.shape_cast %select_n3A_30 : vector<16xi32> to vector<16x1xi32>
      %gather3A_2651 = vector.shape_cast %broadcast_in_dim3A_2650 : vector<16x1xi32> to vector<16xi32>
      %gather3A_2652 = tpu.dynamic_gather %get3A_2646[%gather3A_2651] in [0] : vector<16xi32>, vector<16xi32> -> vector<16xi32>
      %mul3A_2653 = arith.constant 512 : i32
      %mul3A_2654 = vector.broadcast %mul3A_2653 : i32 to vector<16xi32>
      %mul3A_2655 = arith.muli %gather3A_2652, %mul3A_2654 : vector<16xi32>
      %add3A_2656 = arith.addi %mul3A_2655, %gather3A_2649 : vector<16xi32>
      %jit3A_2657 = arith.constant 1024 : i32
      %broadcast_in_dim3A_2658 = vector.broadcast %jit3A_2657 : i32 to vector<16xi32>
      %select_n3A_2659 = arith.select %eq3A_39, %broadcast_in_dim3A_2658, %add3A_2656 : vector<16xi1>, vector<16xi32>
      %jit3A_2660 = arith.constant 1024 : i32
      %broadcast_in_dim3A_2661 = vector.broadcast %jit3A_2660 : i32 to vector<16xi32>
      %select_n3A_2662 = arith.select %lt3A_2309, %select_n3A_2659, %broadcast_in_dim3A_2661 : vector<16xi32>
      %add3A_2663 = arith.addi %select_n3A_2662, %select_n3A_36 : vector<16xi32>
      %swap3A_2664 = arith.constant 1 : i32
      %swap3A_2665 = arith.index_cast %swap3A_2664 : i32 to index
      %swap3A_2666 = arith.constant 32 : index
      %swap3A_2667 = tpu.vector_load %arg17[%swap3A_2665, %swap3A_2666] {strides = array<i32>} : memref<3x128xi32, #tpu.memory_space<vmem>>, vector<1x16xi32>,
      %swap3A_2668 = vector.shape_cast %swap3A_2667 : vector<1x16xi32> to vector<16xi32>
      %swap3A_2669 = vector.shape_cast %add3A_2663 : vector<16xi32> to vector<1x16xi32>
      tpu.vector_store %arg17[%swap3A_2665, %swap3A_2666], %swap3A_2669 {strides = array<i32>} : memref<3x128xi32, #tpu.memory_space<vmem>>, vector<1x16xi32>,
      %add3A_2670 = arith.constant 88 : i32
      %add3A_2671 = arith.addi %add3A_2321, %add3A_2670 : i32
      %get3A_2672 = arith.index_cast %add3A_2671 : i32 to index
      %get3A_2673 = tpu.vector_load %arg15[%get3A_2672] {strides = array<i32>} : memref<5392xi32, #tpu.memory_space<vmem>>, vector<16xi32>,
      %get3A_2674 = vector.shape_cast %get3A_2673 : vector<16xi32> to vector<16xi32>
      %add3A_2675 = arith.constant 88 : i32
      %add3A_2676 = arith.addi %add3A_2321, %add3A_2675 : i32
      %get3A_2677 = arith.index_cast %add3A_2676 : i32 to index
      %get3A_2678 = tpu.vector_load %arg16[%get3A_2677] {strides = array<i32>} : memref<5392xi32, #tpu.memory_space<vmem>>, vector<16xi32>,
      %get3A_2679 = vector.shape_cast %get3A_2678 : vector<16xi32> to vector<16xi32>
      %broadcast_in_dim3A_2680 = vector.shape_cast %select_n3A_30 : vector<16xi32> to vector<16x1xi32>
      %gather3A_2681 = vector.shape_cast %broadcast_in_dim3A_2680 : vector<16x1xi32> to vector<16xi32>
      %gather3A_2682 = tpu.dynamic_gather %get3A_2674[%gather3A_2681] in [0] : vector<16xi32>, vector<16xi32> -> vector<16xi32>
      %broadcast_in_dim3A_2683 = vector.shape_cast %select_n3A_30 : vector<16xi32> to vector<16x1xi32>
      %gather3A_2684 = vector.shape_cast %broadcast_in_dim3A_2683 : vector<16x1xi32> to vector<16xi32>
      %gather3A_2685 = tpu.dynamic_gather %get3A_2679[%gather3A_2684] in [0] : vector<16xi32>, vector<16xi32> -> vector<16xi32>
      %mul3A_2686 = arith.constant 512 : i32
      %mul3A_2687 = vector.broadcast %mul3A_2686 : i32 to vector<16xi32>
      %mul3A_2688 = arith.muli %gather3A_2685, %mul3A_2687 : vector<16xi32>
      %add3A_2689 = arith.addi %mul3A_2688, %gather3A_2682 : vector<16xi32>
      %jit3A_2690 = arith.constant 1024 : i32
      %broadcast_in_dim3A_2691 = vector.broadcast %jit3A_2690 : i32 to vector<16xi32>
      %select_n3A_2692 = arith.select %lt3A_2309, %add3A_2689, %broadcast_in_dim3A_2691 : vector<16xi32>
      %add3A_2693 = arith.addi %select_n3A_2692, %select_n3A_36 : vector<16xi32>
      %swap3A_2694 = arith.constant 1 : i32
      %swap3A_2695 = arith.index_cast %swap3A_2694 : i32 to index
      %swap3A_2696 = arith.constant 48 : index
      %swap3A_2697 = tpu.vector_load %arg17[%swap3A_2695, %swap3A_2696] {strides = array<i32>} : memref<3x128xi32, #tpu.memory_space<vmem>>, vector<1x16xi32>,
      %swap3A_2698 = vector.shape_cast %swap3A_2697 : vector<1x16xi32> to vector<16xi32>
      %swap3A_2699 = vector.shape_cast %add3A_2693 : vector<16xi32> to vector<1x16xi32>
      tpu.vector_store %arg17[%swap3A_2695, %swap3A_2696], %swap3A_2699 {strides = array<i32>} : memref<3x128xi32, #tpu.memory_space<vmem>>, vector<1x16xi32>,
      %add3A_2700 = arith.constant 96 : i32
      %add3A_2701 = arith.addi %add3A_2321, %add3A_2700 : i32
      %get3A_2702 = arith.index_cast %add3A_2701 : i32 to index
      %get3A_2703 = tpu.vector_load %arg15[%get3A_2702] {strides = array<i32>} : memref<5392xi32, #tpu.memory_space<vmem>>, vector<16xi32>,
      %get3A_2704 = vector.shape_cast %get3A_2703 : vector<16xi32> to vector<16xi32>
      %add3A_2705 = arith.constant 96 : i32
      %add3A_2706 = arith.addi %add3A_2321, %add3A_2705 : i32
      %get3A_2707 = arith.index_cast %add3A_2706 : i32 to index
      %get3A_2708 = tpu.vector_load %arg16[%get3A_2707] {strides = array<i32>} : memref<5392xi32, #tpu.memory_space<vmem>>, vector<16xi32>,
      %get3A_2709 = vector.shape_cast %get3A_2708 : vector<16xi32> to vector<16xi32>
      %broadcast_in_dim3A_2710 = vector.shape_cast %select_n3A_30 : vector<16xi32> to vector<16x1xi32>
      %gather3A_2711 = vector.shape_cast %broadcast_in_dim3A_2710 : vector<16x1xi32> to vector<16xi32>
      %gather3A_2712 = tpu.dynamic_gather %get3A_2704[%gather3A_2711] in [0] : vector<16xi32>, vector<16xi32> -> vector<16xi32>
      %broadcast_in_dim3A_2713 = vector.shape_cast %select_n3A_30 : vector<16xi32> to vector<16x1xi32>
      %gather3A_2714 = vector.shape_cast %broadcast_in_dim3A_2713 : vector<16x1xi32> to vector<16xi32>
      %gather3A_2715 = tpu.dynamic_gather %get3A_2709[%gather3A_2714] in [0] : vector<16xi32>, vector<16xi32> -> vector<16xi32>
      %mul3A_2716 = arith.constant 512 : i32
      %mul3A_2717 = vector.broadcast %mul3A_2716 : i32 to vector<16xi32>
      %mul3A_2718 = arith.muli %gather3A_2715, %mul3A_2717 : vector<16xi32>
      %add3A_2719 = arith.addi %mul3A_2718, %gather3A_2712 : vector<16xi32>
      %jit3A_2720 = arith.constant 1024 : i32
      %broadcast_in_dim3A_2721 = vector.broadcast %jit3A_2720 : i32 to vector<16xi32>
      %select_n3A_2722 = arith.select %eq3A_39, %broadcast_in_dim3A_2721, %add3A_2719 : vector<16xi1>, vector<16xi32>
      %jit3A_2723 = arith.constant 1024 : i32
      %broadcast_in_dim3A_2724 = vector.broadcast %jit3A_2723 : i32 to vector<16xi32>
      %select_n3A_2725 = arith.select %lt3A_2309, %select_n3A_2722, %broadcast_in_dim3A_2724 : vector<16xi32>
      %add3A_2726 = arith.addi %select_n3A_2725, %select_n3A_36 : vector<16xi32>
      %swap3A_2727 = arith.constant 1 : i32
      %swap3A_2728 = arith.index_cast %swap3A_2727 : i32 to index
      %swap3A_2729 = arith.constant 64 : index
      %swap3A_2730 = tpu.vector_load %arg17[%swap3A_2728, %swap3A_2729] {strides = array<i32>} : memref<3x128xi32, #tpu.memory_space<vmem>>, vector<1x16xi32>,
      %swap3A_2731 = vector.shape_cast %swap3A_2730 : vector<1x16xi32> to vector<16xi32>
      %swap3A_2732 = vector.shape_cast %add3A_2726 : vector<16xi32> to vector<1x16xi32>
      tpu.vector_store %arg17[%swap3A_2728, %swap3A_2729], %swap3A_2732 {strides = array<i32>} : memref<3x128xi32, #tpu.memory_space<vmem>>, vector<1x16xi32>,
      %add3A_2733 = arith.constant 104 : i32
      %add3A_2734 = arith.addi %add3A_2321, %add3A_2733 : i32
      %get3A_2735 = arith.index_cast %add3A_2734 : i32 to index
      %get3A_2736 = tpu.vector_load %arg15[%get3A_2735] {strides = array<i32>} : memref<5392xi32, #tpu.memory_space<vmem>>, vector<16xi32>,
      %get3A_2737 = vector.shape_cast %get3A_2736 : vector<16xi32> to vector<16xi32>
      %add3A_2738 = arith.constant 104 : i32
      %add3A_2739 = arith.addi %add3A_2321, %add3A_2738 : i32
      %get3A_2740 = arith.index_cast %add3A_2739 : i32 to index
      %get3A_2741 = tpu.vector_load %arg16[%get3A_2740] {strides = array<i32>} : memref<5392xi32, #tpu.memory_space<vmem>>, vector<16xi32>,
      %get3A_2742 = vector.shape_cast %get3A_2741 : vector<16xi32> to vector<16xi32>
      %broadcast_in_dim3A_2743 = vector.shape_cast %select_n3A_30 : vector<16xi32> to vector<16x1xi32>
      %gather3A_2744 = vector.shape_cast %broadcast_in_dim3A_2743 : vector<16x1xi32> to vector<16xi32>
      %gather3A_2745 = tpu.dynamic_gather %get3A_2737[%gather3A_2744] in [0] : vector<16xi32>, vector<16xi32> -> vector<16xi32>
      %broadcast_in_dim3A_2746 = vector.shape_cast %select_n3A_30 : vector<16xi32> to vector<16x1xi32>
      %gather3A_2747 = vector.shape_cast %broadcast_in_dim3A_2746 : vector<16x1xi32> to vector<16xi32>
      %gather3A_2748 = tpu.dynamic_gather %get3A_2742[%gather3A_2747] in [0] : vector<16xi32>, vector<16xi32> -> vector<16xi32>
      %mul3A_2749 = arith.constant 512 : i32
      %mul3A_2750 = vector.broadcast %mul3A_2749 : i32 to vector<16xi32>
      %mul3A_2751 = arith.muli %gather3A_2748, %mul3A_2750 : vector<16xi32>
      %add3A_2752 = arith.addi %mul3A_2751, %gather3A_2745 : vector<16xi32>
      %jit3A_2753 = arith.constant 1024 : i32
      %broadcast_in_dim3A_2754 = vector.broadcast %jit3A_2753 : i32 to vector<16xi32>
      %select_n3A_2755 = arith.select %lt3A_2309, %add3A_2752, %broadcast_in_dim3A_2754 : vector<16xi32>
      %add3A_2756 = arith.addi %select_n3A_2755, %select_n3A_36 : vector<16xi32>
      %swap3A_2757 = arith.constant 1 : i32
      %swap3A_2758 = arith.index_cast %swap3A_2757 : i32 to index
      %swap3A_2759 = arith.constant 80 : index
      %swap3A_2760 = tpu.vector_load %arg17[%swap3A_2758, %swap3A_2759] {strides = array<i32>} : memref<3x128xi32, #tpu.memory_space<vmem>>, vector<1x16xi32>,
      %swap3A_2761 = vector.shape_cast %swap3A_2760 : vector<1x16xi32> to vector<16xi32>
      %swap3A_2762 = vector.shape_cast %add3A_2756 : vector<16xi32> to vector<1x16xi32>
      tpu.vector_store %arg17[%swap3A_2758, %swap3A_2759], %swap3A_2762 {strides = array<i32>} : memref<3x128xi32, #tpu.memory_space<vmem>>, vector<1x16xi32>,
      %add3A_2763 = arith.constant 112 : i32
      %add3A_2764 = arith.addi %add3A_2321, %add3A_2763 : i32
      %get3A_2765 = arith.index_cast %add3A_2764 : i32 to index
      %get3A_2766 = tpu.vector_load %arg15[%get3A_2765] {strides = array<i32>} : memref<5392xi32, #tpu.memory_space<vmem>>, vector<16xi32>,
      %get3A_2767 = vector.shape_cast %get3A_2766 : vector<16xi32> to vector<16xi32>
      %add3A_2768 = arith.constant 112 : i32
      %add3A_2769 = arith.addi %add3A_2321, %add3A_2768 : i32
      %get3A_2770 = arith.index_cast %add3A_2769 : i32 to index
      %get3A_2771 = tpu.vector_load %arg16[%get3A_2770] {strides = array<i32>} : memref<5392xi32, #tpu.memory_space<vmem>>, vector<16xi32>,
      %get3A_2772 = vector.shape_cast %get3A_2771 : vector<16xi32> to vector<16xi32>
      %broadcast_in_dim3A_2773 = vector.shape_cast %select_n3A_30 : vector<16xi32> to vector<16x1xi32>
      %gather3A_2774 = vector.shape_cast %broadcast_in_dim3A_2773 : vector<16x1xi32> to vector<16xi32>
      %gather3A_2775 = tpu.dynamic_gather %get3A_2767[%gather3A_2774] in [0] : vector<16xi32>, vector<16xi32> -> vector<16xi32>
      %broadcast_in_dim3A_2776 = vector.shape_cast %select_n3A_30 : vector<16xi32> to vector<16x1xi32>
      %gather3A_2777 = vector.shape_cast %broadcast_in_dim3A_2776 : vector<16x1xi32> to vector<16xi32>
      %gather3A_2778 = tpu.dynamic_gather %get3A_2772[%gather3A_2777] in [0] : vector<16xi32>, vector<16xi32> -> vector<16xi32>
      %mul3A_2779 = arith.constant 512 : i32
      %mul3A_2780 = vector.broadcast %mul3A_2779 : i32 to vector<16xi32>
      %mul3A_2781 = arith.muli %gather3A_2778, %mul3A_2780 : vector<16xi32>
      %add3A_2782 = arith.addi %mul3A_2781, %gather3A_2775 : vector<16xi32>
      %jit3A_2783 = arith.constant 1024 : i32
      %broadcast_in_dim3A_2784 = vector.broadcast %jit3A_2783 : i32 to vector<16xi32>
      %select_n3A_2785 = arith.select %eq3A_39, %broadcast_in_dim3A_2784, %add3A_2782 : vector<16xi1>, vector<16xi32>
      %jit3A_2786 = arith.constant 1024 : i32
      %broadcast_in_dim3A_2787 = vector.broadcast %jit3A_2786 : i32 to vector<16xi32>
      %select_n3A_2788 = arith.select %lt3A_2309, %select_n3A_2785, %broadcast_in_dim3A_2787 : vector<16xi32>
      %add3A_2789 = arith.addi %select_n3A_2788, %select_n3A_36 : vector<16xi32>
      %swap3A_2790 = arith.constant 1 : i32
      %swap3A_2791 = arith.index_cast %swap3A_2790 : i32 to index
      %swap3A_2792 = arith.constant 96 : index
      %swap3A_2793 = tpu.vector_load %arg17[%swap3A_2791, %swap3A_2792] {strides = array<i32>} : memref<3x128xi32, #tpu.memory_space<vmem>>, vector<1x16xi32>,
      %swap3A_2794 = vector.shape_cast %swap3A_2793 : vector<1x16xi32> to vector<16xi32>
      %swap3A_2795 = vector.shape_cast %add3A_2789 : vector<16xi32> to vector<1x16xi32>
      tpu.vector_store %arg17[%swap3A_2791, %swap3A_2792], %swap3A_2795 {strides = array<i32>} : memref<3x128xi32, #tpu.memory_space<vmem>>, vector<1x16xi32>,
      %add3A_2796 = arith.constant 120 : i32
      %add3A_2797 = arith.addi %add3A_2321, %add3A_2796 : i32
      %get3A_2798 = arith.index_cast %add3A_2797 : i32 to index
      %get3A_2799 = tpu.vector_load %arg15[%get3A_2798] {strides = array<i32>} : memref<5392xi32, #tpu.memory_space<vmem>>, vector<16xi32>,
      %get3A_2800 = vector.shape_cast %get3A_2799 : vector<16xi32> to vector<16xi32>
      %add3A_2801 = arith.constant 120 : i32
      %add3A_2802 = arith.addi %add3A_2321, %add3A_2801 : i32
      %get3A_2803 = arith.index_cast %add3A_2802 : i32 to index
      %get3A_2804 = tpu.vector_load %arg16[%get3A_2803] {strides = array<i32>} : memref<5392xi32, #tpu.memory_space<vmem>>, vector<16xi32>,
      %get3A_2805 = vector.shape_cast %get3A_2804 : vector<16xi32> to vector<16xi32>
      %broadcast_in_dim3A_2806 = vector.shape_cast %select_n3A_30 : vector<16xi32> to vector<16x1xi32>
      %gather3A_2807 = vector.shape_cast %broadcast_in_dim3A_2806 : vector<16x1xi32> to vector<16xi32>
      %gather3A_2808 = tpu.dynamic_gather %get3A_2800[%gather3A_2807] in [0] : vector<16xi32>, vector<16xi32> -> vector<16xi32>
      %broadcast_in_dim3A_2809 = vector.shape_cast %select_n3A_30 : vector<16xi32> to vector<16x1xi32>
      %gather3A_2810 = vector.shape_cast %broadcast_in_dim3A_2809 : vector<16x1xi32> to vector<16xi32>
      %gather3A_2811 = tpu.dynamic_gather %get3A_2805[%gather3A_2810] in [0] : vector<16xi32>, vector<16xi32> -> vector<16xi32>
      %mul3A_2812 = arith.constant 512 : i32
      %mul3A_2813 = vector.broadcast %mul3A_2812 : i32 to vector<16xi32>
      %mul3A_2814 = arith.muli %gather3A_2811, %mul3A_2813 : vector<16xi32>
      %add3A_2815 = arith.addi %mul3A_2814, %gather3A_2808 : vector<16xi32>
      %jit3A_2816 = arith.constant 1024 : i32
      %broadcast_in_dim3A_2817 = vector.broadcast %jit3A_2816 : i32 to vector<16xi32>
      %select_n3A_2818 = arith.select %lt3A_2309, %add3A_2815, %broadcast_in_dim3A_2817 : vector<16xi32>
      %add3A_2819 = arith.addi %select_n3A_2818, %select_n3A_36 : vector<16xi32>
      %swap3A_2820 = arith.constant 1 : i32
      %swap3A_2821 = arith.index_cast %swap3A_2820 : i32 to index
      %swap3A_2822 = arith.constant 112 : index
      %swap3A_2823 = tpu.vector_load %arg17[%swap3A_2821, %swap3A_2822] {strides = array<i32>} : memref<3x128xi32, #tpu.memory_space<vmem>>, vector<1x16xi32>,
      %swap3A_2824 = vector.shape_cast %swap3A_2823 : vector<1x16xi32> to vector<16xi32>
      %swap3A_2825 = vector.shape_cast %add3A_2819 : vector<16xi32> to vector<1x16xi32>
      tpu.vector_store %arg17[%swap3A_2821, %swap3A_2822], %swap3A_2825 {strides = array<i32>} : memref<3x128xi32, #tpu.memory_space<vmem>>, vector<1x16xi32>,
      %jit3A_2826 = arith.constant 16 : i32
      %eq3A_2827 = arith.constant 0 : i32
      %eq3A_2828 = arith.cmpi eq, %jit3A_2826, %eq3A_2827 : i32
      %jit3A_2829 = arith.constant 1 : i32
      %select_n3A_2830 = arith.select %eq3A_2828, %jit3A_2829, %jit3A_2826 : i32
      %rem3A_2831 = vector.broadcast %select_n3A_2830 : i32 to vector<16xi32>
      %rem3A_2832 = arith.remsi %iota3A, %rem3A_2831 : vector<16xi32>
      %ne3A_2833 = arith.constant 0 : i32
      %ne3A_2834 = vector.broadcast %ne3A_2833 : i32 to vector<16xi32>
      %ne3A_2835 = arith.cmpi ne, %rem3A_2832, %ne3A_2834 : vector<16xi32>
      %lt3A_2836 = arith.constant 0 : i32
      %lt3A_2837 = vector.broadcast %lt3A_2836 : i32 to vector<16xi32>
      %lt3A_2838 = arith.cmpi slt, %rem3A_2832, %lt3A_2837 : vector<16xi32>
      %lt3A_2839 = arith.constant 0 : i32
      %lt3A_2840 = arith.cmpi slt, %select_n3A_2830, %lt3A_2839 : i32
      %ne3A_2841 = vector.broadcast %lt3A_2840 : i1 to vector<16xi1>
      %ne3A_2842 = vector.broadcast %ne3A_2841 : vector<16xi1> to vector<16xi1>
      %ne3A_2843 = arith.xori %lt3A_2838, %ne3A_2842 : vector<16xi1>
      %and3A_2844 = arith.andi %ne3A_2843, %ne3A_2835 : vector<16xi1>
      %add3A_2845 = vector.broadcast %select_n3A_2830 : i32 to vector<16xi32>
      %add3A_2846 = arith.addi %rem3A_2832, %add3A_2845 : vector<16xi32>
      %select_n3A_2847 = arith.select %and3A_2844, %add3A_2846, %rem3A_2832 : vector<16xi1>, vector<16xi32>
      %eq3A_2848 = arith.constant 0 : i32
      %eq3A_2849 = vector.broadcast %eq3A_2848 : i32 to vector<16xi32>
      %eq3A_2850 = arith.cmpi eq, %select_n3A_2847, %eq3A_2849 : vector<16xi32>
      %add3A_2851 = arith.constant 0 : i32
      %add3A_2852 = arith.addi %add3A_2321, %add3A_2851 : i32
      %get3A_2853 = arith.index_cast %add3A_2852 : i32 to index
      %get3A_2854 = tpu.vector_load %arg15[%get3A_2853] {strides = array<i32>} : memref<5392xi32, #tpu.memory_space<vmem>>, vector<16xi32>,
      %get3A_2855 = vector.shape_cast %get3A_2854 : vector<16xi32> to vector<16xi32>
      %add3A_2856 = arith.constant 0 : i32
      %add3A_2857 = arith.addi %add3A_2321, %add3A_2856 : i32
      %get3A_2858 = arith.index_cast %add3A_2857 : i32 to index
      %get3A_2859 = tpu.vector_load %arg16[%get3A_2858] {strides = array<i32>} : memref<5392xi32, #tpu.memory_space<vmem>>, vector<16xi32>,
      %get3A_2860 = vector.shape_cast %get3A_2859 : vector<16xi32> to vector<16xi32>
      %mul3A_2861 = arith.constant 512 : i32
      %mul3A_2862 = vector.broadcast %mul3A_2861 : i32 to vector<16xi32>
      %mul3A_2863 = arith.muli %get3A_2860, %mul3A_2862 : vector<16xi32>
      %add3A_2864 = arith.addi %mul3A_2863, %get3A_2855 : vector<16xi32>
      %jit3A_2865 = arith.constant 1024 : i32
      %broadcast_in_dim3A_2866 = vector.broadcast %jit3A_2865 : i32 to vector<16xi32>
      %select_n3A_2867 = arith.select %eq3A_2850, %broadcast_in_dim3A_2866, %add3A_2864 : vector<16xi1>, vector<16xi32>
      %jit3A_2868 = arith.constant 1024 : i32
      %broadcast_in_dim3A_2869 = vector.broadcast %jit3A_2868 : i32 to vector<16xi32>
      %select_n3A_2870 = arith.select %lt3A_2309, %select_n3A_2867, %broadcast_in_dim3A_2869 : vector<16xi32>
      %swap3A_2871 = arith.constant 2 : i32
      %swap3A_2872 = arith.index_cast %swap3A_2871 : i32 to index
      %swap3A_2873 = arith.constant 0 : index
      %swap3A_2874 = tpu.vector_load %arg17[%swap3A_2872, %swap3A_2873] {strides = array<i32>} : memref<3x128xi32, #tpu.memory_space<vmem>>, vector<1x16xi32>,
      %swap3A_2875 = vector.shape_cast %swap3A_2874 : vector<1x16xi32> to vector<16xi32>
      %swap3A_2876 = vector.shape_cast %select_n3A_2870 : vector<16xi32> to vector<1x16xi32>
      tpu.vector_store %arg17[%swap3A_2872, %swap3A_2873], %swap3A_2876 {strides = array<i32>} : memref<3x128xi32, #tpu.memory_space<vmem>>, vector<1x16xi32>,
      %add3A_2877 = arith.constant 16 : i32
      %add3A_2878 = arith.addi %add3A_2321, %add3A_2877 : i32
      %get3A_2879 = arith.index_cast %add3A_2878 : i32 to index
      %get3A_2880 = tpu.vector_load %arg15[%get3A_2879] {strides = array<i32>} : memref<5392xi32, #tpu.memory_space<vmem>>, vector<16xi32>,
      %get3A_2881 = vector.shape_cast %get3A_2880 : vector<16xi32> to vector<16xi32>
      %add3A_2882 = arith.constant 16 : i32
      %add3A_2883 = arith.addi %add3A_2321, %add3A_2882 : i32
      %get3A_2884 = arith.index_cast %add3A_2883 : i32 to index
      %get3A_2885 = tpu.vector_load %arg16[%get3A_2884] {strides = array<i32>} : memref<5392xi32, #tpu.memory_space<vmem>>, vector<16xi32>,
      %get3A_2886 = vector.shape_cast %get3A_2885 : vector<16xi32> to vector<16xi32>
      %mul3A_2887 = arith.constant 512 : i32
      %mul3A_2888 = vector.broadcast %mul3A_2887 : i32 to vector<16xi32>
      %mul3A_2889 = arith.muli %get3A_2886, %mul3A_2888 : vector<16xi32>
      %add3A_2890 = arith.addi %mul3A_2889, %get3A_2881 : vector<16xi32>
      %jit3A_2891 = arith.constant 1024 : i32
      %broadcast_in_dim3A_2892 = vector.broadcast %jit3A_2891 : i32 to vector<16xi32>
      %select_n3A_2893 = arith.select %eq3A_2850, %broadcast_in_dim3A_2892, %add3A_2890 : vector<16xi1>, vector<16xi32>
      %jit3A_2894 = arith.constant 1024 : i32
      %broadcast_in_dim3A_2895 = vector.broadcast %jit3A_2894 : i32 to vector<16xi32>
      %select_n3A_2896 = arith.select %lt3A_2309, %select_n3A_2893, %broadcast_in_dim3A_2895 : vector<16xi32>
      %swap3A_2897 = arith.constant 2 : i32
      %swap3A_2898 = arith.index_cast %swap3A_2897 : i32 to index
      %swap3A_2899 = arith.constant 16 : index
      %swap3A_2900 = tpu.vector_load %arg17[%swap3A_2898, %swap3A_2899] {strides = array<i32>} : memref<3x128xi32, #tpu.memory_space<vmem>>, vector<1x16xi32>,
      %swap3A_2901 = vector.shape_cast %swap3A_2900 : vector<1x16xi32> to vector<16xi32>
      %swap3A_2902 = vector.shape_cast %select_n3A_2896 : vector<16xi32> to vector<1x16xi32>
      tpu.vector_store %arg17[%swap3A_2898, %swap3A_2899], %swap3A_2902 {strides = array<i32>} : memref<3x128xi32, #tpu.memory_space<vmem>>, vector<1x16xi32>,
      %add3A_2903 = arith.constant 32 : i32
      %add3A_2904 = arith.addi %add3A_2321, %add3A_2903 : i32
      %get3A_2905 = arith.index_cast %add3A_2904 : i32 to index
      %get3A_2906 = tpu.vector_load %arg15[%get3A_2905] {strides = array<i32>} : memref<5392xi32, #tpu.memory_space<vmem>>, vector<16xi32>,
      %get3A_2907 = vector.shape_cast %get3A_2906 : vector<16xi32> to vector<16xi32>
      %add3A_2908 = arith.constant 32 : i32
      %add3A_2909 = arith.addi %add3A_2321, %add3A_2908 : i32
      %get3A_2910 = arith.index_cast %add3A_2909 : i32 to index
      %get3A_2911 = tpu.vector_load %arg16[%get3A_2910] {strides = array<i32>} : memref<5392xi32, #tpu.memory_space<vmem>>, vector<16xi32>,
      %get3A_2912 = vector.shape_cast %get3A_2911 : vector<16xi32> to vector<16xi32>
      %mul3A_2913 = arith.constant 512 : i32
      %mul3A_2914 = vector.broadcast %mul3A_2913 : i32 to vector<16xi32>
      %mul3A_2915 = arith.muli %get3A_2912, %mul3A_2914 : vector<16xi32>
      %add3A_2916 = arith.addi %mul3A_2915, %get3A_2907 : vector<16xi32>
      %jit3A_2917 = arith.constant 1024 : i32
      %broadcast_in_dim3A_2918 = vector.broadcast %jit3A_2917 : i32 to vector<16xi32>
      %select_n3A_2919 = arith.select %eq3A_2850, %broadcast_in_dim3A_2918, %add3A_2916 : vector<16xi1>, vector<16xi32>
      %jit3A_2920 = arith.constant 1024 : i32
      %broadcast_in_dim3A_2921 = vector.broadcast %jit3A_2920 : i32 to vector<16xi32>
      %select_n3A_2922 = arith.select %lt3A_2309, %select_n3A_2919, %broadcast_in_dim3A_2921 : vector<16xi32>
      %swap3A_2923 = arith.constant 2 : i32
      %swap3A_2924 = arith.index_cast %swap3A_2923 : i32 to index
      %swap3A_2925 = arith.constant 32 : index
      %swap3A_2926 = tpu.vector_load %arg17[%swap3A_2924, %swap3A_2925] {strides = array<i32>} : memref<3x128xi32, #tpu.memory_space<vmem>>, vector<1x16xi32>,
      %swap3A_2927 = vector.shape_cast %swap3A_2926 : vector<1x16xi32> to vector<16xi32>
      %swap3A_2928 = vector.shape_cast %select_n3A_2922 : vector<16xi32> to vector<1x16xi32>
      tpu.vector_store %arg17[%swap3A_2924, %swap3A_2925], %swap3A_2928 {strides = array<i32>} : memref<3x128xi32, #tpu.memory_space<vmem>>, vector<1x16xi32>,
      %add3A_2929 = arith.constant 48 : i32
      %add3A_2930 = arith.addi %add3A_2321, %add3A_2929 : i32
      %get3A_2931 = arith.index_cast %add3A_2930 : i32 to index
      %get3A_2932 = tpu.vector_load %arg15[%get3A_2931] {strides = array<i32>} : memref<5392xi32, #tpu.memory_space<vmem>>, vector<16xi32>,
      %get3A_2933 = vector.shape_cast %get3A_2932 : vector<16xi32> to vector<16xi32>
      %add3A_2934 = arith.constant 48 : i32
      %add3A_2935 = arith.addi %add3A_2321, %add3A_2934 : i32
      %get3A_2936 = arith.index_cast %add3A_2935 : i32 to index
      %get3A_2937 = tpu.vector_load %arg16[%get3A_2936] {strides = array<i32>} : memref<5392xi32, #tpu.memory_space<vmem>>, vector<16xi32>,
      %get3A_2938 = vector.shape_cast %get3A_2937 : vector<16xi32> to vector<16xi32>
      %mul3A_2939 = arith.constant 512 : i32
      %mul3A_2940 = vector.broadcast %mul3A_2939 : i32 to vector<16xi32>
      %mul3A_2941 = arith.muli %get3A_2938, %mul3A_2940 : vector<16xi32>
      %add3A_2942 = arith.addi %mul3A_2941, %get3A_2933 : vector<16xi32>
      %jit3A_2943 = arith.constant 1024 : i32
      %broadcast_in_dim3A_2944 = vector.broadcast %jit3A_2943 : i32 to vector<16xi32>
      %select_n3A_2945 = arith.select %eq3A_2850, %broadcast_in_dim3A_2944, %add3A_2942 : vector<16xi1>, vector<16xi32>
      %jit3A_2946 = arith.constant 1024 : i32
      %broadcast_in_dim3A_2947 = vector.broadcast %jit3A_2946 : i32 to vector<16xi32>
      %select_n3A_2948 = arith.select %lt3A_2309, %select_n3A_2945, %broadcast_in_dim3A_2947 : vector<16xi32>
      %swap3A_2949 = arith.constant 2 : i32
      %swap3A_2950 = arith.index_cast %swap3A_2949 : i32 to index
      %swap3A_2951 = arith.constant 48 : index
      %swap3A_2952 = tpu.vector_load %arg17[%swap3A_2950, %swap3A_2951] {strides = array<i32>} : memref<3x128xi32, #tpu.memory_space<vmem>>, vector<1x16xi32>,
      %swap3A_2953 = vector.shape_cast %swap3A_2952 : vector<1x16xi32> to vector<16xi32>
      %swap3A_2954 = vector.shape_cast %select_n3A_2948 : vector<16xi32> to vector<1x16xi32>
      tpu.vector_store %arg17[%swap3A_2950, %swap3A_2951], %swap3A_2954 {strides = array<i32>} : memref<3x128xi32, #tpu.memory_space<vmem>>, vector<1x16xi32>,
      %add3A_2955 = arith.constant 64 : i32
      %add3A_2956 = arith.addi %add3A_2321, %add3A_2955 : i32
      %get3A_2957 = arith.index_cast %add3A_2956 : i32 to index
      %get3A_2958 = tpu.vector_load %arg15[%get3A_2957] {strides = array<i32>} : memref<5392xi32, #tpu.memory_space<vmem>>, vector<16xi32>,
      %get3A_2959 = vector.shape_cast %get3A_2958 : vector<16xi32> to vector<16xi32>
      %add3A_2960 = arith.constant 64 : i32
      %add3A_2961 = arith.addi %add3A_2321, %add3A_2960 : i32
      %get3A_2962 = arith.index_cast %add3A_2961 : i32 to index
      %get3A_2963 = tpu.vector_load %arg16[%get3A_2962] {strides = array<i32>} : memref<5392xi32, #tpu.memory_space<vmem>>, vector<16xi32>,
      %get3A_2964 = vector.shape_cast %get3A_2963 : vector<16xi32> to vector<16xi32>
      %mul3A_2965 = arith.constant 512 : i32
      %mul3A_2966 = vector.broadcast %mul3A_2965 : i32 to vector<16xi32>
      %mul3A_2967 = arith.muli %get3A_2964, %mul3A_2966 : vector<16xi32>
      %add3A_2968 = arith.addi %mul3A_2967, %get3A_2959 : vector<16xi32>
      %jit3A_2969 = arith.constant 1024 : i32
      %broadcast_in_dim3A_2970 = vector.broadcast %jit3A_2969 : i32 to vector<16xi32>
      %select_n3A_2971 = arith.select %eq3A_2850, %broadcast_in_dim3A_2970, %add3A_2968 : vector<16xi1>, vector<16xi32>
      %jit3A_2972 = arith.constant 1024 : i32
      %broadcast_in_dim3A_2973 = vector.broadcast %jit3A_2972 : i32 to vector<16xi32>
      %select_n3A_2974 = arith.select %lt3A_2309, %select_n3A_2971, %broadcast_in_dim3A_2973 : vector<16xi32>
      %swap3A_2975 = arith.constant 2 : i32
      %swap3A_2976 = arith.index_cast %swap3A_2975 : i32 to index
      %swap3A_2977 = arith.constant 64 : index
      %swap3A_2978 = tpu.vector_load %arg17[%swap3A_2976, %swap3A_2977] {strides = array<i32>} : memref<3x128xi32, #tpu.memory_space<vmem>>, vector<1x16xi32>,
      %swap3A_2979 = vector.shape_cast %swap3A_2978 : vector<1x16xi32> to vector<16xi32>
      %swap3A_2980 = vector.shape_cast %select_n3A_2974 : vector<16xi32> to vector<1x16xi32>
      tpu.vector_store %arg17[%swap3A_2976, %swap3A_2977], %swap3A_2980 {strides = array<i32>} : memref<3x128xi32, #tpu.memory_space<vmem>>, vector<1x16xi32>,
      %add3A_2981 = arith.constant 80 : i32
      %add3A_2982 = arith.addi %add3A_2321, %add3A_2981 : i32
      %get3A_2983 = arith.index_cast %add3A_2982 : i32 to index
      %get3A_2984 = tpu.vector_load %arg15[%get3A_2983] {strides = array<i32>} : memref<5392xi32, #tpu.memory_space<vmem>>, vector<16xi32>,
      %get3A_2985 = vector.shape_cast %get3A_2984 : vector<16xi32> to vector<16xi32>
      %add3A_2986 = arith.constant 80 : i32
      %add3A_2987 = arith.addi %add3A_2321, %add3A_2986 : i32
      %get3A_2988 = arith.index_cast %add3A_2987 : i32 to index
      %get3A_2989 = tpu.vector_load %arg16[%get3A_2988] {strides = array<i32>} : memref<5392xi32, #tpu.memory_space<vmem>>, vector<16xi32>,
      %get3A_2990 = vector.shape_cast %get3A_2989 : vector<16xi32> to vector<16xi32>
      %mul3A_2991 = arith.constant 512 : i32
      %mul3A_2992 = vector.broadcast %mul3A_2991 : i32 to vector<16xi32>
      %mul3A_2993 = arith.muli %get3A_2990, %mul3A_2992 : vector<16xi32>
      %add3A_2994 = arith.addi %mul3A_2993, %get3A_2985 : vector<16xi32>
      %jit3A_2995 = arith.constant 1024 : i32
      %broadcast_in_dim3A_2996 = vector.broadcast %jit3A_2995 : i32 to vector<16xi32>
      %select_n3A_2997 = arith.select %eq3A_2850, %broadcast_in_dim3A_2996, %add3A_2994 : vector<16xi1>, vector<16xi32>
      %jit3A_2998 = arith.constant 1024 : i32
      %broadcast_in_dim3A_2999 = vector.broadcast %jit3A_2998 : i32 to vector<16xi32>
      %select_n3A_3000 = arith.select %lt3A_2309, %select_n3A_2997, %broadcast_in_dim3A_2999 : vector<16xi32>
      %swap3A_3001 = arith.constant 2 : i32
      %swap3A_3002 = arith.index_cast %swap3A_3001 : i32 to index
      %swap3A_3003 = arith.constant 80 : index
      %swap3A_3004 = tpu.vector_load %arg17[%swap3A_3002, %swap3A_3003] {strides = array<i32>} : memref<3x128xi32, #tpu.memory_space<vmem>>, vector<1x16xi32>,
      %swap3A_3005 = vector.shape_cast %swap3A_3004 : vector<1x16xi32> to vector<16xi32>
      %swap3A_3006 = vector.shape_cast %select_n3A_3000 : vector<16xi32> to vector<1x16xi32>
      tpu.vector_store %arg17[%swap3A_3002, %swap3A_3003], %swap3A_3006 {strides = array<i32>} : memref<3x128xi32, #tpu.memory_space<vmem>>, vector<1x16xi32>,
      %add3A_3007 = arith.constant 96 : i32
      %add3A_3008 = arith.addi %add3A_2321, %add3A_3007 : i32
      %get3A_3009 = arith.index_cast %add3A_3008 : i32 to index
      %get3A_3010 = tpu.vector_load %arg15[%get3A_3009] {strides = array<i32>} : memref<5392xi32, #tpu.memory_space<vmem>>, vector<16xi32>,
      %get3A_3011 = vector.shape_cast %get3A_3010 : vector<16xi32> to vector<16xi32>
      %add3A_3012 = arith.constant 96 : i32
      %add3A_3013 = arith.addi %add3A_2321, %add3A_3012 : i32
      %get3A_3014 = arith.index_cast %add3A_3013 : i32 to index
      %get3A_3015 = tpu.vector_load %arg16[%get3A_3014] {strides = array<i32>} : memref<5392xi32, #tpu.memory_space<vmem>>, vector<16xi32>,
      %get3A_3016 = vector.shape_cast %get3A_3015 : vector<16xi32> to vector<16xi32>
      %mul3A_3017 = arith.constant 512 : i32
      %mul3A_3018 = vector.broadcast %mul3A_3017 : i32 to vector<16xi32>
      %mul3A_3019 = arith.muli %get3A_3016, %mul3A_3018 : vector<16xi32>
      %add3A_3020 = arith.addi %mul3A_3019, %get3A_3011 : vector<16xi32>
      %jit3A_3021 = arith.constant 1024 : i32
      %broadcast_in_dim3A_3022 = vector.broadcast %jit3A_3021 : i32 to vector<16xi32>
      %select_n3A_3023 = arith.select %eq3A_2850, %broadcast_in_dim3A_3022, %add3A_3020 : vector<16xi1>, vector<16xi32>
      %jit3A_3024 = arith.constant 1024 : i32
      %broadcast_in_dim3A_3025 = vector.broadcast %jit3A_3024 : i32 to vector<16xi32>
      %select_n3A_3026 = arith.select %lt3A_2309, %select_n3A_3023, %broadcast_in_dim3A_3025 : vector<16xi32>
      %swap3A_3027 = arith.constant 2 : i32
      %swap3A_3028 = arith.index_cast %swap3A_3027 : i32 to index
      %swap3A_3029 = arith.constant 96 : index
      %swap3A_3030 = tpu.vector_load %arg17[%swap3A_3028, %swap3A_3029] {strides = array<i32>} : memref<3x128xi32, #tpu.memory_space<vmem>>, vector<1x16xi32>,
      %swap3A_3031 = vector.shape_cast %swap3A_3030 : vector<1x16xi32> to vector<16xi32>
      %swap3A_3032 = vector.shape_cast %select_n3A_3026 : vector<16xi32> to vector<1x16xi32>
      tpu.vector_store %arg17[%swap3A_3028, %swap3A_3029], %swap3A_3032 {strides = array<i32>} : memref<3x128xi32, #tpu.memory_space<vmem>>, vector<1x16xi32>,
      %add3A_3033 = arith.constant 112 : i32
      %add3A_3034 = arith.addi %add3A_2321, %add3A_3033 : i32
      %get3A_3035 = arith.index_cast %add3A_3034 : i32 to index
      %get3A_3036 = tpu.vector_load %arg15[%get3A_3035] {strides = array<i32>} : memref<5392xi32, #tpu.memory_space<vmem>>, vector<16xi32>,
      %get3A_3037 = vector.shape_cast %get3A_3036 : vector<16xi32> to vector<16xi32>
      %add3A_3038 = arith.constant 112 : i32
      %add3A_3039 = arith.addi %add3A_2321, %add3A_3038 : i32
      %get3A_3040 = arith.index_cast %add3A_3039 : i32 to index
      %get3A_3041 = tpu.vector_load %arg16[%get3A_3040] {strides = array<i32>} : memref<5392xi32, #tpu.memory_space<vmem>>, vector<16xi32>,
      %get3A_3042 = vector.shape_cast %get3A_3041 : vector<16xi32> to vector<16xi32>
      %mul3A_3043 = arith.constant 512 : i32
      %mul3A_3044 = vector.broadcast %mul3A_3043 : i32 to vector<16xi32>
      %mul3A_3045 = arith.muli %get3A_3042, %mul3A_3044 : vector<16xi32>
      %add3A_3046 = arith.addi %mul3A_3045, %get3A_3037 : vector<16xi32>
      %jit3A_3047 = arith.constant 1024 : i32
      %broadcast_in_dim3A_3048 = vector.broadcast %jit3A_3047 : i32 to vector<16xi32>
      %select_n3A_3049 = arith.select %eq3A_2850, %broadcast_in_dim3A_3048, %add3A_3046 : vector<16xi1>, vector<16xi32>
      %jit3A_3050 = arith.constant 1024 : i32
      %broadcast_in_dim3A_3051 = vector.broadcast %jit3A_3050 : i32 to vector<16xi32>
      %select_n3A_3052 = arith.select %lt3A_2309, %select_n3A_3049, %broadcast_in_dim3A_3051 : vector<16xi32>
      %swap3A_3053 = arith.constant 2 : i32
      %swap3A_3054 = arith.index_cast %swap3A_3053 : i32 to index
      %swap3A_3055 = arith.constant 112 : index
      %swap3A_3056 = tpu.vector_load %arg17[%swap3A_3054, %swap3A_3055] {strides = array<i32>} : memref<3x128xi32, #tpu.memory_space<vmem>>, vector<1x16xi32>,
      %swap3A_3057 = vector.shape_cast %swap3A_3056 : vector<1x16xi32> to vector<16xi32>
      %swap3A_3058 = vector.shape_cast %select_n3A_3052 : vector<16xi32> to vector<1x16xi32>
      tpu.vector_store %arg17[%swap3A_3054, %swap3A_3055], %swap3A_3058 {strides = array<i32>} : memref<3x128xi32, #tpu.memory_space<vmem>>, vector<1x16xi32>,
      %get3A_3059 = arith.constant 0 : i32
      %get3A_3060 = arith.index_cast %get3A_3059 : i32 to index
      %get3A_3061 = arith.constant 0 : index
      %get3A_3062 = tpu.vector_load %arg14[%get3A_3060, %get3A_3061] {strides = array<i32>} : memref<256x128xf32, #tpu.memory_space<vmem>>, vector<1x16xf32>,
      %get3A_3063 = vector.shape_cast %get3A_3062 : vector<1x16xf32> to vector<16xf32>
      %swap3A_3064 = arith.constant 0 : i32
      %swap3A_3065 = arith.index_cast %swap3A_3064 : i32 to index
      %swap3A_3066 = arith.constant 0 : index
      %swap3A_3067 = tpu.vector_load %arg19[%swap3A_3065, %swap3A_3066] {strides = array<i32>} : memref<16x128xf32, #tpu.memory_space<vmem>>, vector<1x16xf32>,
      %swap3A_3068 = vector.shape_cast %swap3A_3067 : vector<1x16xf32> to vector<16xf32>
      %swap3A_3069 = vector.shape_cast %get3A_3063 : vector<16xf32> to vector<1x16xf32>
      tpu.vector_store %arg19[%swap3A_3065, %swap3A_3066], %swap3A_3069 {strides = array<i32>} : memref<16x128xf32, #tpu.memory_space<vmem>>, vector<1x16xf32>,
      %get3A_3070 = arith.constant 0 : i32
      %get3A_3071 = arith.index_cast %get3A_3070 : i32 to index
      %get3A_3072 = arith.constant 16 : index
      %get3A_3073 = tpu.vector_load %arg14[%get3A_3071, %get3A_3072] {strides = array<i32>} : memref<256x128xf32, #tpu.memory_space<vmem>>, vector<1x16xf32>,
      %get3A_3074 = vector.shape_cast %get3A_3073 : vector<1x16xf32> to vector<16xf32>
      %swap3A_3075 = arith.constant 0 : i32
      %swap3A_3076 = arith.index_cast %swap3A_3075 : i32 to index
      %swap3A_3077 = arith.constant 16 : index
      %swap3A_3078 = tpu.vector_load %arg19[%swap3A_3076, %swap3A_3077] {strides = array<i32>} : memref<16x128xf32, #tpu.memory_space<vmem>>, vector<1x16xf32>,
      %swap3A_3079 = vector.shape_cast %swap3A_3078 : vector<1x16xf32> to vector<16xf32>
      %swap3A_3080 = vector.shape_cast %get3A_3074 : vector<16xf32> to vector<1x16xf32>
      tpu.vector_store %arg19[%swap3A_3076, %swap3A_3077], %swap3A_3080 {strides = array<i32>} : memref<16x128xf32, #tpu.memory_space<vmem>>, vector<1x16xf32>,
      %get3A_3081 = arith.constant 0 : i32
      %get3A_3082 = arith.index_cast %get3A_3081 : i32 to index
      %get3A_3083 = arith.constant 32 : index
      %get3A_3084 = tpu.vector_load %arg14[%get3A_3082, %get3A_3083] {strides = array<i32>} : memref<256x128xf32, #tpu.memory_space<vmem>>, vector<1x16xf32>,
      %get3A_3085 = vector.shape_cast %get3A_3084 : vector<1x16xf32> to vector<16xf32>
      %swap3A_3086 = arith.constant 0 : i32
      %swap3A_3087 = arith.index_cast %swap3A_3086 : i32 to index
      %swap3A_3088 = arith.constant 32 : index
      %swap3A_3089 = tpu.vector_load %arg19[%swap3A_3087, %swap3A_3088] {strides = array<i32>} : memref<16x128xf32, #tpu.memory_space<vmem>>, vector<1x16xf32>,
      %swap3A_3090 = vector.shape_cast %swap3A_3089 : vector<1x16xf32> to vector<16xf32>
      %swap3A_3091 = vector.shape_cast %get3A_3085 : vector<16xf32> to vector<1x16xf32>
      tpu.vector_store %arg19[%swap3A_3087, %swap3A_3088], %swap3A_3091 {strides = array<i32>} : memref<16x128xf32, #tpu.memory_space<vmem>>, vector<1x16xf32>,
      %get3A_3092 = arith.constant 0 : i32
      %get3A_3093 = arith.index_cast %get3A_3092 : i32 to index
      %get3A_3094 = arith.constant 48 : index
      %get3A_3095 = tpu.vector_load %arg14[%get3A_3093, %get3A_3094] {strides = array<i32>} : memref<256x128xf32, #tpu.memory_space<vmem>>, vector<1x16xf32>,
      %get3A_3096 = vector.shape_cast %get3A_3095 : vector<1x16xf32> to vector<16xf32>
      %swap3A_3097 = arith.constant 0 : i32
      %swap3A_3098 = arith.index_cast %swap3A_3097 : i32 to index
      %swap3A_3099 = arith.constant 48 : index
      %swap3A_3100 = tpu.vector_load %arg19[%swap3A_3098, %swap3A_3099] {strides = array<i32>} : memref<16x128xf32, #tpu.memory_space<vmem>>, vector<1x16xf32>,
      %swap3A_3101 = vector.shape_cast %swap3A_3100 : vector<1x16xf32> to vector<16xf32>
      %swap3A_3102 = vector.shape_cast %get3A_3096 : vector<16xf32> to vector<1x16xf32>
      tpu.vector_store %arg19[%swap3A_3098, %swap3A_3099], %swap3A_3102 {strides = array<i32>} : memref<16x128xf32, #tpu.memory_space<vmem>>, vector<1x16xf32>,
      %get3A_3103 = arith.constant 0 : i32
      %get3A_3104 = arith.index_cast %get3A_3103 : i32 to index
      %get3A_3105 = arith.constant 64 : index
      %get3A_3106 = tpu.vector_load %arg14[%get3A_3104, %get3A_3105] {strides = array<i32>} : memref<256x128xf32, #tpu.memory_space<vmem>>, vector<1x16xf32>,
      %get3A_3107 = vector.shape_cast %get3A_3106 : vector<1x16xf32> to vector<16xf32>
      %swap3A_3108 = arith.constant 0 : i32
      %swap3A_3109 = arith.index_cast %swap3A_3108 : i32 to index
      %swap3A_3110 = arith.constant 64 : index
      %swap3A_3111 = tpu.vector_load %arg19[%swap3A_3109, %swap3A_3110] {strides = array<i32>} : memref<16x128xf32, #tpu.memory_space<vmem>>, vector<1x16xf32>,
      %swap3A_3112 = vector.shape_cast %swap3A_3111 : vector<1x16xf32> to vector<16xf32>
      %swap3A_3113 = vector.shape_cast %get3A_3107 : vector<16xf32> to vector<1x16xf32>
      tpu.vector_store %arg19[%swap3A_3109, %swap3A_3110], %swap3A_3113 {strides = array<i32>} : memref<16x128xf32, #tpu.memory_space<vmem>>, vector<1x16xf32>,
      %get3A_3114 = arith.constant 0 : i32
      %get3A_3115 = arith.index_cast %get3A_3114 : i32 to index
      %get3A_3116 = arith.constant 80 : index
      %get3A_3117 = tpu.vector_load %arg14[%get3A_3115, %get3A_3116] {strides = array<i32>} : memref<256x128xf32, #tpu.memory_space<vmem>>, vector<1x16xf32>,
      %get3A_3118 = vector.shape_cast %get3A_3117 : vector<1x16xf32> to vector<16xf32>
      %swap3A_3119 = arith.constant 0 : i32
      %swap3A_3120 = arith.index_cast %swap3A_3119 : i32 to index
      %swap3A_3121 = arith.constant 80 : index
      %swap3A_3122 = tpu.vector_load %arg19[%swap3A_3120, %swap3A_3121] {strides = array<i32>} : memref<16x128xf32, #tpu.memory_space<vmem>>, vector<1x16xf32>,
      %swap3A_3123 = vector.shape_cast %swap3A_3122 : vector<1x16xf32> to vector<16xf32>
      %swap3A_3124 = vector.shape_cast %get3A_3118 : vector<16xf32> to vector<1x16xf32>
      tpu.vector_store %arg19[%swap3A_3120, %swap3A_3121], %swap3A_3124 {strides = array<i32>} : memref<16x128xf32, #tpu.memory_space<vmem>>, vector<1x16xf32>,
      %get3A_3125 = arith.constant 0 : i32
      %get3A_3126 = arith.index_cast %get3A_3125 : i32 to index
      %get3A_3127 = arith.constant 96 : index
      %get3A_3128 = tpu.vector_load %arg14[%get3A_3126, %get3A_3127] {strides = array<i32>} : memref<256x128xf32, #tpu.memory_space<vmem>>, vector<1x16xf32>,
      %get3A_3129 = vector.shape_cast %get3A_3128 : vector<1x16xf32> to vector<16xf32>
      %swap3A_3130 = arith.constant 0 : i32
      %swap3A_3131 = arith.index_cast %swap3A_3130 : i32 to index
      %swap3A_3132 = arith.constant 96 : index
      %swap3A_3133 = tpu.vector_load %arg19[%swap3A_3131, %swap3A_3132] {strides = array<i32>} : memref<16x128xf32, #tpu.memory_space<vmem>>, vector<1x16xf32>,
      %swap3A_3134 = vector.shape_cast %swap3A_3133 : vector<1x16xf32> to vector<16xf32>
      %swap3A_3135 = vector.shape_cast %get3A_3129 : vector<16xf32> to vector<1x16xf32>
      tpu.vector_store %arg19[%swap3A_3131, %swap3A_3132], %swap3A_3135 {strides = array<i32>} : memref<16x128xf32, #tpu.memory_space<vmem>>, vector<1x16xf32>,
      %get3A_3136 = arith.constant 0 : i32
      %get3A_3137 = arith.index_cast %get3A_3136 : i32 to index
      %get3A_3138 = arith.constant 112 : index
      %get3A_3139 = tpu.vector_load %arg14[%get3A_3137, %get3A_3138] {strides = array<i32>} : memref<256x128xf32, #tpu.memory_space<vmem>>, vector<1x16xf32>,
      %get3A_3140 = vector.shape_cast %get3A_3139 : vector<1x16xf32> to vector<16xf32>
      %swap3A_3141 = arith.constant 0 : i32
      %swap3A_3142 = arith.index_cast %swap3A_3141 : i32 to index
      %swap3A_3143 = arith.constant 112 : index
      %swap3A_3144 = tpu.vector_load %arg19[%swap3A_3142, %swap3A_3143] {strides = array<i32>} : memref<16x128xf32, #tpu.memory_space<vmem>>, vector<1x16xf32>,
      %swap3A_3145 = vector.shape_cast %swap3A_3144 : vector<1x16xf32> to vector<16xf32>
      %swap3A_3146 = vector.shape_cast %get3A_3140 : vector<16xf32> to vector<1x16xf32>
      tpu.vector_store %arg19[%swap3A_3142, %swap3A_3143], %swap3A_3146 {strides = array<i32>} : memref<16x128xf32, #tpu.memory_space<vmem>>, vector<1x16xf32>,
      %get3A_3147 = arith.constant 32 : i32
      %get3A_3148 = arith.index_cast %get3A_3147 : i32 to index
      %get3A_3149 = arith.constant 0 : index
      %get3A_3150 = tpu.vector_load %arg14[%get3A_3148, %get3A_3149] {strides = array<i32>} : memref<256x128xf32, #tpu.memory_space<vmem>>, vector<1x16xf32>,
      %get3A_3151 = vector.shape_cast %get3A_3150 : vector<1x16xf32> to vector<16xf32>
      %swap3A_3152 = arith.constant 1 : i32
      %swap3A_3153 = arith.index_cast %swap3A_3152 : i32 to index
      %swap3A_3154 = arith.constant 0 : index
      %swap3A_3155 = tpu.vector_load %arg19[%swap3A_3153, %swap3A_3154] {strides = array<i32>} : memref<16x128xf32, #tpu.memory_space<vmem>>, vector<1x16xf32>,
      %swap3A_3156 = vector.shape_cast %swap3A_3155 : vector<1x16xf32> to vector<16xf32>
      %swap3A_3157 = vector.shape_cast %get3A_3151 : vector<16xf32> to vector<1x16xf32>
      tpu.vector_store %arg19[%swap3A_3153, %swap3A_3154], %swap3A_3157 {strides = array<i32>} : memref<16x128xf32, #tpu.memory_space<vmem>>, vector<1x16xf32>,
      %get3A_3158 = arith.constant 32 : i32
      %get3A_3159 = arith.index_cast %get3A_3158 : i32 to index
      %get3A_3160 = arith.constant 16 : index
      %get3A_3161 = tpu.vector_load %arg14[%get3A_3159, %get3A_3160] {strides = array<i32>} : memref<256x128xf32, #tpu.memory_space<vmem>>, vector<1x16xf32>,
      %get3A_3162 = vector.shape_cast %get3A_3161 : vector<1x16xf32> to vector<16xf32>
      %swap3A_3163 = arith.constant 1 : i32
      %swap3A_3164 = arith.index_cast %swap3A_3163 : i32 to index
      %swap3A_3165 = arith.constant 16 : index
      %swap3A_3166 = tpu.vector_load %arg19[%swap3A_3164, %swap3A_3165] {strides = array<i32>} : memref<16x128xf32, #tpu.memory_space<vmem>>, vector<1x16xf32>,
      %swap3A_3167 = vector.shape_cast %swap3A_3166 : vector<1x16xf32> to vector<16xf32>
      %swap3A_3168 = vector.shape_cast %get3A_3162 : vector<16xf32> to vector<1x16xf32>
      tpu.vector_store %arg19[%swap3A_3164, %swap3A_3165], %swap3A_3168 {strides = array<i32>} : memref<16x128xf32, #tpu.memory_space<vmem>>, vector<1x16xf32>,
      %get3A_3169 = arith.constant 32 : i32
      %get3A_3170 = arith.index_cast %get3A_3169 : i32 to index
      %get3A_3171 = arith.constant 32 : index
      %get3A_3172 = tpu.vector_load %arg14[%get3A_3170, %get3A_3171] {strides = array<i32>} : memref<256x128xf32, #tpu.memory_space<vmem>>, vector<1x16xf32>,
      %get3A_3173 = vector.shape_cast %get3A_3172 : vector<1x16xf32> to vector<16xf32>
      %swap3A_3174 = arith.constant 1 : i32
      %swap3A_3175 = arith.index_cast %swap3A_3174 : i32 to index
      %swap3A_3176 = arith.constant 32 : index
      %swap3A_3177 = tpu.vector_load %arg19[%swap3A_3175, %swap3A_3176] {strides = array<i32>} : memref<16x128xf32, #tpu.memory_space<vmem>>, vector<1x16xf32>,
      %swap3A_3178 = vector.shape_cast %swap3A_3177 : vector<1x16xf32> to vector<16xf32>
      %swap3A_3179 = vector.shape_cast %get3A_3173 : vector<16xf32> to vector<1x16xf32>
      tpu.vector_store %arg19[%swap3A_3175, %swap3A_3176], %swap3A_3179 {strides = array<i32>} : memref<16x128xf32, #tpu.memory_space<vmem>>, vector<1x16xf32>,
      %get3A_3180 = arith.constant 32 : i32
      %get3A_3181 = arith.index_cast %get3A_3180 : i32 to index
      %get3A_3182 = arith.constant 48 : index
      %get3A_3183 = tpu.vector_load %arg14[%get3A_3181, %get3A_3182] {strides = array<i32>} : memref<256x128xf32, #tpu.memory_space<vmem>>, vector<1x16xf32>,
      %get3A_3184 = vector.shape_cast %get3A_3183 : vector<1x16xf32> to vector<16xf32>
      %swap3A_3185 = arith.constant 1 : i32
      %swap3A_3186 = arith.index_cast %swap3A_3185 : i32 to index
      %swap3A_3187 = arith.constant 48 : index
      %swap3A_3188 = tpu.vector_load %arg19[%swap3A_3186, %swap3A_3187] {strides = array<i32>} : memref<16x128xf32, #tpu.memory_space<vmem>>, vector<1x16xf32>,
      %swap3A_3189 = vector.shape_cast %swap3A_3188 : vector<1x16xf32> to vector<16xf32>
      %swap3A_3190 = vector.shape_cast %get3A_3184 : vector<16xf32> to vector<1x16xf32>
      tpu.vector_store %arg19[%swap3A_3186, %swap3A_3187], %swap3A_3190 {strides = array<i32>} : memref<16x128xf32, #tpu.memory_space<vmem>>, vector<1x16xf32>,
      %get3A_3191 = arith.constant 32 : i32
      %get3A_3192 = arith.index_cast %get3A_3191 : i32 to index
      %get3A_3193 = arith.constant 64 : index
      %get3A_3194 = tpu.vector_load %arg14[%get3A_3192, %get3A_3193] {strides = array<i32>} : memref<256x128xf32, #tpu.memory_space<vmem>>, vector<1x16xf32>,
      %get3A_3195 = vector.shape_cast %get3A_3194 : vector<1x16xf32> to vector<16xf32>
      %swap3A_3196 = arith.constant 1 : i32
      %swap3A_3197 = arith.index_cast %swap3A_3196 : i32 to index
      %swap3A_3198 = arith.constant 64 : index
      %swap3A_3199 = tpu.vector_load %arg19[%swap3A_3197, %swap3A_3198] {strides = array<i32>} : memref<16x128xf32, #tpu.memory_space<vmem>>, vector<1x16xf32>,
      %swap3A_3200 = vector.shape_cast %swap3A_3199 : vector<1x16xf32> to vector<16xf32>
      %swap3A_3201 = vector.shape_cast %get3A_3195 : vector<16xf32> to vector<1x16xf32>
      tpu.vector_store %arg19[%swap3A_3197, %swap3A_3198], %swap3A_3201 {strides = array<i32>} : memref<16x128xf32, #tpu.memory_space<vmem>>, vector<1x16xf32>,
      %get3A_3202 = arith.constant 32 : i32
      %get3A_3203 = arith.index_cast %get3A_3202 : i32 to index
      %get3A_3204 = arith.constant 80 : index
      %get3A_3205 = tpu.vector_load %arg14[%get3A_3203, %get3A_3204] {strides = array<i32>} : memref<256x128xf32, #tpu.memory_space<vmem>>, vector<1x16xf32>,
      %get3A_3206 = vector.shape_cast %get3A_3205 : vector<1x16xf32> to vector<16xf32>
      %swap3A_3207 = arith.constant 1 : i32
      %swap3A_3208 = arith.index_cast %swap3A_3207 : i32 to index
      %swap3A_3209 = arith.constant 80 : index
      %swap3A_3210 = tpu.vector_load %arg19[%swap3A_3208, %swap3A_3209] {strides = array<i32>} : memref<16x128xf32, #tpu.memory_space<vmem>>, vector<1x16xf32>,
      %swap3A_3211 = vector.shape_cast %swap3A_3210 : vector<1x16xf32> to vector<16xf32>
      %swap3A_3212 = vector.shape_cast %get3A_3206 : vector<16xf32> to vector<1x16xf32>
      tpu.vector_store %arg19[%swap3A_3208, %swap3A_3209], %swap3A_3212 {strides = array<i32>} : memref<16x128xf32, #tpu.memory_space<vmem>>, vector<1x16xf32>,
      %get3A_3213 = arith.constant 32 : i32
      %get3A_3214 = arith.index_cast %get3A_3213 : i32 to index
      %get3A_3215 = arith.constant 96 : index
      %get3A_3216 = tpu.vector_load %arg14[%get3A_3214, %get3A_3215] {strides = array<i32>} : memref<256x128xf32, #tpu.memory_space<vmem>>, vector<1x16xf32>,
      %get3A_3217 = vector.shape_cast %get3A_3216 : vector<1x16xf32> to vector<16xf32>
      %swap3A_3218 = arith.constant 1 : i32
      %swap3A_3219 = arith.index_cast %swap3A_3218 : i32 to index
      %swap3A_3220 = arith.constant 96 : index
      %swap3A_3221 = tpu.vector_load %arg19[%swap3A_3219, %swap3A_3220] {strides = array<i32>} : memref<16x128xf32, #tpu.memory_space<vmem>>, vector<1x16xf32>,
      %swap3A_3222 = vector.shape_cast %swap3A_3221 : vector<1x16xf32> to vector<16xf32>
      %swap3A_3223 = vector.shape_cast %get3A_3217 : vector<16xf32> to vector<1x16xf32>
      tpu.vector_store %arg19[%swap3A_3219, %swap3A_3220], %swap3A_3223 {strides = array<i32>} : memref<16x128xf32, #tpu.memory_space<vmem>>, vector<1x16xf32>,
      %get3A_3224 = arith.constant 32 : i32
      %get3A_3225 = arith.index_cast %get3A_3224 : i32 to index
      %get3A_3226 = arith.constant 112 : index
      %get3A_3227 = tpu.vector_load %arg14[%get3A_3225, %get3A_3226] {strides = array<i32>} : memref<256x128xf32, #tpu.memory_space<vmem>>, vector<1x16xf32>,
      %get3A_3228 = vector.shape_cast %get3A_3227 : vector<1x16xf32> to vector<16xf32>
      %swap3A_3229 = arith.constant 1 : i32
      %swap3A_3230 = arith.index_cast %swap3A_3229 : i32 to index
      %swap3A_3231 = arith.constant 112 : index
      %swap3A_3232 = tpu.vector_load %arg19[%swap3A_3230, %swap3A_3231] {strides = array<i32>} : memref<16x128xf32, #tpu.memory_space<vmem>>, vector<1x16xf32>,
      %swap3A_3233 = vector.shape_cast %swap3A_3232 : vector<1x16xf32> to vector<16xf32>
      %swap3A_3234 = vector.shape_cast %get3A_3228 : vector<16xf32> to vector<1x16xf32>
      tpu.vector_store %arg19[%swap3A_3230, %swap3A_3231], %swap3A_3234 {strides = array<i32>} : memref<16x128xf32, #tpu.memory_space<vmem>>, vector<1x16xf32>,
      %get3A_3235 = arith.constant 64 : i32
      %get3A_3236 = arith.index_cast %get3A_3235 : i32 to index
      %get3A_3237 = arith.constant 0 : index
      %get3A_3238 = tpu.vector_load %arg14[%get3A_3236, %get3A_3237] {strides = array<i32>} : memref<256x128xf32, #tpu.memory_space<vmem>>, vector<1x16xf32>,
      %get3A_3239 = vector.shape_cast %get3A_3238 : vector<1x16xf32> to vector<16xf32>
      %swap3A_3240 = arith.constant 2 : i32
      %swap3A_3241 = arith.index_cast %swap3A_3240 : i32 to index
      %swap3A_3242 = arith.constant 0 : index
      %swap3A_3243 = tpu.vector_load %arg19[%swap3A_3241, %swap3A_3242] {strides = array<i32>} : memref<16x128xf32, #tpu.memory_space<vmem>>, vector<1x16xf32>,
      %swap3A_3244 = vector.shape_cast %swap3A_3243 : vector<1x16xf32> to vector<16xf32>
      %swap3A_3245 = vector.shape_cast %get3A_3239 : vector<16xf32> to vector<1x16xf32>
      tpu.vector_store %arg19[%swap3A_3241, %swap3A_3242], %swap3A_3245 {strides = array<i32>} : memref<16x128xf32, #tpu.memory_space<vmem>>, vector<1x16xf32>,
      %get3A_3246 = arith.constant 64 : i32
      %get3A_3247 = arith.index_cast %get3A_3246 : i32 to index
      %get3A_3248 = arith.constant 16 : index
      %get3A_3249 = tpu.vector_load %arg14[%get3A_3247, %get3A_3248] {strides = array<i32>} : memref<256x128xf32, #tpu.memory_space<vmem>>, vector<1x16xf32>,
      %get3A_3250 = vector.shape_cast %get3A_3249 : vector<1x16xf32> to vector<16xf32>
      %swap3A_3251 = arith.constant 2 : i32
      %swap3A_3252 = arith.index_cast %swap3A_3251 : i32 to index
      %swap3A_3253 = arith.constant 16 : index
      %swap3A_3254 = tpu.vector_load %arg19[%swap3A_3252, %swap3A_3253] {strides = array<i32>} : memref<16x128xf32, #tpu.memory_space<vmem>>, vector<1x16xf32>,
      %swap3A_3255 = vector.shape_cast %swap3A_3254 : vector<1x16xf32> to vector<16xf32>
      %swap3A_3256 = vector.shape_cast %get3A_3250 : vector<16xf32> to vector<1x16xf32>
      tpu.vector_store %arg19[%swap3A_3252, %swap3A_3253], %swap3A_3256 {strides = array<i32>} : memref<16x128xf32, #tpu.memory_space<vmem>>, vector<1x16xf32>,
      %get3A_3257 = arith.constant 64 : i32
      %get3A_3258 = arith.index_cast %get3A_3257 : i32 to index
      %get3A_3259 = arith.constant 32 : index
      %get3A_3260 = tpu.vector_load %arg14[%get3A_3258, %get3A_3259] {strides = array<i32>} : memref<256x128xf32, #tpu.memory_space<vmem>>, vector<1x16xf32>,
      %get3A_3261 = vector.shape_cast %get3A_3260 : vector<1x16xf32> to vector<16xf32>
      %swap3A_3262 = arith.constant 2 : i32
      %swap3A_3263 = arith.index_cast %swap3A_3262 : i32 to index
      %swap3A_3264 = arith.constant 32 : index
      %swap3A_3265 = tpu.vector_load %arg19[%swap3A_3263, %swap3A_3264] {strides = array<i32>} : memref<16x128xf32, #tpu.memory_space<vmem>>, vector<1x16xf32>,
      %swap3A_3266 = vector.shape_cast %swap3A_3265 : vector<1x16xf32> to vector<16xf32>
      %swap3A_3267 = vector.shape_cast %get3A_3261 : vector<16xf32> to vector<1x16xf32>
      tpu.vector_store %arg19[%swap3A_3263, %swap3A_3264], %swap3A_3267 {strides = array<i32>} : memref<16x128xf32, #tpu.memory_space<vmem>>, vector<1x16xf32>,
      %get3A_3268 = arith.constant 64 : i32
      %get3A_3269 = arith.index_cast %get3A_3268 : i32 to index
      %get3A_3270 = arith.constant 48 : index
      %get3A_3271 = tpu.vector_load %arg14[%get3A_3269, %get3A_3270] {strides = array<i32>} : memref<256x128xf32, #tpu.memory_space<vmem>>, vector<1x16xf32>,
      %get3A_3272 = vector.shape_cast %get3A_3271 : vector<1x16xf32> to vector<16xf32>
      %swap3A_3273 = arith.constant 2 : i32
      %swap3A_3274 = arith.index_cast %swap3A_3273 : i32 to index
      %swap3A_3275 = arith.constant 48 : index
      %swap3A_3276 = tpu.vector_load %arg19[%swap3A_3274, %swap3A_3275] {strides = array<i32>} : memref<16x128xf32, #tpu.memory_space<vmem>>, vector<1x16xf32>,
      %swap3A_3277 = vector.shape_cast %swap3A_3276 : vector<1x16xf32> to vector<16xf32>
      %swap3A_3278 = vector.shape_cast %get3A_3272 : vector<16xf32> to vector<1x16xf32>
      tpu.vector_store %arg19[%swap3A_3274, %swap3A_3275], %swap3A_3278 {strides = array<i32>} : memref<16x128xf32, #tpu.memory_space<vmem>>, vector<1x16xf32>,
      %get3A_3279 = arith.constant 64 : i32
      %get3A_3280 = arith.index_cast %get3A_3279 : i32 to index
      %get3A_3281 = arith.constant 64 : index
      %get3A_3282 = tpu.vector_load %arg14[%get3A_3280, %get3A_3281] {strides = array<i32>} : memref<256x128xf32, #tpu.memory_space<vmem>>, vector<1x16xf32>,
      %get3A_3283 = vector.shape_cast %get3A_3282 : vector<1x16xf32> to vector<16xf32>
      %swap3A_3284 = arith.constant 2 : i32
      %swap3A_3285 = arith.index_cast %swap3A_3284 : i32 to index
      %swap3A_3286 = arith.constant 64 : index
      %swap3A_3287 = tpu.vector_load %arg19[%swap3A_3285, %swap3A_3286] {strides = array<i32>} : memref<16x128xf32, #tpu.memory_space<vmem>>, vector<1x16xf32>,
      %swap3A_3288 = vector.shape_cast %swap3A_3287 : vector<1x16xf32> to vector<16xf32>
      %swap3A_3289 = vector.shape_cast %get3A_3283 : vector<16xf32> to vector<1x16xf32>
      tpu.vector_store %arg19[%swap3A_3285, %swap3A_3286], %swap3A_3289 {strides = array<i32>} : memref<16x128xf32, #tpu.memory_space<vmem>>, vector<1x16xf32>,
      %get3A_3290 = arith.constant 64 : i32
      %get3A_3291 = arith.index_cast %get3A_3290 : i32 to index
      %get3A_3292 = arith.constant 80 : index
      %get3A_3293 = tpu.vector_load %arg14[%get3A_3291, %get3A_3292] {strides = array<i32>} : memref<256x128xf32, #tpu.memory_space<vmem>>, vector<1x16xf32>,
      %get3A_3294 = vector.shape_cast %get3A_3293 : vector<1x16xf32> to vector<16xf32>
      %swap3A_3295 = arith.constant 2 : i32
      %swap3A_3296 = arith.index_cast %swap3A_3295 : i32 to index
      %swap3A_3297 = arith.constant 80 : index
      %swap3A_3298 = tpu.vector_load %arg19[%swap3A_3296, %swap3A_3297] {strides = array<i32>} : memref<16x128xf32, #tpu.memory_space<vmem>>, vector<1x16xf32>,
      %swap3A_3299 = vector.shape_cast %swap3A_3298 : vector<1x16xf32> to vector<16xf32>
      %swap3A_3300 = vector.shape_cast %get3A_3294 : vector<16xf32> to vector<1x16xf32>
      tpu.vector_store %arg19[%swap3A_3296, %swap3A_3297], %swap3A_3300 {strides = array<i32>} : memref<16x128xf32, #tpu.memory_space<vmem>>, vector<1x16xf32>,
      %get3A_3301 = arith.constant 64 : i32
      %get3A_3302 = arith.index_cast %get3A_3301 : i32 to index
      %get3A_3303 = arith.constant 96 : index
      %get3A_3304 = tpu.vector_load %arg14[%get3A_3302, %get3A_3303] {strides = array<i32>} : memref<256x128xf32, #tpu.memory_space<vmem>>, vector<1x16xf32>,
      %get3A_3305 = vector.shape_cast %get3A_3304 : vector<1x16xf32> to vector<16xf32>
      %swap3A_3306 = arith.constant 2 : i32
      %swap3A_3307 = arith.index_cast %swap3A_3306 : i32 to index
      %swap3A_3308 = arith.constant 96 : index
      %swap3A_3309 = tpu.vector_load %arg19[%swap3A_3307, %swap3A_3308] {strides = array<i32>} : memref<16x128xf32, #tpu.memory_space<vmem>>, vector<1x16xf32>,
      %swap3A_3310 = vector.shape_cast %swap3A_3309 : vector<1x16xf32> to vector<16xf32>
      %swap3A_3311 = vector.shape_cast %get3A_3305 : vector<16xf32> to vector<1x16xf32>
      tpu.vector_store %arg19[%swap3A_3307, %swap3A_3308], %swap3A_3311 {strides = array<i32>} : memref<16x128xf32, #tpu.memory_space<vmem>>, vector<1x16xf32>,
      %get3A_3312 = arith.constant 64 : i32
      %get3A_3313 = arith.index_cast %get3A_3312 : i32 to index
      %get3A_3314 = arith.constant 112 : index
      %get3A_3315 = tpu.vector_load %arg14[%get3A_3313, %get3A_3314] {strides = array<i32>} : memref<256x128xf32, #tpu.memory_space<vmem>>, vector<1x16xf32>,
      %get3A_3316 = vector.shape_cast %get3A_3315 : vector<1x16xf32> to vector<16xf32>
      %swap3A_3317 = arith.constant 2 : i32
      %swap3A_3318 = arith.index_cast %swap3A_3317 : i32 to index
      %swap3A_3319 = arith.constant 112 : index
      %swap3A_3320 = tpu.vector_load %arg19[%swap3A_3318, %swap3A_3319] {strides = array<i32>} : memref<16x128xf32, #tpu.memory_space<vmem>>, vector<1x16xf32>,
      %swap3A_3321 = vector.shape_cast %swap3A_3320 : vector<1x16xf32> to vector<16xf32>
      %swap3A_3322 = vector.shape_cast %get3A_3316 : vector<16xf32> to vector<1x16xf32>
      tpu.vector_store %arg19[%swap3A_3318, %swap3A_3319], %swap3A_3322 {strides = array<i32>} : memref<16x128xf32, #tpu.memory_space<vmem>>, vector<1x16xf32>,
      %get3A_3323 = arith.constant 96 : i32
      %get3A_3324 = arith.index_cast %get3A_3323 : i32 to index
      %get3A_3325 = arith.constant 0 : index
      %get3A_3326 = tpu.vector_load %arg14[%get3A_3324, %get3A_3325] {strides = array<i32>} : memref<256x128xf32, #tpu.memory_space<vmem>>, vector<1x16xf32>,
      %get3A_3327 = vector.shape_cast %get3A_3326 : vector<1x16xf32> to vector<16xf32>
      %swap3A_3328 = arith.constant 3 : i32
      %swap3A_3329 = arith.index_cast %swap3A_3328 : i32 to index
      %swap3A_3330 = arith.constant 0 : index
      %swap3A_3331 = tpu.vector_load %arg19[%swap3A_3329, %swap3A_3330] {strides = array<i32>} : memref<16x128xf32, #tpu.memory_space<vmem>>, vector<1x16xf32>,
      %swap3A_3332 = vector.shape_cast %swap3A_3331 : vector<1x16xf32> to vector<16xf32>
      %swap3A_3333 = vector.shape_cast %get3A_3327 : vector<16xf32> to vector<1x16xf32>
      tpu.vector_store %arg19[%swap3A_3329, %swap3A_3330], %swap3A_3333 {strides = array<i32>} : memref<16x128xf32, #tpu.memory_space<vmem>>, vector<1x16xf32>,
      %get3A_3334 = arith.constant 96 : i32
      %get3A_3335 = arith.index_cast %get3A_3334 : i32 to index
      %get3A_3336 = arith.constant 16 : index
      %get3A_3337 = tpu.vector_load %arg14[%get3A_3335, %get3A_3336] {strides = array<i32>} : memref<256x128xf32, #tpu.memory_space<vmem>>, vector<1x16xf32>,
      %get3A_3338 = vector.shape_cast %get3A_3337 : vector<1x16xf32> to vector<16xf32>
      %swap3A_3339 = arith.constant 3 : i32
      %swap3A_3340 = arith.index_cast %swap3A_3339 : i32 to index
      %swap3A_3341 = arith.constant 16 : index
      %swap3A_3342 = tpu.vector_load %arg19[%swap3A_3340, %swap3A_3341] {strides = array<i32>} : memref<16x128xf32, #tpu.memory_space<vmem>>, vector<1x16xf32>,
      %swap3A_3343 = vector.shape_cast %swap3A_3342 : vector<1x16xf32> to vector<16xf32>
      %swap3A_3344 = vector.shape_cast %get3A_3338 : vector<16xf32> to vector<1x16xf32>
      tpu.vector_store %arg19[%swap3A_3340, %swap3A_3341], %swap3A_3344 {strides = array<i32>} : memref<16x128xf32, #tpu.memory_space<vmem>>, vector<1x16xf32>,
      %get3A_3345 = arith.constant 96 : i32
      %get3A_3346 = arith.index_cast %get3A_3345 : i32 to index
      %get3A_3347 = arith.constant 32 : index
      %get3A_3348 = tpu.vector_load %arg14[%get3A_3346, %get3A_3347] {strides = array<i32>} : memref<256x128xf32, #tpu.memory_space<vmem>>, vector<1x16xf32>,
      %get3A_3349 = vector.shape_cast %get3A_3348 : vector<1x16xf32> to vector<16xf32>
      %swap3A_3350 = arith.constant 3 : i32
      %swap3A_3351 = arith.index_cast %swap3A_3350 : i32 to index
      %swap3A_3352 = arith.constant 32 : index
      %swap3A_3353 = tpu.vector_load %arg19[%swap3A_3351, %swap3A_3352] {strides = array<i32>} : memref<16x128xf32, #tpu.memory_space<vmem>>, vector<1x16xf32>,
      %swap3A_3354 = vector.shape_cast %swap3A_3353 : vector<1x16xf32> to vector<16xf32>
      %swap3A_3355 = vector.shape_cast %get3A_3349 : vector<16xf32> to vector<1x16xf32>
      tpu.vector_store %arg19[%swap3A_3351, %swap3A_3352], %swap3A_3355 {strides = array<i32>} : memref<16x128xf32, #tpu.memory_space<vmem>>, vector<1x16xf32>,
      %get3A_3356 = arith.constant 96 : i32
      %get3A_3357 = arith.index_cast %get3A_3356 : i32 to index
      %get3A_3358 = arith.constant 48 : index
      %get3A_3359 = tpu.vector_load %arg14[%get3A_3357, %get3A_3358] {strides = array<i32>} : memref<256x128xf32, #tpu.memory_space<vmem>>, vector<1x16xf32>,
      %get3A_3360 = vector.shape_cast %get3A_3359 : vector<1x16xf32> to vector<16xf32>
      %swap3A_3361 = arith.constant 3 : i32
      %swap3A_3362 = arith.index_cast %swap3A_3361 : i32 to index
      %swap3A_3363 = arith.constant 48 : index
      %swap3A_3364 = tpu.vector_load %arg19[%swap3A_3362, %swap3A_3363] {strides = array<i32>} : memref<16x128xf32, #tpu.memory_space<vmem>>, vector<1x16xf32>,
      %swap3A_3365 = vector.shape_cast %swap3A_3364 : vector<1x16xf32> to vector<16xf32>
      %swap3A_3366 = vector.shape_cast %get3A_3360 : vector<16xf32> to vector<1x16xf32>
      tpu.vector_store %arg19[%swap3A_3362, %swap3A_3363], %swap3A_3366 {strides = array<i32>} : memref<16x128xf32, #tpu.memory_space<vmem>>, vector<1x16xf32>,
      %get3A_3367 = arith.constant 96 : i32
      %get3A_3368 = arith.index_cast %get3A_3367 : i32 to index
      %get3A_3369 = arith.constant 64 : index
      %get3A_3370 = tpu.vector_load %arg14[%get3A_3368, %get3A_3369] {strides = array<i32>} : memref<256x128xf32, #tpu.memory_space<vmem>>, vector<1x16xf32>,
      %get3A_3371 = vector.shape_cast %get3A_3370 : vector<1x16xf32> to vector<16xf32>
      %swap3A_3372 = arith.constant 3 : i32
      %swap3A_3373 = arith.index_cast %swap3A_3372 : i32 to index
      %swap3A_3374 = arith.constant 64 : index
      %swap3A_3375 = tpu.vector_load %arg19[%swap3A_3373, %swap3A_3374] {strides = array<i32>} : memref<16x128xf32, #tpu.memory_space<vmem>>, vector<1x16xf32>,
      %swap3A_3376 = vector.shape_cast %swap3A_3375 : vector<1x16xf32> to vector<16xf32>
      %swap3A_3377 = vector.shape_cast %get3A_3371 : vector<16xf32> to vector<1x16xf32>
      tpu.vector_store %arg19[%swap3A_3373, %swap3A_3374], %swap3A_3377 {strides = array<i32>} : memref<16x128xf32, #tpu.memory_space<vmem>>, vector<1x16xf32>,
      %get3A_3378 = arith.constant 96 : i32
      %get3A_3379 = arith.index_cast %get3A_3378 : i32 to index
      %get3A_3380 = arith.constant 80 : index
      %get3A_3381 = tpu.vector_load %arg14[%get3A_3379, %get3A_3380] {strides = array<i32>} : memref<256x128xf32, #tpu.memory_space<vmem>>, vector<1x16xf32>,
      %get3A_3382 = vector.shape_cast %get3A_3381 : vector<1x16xf32> to vector<16xf32>
      %swap3A_3383 = arith.constant 3 : i32
      %swap3A_3384 = arith.index_cast %swap3A_3383 : i32 to index
      %swap3A_3385 = arith.constant 80 : index
      %swap3A_3386 = tpu.vector_load %arg19[%swap3A_3384, %swap3A_3385] {strides = array<i32>} : memref<16x128xf32, #tpu.memory_space<vmem>>, vector<1x16xf32>,
      %swap3A_3387 = vector.shape_cast %swap3A_3386 : vector<1x16xf32> to vector<16xf32>
      %swap3A_3388 = vector.shape_cast %get3A_3382 : vector<16xf32> to vector<1x16xf32>
      tpu.vector_store %arg19[%swap3A_3384, %swap3A_3385], %swap3A_3388 {strides = array<i32>} : memref<16x128xf32, #tpu.memory_space<vmem>>, vector<1x16xf32>,
      %get3A_3389 = arith.constant 96 : i32
      %get3A_3390 = arith.index_cast %get3A_3389 : i32 to index
      %get3A_3391 = arith.constant 96 : index
      %get3A_3392 = tpu.vector_load %arg14[%get3A_3390, %get3A_3391] {strides = array<i32>} : memref<256x128xf32, #tpu.memory_space<vmem>>, vector<1x16xf32>,
      %get3A_3393 = vector.shape_cast %get3A_3392 : vector<1x16xf32> to vector<16xf32>
      %swap3A_3394 = arith.constant 3 : i32
      %swap3A_3395 = arith.index_cast %swap3A_3394 : i32 to index
      %swap3A_3396 = arith.constant 96 : index
      %swap3A_3397 = tpu.vector_load %arg19[%swap3A_3395, %swap3A_3396] {strides = array<i32>} : memref<16x128xf32, #tpu.memory_space<vmem>>, vector<1x16xf32>,
      %swap3A_3398 = vector.shape_cast %swap3A_3397 : vector<1x16xf32> to vector<16xf32>
      %swap3A_3399 = vector.shape_cast %get3A_3393 : vector<16xf32> to vector<1x16xf32>
      tpu.vector_store %arg19[%swap3A_3395, %swap3A_3396], %swap3A_3399 {strides = array<i32>} : memref<16x128xf32, #tpu.memory_space<vmem>>, vector<1x16xf32>,
      %get3A_3400 = arith.constant 96 : i32
      %get3A_3401 = arith.index_cast %get3A_3400 : i32 to index
      %get3A_3402 = arith.constant 112 : index
      %get3A_3403 = tpu.vector_load %arg14[%get3A_3401, %get3A_3402] {strides = array<i32>} : memref<256x128xf32, #tpu.memory_space<vmem>>, vector<1x16xf32>,
      %get3A_3404 = vector.shape_cast %get3A_3403 : vector<1x16xf32> to vector<16xf32>
      %swap3A_3405 = arith.constant 3 : i32
      %swap3A_3406 = arith.index_cast %swap3A_3405 : i32 to index
      %swap3A_3407 = arith.constant 112 : index
      %swap3A_3408 = tpu.vector_load %arg19[%swap3A_3406, %swap3A_3407] {strides = array<i32>} : memref<16x128xf32, #tpu.memory_space<vmem>>, vector<1x16xf32>,
      %swap3A_3409 = vector.shape_cast %swap3A_3408 : vector<1x16xf32> to vector<16xf32>
      %swap3A_3410 = vector.shape_cast %get3A_3404 : vector<16xf32> to vector<1x16xf32>
      tpu.vector_store %arg19[%swap3A_3406, %swap3A_3407], %swap3A_3410 {strides = array<i32>} : memref<16x128xf32, #tpu.memory_space<vmem>>, vector<1x16xf32>,
      %get3A_3411 = arith.constant 128 : i32
      %get3A_3412 = arith.index_cast %get3A_3411 : i32 to index
      %get3A_3413 = arith.constant 0 : index
      %get3A_3414 = tpu.vector_load %arg14[%get3A_3412, %get3A_3413] {strides = array<i32>} : memref<256x128xf32, #tpu.memory_space<vmem>>, vector<1x16xf32>,
      %get3A_3415 = vector.shape_cast %get3A_3414 : vector<1x16xf32> to vector<16xf32>
      %swap3A_3416 = arith.constant 4 : i32
      %swap3A_3417 = arith.index_cast %swap3A_3416 : i32 to index
      %swap3A_3418 = arith.constant 0 : index
      %swap3A_3419 = tpu.vector_load %arg19[%swap3A_3417, %swap3A_3418] {strides = array<i32>} : memref<16x128xf32, #tpu.memory_space<vmem>>, vector<1x16xf32>,
      %swap3A_3420 = vector.shape_cast %swap3A_3419 : vector<1x16xf32> to vector<16xf32>
      %swap3A_3421 = vector.shape_cast %get3A_3415 : vector<16xf32> to vector<1x16xf32>
      tpu.vector_store %arg19[%swap3A_3417, %swap3A_3418], %swap3A_3421 {strides = array<i32>} : memref<16x128xf32, #tpu.memory_space<vmem>>, vector<1x16xf32>,
      %get3A_3422 = arith.constant 128 : i32
      %get3A_3423 = arith.index_cast %get3A_3422 : i32 to index
      %get3A_3424 = arith.constant 16 : index
      %get3A_3425 = tpu.vector_load %arg14[%get3A_3423, %get3A_3424] {strides = array<i32>} : memref<256x128xf32, #tpu.memory_space<vmem>>, vector<1x16xf32>,
      %get3A_3426 = vector.shape_cast %get3A_3425 : vector<1x16xf32> to vector<16xf32>
      %swap3A_3427 = arith.constant 4 : i32
      %swap3A_3428 = arith.index_cast %swap3A_3427 : i32 to index
      %swap3A_3429 = arith.constant 16 : index
      %swap3A_3430 = tpu.vector_load %arg19[%swap3A_3428, %swap3A_3429] {strides = array<i32>} : memref<16x128xf32, #tpu.memory_space<vmem>>, vector<1x16xf32>,
      %swap3A_3431 = vector.shape_cast %swap3A_3430 : vector<1x16xf32> to vector<16xf32>
      %swap3A_3432 = vector.shape_cast %get3A_3426 : vector<16xf32> to vector<1x16xf32>
      tpu.vector_store %arg19[%swap3A_3428, %swap3A_3429], %swap3A_3432 {strides = array<i32>} : memref<16x128xf32, #tpu.memory_space<vmem>>, vector<1x16xf32>,
      %get3A_3433 = arith.constant 128 : i32
      %get3A_3434 = arith.index_cast %get3A_3433 : i32 to index
      %get3A_3435 = arith.constant 32 : index
      %get3A_3436 = tpu.vector_load %arg14[%get3A_3434, %get3A_3435] {strides = array<i32>} : memref<256x128xf32, #tpu.memory_space<vmem>>, vector<1x16xf32>,
      %get3A_3437 = vector.shape_cast %get3A_3436 : vector<1x16xf32> to vector<16xf32>
      %swap3A_3438 = arith.constant 4 : i32
      %swap3A_3439 = arith.index_cast %swap3A_3438 : i32 to index
      %swap3A_3440 = arith.constant 32 : index
      %swap3A_3441 = tpu.vector_load %arg19[%swap3A_3439, %swap3A_3440] {strides = array<i32>} : memref<16x128xf32, #tpu.memory_space<vmem>>, vector<1x16xf32>,
      %swap3A_3442 = vector.shape_cast %swap3A_3441 : vector<1x16xf32> to vector<16xf32>
      %swap3A_3443 = vector.shape_cast %get3A_3437 : vector<16xf32> to vector<1x16xf32>
      tpu.vector_store %arg19[%swap3A_3439, %swap3A_3440], %swap3A_3443 {strides = array<i32>} : memref<16x128xf32, #tpu.memory_space<vmem>>, vector<1x16xf32>,
      %get3A_3444 = arith.constant 128 : i32
      %get3A_3445 = arith.index_cast %get3A_3444 : i32 to index
      %get3A_3446 = arith.constant 48 : index
      %get3A_3447 = tpu.vector_load %arg14[%get3A_3445, %get3A_3446] {strides = array<i32>} : memref<256x128xf32, #tpu.memory_space<vmem>>, vector<1x16xf32>,
      %get3A_3448 = vector.shape_cast %get3A_3447 : vector<1x16xf32> to vector<16xf32>
      %swap3A_3449 = arith.constant 4 : i32
      %swap3A_3450 = arith.index_cast %swap3A_3449 : i32 to index
      %swap3A_3451 = arith.constant 48 : index
      %swap3A_3452 = tpu.vector_load %arg19[%swap3A_3450, %swap3A_3451] {strides = array<i32>} : memref<16x128xf32, #tpu.memory_space<vmem>>, vector<1x16xf32>,
      %swap3A_3453 = vector.shape_cast %swap3A_3452 : vector<1x16xf32> to vector<16xf32>
      %swap3A_3454 = vector.shape_cast %get3A_3448 : vector<16xf32> to vector<1x16xf32>
      tpu.vector_store %arg19[%swap3A_3450, %swap3A_3451], %swap3A_3454 {strides = array<i32>} : memref<16x128xf32, #tpu.memory_space<vmem>>, vector<1x16xf32>,
      %get3A_3455 = arith.constant 128 : i32
      %get3A_3456 = arith.index_cast %get3A_3455 : i32 to index
      %get3A_3457 = arith.constant 64 : index
      %get3A_3458 = tpu.vector_load %arg14[%get3A_3456, %get3A_3457] {strides = array<i32>} : memref<256x128xf32, #tpu.memory_space<vmem>>, vector<1x16xf32>,
      %get3A_3459 = vector.shape_cast %get3A_3458 : vector<1x16xf32> to vector<16xf32>
      %swap3A_3460 = arith.constant 4 : i32
      %swap3A_3461 = arith.index_cast %swap3A_3460 : i32 to index
      %swap3A_3462 = arith.constant 64 : index
      %swap3A_3463 = tpu.vector_load %arg19[%swap3A_3461, %swap3A_3462] {strides = array<i32>} : memref<16x128xf32, #tpu.memory_space<vmem>>, vector<1x16xf32>,
      %swap3A_3464 = vector.shape_cast %swap3A_3463 : vector<1x16xf32> to vector<16xf32>
      %swap3A_3465 = vector.shape_cast %get3A_3459 : vector<16xf32> to vector<1x16xf32>
      tpu.vector_store %arg19[%swap3A_3461, %swap3A_3462], %swap3A_3465 {strides = array<i32>} : memref<16x128xf32, #tpu.memory_space<vmem>>, vector<1x16xf32>,
      %get3A_3466 = arith.constant 128 : i32
      %get3A_3467 = arith.index_cast %get3A_3466 : i32 to index
      %get3A_3468 = arith.constant 80 : index
      %get3A_3469 = tpu.vector_load %arg14[%get3A_3467, %get3A_3468] {strides = array<i32>} : memref<256x128xf32, #tpu.memory_space<vmem>>, vector<1x16xf32>,
      %get3A_3470 = vector.shape_cast %get3A_3469 : vector<1x16xf32> to vector<16xf32>
      %swap3A_3471 = arith.constant 4 : i32
      %swap3A_3472 = arith.index_cast %swap3A_3471 : i32 to index
      %swap3A_3473 = arith.constant 80 : index
      %swap3A_3474 = tpu.vector_load %arg19[%swap3A_3472, %swap3A_3473] {strides = array<i32>} : memref<16x128xf32, #tpu.memory_space<vmem>>, vector<1x16xf32>,
      %swap3A_3475 = vector.shape_cast %swap3A_3474 : vector<1x16xf32> to vector<16xf32>
      %swap3A_3476 = vector.shape_cast %get3A_3470 : vector<16xf32> to vector<1x16xf32>
      tpu.vector_store %arg19[%swap3A_3472, %swap3A_3473], %swap3A_3476 {strides = array<i32>} : memref<16x128xf32, #tpu.memory_space<vmem>>, vector<1x16xf32>,
      %get3A_3477 = arith.constant 128 : i32
      %get3A_3478 = arith.index_cast %get3A_3477 : i32 to index
      %get3A_3479 = arith.constant 96 : index
      %get3A_3480 = tpu.vector_load %arg14[%get3A_3478, %get3A_3479] {strides = array<i32>} : memref<256x128xf32, #tpu.memory_space<vmem>>, vector<1x16xf32>,
      %get3A_3481 = vector.shape_cast %get3A_3480 : vector<1x16xf32> to vector<16xf32>
      %swap3A_3482 = arith.constant 4 : i32
      %swap3A_3483 = arith.index_cast %swap3A_3482 : i32 to index
      %swap3A_3484 = arith.constant 96 : index
      %swap3A_3485 = tpu.vector_load %arg19[%swap3A_3483, %swap3A_3484] {strides = array<i32>} : memref<16x128xf32, #tpu.memory_space<vmem>>, vector<1x16xf32>,
      %swap3A_3486 = vector.shape_cast %swap3A_3485 : vector<1x16xf32> to vector<16xf32>
      %swap3A_3487 = vector.shape_cast %get3A_3481 : vector<16xf32> to vector<1x16xf32>
      tpu.vector_store %arg19[%swap3A_3483, %swap3A_3484], %swap3A_3487 {strides = array<i32>} : memref<16x128xf32, #tpu.memory_space<vmem>>, vector<1x16xf32>,
      %get3A_3488 = arith.constant 128 : i32
      %get3A_3489 = arith.index_cast %get3A_3488 : i32 to index
      %get3A_3490 = arith.constant 112 : index
      %get3A_3491 = tpu.vector_load %arg14[%get3A_3489, %get3A_3490] {strides = array<i32>} : memref<256x128xf32, #tpu.memory_space<vmem>>, vector<1x16xf32>,
      %get3A_3492 = vector.shape_cast %get3A_3491 : vector<1x16xf32> to vector<16xf32>
      %swap3A_3493 = arith.constant 4 : i32
      %swap3A_3494 = arith.index_cast %swap3A_3493 : i32 to index
      %swap3A_3495 = arith.constant 112 : index
      %swap3A_3496 = tpu.vector_load %arg19[%swap3A_3494, %swap3A_3495] {strides = array<i32>} : memref<16x128xf32, #tpu.memory_space<vmem>>, vector<1x16xf32>,
      %swap3A_3497 = vector.shape_cast %swap3A_3496 : vector<1x16xf32> to vector<16xf32>
      %swap3A_3498 = vector.shape_cast %get3A_3492 : vector<16xf32> to vector<1x16xf32>
      tpu.vector_store %arg19[%swap3A_3494, %swap3A_3495], %swap3A_3498 {strides = array<i32>} : memref<16x128xf32, #tpu.memory_space<vmem>>, vector<1x16xf32>,
      %get3A_3499 = arith.constant 160 : i32
      %get3A_3500 = arith.index_cast %get3A_3499 : i32 to index
      %get3A_3501 = arith.constant 0 : index
      %get3A_3502 = tpu.vector_load %arg14[%get3A_3500, %get3A_3501] {strides = array<i32>} : memref<256x128xf32, #tpu.memory_space<vmem>>, vector<1x16xf32>,
      %get3A_3503 = vector.shape_cast %get3A_3502 : vector<1x16xf32> to vector<16xf32>
      %swap3A_3504 = arith.constant 5 : i32
      %swap3A_3505 = arith.index_cast %swap3A_3504 : i32 to index
      %swap3A_3506 = arith.constant 0 : index
      %swap3A_3507 = tpu.vector_load %arg19[%swap3A_3505, %swap3A_3506] {strides = array<i32>} : memref<16x128xf32, #tpu.memory_space<vmem>>, vector<1x16xf32>,
      %swap3A_3508 = vector.shape_cast %swap3A_3507 : vector<1x16xf32> to vector<16xf32>
      %swap3A_3509 = vector.shape_cast %get3A_3503 : vector<16xf32> to vector<1x16xf32>
      tpu.vector_store %arg19[%swap3A_3505, %swap3A_3506], %swap3A_3509 {strides = array<i32>} : memref<16x128xf32, #tpu.memory_space<vmem>>, vector<1x16xf32>,
      %get3A_3510 = arith.constant 160 : i32
      %get3A_3511 = arith.index_cast %get3A_3510 : i32 to index
      %get3A_3512 = arith.constant 16 : index
      %get3A_3513 = tpu.vector_load %arg14[%get3A_3511, %get3A_3512] {strides = array<i32>} : memref<256x128xf32, #tpu.memory_space<vmem>>, vector<1x16xf32>,
      %get3A_3514 = vector.shape_cast %get3A_3513 : vector<1x16xf32> to vector<16xf32>
      %swap3A_3515 = arith.constant 5 : i32
      %swap3A_3516 = arith.index_cast %swap3A_3515 : i32 to index
      %swap3A_3517 = arith.constant 16 : index
      %swap3A_3518 = tpu.vector_load %arg19[%swap3A_3516, %swap3A_3517] {strides = array<i32>} : memref<16x128xf32, #tpu.memory_space<vmem>>, vector<1x16xf32>,
      %swap3A_3519 = vector.shape_cast %swap3A_3518 : vector<1x16xf32> to vector<16xf32>
      %swap3A_3520 = vector.shape_cast %get3A_3514 : vector<16xf32> to vector<1x16xf32>
      tpu.vector_store %arg19[%swap3A_3516, %swap3A_3517], %swap3A_3520 {strides = array<i32>} : memref<16x128xf32, #tpu.memory_space<vmem>>, vector<1x16xf32>,
      %get3A_3521 = arith.constant 160 : i32
      %get3A_3522 = arith.index_cast %get3A_3521 : i32 to index
      %get3A_3523 = arith.constant 32 : index
      %get3A_3524 = tpu.vector_load %arg14[%get3A_3522, %get3A_3523] {strides = array<i32>} : memref<256x128xf32, #tpu.memory_space<vmem>>, vector<1x16xf32>,
      %get3A_3525 = vector.shape_cast %get3A_3524 : vector<1x16xf32> to vector<16xf32>
      %swap3A_3526 = arith.constant 5 : i32
      %swap3A_3527 = arith.index_cast %swap3A_3526 : i32 to index
      %swap3A_3528 = arith.constant 32 : index
      %swap3A_3529 = tpu.vector_load %arg19[%swap3A_3527, %swap3A_3528] {strides = array<i32>} : memref<16x128xf32, #tpu.memory_space<vmem>>, vector<1x16xf32>,
      %swap3A_3530 = vector.shape_cast %swap3A_3529 : vector<1x16xf32> to vector<16xf32>
      %swap3A_3531 = vector.shape_cast %get3A_3525 : vector<16xf32> to vector<1x16xf32>
      tpu.vector_store %arg19[%swap3A_3527, %swap3A_3528], %swap3A_3531 {strides = array<i32>} : memref<16x128xf32, #tpu.memory_space<vmem>>, vector<1x16xf32>,
      %get3A_3532 = arith.constant 160 : i32
      %get3A_3533 = arith.index_cast %get3A_3532 : i32 to index
      %get3A_3534 = arith.constant 48 : index
      %get3A_3535 = tpu.vector_load %arg14[%get3A_3533, %get3A_3534] {strides = array<i32>} : memref<256x128xf32, #tpu.memory_space<vmem>>, vector<1x16xf32>,
      %get3A_3536 = vector.shape_cast %get3A_3535 : vector<1x16xf32> to vector<16xf32>
      %swap3A_3537 = arith.constant 5 : i32
      %swap3A_3538 = arith.index_cast %swap3A_3537 : i32 to index
      %swap3A_3539 = arith.constant 48 : index
      %swap3A_3540 = tpu.vector_load %arg19[%swap3A_3538, %swap3A_3539] {strides = array<i32>} : memref<16x128xf32, #tpu.memory_space<vmem>>, vector<1x16xf32>,
      %swap3A_3541 = vector.shape_cast %swap3A_3540 : vector<1x16xf32> to vector<16xf32>
      %swap3A_3542 = vector.shape_cast %get3A_3536 : vector<16xf32> to vector<1x16xf32>
      tpu.vector_store %arg19[%swap3A_3538, %swap3A_3539], %swap3A_3542 {strides = array<i32>} : memref<16x128xf32, #tpu.memory_space<vmem>>, vector<1x16xf32>,
      %get3A_3543 = arith.constant 160 : i32
      %get3A_3544 = arith.index_cast %get3A_3543 : i32 to index
      %get3A_3545 = arith.constant 64 : index
      %get3A_3546 = tpu.vector_load %arg14[%get3A_3544, %get3A_3545] {strides = array<i32>} : memref<256x128xf32, #tpu.memory_space<vmem>>, vector<1x16xf32>,
      %get3A_3547 = vector.shape_cast %get3A_3546 : vector<1x16xf32> to vector<16xf32>
      %swap3A_3548 = arith.constant 5 : i32
      %swap3A_3549 = arith.index_cast %swap3A_3548 : i32 to index
      %swap3A_3550 = arith.constant 64 : index
      %swap3A_3551 = tpu.vector_load %arg19[%swap3A_3549, %swap3A_3550] {strides = array<i32>} : memref<16x128xf32, #tpu.memory_space<vmem>>, vector<1x16xf32>,
      %swap3A_3552 = vector.shape_cast %swap3A_3551 : vector<1x16xf32> to vector<16xf32>
      %swap3A_3553 = vector.shape_cast %get3A_3547 : vector<16xf32> to vector<1x16xf32>
      tpu.vector_store %arg19[%swap3A_3549, %swap3A_3550], %swap3A_3553 {strides = array<i32>} : memref<16x128xf32, #tpu.memory_space<vmem>>, vector<1x16xf32>,
      %get3A_3554 = arith.constant 160 : i32
      %get3A_3555 = arith.index_cast %get3A_3554 : i32 to index
      %get3A_3556 = arith.constant 80 : index
      %get3A_3557 = tpu.vector_load %arg14[%get3A_3555, %get3A_3556] {strides = array<i32>} : memref<256x128xf32, #tpu.memory_space<vmem>>, vector<1x16xf32>,
      %get3A_3558 = vector.shape_cast %get3A_3557 : vector<1x16xf32> to vector<16xf32>
      %swap3A_3559 = arith.constant 5 : i32
      %swap3A_3560 = arith.index_cast %swap3A_3559 : i32 to index
      %swap3A_3561 = arith.constant 80 : index
      %swap3A_3562 = tpu.vector_load %arg19[%swap3A_3560, %swap3A_3561] {strides = array<i32>} : memref<16x128xf32, #tpu.memory_space<vmem>>, vector<1x16xf32>,
      %swap3A_3563 = vector.shape_cast %swap3A_3562 : vector<1x16xf32> to vector<16xf32>
      %swap3A_3564 = vector.shape_cast %get3A_3558 : vector<16xf32> to vector<1x16xf32>
      tpu.vector_store %arg19[%swap3A_3560, %swap3A_3561], %swap3A_3564 {strides = array<i32>} : memref<16x128xf32, #tpu.memory_space<vmem>>, vector<1x16xf32>,
      %get3A_3565 = arith.constant 160 : i32
      %get3A_3566 = arith.index_cast %get3A_3565 : i32 to index
      %get3A_3567 = arith.constant 96 : index
      %get3A_3568 = tpu.vector_load %arg14[%get3A_3566, %get3A_3567] {strides = array<i32>} : memref<256x128xf32, #tpu.memory_space<vmem>>, vector<1x16xf32>,
      %get3A_3569 = vector.shape_cast %get3A_3568 : vector<1x16xf32> to vector<16xf32>
      %swap3A_3570 = arith.constant 5 : i32
      %swap3A_3571 = arith.index_cast %swap3A_3570 : i32 to index
      %swap3A_3572 = arith.constant 96 : index
      %swap3A_3573 = tpu.vector_load %arg19[%swap3A_3571, %swap3A_3572] {strides = array<i32>} : memref<16x128xf32, #tpu.memory_space<vmem>>, vector<1x16xf32>,
      %swap3A_3574 = vector.shape_cast %swap3A_3573 : vector<1x16xf32> to vector<16xf32>
      %swap3A_3575 = vector.shape_cast %get3A_3569 : vector<16xf32> to vector<1x16xf32>
      tpu.vector_store %arg19[%swap3A_3571, %swap3A_3572], %swap3A_3575 {strides = array<i32>} : memref<16x128xf32, #tpu.memory_space<vmem>>, vector<1x16xf32>,
      %get3A_3576 = arith.constant 160 : i32
      %get3A_3577 = arith.index_cast %get3A_3576 : i32 to index
      %get3A_3578 = arith.constant 112 : index
      %get3A_3579 = tpu.vector_load %arg14[%get3A_3577, %get3A_3578] {strides = array<i32>} : memref<256x128xf32, #tpu.memory_space<vmem>>, vector<1x16xf32>,
      %get3A_3580 = vector.shape_cast %get3A_3579 : vector<1x16xf32> to vector<16xf32>
      %swap3A_3581 = arith.constant 5 : i32
      %swap3A_3582 = arith.index_cast %swap3A_3581 : i32 to index
      %swap3A_3583 = arith.constant 112 : index
      %swap3A_3584 = tpu.vector_load %arg19[%swap3A_3582, %swap3A_3583] {strides = array<i32>} : memref<16x128xf32, #tpu.memory_space<vmem>>, vector<1x16xf32>,
      %swap3A_3585 = vector.shape_cast %swap3A_3584 : vector<1x16xf32> to vector<16xf32>
      %swap3A_3586 = vector.shape_cast %get3A_3580 : vector<16xf32> to vector<1x16xf32>
      tpu.vector_store %arg19[%swap3A_3582, %swap3A_3583], %swap3A_3586 {strides = array<i32>} : memref<16x128xf32, #tpu.memory_space<vmem>>, vector<1x16xf32>,
      %get3A_3587 = arith.constant 192 : i32
      %get3A_3588 = arith.index_cast %get3A_3587 : i32 to index
      %get3A_3589 = arith.constant 0 : index
      %get3A_3590 = tpu.vector_load %arg14[%get3A_3588, %get3A_3589] {strides = array<i32>} : memref<256x128xf32, #tpu.memory_space<vmem>>, vector<1x16xf32>,
      %get3A_3591 = vector.shape_cast %get3A_3590 : vector<1x16xf32> to vector<16xf32>
      %swap3A_3592 = arith.constant 6 : i32
      %swap3A_3593 = arith.index_cast %swap3A_3592 : i32 to index
      %swap3A_3594 = arith.constant 0 : index
      %swap3A_3595 = tpu.vector_load %arg19[%swap3A_3593, %swap3A_3594] {strides = array<i32>} : memref<16x128xf32, #tpu.memory_space<vmem>>, vector<1x16xf32>,
      %swap3A_3596 = vector.shape_cast %swap3A_3595 : vector<1x16xf32> to vector<16xf32>
      %swap3A_3597 = vector.shape_cast %get3A_3591 : vector<16xf32> to vector<1x16xf32>
      tpu.vector_store %arg19[%swap3A_3593, %swap3A_3594], %swap3A_3597 {strides = array<i32>} : memref<16x128xf32, #tpu.memory_space<vmem>>, vector<1x16xf32>,
      %get3A_3598 = arith.constant 192 : i32
      %get3A_3599 = arith.index_cast %get3A_3598 : i32 to index
      %get3A_3600 = arith.constant 16 : index
      %get3A_3601 = tpu.vector_load %arg14[%get3A_3599, %get3A_3600] {strides = array<i32>} : memref<256x128xf32, #tpu.memory_space<vmem>>, vector<1x16xf32>,
      %get3A_3602 = vector.shape_cast %get3A_3601 : vector<1x16xf32> to vector<16xf32>
      %swap3A_3603 = arith.constant 6 : i32
      %swap3A_3604 = arith.index_cast %swap3A_3603 : i32 to index
      %swap3A_3605 = arith.constant 16 : index
      %swap3A_3606 = tpu.vector_load %arg19[%swap3A_3604, %swap3A_3605] {strides = array<i32>} : memref<16x128xf32, #tpu.memory_space<vmem>>, vector<1x16xf32>,
      %swap3A_3607 = vector.shape_cast %swap3A_3606 : vector<1x16xf32> to vector<16xf32>
      %swap3A_3608 = vector.shape_cast %get3A_3602 : vector<16xf32> to vector<1x16xf32>
      tpu.vector_store %arg19[%swap3A_3604, %swap3A_3605], %swap3A_3608 {strides = array<i32>} : memref<16x128xf32, #tpu.memory_space<vmem>>, vector<1x16xf32>,
      %get3A_3609 = arith.constant 192 : i32
      %get3A_3610 = arith.index_cast %get3A_3609 : i32 to index
      %get3A_3611 = arith.constant 32 : index
      %get3A_3612 = tpu.vector_load %arg14[%get3A_3610, %get3A_3611] {strides = array<i32>} : memref<256x128xf32, #tpu.memory_space<vmem>>, vector<1x16xf32>,
      %get3A_3613 = vector.shape_cast %get3A_3612 : vector<1x16xf32> to vector<16xf32>
      %swap3A_3614 = arith.constant 6 : i32
      %swap3A_3615 = arith.index_cast %swap3A_3614 : i32 to index
      %swap3A_3616 = arith.constant 32 : index
      %swap3A_3617 = tpu.vector_load %arg19[%swap3A_3615, %swap3A_3616] {strides = array<i32>} : memref<16x128xf32, #tpu.memory_space<vmem>>, vector<1x16xf32>,
      %swap3A_3618 = vector.shape_cast %swap3A_3617 : vector<1x16xf32> to vector<16xf32>
      %swap3A_3619 = vector.shape_cast %get3A_3613 : vector<16xf32> to vector<1x16xf32>
      tpu.vector_store %arg19[%swap3A_3615, %swap3A_3616], %swap3A_3619 {strides = array<i32>} : memref<16x128xf32, #tpu.memory_space<vmem>>, vector<1x16xf32>,
      %get3A_3620 = arith.constant 192 : i32
      %get3A_3621 = arith.index_cast %get3A_3620 : i32 to index
      %get3A_3622 = arith.constant 48 : index
      %get3A_3623 = tpu.vector_load %arg14[%get3A_3621, %get3A_3622] {strides = array<i32>} : memref<256x128xf32, #tpu.memory_space<vmem>>, vector<1x16xf32>,
      %get3A_3624 = vector.shape_cast %get3A_3623 : vector<1x16xf32> to vector<16xf32>
      %swap3A_3625 = arith.constant 6 : i32
      %swap3A_3626 = arith.index_cast %swap3A_3625 : i32 to index
      %swap3A_3627 = arith.constant 48 : index
      %swap3A_3628 = tpu.vector_load %arg19[%swap3A_3626, %swap3A_3627] {strides = array<i32>} : memref<16x128xf32, #tpu.memory_space<vmem>>, vector<1x16xf32>,
      %swap3A_3629 = vector.shape_cast %swap3A_3628 : vector<1x16xf32> to vector<16xf32>
      %swap3A_3630 = vector.shape_cast %get3A_3624 : vector<16xf32> to vector<1x16xf32>
      tpu.vector_store %arg19[%swap3A_3626, %swap3A_3627], %swap3A_3630 {strides = array<i32>} : memref<16x128xf32, #tpu.memory_space<vmem>>, vector<1x16xf32>,
      %get3A_3631 = arith.constant 192 : i32
      %get3A_3632 = arith.index_cast %get3A_3631 : i32 to index
      %get3A_3633 = arith.constant 64 : index
      %get3A_3634 = tpu.vector_load %arg14[%get3A_3632, %get3A_3633] {strides = array<i32>} : memref<256x128xf32, #tpu.memory_space<vmem>>, vector<1x16xf32>,
      %get3A_3635 = vector.shape_cast %get3A_3634 : vector<1x16xf32> to vector<16xf32>
      %swap3A_3636 = arith.constant 6 : i32
      %swap3A_3637 = arith.index_cast %swap3A_3636 : i32 to index
      %swap3A_3638 = arith.constant 64 : index
      %swap3A_3639 = tpu.vector_load %arg19[%swap3A_3637, %swap3A_3638] {strides = array<i32>} : memref<16x128xf32, #tpu.memory_space<vmem>>, vector<1x16xf32>,
      %swap3A_3640 = vector.shape_cast %swap3A_3639 : vector<1x16xf32> to vector<16xf32>
      %swap3A_3641 = vector.shape_cast %get3A_3635 : vector<16xf32> to vector<1x16xf32>
      tpu.vector_store %arg19[%swap3A_3637, %swap3A_3638], %swap3A_3641 {strides = array<i32>} : memref<16x128xf32, #tpu.memory_space<vmem>>, vector<1x16xf32>,
      %get3A_3642 = arith.constant 192 : i32
      %get3A_3643 = arith.index_cast %get3A_3642 : i32 to index
      %get3A_3644 = arith.constant 80 : index
      %get3A_3645 = tpu.vector_load %arg14[%get3A_3643, %get3A_3644] {strides = array<i32>} : memref<256x128xf32, #tpu.memory_space<vmem>>, vector<1x16xf32>,
      %get3A_3646 = vector.shape_cast %get3A_3645 : vector<1x16xf32> to vector<16xf32>
      %swap3A_3647 = arith.constant 6 : i32
      %swap3A_3648 = arith.index_cast %swap3A_3647 : i32 to index
      %swap3A_3649 = arith.constant 80 : index
      %swap3A_3650 = tpu.vector_load %arg19[%swap3A_3648, %swap3A_3649] {strides = array<i32>} : memref<16x128xf32, #tpu.memory_space<vmem>>, vector<1x16xf32>,
      %swap3A_3651 = vector.shape_cast %swap3A_3650 : vector<1x16xf32> to vector<16xf32>
      %swap3A_3652 = vector.shape_cast %get3A_3646 : vector<16xf32> to vector<1x16xf32>
      tpu.vector_store %arg19[%swap3A_3648, %swap3A_3649], %swap3A_3652 {strides = array<i32>} : memref<16x128xf32, #tpu.memory_space<vmem>>, vector<1x16xf32>,
      %get3A_3653 = arith.constant 192 : i32
      %get3A_3654 = arith.index_cast %get3A_3653 : i32 to index
      %get3A_3655 = arith.constant 96 : index
      %get3A_3656 = tpu.vector_load %arg14[%get3A_3654, %get3A_3655] {strides = array<i32>} : memref<256x128xf32, #tpu.memory_space<vmem>>, vector<1x16xf32>,
      %get3A_3657 = vector.shape_cast %get3A_3656 : vector<1x16xf32> to vector<16xf32>
      %swap3A_3658 = arith.constant 6 : i32
      %swap3A_3659 = arith.index_cast %swap3A_3658 : i32 to index
      %swap3A_3660 = arith.constant 96 : index
      %swap3A_3661 = tpu.vector_load %arg19[%swap3A_3659, %swap3A_3660] {strides = array<i32>} : memref<16x128xf32, #tpu.memory_space<vmem>>, vector<1x16xf32>,
      %swap3A_3662 = vector.shape_cast %swap3A_3661 : vector<1x16xf32> to vector<16xf32>
      %swap3A_3663 = vector.shape_cast %get3A_3657 : vector<16xf32> to vector<1x16xf32>
      tpu.vector_store %arg19[%swap3A_3659, %swap3A_3660], %swap3A_3663 {strides = array<i32>} : memref<16x128xf32, #tpu.memory_space<vmem>>, vector<1x16xf32>,
      %get3A_3664 = arith.constant 192 : i32
      %get3A_3665 = arith.index_cast %get3A_3664 : i32 to index
      %get3A_3666 = arith.constant 112 : index
      %get3A_3667 = tpu.vector_load %arg14[%get3A_3665, %get3A_3666] {strides = array<i32>} : memref<256x128xf32, #tpu.memory_space<vmem>>, vector<1x16xf32>,
      %get3A_3668 = vector.shape_cast %get3A_3667 : vector<1x16xf32> to vector<16xf32>
      %swap3A_3669 = arith.constant 6 : i32
      %swap3A_3670 = arith.index_cast %swap3A_3669 : i32 to index
      %swap3A_3671 = arith.constant 112 : index
      %swap3A_3672 = tpu.vector_load %arg19[%swap3A_3670, %swap3A_3671] {strides = array<i32>} : memref<16x128xf32, #tpu.memory_space<vmem>>, vector<1x16xf32>,
      %swap3A_3673 = vector.shape_cast %swap3A_3672 : vector<1x16xf32> to vector<16xf32>
      %swap3A_3674 = vector.shape_cast %get3A_3668 : vector<16xf32> to vector<1x16xf32>
      tpu.vector_store %arg19[%swap3A_3670, %swap3A_3671], %swap3A_3674 {strides = array<i32>} : memref<16x128xf32, #tpu.memory_space<vmem>>, vector<1x16xf32>,
      %get3A_3675 = arith.constant 224 : i32
      %get3A_3676 = arith.index_cast %get3A_3675 : i32 to index
      %get3A_3677 = arith.constant 0 : index
      %get3A_3678 = tpu.vector_load %arg14[%get3A_3676, %get3A_3677] {strides = array<i32>} : memref<256x128xf32, #tpu.memory_space<vmem>>, vector<1x16xf32>,
      %get3A_3679 = vector.shape_cast %get3A_3678 : vector<1x16xf32> to vector<16xf32>
      %swap3A_3680 = arith.constant 7 : i32
      %swap3A_3681 = arith.index_cast %swap3A_3680 : i32 to index
      %swap3A_3682 = arith.constant 0 : index
      %swap3A_3683 = tpu.vector_load %arg19[%swap3A_3681, %swap3A_3682] {strides = array<i32>} : memref<16x128xf32, #tpu.memory_space<vmem>>, vector<1x16xf32>,
      %swap3A_3684 = vector.shape_cast %swap3A_3683 : vector<1x16xf32> to vector<16xf32>
      %swap3A_3685 = vector.shape_cast %get3A_3679 : vector<16xf32> to vector<1x16xf32>
      tpu.vector_store %arg19[%swap3A_3681, %swap3A_3682], %swap3A_3685 {strides = array<i32>} : memref<16x128xf32, #tpu.memory_space<vmem>>, vector<1x16xf32>,
      %get3A_3686 = arith.constant 224 : i32
      %get3A_3687 = arith.index_cast %get3A_3686 : i32 to index
      %get3A_3688 = arith.constant 16 : index
      %get3A_3689 = tpu.vector_load %arg14[%get3A_3687, %get3A_3688] {strides = array<i32>} : memref<256x128xf32, #tpu.memory_space<vmem>>, vector<1x16xf32>,
      %get3A_3690 = vector.shape_cast %get3A_3689 : vector<1x16xf32> to vector<16xf32>
      %swap3A_3691 = arith.constant 7 : i32
      %swap3A_3692 = arith.index_cast %swap3A_3691 : i32 to index
      %swap3A_3693 = arith.constant 16 : index
      %swap3A_3694 = tpu.vector_load %arg19[%swap3A_3692, %swap3A_3693] {strides = array<i32>} : memref<16x128xf32, #tpu.memory_space<vmem>>, vector<1x16xf32>,
      %swap3A_3695 = vector.shape_cast %swap3A_3694 : vector<1x16xf32> to vector<16xf32>
      %swap3A_3696 = vector.shape_cast %get3A_3690 : vector<16xf32> to vector<1x16xf32>
      tpu.vector_store %arg19[%swap3A_3692, %swap3A_3693], %swap3A_3696 {strides = array<i32>} : memref<16x128xf32, #tpu.memory_space<vmem>>, vector<1x16xf32>,
      %get3A_3697 = arith.constant 224 : i32
      %get3A_3698 = arith.index_cast %get3A_3697 : i32 to index
      %get3A_3699 = arith.constant 32 : index
      %get3A_3700 = tpu.vector_load %arg14[%get3A_3698, %get3A_3699] {strides = array<i32>} : memref<256x128xf32, #tpu.memory_space<vmem>>, vector<1x16xf32>,
      %get3A_3701 = vector.shape_cast %get3A_3700 : vector<1x16xf32> to vector<16xf32>
      %swap3A_3702 = arith.constant 7 : i32
      %swap3A_3703 = arith.index_cast %swap3A_3702 : i32 to index
      %swap3A_3704 = arith.constant 32 : index
      %swap3A_3705 = tpu.vector_load %arg19[%swap3A_3703, %swap3A_3704] {strides = array<i32>} : memref<16x128xf32, #tpu.memory_space<vmem>>, vector<1x16xf32>,
      %swap3A_3706 = vector.shape_cast %swap3A_3705 : vector<1x16xf32> to vector<16xf32>
      %swap3A_3707 = vector.shape_cast %get3A_3701 : vector<16xf32> to vector<1x16xf32>
      tpu.vector_store %arg19[%swap3A_3703, %swap3A_3704], %swap3A_3707 {strides = array<i32>} : memref<16x128xf32, #tpu.memory_space<vmem>>, vector<1x16xf32>,
      %get3A_3708 = arith.constant 224 : i32
      %get3A_3709 = arith.index_cast %get3A_3708 : i32 to index
      %get3A_3710 = arith.constant 48 : index
      %get3A_3711 = tpu.vector_load %arg14[%get3A_3709, %get3A_3710] {strides = array<i32>} : memref<256x128xf32, #tpu.memory_space<vmem>>, vector<1x16xf32>,
      %get3A_3712 = vector.shape_cast %get3A_3711 : vector<1x16xf32> to vector<16xf32>
      %swap3A_3713 = arith.constant 7 : i32
      %swap3A_3714 = arith.index_cast %swap3A_3713 : i32 to index
      %swap3A_3715 = arith.constant 48 : index
      %swap3A_3716 = tpu.vector_load %arg19[%swap3A_3714, %swap3A_3715] {strides = array<i32>} : memref<16x128xf32, #tpu.memory_space<vmem>>, vector<1x16xf32>,
      %swap3A_3717 = vector.shape_cast %swap3A_3716 : vector<1x16xf32> to vector<16xf32>
      %swap3A_3718 = vector.shape_cast %get3A_3712 : vector<16xf32> to vector<1x16xf32>
      tpu.vector_store %arg19[%swap3A_3714, %swap3A_3715], %swap3A_3718 {strides = array<i32>} : memref<16x128xf32, #tpu.memory_space<vmem>>, vector<1x16xf32>,
      %get3A_3719 = arith.constant 224 : i32
      %get3A_3720 = arith.index_cast %get3A_3719 : i32 to index
      %get3A_3721 = arith.constant 64 : index
      %get3A_3722 = tpu.vector_load %arg14[%get3A_3720, %get3A_3721] {strides = array<i32>} : memref<256x128xf32, #tpu.memory_space<vmem>>, vector<1x16xf32>,
      %get3A_3723 = vector.shape_cast %get3A_3722 : vector<1x16xf32> to vector<16xf32>
      %swap3A_3724 = arith.constant 7 : i32
      %swap3A_3725 = arith.index_cast %swap3A_3724 : i32 to index
      %swap3A_3726 = arith.constant 64 : index
      %swap3A_3727 = tpu.vector_load %arg19[%swap3A_3725, %swap3A_3726] {strides = array<i32>} : memref<16x128xf32, #tpu.memory_space<vmem>>, vector<1x16xf32>,
      %swap3A_3728 = vector.shape_cast %swap3A_3727 : vector<1x16xf32> to vector<16xf32>
      %swap3A_3729 = vector.shape_cast %get3A_3723 : vector<16xf32> to vector<1x16xf32>
      tpu.vector_store %arg19[%swap3A_3725, %swap3A_3726], %swap3A_3729 {strides = array<i32>} : memref<16x128xf32, #tpu.memory_space<vmem>>, vector<1x16xf32>,
      %get3A_3730 = arith.constant 224 : i32
      %get3A_3731 = arith.index_cast %get3A_3730 : i32 to index
      %get3A_3732 = arith.constant 80 : index
      %get3A_3733 = tpu.vector_load %arg14[%get3A_3731, %get3A_3732] {strides = array<i32>} : memref<256x128xf32, #tpu.memory_space<vmem>>, vector<1x16xf32>,
      %get3A_3734 = vector.shape_cast %get3A_3733 : vector<1x16xf32> to vector<16xf32>
      %swap3A_3735 = arith.constant 7 : i32
      %swap3A_3736 = arith.index_cast %swap3A_3735 : i32 to index
      %swap3A_3737 = arith.constant 80 : index
      %swap3A_3738 = tpu.vector_load %arg19[%swap3A_3736, %swap3A_3737] {strides = array<i32>} : memref<16x128xf32, #tpu.memory_space<vmem>>, vector<1x16xf32>,
      %swap3A_3739 = vector.shape_cast %swap3A_3738 : vector<1x16xf32> to vector<16xf32>
      %swap3A_3740 = vector.shape_cast %get3A_3734 : vector<16xf32> to vector<1x16xf32>
      tpu.vector_store %arg19[%swap3A_3736, %swap3A_3737], %swap3A_3740 {strides = array<i32>} : memref<16x128xf32, #tpu.memory_space<vmem>>, vector<1x16xf32>,
      %get3A_3741 = arith.constant 224 : i32
      %get3A_3742 = arith.index_cast %get3A_3741 : i32 to index
      %get3A_3743 = arith.constant 96 : index
      %get3A_3744 = tpu.vector_load %arg14[%get3A_3742, %get3A_3743] {strides = array<i32>} : memref<256x128xf32, #tpu.memory_space<vmem>>, vector<1x16xf32>,
      %get3A_3745 = vector.shape_cast %get3A_3744 : vector<1x16xf32> to vector<16xf32>
      %swap3A_3746 = arith.constant 7 : i32
      %swap3A_3747 = arith.index_cast %swap3A_3746 : i32 to index
      %swap3A_3748 = arith.constant 96 : index
      %swap3A_3749 = tpu.vector_load %arg19[%swap3A_3747, %swap3A_3748] {strides = array<i32>} : memref<16x128xf32, #tpu.memory_space<vmem>>, vector<1x16xf32>,
      %swap3A_3750 = vector.shape_cast %swap3A_3749 : vector<1x16xf32> to vector<16xf32>
      %swap3A_3751 = vector.shape_cast %get3A_3745 : vector<16xf32> to vector<1x16xf32>
      tpu.vector_store %arg19[%swap3A_3747, %swap3A_3748], %swap3A_3751 {strides = array<i32>} : memref<16x128xf32, #tpu.memory_space<vmem>>, vector<1x16xf32>,
      %get3A_3752 = arith.constant 224 : i32
      %get3A_3753 = arith.index_cast %get3A_3752 : i32 to index
      %get3A_3754 = arith.constant 112 : index
      %get3A_3755 = tpu.vector_load %arg14[%get3A_3753, %get3A_3754] {strides = array<i32>} : memref<256x128xf32, #tpu.memory_space<vmem>>, vector<1x16xf32>,
      %get3A_3756 = vector.shape_cast %get3A_3755 : vector<1x16xf32> to vector<16xf32>
      %swap3A_3757 = arith.constant 7 : i32
      %swap3A_3758 = arith.index_cast %swap3A_3757 : i32 to index
      %swap3A_3759 = arith.constant 112 : index
      %swap3A_3760 = tpu.vector_load %arg19[%swap3A_3758, %swap3A_3759] {strides = array<i32>} : memref<16x128xf32, #tpu.memory_space<vmem>>, vector<1x16xf32>,
      %swap3A_3761 = vector.shape_cast %swap3A_3760 : vector<1x16xf32> to vector<16xf32>
      %swap3A_3762 = vector.shape_cast %get3A_3756 : vector<16xf32> to vector<1x16xf32>
      tpu.vector_store %arg19[%swap3A_3758, %swap3A_3759], %swap3A_3762 {strides = array<i32>} : memref<16x128xf32, #tpu.memory_space<vmem>>, vector<1x16xf32>,
      %get3A_3763 = arith.constant 8 : i32
      %get3A_3764 = arith.index_cast %get3A_3763 : i32 to index
      %get3A_3765 = arith.constant 0 : index
      %get3A_3766 = tpu.vector_load %arg14[%get3A_3764, %get3A_3765] {strides = array<i32>} : memref<256x128xf32, #tpu.memory_space<vmem>>, vector<1x16xf32>,
      %get3A_3767 = vector.shape_cast %get3A_3766 : vector<1x16xf32> to vector<16xf32>
      %swap3A_3768 = arith.constant 8 : i32
      %swap3A_3769 = arith.index_cast %swap3A_3768 : i32 to index
      %swap3A_3770 = arith.constant 0 : index
      %swap3A_3771 = tpu.vector_load %arg19[%swap3A_3769, %swap3A_3770] {strides = array<i32>} : memref<16x128xf32, #tpu.memory_space<vmem>>, vector<1x16xf32>,
      %swap3A_3772 = vector.shape_cast %swap3A_3771 : vector<1x16xf32> to vector<16xf32>
      %swap3A_3773 = vector.shape_cast %get3A_3767 : vector<16xf32> to vector<1x16xf32>
      tpu.vector_store %arg19[%swap3A_3769, %swap3A_3770], %swap3A_3773 {strides = array<i32>} : memref<16x128xf32, #tpu.memory_space<vmem>>, vector<1x16xf32>,
      %get3A_3774 = arith.constant 8 : i32
      %get3A_3775 = arith.index_cast %get3A_3774 : i32 to index
      %get3A_3776 = arith.constant 16 : index
      %get3A_3777 = tpu.vector_load %arg14[%get3A_3775, %get3A_3776] {strides = array<i32>} : memref<256x128xf32, #tpu.memory_space<vmem>>, vector<1x16xf32>,
      %get3A_3778 = vector.shape_cast %get3A_3777 : vector<1x16xf32> to vector<16xf32>
      %swap3A_3779 = arith.constant 8 : i32
      %swap3A_3780 = arith.index_cast %swap3A_3779 : i32 to index
      %swap3A_3781 = arith.constant 16 : index
      %swap3A_3782 = tpu.vector_load %arg19[%swap3A_3780, %swap3A_3781] {strides = array<i32>} : memref<16x128xf32, #tpu.memory_space<vmem>>, vector<1x16xf32>,
      %swap3A_3783 = vector.shape_cast %swap3A_3782 : vector<1x16xf32> to vector<16xf32>
      %swap3A_3784 = vector.shape_cast %get3A_3778 : vector<16xf32> to vector<1x16xf32>
      tpu.vector_store %arg19[%swap3A_3780, %swap3A_3781], %swap3A_3784 {strides = array<i32>} : memref<16x128xf32, #tpu.memory_space<vmem>>, vector<1x16xf32>,
      %get3A_3785 = arith.constant 8 : i32
      %get3A_3786 = arith.index_cast %get3A_3785 : i32 to index
      %get3A_3787 = arith.constant 32 : index
      %get3A_3788 = tpu.vector_load %arg14[%get3A_3786, %get3A_3787] {strides = array<i32>} : memref<256x128xf32, #tpu.memory_space<vmem>>, vector<1x16xf32>,
      %get3A_3789 = vector.shape_cast %get3A_3788 : vector<1x16xf32> to vector<16xf32>
      %swap3A_3790 = arith.constant 8 : i32
      %swap3A_3791 = arith.index_cast %swap3A_3790 : i32 to index
      %swap3A_3792 = arith.constant 32 : index
      %swap3A_3793 = tpu.vector_load %arg19[%swap3A_3791, %swap3A_3792] {strides = array<i32>} : memref<16x128xf32, #tpu.memory_space<vmem>>, vector<1x16xf32>,
      %swap3A_3794 = vector.shape_cast %swap3A_3793 : vector<1x16xf32> to vector<16xf32>
      %swap3A_3795 = vector.shape_cast %get3A_3789 : vector<16xf32> to vector<1x16xf32>
      tpu.vector_store %arg19[%swap3A_3791, %swap3A_3792], %swap3A_3795 {strides = array<i32>} : memref<16x128xf32, #tpu.memory_space<vmem>>, vector<1x16xf32>,
      %get3A_3796 = arith.constant 8 : i32
      %get3A_3797 = arith.index_cast %get3A_3796 : i32 to index
      %get3A_3798 = arith.constant 48 : index
      %get3A_3799 = tpu.vector_load %arg14[%get3A_3797, %get3A_3798] {strides = array<i32>} : memref<256x128xf32, #tpu.memory_space<vmem>>, vector<1x16xf32>,
      %get3A_3800 = vector.shape_cast %get3A_3799 : vector<1x16xf32> to vector<16xf32>
      %swap3A_3801 = arith.constant 8 : i32
      %swap3A_3802 = arith.index_cast %swap3A_3801 : i32 to index
      %swap3A_3803 = arith.constant 48 : index
      %swap3A_3804 = tpu.vector_load %arg19[%swap3A_3802, %swap3A_3803] {strides = array<i32>} : memref<16x128xf32, #tpu.memory_space<vmem>>, vector<1x16xf32>,
      %swap3A_3805 = vector.shape_cast %swap3A_3804 : vector<1x16xf32> to vector<16xf32>
      %swap3A_3806 = vector.shape_cast %get3A_3800 : vector<16xf32> to vector<1x16xf32>
      tpu.vector_store %arg19[%swap3A_3802, %swap3A_3803], %swap3A_3806 {strides = array<i32>} : memref<16x128xf32, #tpu.memory_space<vmem>>, vector<1x16xf32>,
      %get3A_3807 = arith.constant 8 : i32
      %get3A_3808 = arith.index_cast %get3A_3807 : i32 to index
      %get3A_3809 = arith.constant 64 : index
      %get3A_3810 = tpu.vector_load %arg14[%get3A_3808, %get3A_3809] {strides = array<i32>} : memref<256x128xf32, #tpu.memory_space<vmem>>, vector<1x16xf32>,
      %get3A_3811 = vector.shape_cast %get3A_3810 : vector<1x16xf32> to vector<16xf32>
      %swap3A_3812 = arith.constant 8 : i32
      %swap3A_3813 = arith.index_cast %swap3A_3812 : i32 to index
      %swap3A_3814 = arith.constant 64 : index
      %swap3A_3815 = tpu.vector_load %arg19[%swap3A_3813, %swap3A_3814] {strides = array<i32>} : memref<16x128xf32, #tpu.memory_space<vmem>>, vector<1x16xf32>,
      %swap3A_3816 = vector.shape_cast %swap3A_3815 : vector<1x16xf32> to vector<16xf32>
      %swap3A_3817 = vector.shape_cast %get3A_3811 : vector<16xf32> to vector<1x16xf32>
      tpu.vector_store %arg19[%swap3A_3813, %swap3A_3814], %swap3A_3817 {strides = array<i32>} : memref<16x128xf32, #tpu.memory_space<vmem>>, vector<1x16xf32>,
      %get3A_3818 = arith.constant 8 : i32
      %get3A_3819 = arith.index_cast %get3A_3818 : i32 to index
      %get3A_3820 = arith.constant 80 : index
      %get3A_3821 = tpu.vector_load %arg14[%get3A_3819, %get3A_3820] {strides = array<i32>} : memref<256x128xf32, #tpu.memory_space<vmem>>, vector<1x16xf32>,
      %get3A_3822 = vector.shape_cast %get3A_3821 : vector<1x16xf32> to vector<16xf32>
      %swap3A_3823 = arith.constant 8 : i32
      %swap3A_3824 = arith.index_cast %swap3A_3823 : i32 to index
      %swap3A_3825 = arith.constant 80 : index
      %swap3A_3826 = tpu.vector_load %arg19[%swap3A_3824, %swap3A_3825] {strides = array<i32>} : memref<16x128xf32, #tpu.memory_space<vmem>>, vector<1x16xf32>,
      %swap3A_3827 = vector.shape_cast %swap3A_3826 : vector<1x16xf32> to vector<16xf32>
      %swap3A_3828 = vector.shape_cast %get3A_3822 : vector<16xf32> to vector<1x16xf32>
      tpu.vector_store %arg19[%swap3A_3824, %swap3A_3825], %swap3A_3828 {strides = array<i32>} : memref<16x128xf32, #tpu.memory_space<vmem>>, vector<1x16xf32>,
      %get3A_3829 = arith.constant 8 : i32
      %get3A_3830 = arith.index_cast %get3A_3829 : i32 to index
      %get3A_3831 = arith.constant 96 : index
      %get3A_3832 = tpu.vector_load %arg14[%get3A_3830, %get3A_3831] {strides = array<i32>} : memref<256x128xf32, #tpu.memory_space<vmem>>, vector<1x16xf32>,
      %get3A_3833 = vector.shape_cast %get3A_3832 : vector<1x16xf32> to vector<16xf32>
      %swap3A_3834 = arith.constant 8 : i32
      %swap3A_3835 = arith.index_cast %swap3A_3834 : i32 to index
      %swap3A_3836 = arith.constant 96 : index
      %swap3A_3837 = tpu.vector_load %arg19[%swap3A_3835, %swap3A_3836] {strides = array<i32>} : memref<16x128xf32, #tpu.memory_space<vmem>>, vector<1x16xf32>,
      %swap3A_3838 = vector.shape_cast %swap3A_3837 : vector<1x16xf32> to vector<16xf32>
      %swap3A_3839 = vector.shape_cast %get3A_3833 : vector<16xf32> to vector<1x16xf32>
      tpu.vector_store %arg19[%swap3A_3835, %swap3A_3836], %swap3A_3839 {strides = array<i32>} : memref<16x128xf32, #tpu.memory_space<vmem>>, vector<1x16xf32>,
      %get3A_3840 = arith.constant 8 : i32
      %get3A_3841 = arith.index_cast %get3A_3840 : i32 to index
      %get3A_3842 = arith.constant 112 : index
      %get3A_3843 = tpu.vector_load %arg14[%get3A_3841, %get3A_3842] {strides = array<i32>} : memref<256x128xf32, #tpu.memory_space<vmem>>, vector<1x16xf32>,
      %get3A_3844 = vector.shape_cast %get3A_3843 : vector<1x16xf32> to vector<16xf32>
      %swap3A_3845 = arith.constant 8 : i32
      %swap3A_3846 = arith.index_cast %swap3A_3845 : i32 to index
      %swap3A_3847 = arith.constant 112 : index
      %swap3A_3848 = tpu.vector_load %arg19[%swap3A_3846, %swap3A_3847] {strides = array<i32>} : memref<16x128xf32, #tpu.memory_space<vmem>>, vector<1x16xf32>,
      %swap3A_3849 = vector.shape_cast %swap3A_3848 : vector<1x16xf32> to vector<16xf32>
      %swap3A_3850 = vector.shape_cast %get3A_3844 : vector<16xf32> to vector<1x16xf32>
      tpu.vector_store %arg19[%swap3A_3846, %swap3A_3847], %swap3A_3850 {strides = array<i32>} : memref<16x128xf32, #tpu.memory_space<vmem>>, vector<1x16xf32>,
      %get3A_3851 = arith.constant 40 : i32
      %get3A_3852 = arith.index_cast %get3A_3851 : i32 to index
      %get3A_3853 = arith.constant 0 : index
      %get3A_3854 = tpu.vector_load %arg14[%get3A_3852, %get3A_3853] {strides = array<i32>} : memref<256x128xf32, #tpu.memory_space<vmem>>, vector<1x16xf32>,
      %get3A_3855 = vector.shape_cast %get3A_3854 : vector<1x16xf32> to vector<16xf32>
      %swap3A_3856 = arith.constant 9 : i32
      %swap3A_3857 = arith.index_cast %swap3A_3856 : i32 to index
      %swap3A_3858 = arith.constant 0 : index
      %swap3A_3859 = tpu.vector_load %arg19[%swap3A_3857, %swap3A_3858] {strides = array<i32>} : memref<16x128xf32, #tpu.memory_space<vmem>>, vector<1x16xf32>,
      %swap3A_3860 = vector.shape_cast %swap3A_3859 : vector<1x16xf32> to vector<16xf32>
      %swap3A_3861 = vector.shape_cast %get3A_3855 : vector<16xf32> to vector<1x16xf32>
      tpu.vector_store %arg19[%swap3A_3857, %swap3A_3858], %swap3A_3861 {strides = array<i32>} : memref<16x128xf32, #tpu.memory_space<vmem>>, vector<1x16xf32>,
      %get3A_3862 = arith.constant 40 : i32
      %get3A_3863 = arith.index_cast %get3A_3862 : i32 to index
      %get3A_3864 = arith.constant 16 : index
      %get3A_3865 = tpu.vector_load %arg14[%get3A_3863, %get3A_3864] {strides = array<i32>} : memref<256x128xf32, #tpu.memory_space<vmem>>, vector<1x16xf32>,
      %get3A_3866 = vector.shape_cast %get3A_3865 : vector<1x16xf32> to vector<16xf32>
      %swap3A_3867 = arith.constant 9 : i32
      %swap3A_3868 = arith.index_cast %swap3A_3867 : i32 to index
      %swap3A_3869 = arith.constant 16 : index
      %swap3A_3870 = tpu.vector_load %arg19[%swap3A_3868, %swap3A_3869] {strides = array<i32>} : memref<16x128xf32, #tpu.memory_space<vmem>>, vector<1x16xf32>,
      %swap3A_3871 = vector.shape_cast %swap3A_3870 : vector<1x16xf32> to vector<16xf32>
      %swap3A_3872 = vector.shape_cast %get3A_3866 : vector<16xf32> to vector<1x16xf32>
      tpu.vector_store %arg19[%swap3A_3868, %swap3A_3869], %swap3A_3872 {strides = array<i32>} : memref<16x128xf32, #tpu.memory_space<vmem>>, vector<1x16xf32>,
      %get3A_3873 = arith.constant 40 : i32
      %get3A_3874 = arith.index_cast %get3A_3873 : i32 to index
      %get3A_3875 = arith.constant 32 : index
      %get3A_3876 = tpu.vector_load %arg14[%get3A_3874, %get3A_3875] {strides = array<i32>} : memref<256x128xf32, #tpu.memory_space<vmem>>, vector<1x16xf32>,
      %get3A_3877 = vector.shape_cast %get3A_3876 : vector<1x16xf32> to vector<16xf32>
      %swap3A_3878 = arith.constant 9 : i32
      %swap3A_3879 = arith.index_cast %swap3A_3878 : i32 to index
      %swap3A_3880 = arith.constant 32 : index
      %swap3A_3881 = tpu.vector_load %arg19[%swap3A_3879, %swap3A_3880] {strides = array<i32>} : memref<16x128xf32, #tpu.memory_space<vmem>>, vector<1x16xf32>,
      %swap3A_3882 = vector.shape_cast %swap3A_3881 : vector<1x16xf32> to vector<16xf32>
      %swap3A_3883 = vector.shape_cast %get3A_3877 : vector<16xf32> to vector<1x16xf32>
      tpu.vector_store %arg19[%swap3A_3879, %swap3A_3880], %swap3A_3883 {strides = array<i32>} : memref<16x128xf32, #tpu.memory_space<vmem>>, vector<1x16xf32>,
      %get3A_3884 = arith.constant 40 : i32
      %get3A_3885 = arith.index_cast %get3A_3884 : i32 to index
      %get3A_3886 = arith.constant 48 : index
      %get3A_3887 = tpu.vector_load %arg14[%get3A_3885, %get3A_3886] {strides = array<i32>} : memref<256x128xf32, #tpu.memory_space<vmem>>, vector<1x16xf32>,
      %get3A_3888 = vector.shape_cast %get3A_3887 : vector<1x16xf32> to vector<16xf32>
      %swap3A_3889 = arith.constant 9 : i32
      %swap3A_3890 = arith.index_cast %swap3A_3889 : i32 to index
      %swap3A_3891 = arith.constant 48 : index
      %swap3A_3892 = tpu.vector_load %arg19[%swap3A_3890, %swap3A_3891] {strides = array<i32>} : memref<16x128xf32, #tpu.memory_space<vmem>>, vector<1x16xf32>,
      %swap3A_3893 = vector.shape_cast %swap3A_3892 : vector<1x16xf32> to vector<16xf32>
      %swap3A_3894 = vector.shape_cast %get3A_3888 : vector<16xf32> to vector<1x16xf32>
      tpu.vector_store %arg19[%swap3A_3890, %swap3A_3891], %swap3A_3894 {strides = array<i32>} : memref<16x128xf32, #tpu.memory_space<vmem>>, vector<1x16xf32>,
      %get3A_3895 = arith.constant 40 : i32
      %get3A_3896 = arith.index_cast %get3A_3895 : i32 to index
      %get3A_3897 = arith.constant 64 : index
      %get3A_3898 = tpu.vector_load %arg14[%get3A_3896, %get3A_3897] {strides = array<i32>} : memref<256x128xf32, #tpu.memory_space<vmem>>, vector<1x16xf32>,
      %get3A_3899 = vector.shape_cast %get3A_3898 : vector<1x16xf32> to vector<16xf32>
      %swap3A_3900 = arith.constant 9 : i32
      %swap3A_3901 = arith.index_cast %swap3A_3900 : i32 to index
      %swap3A_3902 = arith.constant 64 : index
      %swap3A_3903 = tpu.vector_load %arg19[%swap3A_3901, %swap3A_3902] {strides = array<i32>} : memref<16x128xf32, #tpu.memory_space<vmem>>, vector<1x16xf32>,
      %swap3A_3904 = vector.shape_cast %swap3A_3903 : vector<1x16xf32> to vector<16xf32>
      %swap3A_3905 = vector.shape_cast %get3A_3899 : vector<16xf32> to vector<1x16xf32>
      tpu.vector_store %arg19[%swap3A_3901, %swap3A_3902], %swap3A_3905 {strides = array<i32>} : memref<16x128xf32, #tpu.memory_space<vmem>>, vector<1x16xf32>,
      %get3A_3906 = arith.constant 40 : i32
      %get3A_3907 = arith.index_cast %get3A_3906 : i32 to index
      %get3A_3908 = arith.constant 80 : index
      %get3A_3909 = tpu.vector_load %arg14[%get3A_3907, %get3A_3908] {strides = array<i32>} : memref<256x128xf32, #tpu.memory_space<vmem>>, vector<1x16xf32>,
      %get3A_3910 = vector.shape_cast %get3A_3909 : vector<1x16xf32> to vector<16xf32>
      %swap3A_3911 = arith.constant 9 : i32
      %swap3A_3912 = arith.index_cast %swap3A_3911 : i32 to index
      %swap3A_3913 = arith.constant 80 : index
      %swap3A_3914 = tpu.vector_load %arg19[%swap3A_3912, %swap3A_3913] {strides = array<i32>} : memref<16x128xf32, #tpu.memory_space<vmem>>, vector<1x16xf32>,
      %swap3A_3915 = vector.shape_cast %swap3A_3914 : vector<1x16xf32> to vector<16xf32>
      %swap3A_3916 = vector.shape_cast %get3A_3910 : vector<16xf32> to vector<1x16xf32>
      tpu.vector_store %arg19[%swap3A_3912, %swap3A_3913], %swap3A_3916 {strides = array<i32>} : memref<16x128xf32, #tpu.memory_space<vmem>>, vector<1x16xf32>,
      %get3A_3917 = arith.constant 40 : i32
      %get3A_3918 = arith.index_cast %get3A_3917 : i32 to index
      %get3A_3919 = arith.constant 96 : index
      %get3A_3920 = tpu.vector_load %arg14[%get3A_3918, %get3A_3919] {strides = array<i32>} : memref<256x128xf32, #tpu.memory_space<vmem>>, vector<1x16xf32>,
      %get3A_3921 = vector.shape_cast %get3A_3920 : vector<1x16xf32> to vector<16xf32>
      %swap3A_3922 = arith.constant 9 : i32
      %swap3A_3923 = arith.index_cast %swap3A_3922 : i32 to index
      %swap3A_3924 = arith.constant 96 : index
      %swap3A_3925 = tpu.vector_load %arg19[%swap3A_3923, %swap3A_3924] {strides = array<i32>} : memref<16x128xf32, #tpu.memory_space<vmem>>, vector<1x16xf32>,
      %swap3A_3926 = vector.shape_cast %swap3A_3925 : vector<1x16xf32> to vector<16xf32>
      %swap3A_3927 = vector.shape_cast %get3A_3921 : vector<16xf32> to vector<1x16xf32>
      tpu.vector_store %arg19[%swap3A_3923, %swap3A_3924], %swap3A_3927 {strides = array<i32>} : memref<16x128xf32, #tpu.memory_space<vmem>>, vector<1x16xf32>,
      %get3A_3928 = arith.constant 40 : i32
      %get3A_3929 = arith.index_cast %get3A_3928 : i32 to index
      %get3A_3930 = arith.constant 112 : index
      %get3A_3931 = tpu.vector_load %arg14[%get3A_3929, %get3A_3930] {strides = array<i32>} : memref<256x128xf32, #tpu.memory_space<vmem>>, vector<1x16xf32>,
      %get3A_3932 = vector.shape_cast %get3A_3931 : vector<1x16xf32> to vector<16xf32>
      %swap3A_3933 = arith.constant 9 : i32
      %swap3A_3934 = arith.index_cast %swap3A_3933 : i32 to index
      %swap3A_3935 = arith.constant 112 : index
      %swap3A_3936 = tpu.vector_load %arg19[%swap3A_3934, %swap3A_3935] {strides = array<i32>} : memref<16x128xf32, #tpu.memory_space<vmem>>, vector<1x16xf32>,
      %swap3A_3937 = vector.shape_cast %swap3A_3936 : vector<1x16xf32> to vector<16xf32>
      %swap3A_3938 = vector.shape_cast %get3A_3932 : vector<16xf32> to vector<1x16xf32>
      tpu.vector_store %arg19[%swap3A_3934, %swap3A_3935], %swap3A_3938 {strides = array<i32>} : memref<16x128xf32, #tpu.memory_space<vmem>>, vector<1x16xf32>,
      %get3A_3939 = arith.constant 72 : i32
      %get3A_3940 = arith.index_cast %get3A_3939 : i32 to index
      %get3A_3941 = arith.constant 0 : index
      %get3A_3942 = tpu.vector_load %arg14[%get3A_3940, %get3A_3941] {strides = array<i32>} : memref<256x128xf32, #tpu.memory_space<vmem>>, vector<1x16xf32>,
      %get3A_3943 = vector.shape_cast %get3A_3942 : vector<1x16xf32> to vector<16xf32>
      %swap3A_3944 = arith.constant 10 : i32
      %swap3A_3945 = arith.index_cast %swap3A_3944 : i32 to index
      %swap3A_3946 = arith.constant 0 : index
      %swap3A_3947 = tpu.vector_load %arg19[%swap3A_3945, %swap3A_3946] {strides = array<i32>} : memref<16x128xf32, #tpu.memory_space<vmem>>, vector<1x16xf32>,
      %swap3A_3948 = vector.shape_cast %swap3A_3947 : vector<1x16xf32> to vector<16xf32>
      %swap3A_3949 = vector.shape_cast %get3A_3943 : vector<16xf32> to vector<1x16xf32>
      tpu.vector_store %arg19[%swap3A_3945, %swap3A_3946], %swap3A_3949 {strides = array<i32>} : memref<16x128xf32, #tpu.memory_space<vmem>>, vector<1x16xf32>,
      %get3A_3950 = arith.constant 72 : i32
      %get3A_3951 = arith.index_cast %get3A_3950 : i32 to index
      %get3A_3952 = arith.constant 16 : index
      %get3A_3953 = tpu.vector_load %arg14[%get3A_3951, %get3A_3952] {strides = array<i32>} : memref<256x128xf32, #tpu.memory_space<vmem>>, vector<1x16xf32>,
      %get3A_3954 = vector.shape_cast %get3A_3953 : vector<1x16xf32> to vector<16xf32>
      %swap3A_3955 = arith.constant 10 : i32
      %swap3A_3956 = arith.index_cast %swap3A_3955 : i32 to index
      %swap3A_3957 = arith.constant 16 : index
      %swap3A_3958 = tpu.vector_load %arg19[%swap3A_3956, %swap3A_3957] {strides = array<i32>} : memref<16x128xf32, #tpu.memory_space<vmem>>, vector<1x16xf32>,
      %swap3A_3959 = vector.shape_cast %swap3A_3958 : vector<1x16xf32> to vector<16xf32>
      %swap3A_3960 = vector.shape_cast %get3A_3954 : vector<16xf32> to vector<1x16xf32>
      tpu.vector_store %arg19[%swap3A_3956, %swap3A_3957], %swap3A_3960 {strides = array<i32>} : memref<16x128xf32, #tpu.memory_space<vmem>>, vector<1x16xf32>,
      %get3A_3961 = arith.constant 72 : i32
      %get3A_3962 = arith.index_cast %get3A_3961 : i32 to index
      %get3A_3963 = arith.constant 32 : index
      %get3A_3964 = tpu.vector_load %arg14[%get3A_3962, %get3A_3963] {strides = array<i32>} : memref<256x128xf32, #tpu.memory_space<vmem>>, vector<1x16xf32>,
      %get3A_3965 = vector.shape_cast %get3A_3964 : vector<1x16xf32> to vector<16xf32>
      %swap3A_3966 = arith.constant 10 : i32
      %swap3A_3967 = arith.index_cast %swap3A_3966 : i32 to index
      %swap3A_3968 = arith.constant 32 : index
      %swap3A_3969 = tpu.vector_load %arg19[%swap3A_3967, %swap3A_3968] {strides = array<i32>} : memref<16x128xf32, #tpu.memory_space<vmem>>, vector<1x16xf32>,
      %swap3A_3970 = vector.shape_cast %swap3A_3969 : vector<1x16xf32> to vector<16xf32>
      %swap3A_3971 = vector.shape_cast %get3A_3965 : vector<16xf32> to vector<1x16xf32>
      tpu.vector_store %arg19[%swap3A_3967, %swap3A_3968], %swap3A_3971 {strides = array<i32>} : memref<16x128xf32, #tpu.memory_space<vmem>>, vector<1x16xf32>,
      %get3A_3972 = arith.constant 72 : i32
      %get3A_3973 = arith.index_cast %get3A_3972 : i32 to index
      %get3A_3974 = arith.constant 48 : index
      %get3A_3975 = tpu.vector_load %arg14[%get3A_3973, %get3A_3974] {strides = array<i32>} : memref<256x128xf32, #tpu.memory_space<vmem>>, vector<1x16xf32>,
      %get3A_3976 = vector.shape_cast %get3A_3975 : vector<1x16xf32> to vector<16xf32>
      %swap3A_3977 = arith.constant 10 : i32
      %swap3A_3978 = arith.index_cast %swap3A_3977 : i32 to index
      %swap3A_3979 = arith.constant 48 : index
      %swap3A_3980 = tpu.vector_load %arg19[%swap3A_3978, %swap3A_3979] {strides = array<i32>} : memref<16x128xf32, #tpu.memory_space<vmem>>, vector<1x16xf32>,
      %swap3A_3981 = vector.shape_cast %swap3A_3980 : vector<1x16xf32> to vector<16xf32>
      %swap3A_3982 = vector.shape_cast %get3A_3976 : vector<16xf32> to vector<1x16xf32>
      tpu.vector_store %arg19[%swap3A_3978, %swap3A_3979], %swap3A_3982 {strides = array<i32>} : memref<16x128xf32, #tpu.memory_space<vmem>>, vector<1x16xf32>,
      %get3A_3983 = arith.constant 72 : i32
      %get3A_3984 = arith.index_cast %get3A_3983 : i32 to index
      %get3A_3985 = arith.constant 64 : index
      %get3A_3986 = tpu.vector_load %arg14[%get3A_3984, %get3A_3985] {strides = array<i32>} : memref<256x128xf32, #tpu.memory_space<vmem>>, vector<1x16xf32>,
      %get3A_3987 = vector.shape_cast %get3A_3986 : vector<1x16xf32> to vector<16xf32>
      %swap3A_3988 = arith.constant 10 : i32
      %swap3A_3989 = arith.index_cast %swap3A_3988 : i32 to index
      %swap3A_3990 = arith.constant 64 : index
      %swap3A_3991 = tpu.vector_load %arg19[%swap3A_3989, %swap3A_3990] {strides = array<i32>} : memref<16x128xf32, #tpu.memory_space<vmem>>, vector<1x16xf32>,
      %swap3A_3992 = vector.shape_cast %swap3A_3991 : vector<1x16xf32> to vector<16xf32>
      %swap3A_3993 = vector.shape_cast %get3A_3987 : vector<16xf32> to vector<1x16xf32>
      tpu.vector_store %arg19[%swap3A_3989, %swap3A_3990], %swap3A_3993 {strides = array<i32>} : memref<16x128xf32, #tpu.memory_space<vmem>>, vector<1x16xf32>,
      %get3A_3994 = arith.constant 72 : i32
      %get3A_3995 = arith.index_cast %get3A_3994 : i32 to index
      %get3A_3996 = arith.constant 80 : index
      %get3A_3997 = tpu.vector_load %arg14[%get3A_3995, %get3A_3996] {strides = array<i32>} : memref<256x128xf32, #tpu.memory_space<vmem>>, vector<1x16xf32>,
      %get3A_3998 = vector.shape_cast %get3A_3997 : vector<1x16xf32> to vector<16xf32>
      %swap3A_3999 = arith.constant 10 : i32
      %swap3A_4000 = arith.index_cast %swap3A_3999 : i32 to index
      %swap3A_4001 = arith.constant 80 : index
      %swap3A_4002 = tpu.vector_load %arg19[%swap3A_4000, %swap3A_4001] {strides = array<i32>} : memref<16x128xf32, #tpu.memory_space<vmem>>, vector<1x16xf32>,
      %swap3A_4003 = vector.shape_cast %swap3A_4002 : vector<1x16xf32> to vector<16xf32>
      %swap3A_4004 = vector.shape_cast %get3A_3998 : vector<16xf32> to vector<1x16xf32>
      tpu.vector_store %arg19[%swap3A_4000, %swap3A_4001], %swap3A_4004 {strides = array<i32>} : memref<16x128xf32, #tpu.memory_space<vmem>>, vector<1x16xf32>,
      %get3A_4005 = arith.constant 72 : i32
      %get3A_4006 = arith.index_cast %get3A_4005 : i32 to index
      %get3A_4007 = arith.constant 96 : index
      %get3A_4008 = tpu.vector_load %arg14[%get3A_4006, %get3A_4007] {strides = array<i32>} : memref<256x128xf32, #tpu.memory_space<vmem>>, vector<1x16xf32>,
      %get3A_4009 = vector.shape_cast %get3A_4008 : vector<1x16xf32> to vector<16xf32>
      %swap3A_4010 = arith.constant 10 : i32
      %swap3A_4011 = arith.index_cast %swap3A_4010 : i32 to index
      %swap3A_4012 = arith.constant 96 : index
      %swap3A_4013 = tpu.vector_load %arg19[%swap3A_4011, %swap3A_4012] {strides = array<i32>} : memref<16x128xf32, #tpu.memory_space<vmem>>, vector<1x16xf32>,
      %swap3A_4014 = vector.shape_cast %swap3A_4013 : vector<1x16xf32> to vector<16xf32>
      %swap3A_4015 = vector.shape_cast %get3A_4009 : vector<16xf32> to vector<1x16xf32>
      tpu.vector_store %arg19[%swap3A_4011, %swap3A_4012], %swap3A_4015 {strides = array<i32>} : memref<16x128xf32, #tpu.memory_space<vmem>>, vector<1x16xf32>,
      %get3A_4016 = arith.constant 72 : i32
      %get3A_4017 = arith.index_cast %get3A_4016 : i32 to index
      %get3A_4018 = arith.constant 112 : index
      %get3A_4019 = tpu.vector_load %arg14[%get3A_4017, %get3A_4018] {strides = array<i32>} : memref<256x128xf32, #tpu.memory_space<vmem>>, vector<1x16xf32>,
      %get3A_4020 = vector.shape_cast %get3A_4019 : vector<1x16xf32> to vector<16xf32>
      %swap3A_4021 = arith.constant 10 : i32
      %swap3A_4022 = arith.index_cast %swap3A_4021 : i32 to index
      %swap3A_4023 = arith.constant 112 : index
      %swap3A_4024 = tpu.vector_load %arg19[%swap3A_4022, %swap3A_4023] {strides = array<i32>} : memref<16x128xf32, #tpu.memory_space<vmem>>, vector<1x16xf32>,
      %swap3A_4025 = vector.shape_cast %swap3A_4024 : vector<1x16xf32> to vector<16xf32>
      %swap3A_4026 = vector.shape_cast %get3A_4020 : vector<16xf32> to vector<1x16xf32>
      tpu.vector_store %arg19[%swap3A_4022, %swap3A_4023], %swap3A_4026 {strides = array<i32>} : memref<16x128xf32, #tpu.memory_space<vmem>>, vector<1x16xf32>,
      %get3A_4027 = arith.constant 104 : i32
      %get3A_4028 = arith.index_cast %get3A_4027 : i32 to index
      %get3A_4029 = arith.constant 0 : index
      %get3A_4030 = tpu.vector_load %arg14[%get3A_4028, %get3A_4029] {strides = array<i32>} : memref<256x128xf32, #tpu.memory_space<vmem>>, vector<1x16xf32>,
      %get3A_4031 = vector.shape_cast %get3A_4030 : vector<1x16xf32> to vector<16xf32>
      %swap3A_4032 = arith.constant 11 : i32
      %swap3A_4033 = arith.index_cast %swap3A_4032 : i32 to index
      %swap3A_4034 = arith.constant 0 : index
      %swap3A_4035 = tpu.vector_load %arg19[%swap3A_4033, %swap3A_4034] {strides = array<i32>} : memref<16x128xf32, #tpu.memory_space<vmem>>, vector<1x16xf32>,
      %swap3A_4036 = vector.shape_cast %swap3A_4035 : vector<1x16xf32> to vector<16xf32>
      %swap3A_4037 = vector.shape_cast %get3A_4031 : vector<16xf32> to vector<1x16xf32>
      tpu.vector_store %arg19[%swap3A_4033, %swap3A_4034], %swap3A_4037 {strides = array<i32>} : memref<16x128xf32, #tpu.memory_space<vmem>>, vector<1x16xf32>,
      %get3A_4038 = arith.constant 104 : i32
      %get3A_4039 = arith.index_cast %get3A_4038 : i32 to index
      %get3A_4040 = arith.constant 16 : index
      %get3A_4041 = tpu.vector_load %arg14[%get3A_4039, %get3A_4040] {strides = array<i32>} : memref<256x128xf32, #tpu.memory_space<vmem>>, vector<1x16xf32>,
      %get3A_4042 = vector.shape_cast %get3A_4041 : vector<1x16xf32> to vector<16xf32>
      %swap3A_4043 = arith.constant 11 : i32
      %swap3A_4044 = arith.index_cast %swap3A_4043 : i32 to index
      %swap3A_4045 = arith.constant 16 : index
      %swap3A_4046 = tpu.vector_load %arg19[%swap3A_4044, %swap3A_4045] {strides = array<i32>} : memref<16x128xf32, #tpu.memory_space<vmem>>, vector<1x16xf32>,
      %swap3A_4047 = vector.shape_cast %swap3A_4046 : vector<1x16xf32> to vector<16xf32>
      %swap3A_4048 = vector.shape_cast %get3A_4042 : vector<16xf32> to vector<1x16xf32>
      tpu.vector_store %arg19[%swap3A_4044, %swap3A_4045], %swap3A_4048 {strides = array<i32>} : memref<16x128xf32, #tpu.memory_space<vmem>>, vector<1x16xf32>,
      %get3A_4049 = arith.constant 104 : i32
      %get3A_4050 = arith.index_cast %get3A_4049 : i32 to index
      %get3A_4051 = arith.constant 32 : index
      %get3A_4052 = tpu.vector_load %arg14[%get3A_4050, %get3A_4051] {strides = array<i32>} : memref<256x128xf32, #tpu.memory_space<vmem>>, vector<1x16xf32>,
      %get3A_4053 = vector.shape_cast %get3A_4052 : vector<1x16xf32> to vector<16xf32>
      %swap3A_4054 = arith.constant 11 : i32
      %swap3A_4055 = arith.index_cast %swap3A_4054 : i32 to index
      %swap3A_4056 = arith.constant 32 : index
      %swap3A_4057 = tpu.vector_load %arg19[%swap3A_4055, %swap3A_4056] {strides = array<i32>} : memref<16x128xf32, #tpu.memory_space<vmem>>, vector<1x16xf32>,
      %swap3A_4058 = vector.shape_cast %swap3A_4057 : vector<1x16xf32> to vector<16xf32>
      %swap3A_4059 = vector.shape_cast %get3A_4053 : vector<16xf32> to vector<1x16xf32>
      tpu.vector_store %arg19[%swap3A_4055, %swap3A_4056], %swap3A_4059 {strides = array<i32>} : memref<16x128xf32, #tpu.memory_space<vmem>>, vector<1x16xf32>,
      %get3A_4060 = arith.constant 104 : i32
      %get3A_4061 = arith.index_cast %get3A_4060 : i32 to index
      %get3A_4062 = arith.constant 48 : index
      %get3A_4063 = tpu.vector_load %arg14[%get3A_4061, %get3A_4062] {strides = array<i32>} : memref<256x128xf32, #tpu.memory_space<vmem>>, vector<1x16xf32>,
      %get3A_4064 = vector.shape_cast %get3A_4063 : vector<1x16xf32> to vector<16xf32>
      %swap3A_4065 = arith.constant 11 : i32
      %swap3A_4066 = arith.index_cast %swap3A_4065 : i32 to index
      %swap3A_4067 = arith.constant 48 : index
      %swap3A_4068 = tpu.vector_load %arg19[%swap3A_4066, %swap3A_4067] {strides = array<i32>} : memref<16x128xf32, #tpu.memory_space<vmem>>, vector<1x16xf32>,
      %swap3A_4069 = vector.shape_cast %swap3A_4068 : vector<1x16xf32> to vector<16xf32>
      %swap3A_4070 = vector.shape_cast %get3A_4064 : vector<16xf32> to vector<1x16xf32>
      tpu.vector_store %arg19[%swap3A_4066, %swap3A_4067], %swap3A_4070 {strides = array<i32>} : memref<16x128xf32, #tpu.memory_space<vmem>>, vector<1x16xf32>,
      %get3A_4071 = arith.constant 104 : i32
      %get3A_4072 = arith.index_cast %get3A_4071 : i32 to index
      %get3A_4073 = arith.constant 64 : index
      %get3A_4074 = tpu.vector_load %arg14[%get3A_4072, %get3A_4073] {strides = array<i32>} : memref<256x128xf32, #tpu.memory_space<vmem>>, vector<1x16xf32>,
      %get3A_4075 = vector.shape_cast %get3A_4074 : vector<1x16xf32> to vector<16xf32>
      %swap3A_4076 = arith.constant 11 : i32
      %swap3A_4077 = arith.index_cast %swap3A_4076 : i32 to index
      %swap3A_4078 = arith.constant 64 : index
      %swap3A_4079 = tpu.vector_load %arg19[%swap3A_4077, %swap3A_4078] {strides = array<i32>} : memref<16x128xf32, #tpu.memory_space<vmem>>, vector<1x16xf32>,
      %swap3A_4080 = vector.shape_cast %swap3A_4079 : vector<1x16xf32> to vector<16xf32>
      %swap3A_4081 = vector.shape_cast %get3A_4075 : vector<16xf32> to vector<1x16xf32>
      tpu.vector_store %arg19[%swap3A_4077, %swap3A_4078], %swap3A_4081 {strides = array<i32>} : memref<16x128xf32, #tpu.memory_space<vmem>>, vector<1x16xf32>,
      %get3A_4082 = arith.constant 104 : i32
      %get3A_4083 = arith.index_cast %get3A_4082 : i32 to index
      %get3A_4084 = arith.constant 80 : index
      %get3A_4085 = tpu.vector_load %arg14[%get3A_4083, %get3A_4084] {strides = array<i32>} : memref<256x128xf32, #tpu.memory_space<vmem>>, vector<1x16xf32>,
      %get3A_4086 = vector.shape_cast %get3A_4085 : vector<1x16xf32> to vector<16xf32>
      %swap3A_4087 = arith.constant 11 : i32
      %swap3A_4088 = arith.index_cast %swap3A_4087 : i32 to index
      %swap3A_4089 = arith.constant 80 : index
      %swap3A_4090 = tpu.vector_load %arg19[%swap3A_4088, %swap3A_4089] {strides = array<i32>} : memref<16x128xf32, #tpu.memory_space<vmem>>, vector<1x16xf32>,
      %swap3A_4091 = vector.shape_cast %swap3A_4090 : vector<1x16xf32> to vector<16xf32>
      %swap3A_4092 = vector.shape_cast %get3A_4086 : vector<16xf32> to vector<1x16xf32>
      tpu.vector_store %arg19[%swap3A_4088, %swap3A_4089], %swap3A_4092 {strides = array<i32>} : memref<16x128xf32, #tpu.memory_space<vmem>>, vector<1x16xf32>,
      %get3A_4093 = arith.constant 104 : i32
      %get3A_4094 = arith.index_cast %get3A_4093 : i32 to index
      %get3A_4095 = arith.constant 96 : index
      %get3A_4096 = tpu.vector_load %arg14[%get3A_4094, %get3A_4095] {strides = array<i32>} : memref<256x128xf32, #tpu.memory_space<vmem>>, vector<1x16xf32>,
      %get3A_4097 = vector.shape_cast %get3A_4096 : vector<1x16xf32> to vector<16xf32>
      %swap3A_4098 = arith.constant 11 : i32
      %swap3A_4099 = arith.index_cast %swap3A_4098 : i32 to index
      %swap3A_4100 = arith.constant 96 : index
      %swap3A_4101 = tpu.vector_load %arg19[%swap3A_4099, %swap3A_4100] {strides = array<i32>} : memref<16x128xf32, #tpu.memory_space<vmem>>, vector<1x16xf32>,
      %swap3A_4102 = vector.shape_cast %swap3A_4101 : vector<1x16xf32> to vector<16xf32>
      %swap3A_4103 = vector.shape_cast %get3A_4097 : vector<16xf32> to vector<1x16xf32>
      tpu.vector_store %arg19[%swap3A_4099, %swap3A_4100], %swap3A_4103 {strides = array<i32>} : memref<16x128xf32, #tpu.memory_space<vmem>>, vector<1x16xf32>,
      %get3A_4104 = arith.constant 104 : i32
      %get3A_4105 = arith.index_cast %get3A_4104 : i32 to index
      %get3A_4106 = arith.constant 112 : index
      %get3A_4107 = tpu.vector_load %arg14[%get3A_4105, %get3A_4106] {strides = array<i32>} : memref<256x128xf32, #tpu.memory_space<vmem>>, vector<1x16xf32>,
      %get3A_4108 = vector.shape_cast %get3A_4107 : vector<1x16xf32> to vector<16xf32>
      %swap3A_4109 = arith.constant 11 : i32
      %swap3A_4110 = arith.index_cast %swap3A_4109 : i32 to index
      %swap3A_4111 = arith.constant 112 : index
      %swap3A_4112 = tpu.vector_load %arg19[%swap3A_4110, %swap3A_4111] {strides = array<i32>} : memref<16x128xf32, #tpu.memory_space<vmem>>, vector<1x16xf32>,
      %swap3A_4113 = vector.shape_cast %swap3A_4112 : vector<1x16xf32> to vector<16xf32>
      %swap3A_4114 = vector.shape_cast %get3A_4108 : vector<16xf32> to vector<1x16xf32>
      tpu.vector_store %arg19[%swap3A_4110, %swap3A_4111], %swap3A_4114 {strides = array<i32>} : memref<16x128xf32, #tpu.memory_space<vmem>>, vector<1x16xf32>,
      %get3A_4115 = arith.constant 136 : i32
      %get3A_4116 = arith.index_cast %get3A_4115 : i32 to index
      %get3A_4117 = arith.constant 0 : index
      %get3A_4118 = tpu.vector_load %arg14[%get3A_4116, %get3A_4117] {strides = array<i32>} : memref<256x128xf32, #tpu.memory_space<vmem>>, vector<1x16xf32>,
      %get3A_4119 = vector.shape_cast %get3A_4118 : vector<1x16xf32> to vector<16xf32>
      %swap3A_4120 = arith.constant 12 : i32
      %swap3A_4121 = arith.index_cast %swap3A_4120 : i32 to index
      %swap3A_4122 = arith.constant 0 : index
      %swap3A_4123 = tpu.vector_load %arg19[%swap3A_4121, %swap3A_4122] {strides = array<i32>} : memref<16x128xf32, #tpu.memory_space<vmem>>, vector<1x16xf32>,
      %swap3A_4124 = vector.shape_cast %swap3A_4123 : vector<1x16xf32> to vector<16xf32>
      %swap3A_4125 = vector.shape_cast %get3A_4119 : vector<16xf32> to vector<1x16xf32>
      tpu.vector_store %arg19[%swap3A_4121, %swap3A_4122], %swap3A_4125 {strides = array<i32>} : memref<16x128xf32, #tpu.memory_space<vmem>>, vector<1x16xf32>,
      %get3A_4126 = arith.constant 136 : i32
      %get3A_4127 = arith.index_cast %get3A_4126 : i32 to index
      %get3A_4128 = arith.constant 16 : index
      %get3A_4129 = tpu.vector_load %arg14[%get3A_4127, %get3A_4128] {strides = array<i32>} : memref<256x128xf32, #tpu.memory_space<vmem>>, vector<1x16xf32>,
      %get3A_4130 = vector.shape_cast %get3A_4129 : vector<1x16xf32> to vector<16xf32>
      %swap3A_4131 = arith.constant 12 : i32
      %swap3A_4132 = arith.index_cast %swap3A_4131 : i32 to index
      %swap3A_4133 = arith.constant 16 : index
      %swap3A_4134 = tpu.vector_load %arg19[%swap3A_4132, %swap3A_4133] {strides = array<i32>} : memref<16x128xf32, #tpu.memory_space<vmem>>, vector<1x16xf32>,
      %swap3A_4135 = vector.shape_cast %swap3A_4134 : vector<1x16xf32> to vector<16xf32>
      %swap3A_4136 = vector.shape_cast %get3A_4130 : vector<16xf32> to vector<1x16xf32>
      tpu.vector_store %arg19[%swap3A_4132, %swap3A_4133], %swap3A_4136 {strides = array<i32>} : memref<16x128xf32, #tpu.memory_space<vmem>>, vector<1x16xf32>,
      %get3A_4137 = arith.constant 136 : i32
      %get3A_4138 = arith.index_cast %get3A_4137 : i32 to index
      %get3A_4139 = arith.constant 32 : index
      %get3A_4140 = tpu.vector_load %arg14[%get3A_4138, %get3A_4139] {strides = array<i32>} : memref<256x128xf32, #tpu.memory_space<vmem>>, vector<1x16xf32>,
      %get3A_4141 = vector.shape_cast %get3A_4140 : vector<1x16xf32> to vector<16xf32>
      %swap3A_4142 = arith.constant 12 : i32
      %swap3A_4143 = arith.index_cast %swap3A_4142 : i32 to index
      %swap3A_4144 = arith.constant 32 : index
      %swap3A_4145 = tpu.vector_load %arg19[%swap3A_4143, %swap3A_4144] {strides = array<i32>} : memref<16x128xf32, #tpu.memory_space<vmem>>, vector<1x16xf32>,
      %swap3A_4146 = vector.shape_cast %swap3A_4145 : vector<1x16xf32> to vector<16xf32>
      %swap3A_4147 = vector.shape_cast %get3A_4141 : vector<16xf32> to vector<1x16xf32>
      tpu.vector_store %arg19[%swap3A_4143, %swap3A_4144], %swap3A_4147 {strides = array<i32>} : memref<16x128xf32, #tpu.memory_space<vmem>>, vector<1x16xf32>,
      %get3A_4148 = arith.constant 136 : i32
      %get3A_4149 = arith.index_cast %get3A_4148 : i32 to index
      %get3A_4150 = arith.constant 48 : index
      %get3A_4151 = tpu.vector_load %arg14[%get3A_4149, %get3A_4150] {strides = array<i32>} : memref<256x128xf32, #tpu.memory_space<vmem>>, vector<1x16xf32>,
      %get3A_4152 = vector.shape_cast %get3A_4151 : vector<1x16xf32> to vector<16xf32>
      %swap3A_4153 = arith.constant 12 : i32
      %swap3A_4154 = arith.index_cast %swap3A_4153 : i32 to index
      %swap3A_4155 = arith.constant 48 : index
      %swap3A_4156 = tpu.vector_load %arg19[%swap3A_4154, %swap3A_4155] {strides = array<i32>} : memref<16x128xf32, #tpu.memory_space<vmem>>, vector<1x16xf32>,
      %swap3A_4157 = vector.shape_cast %swap3A_4156 : vector<1x16xf32> to vector<16xf32>
      %swap3A_4158 = vector.shape_cast %get3A_4152 : vector<16xf32> to vector<1x16xf32>
      tpu.vector_store %arg19[%swap3A_4154, %swap3A_4155], %swap3A_4158 {strides = array<i32>} : memref<16x128xf32, #tpu.memory_space<vmem>>, vector<1x16xf32>,
      %get3A_4159 = arith.constant 136 : i32
      %get3A_4160 = arith.index_cast %get3A_4159 : i32 to index
      %get3A_4161 = arith.constant 64 : index
      %get3A_4162 = tpu.vector_load %arg14[%get3A_4160, %get3A_4161] {strides = array<i32>} : memref<256x128xf32, #tpu.memory_space<vmem>>, vector<1x16xf32>,
      %get3A_4163 = vector.shape_cast %get3A_4162 : vector<1x16xf32> to vector<16xf32>
      %swap3A_4164 = arith.constant 12 : i32
      %swap3A_4165 = arith.index_cast %swap3A_4164 : i32 to index
      %swap3A_4166 = arith.constant 64 : index
      %swap3A_4167 = tpu.vector_load %arg19[%swap3A_4165, %swap3A_4166] {strides = array<i32>} : memref<16x128xf32, #tpu.memory_space<vmem>>, vector<1x16xf32>,
      %swap3A_4168 = vector.shape_cast %swap3A_4167 : vector<1x16xf32> to vector<16xf32>
      %swap3A_4169 = vector.shape_cast %get3A_4163 : vector<16xf32> to vector<1x16xf32>
      tpu.vector_store %arg19[%swap3A_4165, %swap3A_4166], %swap3A_4169 {strides = array<i32>} : memref<16x128xf32, #tpu.memory_space<vmem>>, vector<1x16xf32>,
      %get3A_4170 = arith.constant 136 : i32
      %get3A_4171 = arith.index_cast %get3A_4170 : i32 to index
      %get3A_4172 = arith.constant 80 : index
      %get3A_4173 = tpu.vector_load %arg14[%get3A_4171, %get3A_4172] {strides = array<i32>} : memref<256x128xf32, #tpu.memory_space<vmem>>, vector<1x16xf32>,
      %get3A_4174 = vector.shape_cast %get3A_4173 : vector<1x16xf32> to vector<16xf32>
      %swap3A_4175 = arith.constant 12 : i32
      %swap3A_4176 = arith.index_cast %swap3A_4175 : i32 to index
      %swap3A_4177 = arith.constant 80 : index
      %swap3A_4178 = tpu.vector_load %arg19[%swap3A_4176, %swap3A_4177] {strides = array<i32>} : memref<16x128xf32, #tpu.memory_space<vmem>>, vector<1x16xf32>,
      %swap3A_4179 = vector.shape_cast %swap3A_4178 : vector<1x16xf32> to vector<16xf32>
      %swap3A_4180 = vector.shape_cast %get3A_4174 : vector<16xf32> to vector<1x16xf32>
      tpu.vector_store %arg19[%swap3A_4176, %swap3A_4177], %swap3A_4180 {strides = array<i32>} : memref<16x128xf32, #tpu.memory_space<vmem>>, vector<1x16xf32>,
      %get3A_4181 = arith.constant 136 : i32
      %get3A_4182 = arith.index_cast %get3A_4181 : i32 to index
      %get3A_4183 = arith.constant 96 : index
      %get3A_4184 = tpu.vector_load %arg14[%get3A_4182, %get3A_4183] {strides = array<i32>} : memref<256x128xf32, #tpu.memory_space<vmem>>, vector<1x16xf32>,
      %get3A_4185 = vector.shape_cast %get3A_4184 : vector<1x16xf32> to vector<16xf32>
      %swap3A_4186 = arith.constant 12 : i32
      %swap3A_4187 = arith.index_cast %swap3A_4186 : i32 to index
      %swap3A_4188 = arith.constant 96 : index
      %swap3A_4189 = tpu.vector_load %arg19[%swap3A_4187, %swap3A_4188] {strides = array<i32>} : memref<16x128xf32, #tpu.memory_space<vmem>>, vector<1x16xf32>,
      %swap3A_4190 = vector.shape_cast %swap3A_4189 : vector<1x16xf32> to vector<16xf32>
      %swap3A_4191 = vector.shape_cast %get3A_4185 : vector<16xf32> to vector<1x16xf32>
      tpu.vector_store %arg19[%swap3A_4187, %swap3A_4188], %swap3A_4191 {strides = array<i32>} : memref<16x128xf32, #tpu.memory_space<vmem>>, vector<1x16xf32>,
      %get3A_4192 = arith.constant 136 : i32
      %get3A_4193 = arith.index_cast %get3A_4192 : i32 to index
      %get3A_4194 = arith.constant 112 : index
      %get3A_4195 = tpu.vector_load %arg14[%get3A_4193, %get3A_4194] {strides = array<i32>} : memref<256x128xf32, #tpu.memory_space<vmem>>, vector<1x16xf32>,
      %get3A_4196 = vector.shape_cast %get3A_4195 : vector<1x16xf32> to vector<16xf32>
      %swap3A_4197 = arith.constant 12 : i32
      %swap3A_4198 = arith.index_cast %swap3A_4197 : i32 to index
      %swap3A_4199 = arith.constant 112 : index
      %swap3A_4200 = tpu.vector_load %arg19[%swap3A_4198, %swap3A_4199] {strides = array<i32>} : memref<16x128xf32, #tpu.memory_space<vmem>>, vector<1x16xf32>,
      %swap3A_4201 = vector.shape_cast %swap3A_4200 : vector<1x16xf32> to vector<16xf32>
      %swap3A_4202 = vector.shape_cast %get3A_4196 : vector<16xf32> to vector<1x16xf32>
      tpu.vector_store %arg19[%swap3A_4198, %swap3A_4199], %swap3A_4202 {strides = array<i32>} : memref<16x128xf32, #tpu.memory_space<vmem>>, vector<1x16xf32>,
      %get3A_4203 = arith.constant 168 : i32
      %get3A_4204 = arith.index_cast %get3A_4203 : i32 to index
      %get3A_4205 = arith.constant 0 : index
      %get3A_4206 = tpu.vector_load %arg14[%get3A_4204, %get3A_4205] {strides = array<i32>} : memref<256x128xf32, #tpu.memory_space<vmem>>, vector<1x16xf32>,
      %get3A_4207 = vector.shape_cast %get3A_4206 : vector<1x16xf32> to vector<16xf32>
      %swap3A_4208 = arith.constant 13 : i32
      %swap3A_4209 = arith.index_cast %swap3A_4208 : i32 to index
      %swap3A_4210 = arith.constant 0 : index
      %swap3A_4211 = tpu.vector_load %arg19[%swap3A_4209, %swap3A_4210] {strides = array<i32>} : memref<16x128xf32, #tpu.memory_space<vmem>>, vector<1x16xf32>,
      %swap3A_4212 = vector.shape_cast %swap3A_4211 : vector<1x16xf32> to vector<16xf32>
      %swap3A_4213 = vector.shape_cast %get3A_4207 : vector<16xf32> to vector<1x16xf32>
      tpu.vector_store %arg19[%swap3A_4209, %swap3A_4210], %swap3A_4213 {strides = array<i32>} : memref<16x128xf32, #tpu.memory_space<vmem>>, vector<1x16xf32>,
      %get3A_4214 = arith.constant 168 : i32
      %get3A_4215 = arith.index_cast %get3A_4214 : i32 to index
      %get3A_4216 = arith.constant 16 : index
      %get3A_4217 = tpu.vector_load %arg14[%get3A_4215, %get3A_4216] {strides = array<i32>} : memref<256x128xf32, #tpu.memory_space<vmem>>, vector<1x16xf32>,
      %get3A_4218 = vector.shape_cast %get3A_4217 : vector<1x16xf32> to vector<16xf32>
      %swap3A_4219 = arith.constant 13 : i32
      %swap3A_4220 = arith.index_cast %swap3A_4219 : i32 to index
      %swap3A_4221 = arith.constant 16 : index
      %swap3A_4222 = tpu.vector_load %arg19[%swap3A_4220, %swap3A_4221] {strides = array<i32>} : memref<16x128xf32, #tpu.memory_space<vmem>>, vector<1x16xf32>,
      %swap3A_4223 = vector.shape_cast %swap3A_4222 : vector<1x16xf32> to vector<16xf32>
      %swap3A_4224 = vector.shape_cast %get3A_4218 : vector<16xf32> to vector<1x16xf32>
      tpu.vector_store %arg19[%swap3A_4220, %swap3A_4221], %swap3A_4224 {strides = array<i32>} : memref<16x128xf32, #tpu.memory_space<vmem>>, vector<1x16xf32>,
      %get3A_4225 = arith.constant 168 : i32
      %get3A_4226 = arith.index_cast %get3A_4225 : i32 to index
      %get3A_4227 = arith.constant 32 : index
      %get3A_4228 = tpu.vector_load %arg14[%get3A_4226, %get3A_4227] {strides = array<i32>} : memref<256x128xf32, #tpu.memory_space<vmem>>, vector<1x16xf32>,
      %get3A_4229 = vector.shape_cast %get3A_4228 : vector<1x16xf32> to vector<16xf32>
      %swap3A_4230 = arith.constant 13 : i32
      %swap3A_4231 = arith.index_cast %swap3A_4230 : i32 to index
      %swap3A_4232 = arith.constant 32 : index
      %swap3A_4233 = tpu.vector_load %arg19[%swap3A_4231, %swap3A_4232] {strides = array<i32>} : memref<16x128xf32, #tpu.memory_space<vmem>>, vector<1x16xf32>,
      %swap3A_4234 = vector.shape_cast %swap3A_4233 : vector<1x16xf32> to vector<16xf32>
      %swap3A_4235 = vector.shape_cast %get3A_4229 : vector<16xf32> to vector<1x16xf32>
      tpu.vector_store %arg19[%swap3A_4231, %swap3A_4232], %swap3A_4235 {strides = array<i32>} : memref<16x128xf32, #tpu.memory_space<vmem>>, vector<1x16xf32>,
      %get3A_4236 = arith.constant 168 : i32
      %get3A_4237 = arith.index_cast %get3A_4236 : i32 to index
      %get3A_4238 = arith.constant 48 : index
      %get3A_4239 = tpu.vector_load %arg14[%get3A_4237, %get3A_4238] {strides = array<i32>} : memref<256x128xf32, #tpu.memory_space<vmem>>, vector<1x16xf32>,
      %get3A_4240 = vector.shape_cast %get3A_4239 : vector<1x16xf32> to vector<16xf32>
      %swap3A_4241 = arith.constant 13 : i32
      %swap3A_4242 = arith.index_cast %swap3A_4241 : i32 to index
      %swap3A_4243 = arith.constant 48 : index
      %swap3A_4244 = tpu.vector_load %arg19[%swap3A_4242, %swap3A_4243] {strides = array<i32>} : memref<16x128xf32, #tpu.memory_space<vmem>>, vector<1x16xf32>,
      %swap3A_4245 = vector.shape_cast %swap3A_4244 : vector<1x16xf32> to vector<16xf32>
      %swap3A_4246 = vector.shape_cast %get3A_4240 : vector<16xf32> to vector<1x16xf32>
      tpu.vector_store %arg19[%swap3A_4242, %swap3A_4243], %swap3A_4246 {strides = array<i32>} : memref<16x128xf32, #tpu.memory_space<vmem>>, vector<1x16xf32>,
      %get3A_4247 = arith.constant 168 : i32
      %get3A_4248 = arith.index_cast %get3A_4247 : i32 to index
      %get3A_4249 = arith.constant 64 : index
      %get3A_4250 = tpu.vector_load %arg14[%get3A_4248, %get3A_4249] {strides = array<i32>} : memref<256x128xf32, #tpu.memory_space<vmem>>, vector<1x16xf32>,
      %get3A_4251 = vector.shape_cast %get3A_4250 : vector<1x16xf32> to vector<16xf32>
      %swap3A_4252 = arith.constant 13 : i32
      %swap3A_4253 = arith.index_cast %swap3A_4252 : i32 to index
      %swap3A_4254 = arith.constant 64 : index
      %swap3A_4255 = tpu.vector_load %arg19[%swap3A_4253, %swap3A_4254] {strides = array<i32>} : memref<16x128xf32, #tpu.memory_space<vmem>>, vector<1x16xf32>,
      %swap3A_4256 = vector.shape_cast %swap3A_4255 : vector<1x16xf32> to vector<16xf32>
      %swap3A_4257 = vector.shape_cast %get3A_4251 : vector<16xf32> to vector<1x16xf32>
      tpu.vector_store %arg19[%swap3A_4253, %swap3A_4254], %swap3A_4257 {strides = array<i32>} : memref<16x128xf32, #tpu.memory_space<vmem>>, vector<1x16xf32>,
      %get3A_4258 = arith.constant 168 : i32
      %get3A_4259 = arith.index_cast %get3A_4258 : i32 to index
      %get3A_4260 = arith.constant 80 : index
      %get3A_4261 = tpu.vector_load %arg14[%get3A_4259, %get3A_4260] {strides = array<i32>} : memref<256x128xf32, #tpu.memory_space<vmem>>, vector<1x16xf32>,
      %get3A_4262 = vector.shape_cast %get3A_4261 : vector<1x16xf32> to vector<16xf32>
      %swap3A_4263 = arith.constant 13 : i32
      %swap3A_4264 = arith.index_cast %swap3A_4263 : i32 to index
      %swap3A_4265 = arith.constant 80 : index
      %swap3A_4266 = tpu.vector_load %arg19[%swap3A_4264, %swap3A_4265] {strides = array<i32>} : memref<16x128xf32, #tpu.memory_space<vmem>>, vector<1x16xf32>,
      %swap3A_4267 = vector.shape_cast %swap3A_4266 : vector<1x16xf32> to vector<16xf32>
      %swap3A_4268 = vector.shape_cast %get3A_4262 : vector<16xf32> to vector<1x16xf32>
      tpu.vector_store %arg19[%swap3A_4264, %swap3A_4265], %swap3A_4268 {strides = array<i32>} : memref<16x128xf32, #tpu.memory_space<vmem>>, vector<1x16xf32>,
      %get3A_4269 = arith.constant 168 : i32
      %get3A_4270 = arith.index_cast %get3A_4269 : i32 to index
      %get3A_4271 = arith.constant 96 : index
      %get3A_4272 = tpu.vector_load %arg14[%get3A_4270, %get3A_4271] {strides = array<i32>} : memref<256x128xf32, #tpu.memory_space<vmem>>, vector<1x16xf32>,
      %get3A_4273 = vector.shape_cast %get3A_4272 : vector<1x16xf32> to vector<16xf32>
      %swap3A_4274 = arith.constant 13 : i32
      %swap3A_4275 = arith.index_cast %swap3A_4274 : i32 to index
      %swap3A_4276 = arith.constant 96 : index
      %swap3A_4277 = tpu.vector_load %arg19[%swap3A_4275, %swap3A_4276] {strides = array<i32>} : memref<16x128xf32, #tpu.memory_space<vmem>>, vector<1x16xf32>,
      %swap3A_4278 = vector.shape_cast %swap3A_4277 : vector<1x16xf32> to vector<16xf32>
      %swap3A_4279 = vector.shape_cast %get3A_4273 : vector<16xf32> to vector<1x16xf32>
      tpu.vector_store %arg19[%swap3A_4275, %swap3A_4276], %swap3A_4279 {strides = array<i32>} : memref<16x128xf32, #tpu.memory_space<vmem>>, vector<1x16xf32>,
      %get3A_4280 = arith.constant 168 : i32
      %get3A_4281 = arith.index_cast %get3A_4280 : i32 to index
      %get3A_4282 = arith.constant 112 : index
      %get3A_4283 = tpu.vector_load %arg14[%get3A_4281, %get3A_4282] {strides = array<i32>} : memref<256x128xf32, #tpu.memory_space<vmem>>, vector<1x16xf32>,
      %get3A_4284 = vector.shape_cast %get3A_4283 : vector<1x16xf32> to vector<16xf32>
      %swap3A_4285 = arith.constant 13 : i32
      %swap3A_4286 = arith.index_cast %swap3A_4285 : i32 to index
      %swap3A_4287 = arith.constant 112 : index
      %swap3A_4288 = tpu.vector_load %arg19[%swap3A_4286, %swap3A_4287] {strides = array<i32>} : memref<16x128xf32, #tpu.memory_space<vmem>>, vector<1x16xf32>,
      %swap3A_4289 = vector.shape_cast %swap3A_4288 : vector<1x16xf32> to vector<16xf32>
      %swap3A_4290 = vector.shape_cast %get3A_4284 : vector<16xf32> to vector<1x16xf32>
      tpu.vector_store %arg19[%swap3A_4286, %swap3A_4287], %swap3A_4290 {strides = array<i32>} : memref<16x128xf32, #tpu.memory_space<vmem>>, vector<1x16xf32>,
      %get3A_4291 = arith.constant 200 : i32
      %get3A_4292 = arith.index_cast %get3A_4291 : i32 to index
      %get3A_4293 = arith.constant 0 : index
      %get3A_4294 = tpu.vector_load %arg14[%get3A_4292, %get3A_4293] {strides = array<i32>} : memref<256x128xf32, #tpu.memory_space<vmem>>, vector<1x16xf32>,
      %get3A_4295 = vector.shape_cast %get3A_4294 : vector<1x16xf32> to vector<16xf32>
      %swap3A_4296 = arith.constant 14 : i32
      %swap3A_4297 = arith.index_cast %swap3A_4296 : i32 to index
      %swap3A_4298 = arith.constant 0 : index
      %swap3A_4299 = tpu.vector_load %arg19[%swap3A_4297, %swap3A_4298] {strides = array<i32>} : memref<16x128xf32, #tpu.memory_space<vmem>>, vector<1x16xf32>,
      %swap3A_4300 = vector.shape_cast %swap3A_4299 : vector<1x16xf32> to vector<16xf32>
      %swap3A_4301 = vector.shape_cast %get3A_4295 : vector<16xf32> to vector<1x16xf32>
      tpu.vector_store %arg19[%swap3A_4297, %swap3A_4298], %swap3A_4301 {strides = array<i32>} : memref<16x128xf32, #tpu.memory_space<vmem>>, vector<1x16xf32>,
      %get3A_4302 = arith.constant 200 : i32
      %get3A_4303 = arith.index_cast %get3A_4302 : i32 to index
      %get3A_4304 = arith.constant 16 : index
      %get3A_4305 = tpu.vector_load %arg14[%get3A_4303, %get3A_4304] {strides = array<i32>} : memref<256x128xf32, #tpu.memory_space<vmem>>, vector<1x16xf32>,
      %get3A_4306 = vector.shape_cast %get3A_4305 : vector<1x16xf32> to vector<16xf32>
      %swap3A_4307 = arith.constant 14 : i32
      %swap3A_4308 = arith.index_cast %swap3A_4307 : i32 to index
      %swap3A_4309 = arith.constant 16 : index
      %swap3A_4310 = tpu.vector_load %arg19[%swap3A_4308, %swap3A_4309] {strides = array<i32>} : memref<16x128xf32, #tpu.memory_space<vmem>>, vector<1x16xf32>,
      %swap3A_4311 = vector.shape_cast %swap3A_4310 : vector<1x16xf32> to vector<16xf32>
      %swap3A_4312 = vector.shape_cast %get3A_4306 : vector<16xf32> to vector<1x16xf32>
      tpu.vector_store %arg19[%swap3A_4308, %swap3A_4309], %swap3A_4312 {strides = array<i32>} : memref<16x128xf32, #tpu.memory_space<vmem>>, vector<1x16xf32>,
      %get3A_4313 = arith.constant 200 : i32
      %get3A_4314 = arith.index_cast %get3A_4313 : i32 to index
      %get3A_4315 = arith.constant 32 : index
      %get3A_4316 = tpu.vector_load %arg14[%get3A_4314, %get3A_4315] {strides = array<i32>} : memref<256x128xf32, #tpu.memory_space<vmem>>, vector<1x16xf32>,
      %get3A_4317 = vector.shape_cast %get3A_4316 : vector<1x16xf32> to vector<16xf32>
      %swap3A_4318 = arith.constant 14 : i32
      %swap3A_4319 = arith.index_cast %swap3A_4318 : i32 to index
      %swap3A_4320 = arith.constant 32 : index
      %swap3A_4321 = tpu.vector_load %arg19[%swap3A_4319, %swap3A_4320] {strides = array<i32>} : memref<16x128xf32, #tpu.memory_space<vmem>>, vector<1x16xf32>,
      %swap3A_4322 = vector.shape_cast %swap3A_4321 : vector<1x16xf32> to vector<16xf32>
      %swap3A_4323 = vector.shape_cast %get3A_4317 : vector<16xf32> to vector<1x16xf32>
      tpu.vector_store %arg19[%swap3A_4319, %swap3A_4320], %swap3A_4323 {strides = array<i32>} : memref<16x128xf32, #tpu.memory_space<vmem>>, vector<1x16xf32>,
      %get3A_4324 = arith.constant 200 : i32
      %get3A_4325 = arith.index_cast %get3A_4324 : i32 to index
      %get3A_4326 = arith.constant 48 : index
      %get3A_4327 = tpu.vector_load %arg14[%get3A_4325, %get3A_4326] {strides = array<i32>} : memref<256x128xf32, #tpu.memory_space<vmem>>, vector<1x16xf32>,
      %get3A_4328 = vector.shape_cast %get3A_4327 : vector<1x16xf32> to vector<16xf32>
      %swap3A_4329 = arith.constant 14 : i32
      %swap3A_4330 = arith.index_cast %swap3A_4329 : i32 to index
      %swap3A_4331 = arith.constant 48 : index
      %swap3A_4332 = tpu.vector_load %arg19[%swap3A_4330, %swap3A_4331] {strides = array<i32>} : memref<16x128xf32, #tpu.memory_space<vmem>>, vector<1x16xf32>,
      %swap3A_4333 = vector.shape_cast %swap3A_4332 : vector<1x16xf32> to vector<16xf32>
      %swap3A_4334 = vector.shape_cast %get3A_4328 : vector<16xf32> to vector<1x16xf32>
      tpu.vector_store %arg19[%swap3A_4330, %swap3A_4331], %swap3A_4334 {strides = array<i32>} : memref<16x128xf32, #tpu.memory_space<vmem>>, vector<1x16xf32>,
      %get3A_4335 = arith.constant 200 : i32
      %get3A_4336 = arith.index_cast %get3A_4335 : i32 to index
      %get3A_4337 = arith.constant 64 : index
      %get3A_4338 = tpu.vector_load %arg14[%get3A_4336, %get3A_4337] {strides = array<i32>} : memref<256x128xf32, #tpu.memory_space<vmem>>, vector<1x16xf32>,
      %get3A_4339 = vector.shape_cast %get3A_4338 : vector<1x16xf32> to vector<16xf32>
      %swap3A_4340 = arith.constant 14 : i32
      %swap3A_4341 = arith.index_cast %swap3A_4340 : i32 to index
      %swap3A_4342 = arith.constant 64 : index
      %swap3A_4343 = tpu.vector_load %arg19[%swap3A_4341, %swap3A_4342] {strides = array<i32>} : memref<16x128xf32, #tpu.memory_space<vmem>>, vector<1x16xf32>,
      %swap3A_4344 = vector.shape_cast %swap3A_4343 : vector<1x16xf32> to vector<16xf32>
      %swap3A_4345 = vector.shape_cast %get3A_4339 : vector<16xf32> to vector<1x16xf32>
      tpu.vector_store %arg19[%swap3A_4341, %swap3A_4342], %swap3A_4345 {strides = array<i32>} : memref<16x128xf32, #tpu.memory_space<vmem>>, vector<1x16xf32>,
      %get3A_4346 = arith.constant 200 : i32
      %get3A_4347 = arith.index_cast %get3A_4346 : i32 to index
      %get3A_4348 = arith.constant 80 : index
      %get3A_4349 = tpu.vector_load %arg14[%get3A_4347, %get3A_4348] {strides = array<i32>} : memref<256x128xf32, #tpu.memory_space<vmem>>, vector<1x16xf32>,
      %get3A_4350 = vector.shape_cast %get3A_4349 : vector<1x16xf32> to vector<16xf32>
      %swap3A_4351 = arith.constant 14 : i32
      %swap3A_4352 = arith.index_cast %swap3A_4351 : i32 to index
      %swap3A_4353 = arith.constant 80 : index
      %swap3A_4354 = tpu.vector_load %arg19[%swap3A_4352, %swap3A_4353] {strides = array<i32>} : memref<16x128xf32, #tpu.memory_space<vmem>>, vector<1x16xf32>,
      %swap3A_4355 = vector.shape_cast %swap3A_4354 : vector<1x16xf32> to vector<16xf32>
      %swap3A_4356 = vector.shape_cast %get3A_4350 : vector<16xf32> to vector<1x16xf32>
      tpu.vector_store %arg19[%swap3A_4352, %swap3A_4353], %swap3A_4356 {strides = array<i32>} : memref<16x128xf32, #tpu.memory_space<vmem>>, vector<1x16xf32>,
      %get3A_4357 = arith.constant 200 : i32
      %get3A_4358 = arith.index_cast %get3A_4357 : i32 to index
      %get3A_4359 = arith.constant 96 : index
      %get3A_4360 = tpu.vector_load %arg14[%get3A_4358, %get3A_4359] {strides = array<i32>} : memref<256x128xf32, #tpu.memory_space<vmem>>, vector<1x16xf32>,
      %get3A_4361 = vector.shape_cast %get3A_4360 : vector<1x16xf32> to vector<16xf32>
      %swap3A_4362 = arith.constant 14 : i32
      %swap3A_4363 = arith.index_cast %swap3A_4362 : i32 to index
      %swap3A_4364 = arith.constant 96 : index
      %swap3A_4365 = tpu.vector_load %arg19[%swap3A_4363, %swap3A_4364] {strides = array<i32>} : memref<16x128xf32, #tpu.memory_space<vmem>>, vector<1x16xf32>,
      %swap3A_4366 = vector.shape_cast %swap3A_4365 : vector<1x16xf32> to vector<16xf32>
      %swap3A_4367 = vector.shape_cast %get3A_4361 : vector<16xf32> to vector<1x16xf32>
      tpu.vector_store %arg19[%swap3A_4363, %swap3A_4364], %swap3A_4367 {strides = array<i32>} : memref<16x128xf32, #tpu.memory_space<vmem>>, vector<1x16xf32>,
      %get3A_4368 = arith.constant 200 : i32
      %get3A_4369 = arith.index_cast %get3A_4368 : i32 to index
      %get3A_4370 = arith.constant 112 : index
      %get3A_4371 = tpu.vector_load %arg14[%get3A_4369, %get3A_4370] {strides = array<i32>} : memref<256x128xf32, #tpu.memory_space<vmem>>, vector<1x16xf32>,
      %get3A_4372 = vector.shape_cast %get3A_4371 : vector<1x16xf32> to vector<16xf32>
      %swap3A_4373 = arith.constant 14 : i32
      %swap3A_4374 = arith.index_cast %swap3A_4373 : i32 to index
      %swap3A_4375 = arith.constant 112 : index
      %swap3A_4376 = tpu.vector_load %arg19[%swap3A_4374, %swap3A_4375] {strides = array<i32>} : memref<16x128xf32, #tpu.memory_space<vmem>>, vector<1x16xf32>,
      %swap3A_4377 = vector.shape_cast %swap3A_4376 : vector<1x16xf32> to vector<16xf32>
      %swap3A_4378 = vector.shape_cast %get3A_4372 : vector<16xf32> to vector<1x16xf32>
      tpu.vector_store %arg19[%swap3A_4374, %swap3A_4375], %swap3A_4378 {strides = array<i32>} : memref<16x128xf32, #tpu.memory_space<vmem>>, vector<1x16xf32>,
      %get3A_4379 = arith.constant 232 : i32
      %get3A_4380 = arith.index_cast %get3A_4379 : i32 to index
      %get3A_4381 = arith.constant 0 : index
      %get3A_4382 = tpu.vector_load %arg14[%get3A_4380, %get3A_4381] {strides = array<i32>} : memref<256x128xf32, #tpu.memory_space<vmem>>, vector<1x16xf32>,
      %get3A_4383 = vector.shape_cast %get3A_4382 : vector<1x16xf32> to vector<16xf32>
      %swap3A_4384 = arith.constant 15 : i32
      %swap3A_4385 = arith.index_cast %swap3A_4384 : i32 to index
      %swap3A_4386 = arith.constant 0 : index
      %swap3A_4387 = tpu.vector_load %arg19[%swap3A_4385, %swap3A_4386] {strides = array<i32>} : memref<16x128xf32, #tpu.memory_space<vmem>>, vector<1x16xf32>,
      %swap3A_4388 = vector.shape_cast %swap3A_4387 : vector<1x16xf32> to vector<16xf32>
      %swap3A_4389 = vector.shape_cast %get3A_4383 : vector<16xf32> to vector<1x16xf32>
      tpu.vector_store %arg19[%swap3A_4385, %swap3A_4386], %swap3A_4389 {strides = array<i32>} : memref<16x128xf32, #tpu.memory_space<vmem>>, vector<1x16xf32>,
      %get3A_4390 = arith.constant 232 : i32
      %get3A_4391 = arith.index_cast %get3A_4390 : i32 to index
      %get3A_4392 = arith.constant 16 : index
      %get3A_4393 = tpu.vector_load %arg14[%get3A_4391, %get3A_4392] {strides = array<i32>} : memref<256x128xf32, #tpu.memory_space<vmem>>, vector<1x16xf32>,
      %get3A_4394 = vector.shape_cast %get3A_4393 : vector<1x16xf32> to vector<16xf32>
      %swap3A_4395 = arith.constant 15 : i32
      %swap3A_4396 = arith.index_cast %swap3A_4395 : i32 to index
      %swap3A_4397 = arith.constant 16 : index
      %swap3A_4398 = tpu.vector_load %arg19[%swap3A_4396, %swap3A_4397] {strides = array<i32>} : memref<16x128xf32, #tpu.memory_space<vmem>>, vector<1x16xf32>,
      %swap3A_4399 = vector.shape_cast %swap3A_4398 : vector<1x16xf32> to vector<16xf32>
      %swap3A_4400 = vector.shape_cast %get3A_4394 : vector<16xf32> to vector<1x16xf32>
      tpu.vector_store %arg19[%swap3A_4396, %swap3A_4397], %swap3A_4400 {strides = array<i32>} : memref<16x128xf32, #tpu.memory_space<vmem>>, vector<1x16xf32>,
      %get3A_4401 = arith.constant 232 : i32
      %get3A_4402 = arith.index_cast %get3A_4401 : i32 to index
      %get3A_4403 = arith.constant 32 : index
      %get3A_4404 = tpu.vector_load %arg14[%get3A_4402, %get3A_4403] {strides = array<i32>} : memref<256x128xf32, #tpu.memory_space<vmem>>, vector<1x16xf32>,
      %get3A_4405 = vector.shape_cast %get3A_4404 : vector<1x16xf32> to vector<16xf32>
      %swap3A_4406 = arith.constant 15 : i32
      %swap3A_4407 = arith.index_cast %swap3A_4406 : i32 to index
      %swap3A_4408 = arith.constant 32 : index
      %swap3A_4409 = tpu.vector_load %arg19[%swap3A_4407, %swap3A_4408] {strides = array<i32>} : memref<16x128xf32, #tpu.memory_space<vmem>>, vector<1x16xf32>,
      %swap3A_4410 = vector.shape_cast %swap3A_4409 : vector<1x16xf32> to vector<16xf32>
      %swap3A_4411 = vector.shape_cast %get3A_4405 : vector<16xf32> to vector<1x16xf32>
      tpu.vector_store %arg19[%swap3A_4407, %swap3A_4408], %swap3A_4411 {strides = array<i32>} : memref<16x128xf32, #tpu.memory_space<vmem>>, vector<1x16xf32>,
      %get3A_4412 = arith.constant 232 : i32
      %get3A_4413 = arith.index_cast %get3A_4412 : i32 to index
      %get3A_4414 = arith.constant 48 : index
      %get3A_4415 = tpu.vector_load %arg14[%get3A_4413, %get3A_4414] {strides = array<i32>} : memref<256x128xf32, #tpu.memory_space<vmem>>, vector<1x16xf32>,
      %get3A_4416 = vector.shape_cast %get3A_4415 : vector<1x16xf32> to vector<16xf32>
      %swap3A_4417 = arith.constant 15 : i32
      %swap3A_4418 = arith.index_cast %swap3A_4417 : i32 to index
      %swap3A_4419 = arith.constant 48 : index
      %swap3A_4420 = tpu.vector_load %arg19[%swap3A_4418, %swap3A_4419] {strides = array<i32>} : memref<16x128xf32, #tpu.memory_space<vmem>>, vector<1x16xf32>,
      %swap3A_4421 = vector.shape_cast %swap3A_4420 : vector<1x16xf32> to vector<16xf32>
      %swap3A_4422 = vector.shape_cast %get3A_4416 : vector<16xf32> to vector<1x16xf32>
      tpu.vector_store %arg19[%swap3A_4418, %swap3A_4419], %swap3A_4422 {strides = array<i32>} : memref<16x128xf32, #tpu.memory_space<vmem>>, vector<1x16xf32>,
      %get3A_4423 = arith.constant 232 : i32
      %get3A_4424 = arith.index_cast %get3A_4423 : i32 to index
      %get3A_4425 = arith.constant 64 : index
      %get3A_4426 = tpu.vector_load %arg14[%get3A_4424, %get3A_4425] {strides = array<i32>} : memref<256x128xf32, #tpu.memory_space<vmem>>, vector<1x16xf32>,
      %get3A_4427 = vector.shape_cast %get3A_4426 : vector<1x16xf32> to vector<16xf32>
      %swap3A_4428 = arith.constant 15 : i32
      %swap3A_4429 = arith.index_cast %swap3A_4428 : i32 to index
      %swap3A_4430 = arith.constant 64 : index
      %swap3A_4431 = tpu.vector_load %arg19[%swap3A_4429, %swap3A_4430] {strides = array<i32>} : memref<16x128xf32, #tpu.memory_space<vmem>>, vector<1x16xf32>,
      %swap3A_4432 = vector.shape_cast %swap3A_4431 : vector<1x16xf32> to vector<16xf32>
      %swap3A_4433 = vector.shape_cast %get3A_4427 : vector<16xf32> to vector<1x16xf32>
      tpu.vector_store %arg19[%swap3A_4429, %swap3A_4430], %swap3A_4433 {strides = array<i32>} : memref<16x128xf32, #tpu.memory_space<vmem>>, vector<1x16xf32>,
      %get3A_4434 = arith.constant 232 : i32
      %get3A_4435 = arith.index_cast %get3A_4434 : i32 to index
      %get3A_4436 = arith.constant 80 : index
      %get3A_4437 = tpu.vector_load %arg14[%get3A_4435, %get3A_4436] {strides = array<i32>} : memref<256x128xf32, #tpu.memory_space<vmem>>, vector<1x16xf32>,
      %get3A_4438 = vector.shape_cast %get3A_4437 : vector<1x16xf32> to vector<16xf32>
      %swap3A_4439 = arith.constant 15 : i32
      %swap3A_4440 = arith.index_cast %swap3A_4439 : i32 to index
      %swap3A_4441 = arith.constant 80 : index
      %swap3A_4442 = tpu.vector_load %arg19[%swap3A_4440, %swap3A_4441] {strides = array<i32>} : memref<16x128xf32, #tpu.memory_space<vmem>>, vector<1x16xf32>,
      %swap3A_4443 = vector.shape_cast %swap3A_4442 : vector<1x16xf32> to vector<16xf32>
      %swap3A_4444 = vector.shape_cast %get3A_4438 : vector<16xf32> to vector<1x16xf32>
      tpu.vector_store %arg19[%swap3A_4440, %swap3A_4441], %swap3A_4444 {strides = array<i32>} : memref<16x128xf32, #tpu.memory_space<vmem>>, vector<1x16xf32>,
      %get3A_4445 = arith.constant 232 : i32
      %get3A_4446 = arith.index_cast %get3A_4445 : i32 to index
      %get3A_4447 = arith.constant 96 : index
      %get3A_4448 = tpu.vector_load %arg14[%get3A_4446, %get3A_4447] {strides = array<i32>} : memref<256x128xf32, #tpu.memory_space<vmem>>, vector<1x16xf32>,
      %get3A_4449 = vector.shape_cast %get3A_4448 : vector<1x16xf32> to vector<16xf32>
      %swap3A_4450 = arith.constant 15 : i32
      %swap3A_4451 = arith.index_cast %swap3A_4450 : i32 to index
      %swap3A_4452 = arith.constant 96 : index
      %swap3A_4453 = tpu.vector_load %arg19[%swap3A_4451, %swap3A_4452] {strides = array<i32>} : memref<16x128xf32, #tpu.memory_space<vmem>>, vector<1x16xf32>,
      %swap3A_4454 = vector.shape_cast %swap3A_4453 : vector<1x16xf32> to vector<16xf32>
      %swap3A_4455 = vector.shape_cast %get3A_4449 : vector<16xf32> to vector<1x16xf32>
      tpu.vector_store %arg19[%swap3A_4451, %swap3A_4452], %swap3A_4455 {strides = array<i32>} : memref<16x128xf32, #tpu.memory_space<vmem>>, vector<1x16xf32>,
      %get3A_4456 = arith.constant 232 : i32
      %get3A_4457 = arith.index_cast %get3A_4456 : i32 to index
      %get3A_4458 = arith.constant 112 : index
      %get3A_4459 = tpu.vector_load %arg14[%get3A_4457, %get3A_4458] {strides = array<i32>} : memref<256x128xf32, #tpu.memory_space<vmem>>, vector<1x16xf32>,
      %get3A_4460 = vector.shape_cast %get3A_4459 : vector<1x16xf32> to vector<16xf32>
      %swap3A_4461 = arith.constant 15 : i32
      %swap3A_4462 = arith.index_cast %swap3A_4461 : i32 to index
      %swap3A_4463 = arith.constant 112 : index
      %swap3A_4464 = tpu.vector_load %arg19[%swap3A_4462, %swap3A_4463] {strides = array<i32>} : memref<16x128xf32, #tpu.memory_space<vmem>>, vector<1x16xf32>,
      %swap3A_4465 = vector.shape_cast %swap3A_4464 : vector<1x16xf32> to vector<16xf32>
      %swap3A_4466 = vector.shape_cast %get3A_4460 : vector<16xf32> to vector<1x16xf32>
      tpu.vector_store %arg19[%swap3A_4462, %swap3A_4463], %swap3A_4466 {strides = array<i32>} : memref<16x128xf32, #tpu.memory_space<vmem>>, vector<1x16xf32>,
      %dma_start3A_4467 = arith.constant 0 : i32
      %dma_start3A_4468 = arith.constant 0 : i32
      %dma_start3A_4469 = tpu.memref_slice %arg10[%add3A_2308, %dma_start3A_4467, %dma_start3A_4468] : memref<1250x16x128xf32, #tpu.memory_space<hbm>> -> memref<1x16x128xf32, #tpu.memory_space<hbm>>
      %dma_start3A_4470 = tpu.memref_squeeze %dma_start3A_4469 : memref<1x16x128xf32, #tpu.memory_space<hbm>> -> memref<16x128xf32, #tpu.memory_space<hbm>>
      %dma_start3A_4471 = arith.constant 0 : i32
      %dma_start3A_4472 = arith.constant 0 : i32
      %dma_start3A_4473 = tpu.memref_slice %arg10[%add3A_2308, %dma_start3A_4471, %dma_start3A_4472] : memref<1250x16x128xf32, #tpu.memory_space<hbm>> -> memref<1x16x128xf32, #tpu.memory_space<hbm>>
      %dma_start3A_4474 = tpu.memref_squeeze %dma_start3A_4473 : memref<1x16x128xf32, #tpu.memory_space<hbm>> -> memref<16x128xf32, #tpu.memory_space<hbm>>
      tpu.enqueue_dma source(%arg19 : memref<16x128xf32, #tpu.memory_space<vmem>>) target(%dma_start3A_4474 : memref<16x128xf32, #tpu.memory_space<hbm>>) target_semaphore(%arg22 : memref<!tpu.dma_semaphore, #tpu.memory_space<semaphore_mem>>)
      %dma_start3A_4475 = arith.constant 0 : i32
      %dma_start3A_4476 = arith.constant 0 : i32
      %dma_start3A_4477 = arith.constant 0 : i32
      %dma_start3A_4478 = tpu.memref_slice %arg14[%dma_start3A_4476, %dma_start3A_4477] : memref<256x128xf32, #tpu.memory_space<vmem>> -> memref<128x128xf32, #tpu.memory_space<vmem>>
      %dma_start3A_4479 = arith.constant 0 : i32
      %dma_start3A_4480 = tpu.memref_slice %arg17[%dma_start3A_4475, %dma_start3A_4479] : memref<3x128xi32, #tpu.memory_space<vmem>> -> memref<1x128xi32, #tpu.memory_space<vmem>>
      %dma_start3A_4481 = tpu.memref_squeeze %dma_start3A_4480 : memref<1x128xi32, #tpu.memory_space<vmem>> -> memref<128xi32, #tpu.memory_space<vmem>>
      %dma_start3A_4482 = arith.constant 0 : i32
      %dma_start3A_4483 = arith.constant 0 : i32
      %dma_start3A_4484 = tpu.memref_slice %arg11[%dma_start3A_4482, %dma_start3A_4483] : memref<2304x128xf32, #tpu.memory_space<vmem_shared>> -> memref<2304x128xf32, #tpu.memory_space<vmem_shared>>
      tpu.enqueue_indirect_dma source(%dma_start3A_4478 : memref<128x128xf32, #tpu.memory_space<vmem>>) target(%dma_start3A_4484 : memref<2304x128xf32, #tpu.memory_space<vmem_shared>>) offsets(%dma_start3A_4481 : memref<128xi32, #tpu.memory_space<vmem>>) semaphore(%arg23 : memref<!tpu.dma_semaphore, #tpu.memory_space<semaphore_mem>>) {add = true}
      %run_scoped3A_4485 = arith.constant 1 : i32
      "tpu.region"() ({
        %run_scoped3A_4519 = tpu.sem_alloc : memref<!tpu.dma_semaphore, #tpu.memory_space<semaphore_mem>>
        %dma_start3A_4520 = arith.constant 128 : i32
        %dma_start3A_4521 = arith.constant 0 : i32
        %dma_start3A_4522 = tpu.memref_slice %arg14[%dma_start3A_4520, %dma_start3A_4521] : memref<256x128xf32, #tpu.memory_space<vmem>> -> memref<128x128xf32, #tpu.memory_space<vmem>>
        %dma_start3A_4523 = arith.constant 0 : i32
        %dma_start3A_4524 = tpu.memref_slice %arg17[%run_scoped3A_4485, %dma_start3A_4523] : memref<3x128xi32, #tpu.memory_space<vmem>> -> memref<1x128xi32, #tpu.memory_space<vmem>>
        %dma_start3A_4525 = tpu.memref_squeeze %dma_start3A_4524 : memref<1x128xi32, #tpu.memory_space<vmem>> -> memref<128xi32, #tpu.memory_space<vmem>>
        %dma_start3A_4526 = arith.constant 0 : i32
        %dma_start3A_4527 = arith.constant 0 : i32
        %dma_start3A_4528 = tpu.memref_slice %arg11[%dma_start3A_4526, %dma_start3A_4527] : memref<2304x128xf32, #tpu.memory_space<vmem_shared>> -> memref<2304x128xf32, #tpu.memory_space<vmem_shared>>
        tpu.enqueue_indirect_dma source(%dma_start3A_4522 : memref<128x128xf32, #tpu.memory_space<vmem>>) target(%dma_start3A_4528 : memref<2304x128xf32, #tpu.memory_space<vmem_shared>>) offsets(%dma_start3A_4525 : memref<128xi32, #tpu.memory_space<vmem>>) semaphore(%run_scoped3A_4519 : memref<!tpu.dma_semaphore, #tpu.memory_space<semaphore_mem>>) {add = true}
        %dma_wait3A_4529 = arith.constant 128 : i32
        %dma_wait3A_4530 = arith.constant 0 : i32
        %dma_wait3A_4531 = tpu.memref_slice %arg14[%dma_wait3A_4529, %dma_wait3A_4530] : memref<256x128xf32, #tpu.memory_space<vmem>> -> memref<128x128xf32, #tpu.memory_space<vmem>>
        %dma_wait3A_4532 = arith.constant 0 : i32
        %dma_wait3A_4533 = tpu.memref_slice %arg17[%run_scoped3A_4485, %dma_wait3A_4532] : memref<3x128xi32, #tpu.memory_space<vmem>> -> memref<1x128xi32, #tpu.memory_space<vmem>>
        %dma_wait3A_4534 = tpu.memref_squeeze %dma_wait3A_4533 : memref<1x128xi32, #tpu.memory_space<vmem>> -> memref<128xi32, #tpu.memory_space<vmem>>
        %dma_wait3A_4535 = arith.constant 0 : i32
        %dma_wait3A_4536 = arith.constant 0 : i32
        %dma_wait3A_4537 = tpu.memref_slice %arg11[%dma_wait3A_4535, %dma_wait3A_4536] : memref<2304x128xf32, #tpu.memory_space<vmem_shared>> -> memref<2304x128xf32, #tpu.memory_space<vmem_shared>>
        tpu.wait_indirect_dma semaphore(%run_scoped3A_4519 : memref<!tpu.dma_semaphore, #tpu.memory_space<semaphore_mem>>) src(%dma_wait3A_4531 : memref<128x128xf32, #tpu.memory_space<vmem>>) dst(%dma_wait3A_4537 : memref<2304x128xf32, #tpu.memory_space<vmem_shared>>)
        tpu.yield
      }) : () -> ()
      %run_scoped3A_4486 = arith.constant 2 : i32
      "tpu.region"() ({
        %run_scoped3A_4519 = tpu.sem_alloc : memref<!tpu.dma_semaphore, #tpu.memory_space<semaphore_mem>>
        %dma_start3A_4520 = arith.constant 0 : i32
        %dma_start3A_4521 = tpu.memref_slice %arg17[%run_scoped3A_4486, %dma_start3A_4520] : memref<3x128xi32, #tpu.memory_space<vmem>> -> memref<1x128xi32, #tpu.memory_space<vmem>>
        %dma_start3A_4522 = tpu.memref_squeeze %dma_start3A_4521 : memref<1x128xi32, #tpu.memory_space<vmem>> -> memref<128xi32, #tpu.memory_space<vmem>>
        %dma_start3A_4523 = arith.constant 0 : i32
        %dma_start3A_4524 = arith.constant 0 : i32
        %dma_start3A_4525 = tpu.memref_slice %arg12[%dma_start3A_4523, %dma_start3A_4524] : memref<2304x16xf32, #tpu.memory_space<vmem_shared>> -> memref<2304x16xf32, #tpu.memory_space<vmem_shared>>
        tpu.enqueue_indirect_dma source(%arg18 : memref<128x16xf32, #tpu.memory_space<vmem>>) target(%dma_start3A_4525 : memref<2304x16xf32, #tpu.memory_space<vmem_shared>>) offsets(%dma_start3A_4522 : memref<128xi32, #tpu.memory_space<vmem>>) semaphore(%run_scoped3A_4519 : memref<!tpu.dma_semaphore, #tpu.memory_space<semaphore_mem>>) {add = true}
        %dma_wait3A_4526 = arith.constant 0 : i32
        %dma_wait3A_4527 = tpu.memref_slice %arg17[%run_scoped3A_4486, %dma_wait3A_4526] : memref<3x128xi32, #tpu.memory_space<vmem>> -> memref<1x128xi32, #tpu.memory_space<vmem>>
        %dma_wait3A_4528 = tpu.memref_squeeze %dma_wait3A_4527 : memref<1x128xi32, #tpu.memory_space<vmem>> -> memref<128xi32, #tpu.memory_space<vmem>>
        %dma_wait3A_4529 = arith.constant 0 : i32
        %dma_wait3A_4530 = arith.constant 0 : i32
        %dma_wait3A_4531 = tpu.memref_slice %arg12[%dma_wait3A_4529, %dma_wait3A_4530] : memref<2304x16xf32, #tpu.memory_space<vmem_shared>> -> memref<2304x16xf32, #tpu.memory_space<vmem_shared>>
        tpu.wait_indirect_dma semaphore(%run_scoped3A_4519 : memref<!tpu.dma_semaphore, #tpu.memory_space<semaphore_mem>>) src(%arg18 : memref<128x16xf32, #tpu.memory_space<vmem>>) dst(%dma_wait3A_4531 : memref<2304x16xf32, #tpu.memory_space<vmem_shared>>)
        tpu.yield
      }) : () -> ()
      %dma_wait3A_4487 = arith.constant 0 : i32
      %dma_wait3A_4488 = arith.constant 0 : i32
      %dma_wait3A_4489 = arith.constant 0 : i32
      %dma_wait3A_4490 = tpu.memref_slice %arg14[%dma_wait3A_4488, %dma_wait3A_4489] : memref<256x128xf32, #tpu.memory_space<vmem>> -> memref<128x128xf32, #tpu.memory_space<vmem>>
      %dma_wait3A_4491 = arith.constant 0 : i32
      %dma_wait3A_4492 = tpu.memref_slice %arg17[%dma_wait3A_4487, %dma_wait3A_4491] : memref<3x128xi32, #tpu.memory_space<vmem>> -> memref<1x128xi32, #tpu.memory_space<vmem>>
      %dma_wait3A_4493 = tpu.memref_squeeze %dma_wait3A_4492 : memref<1x128xi32, #tpu.memory_space<vmem>> -> memref<128xi32, #tpu.memory_space<vmem>>
      %dma_wait3A_4494 = arith.constant 0 : i32
      %dma_wait3A_4495 = arith.constant 0 : i32
      %dma_wait3A_4496 = tpu.memref_slice %arg11[%dma_wait3A_4494, %dma_wait3A_4495] : memref<2304x128xf32, #tpu.memory_space<vmem_shared>> -> memref<2304x128xf32, #tpu.memory_space<vmem_shared>>
      tpu.wait_indirect_dma semaphore(%arg23 : memref<!tpu.dma_semaphore, #tpu.memory_space<semaphore_mem>>) src(%dma_wait3A_4490 : memref<128x128xf32, #tpu.memory_space<vmem>>) dst(%dma_wait3A_4496 : memref<2304x128xf32, #tpu.memory_space<vmem_shared>>)
      %dma_wait3A_4497 = arith.constant 0 : i32
      %dma_wait3A_4498 = arith.constant 0 : i32
      %dma_wait3A_4499 = tpu.memref_slice %arg10[%add3A_2308, %dma_wait3A_4497, %dma_wait3A_4498] : memref<1250x16x128xf32, #tpu.memory_space<hbm>> -> memref<1x16x128xf32, #tpu.memory_space<hbm>>
      %dma_wait3A_4500 = tpu.memref_squeeze %dma_wait3A_4499 : memref<1x16x128xf32, #tpu.memory_space<hbm>> -> memref<16x128xf32, #tpu.memory_space<hbm>>
      %dma_wait3A_4501 = arith.constant 0 : i32
      %dma_wait3A_4502 = arith.constant 0 : i32
      %dma_wait3A_4503 = tpu.memref_slice %arg10[%add3A_2308, %dma_wait3A_4501, %dma_wait3A_4502] : memref<1250x16x128xf32, #tpu.memory_space<hbm>> -> memref<1x16x128xf32, #tpu.memory_space<hbm>>
      %dma_wait3A_4504 = tpu.memref_squeeze %dma_wait3A_4503 : memref<1x16x128xf32, #tpu.memory_space<hbm>> -> memref<16x128xf32, #tpu.memory_space<hbm>>
      tpu.wait_dma2 semaphore(%arg22 : memref<!tpu.dma_semaphore, #tpu.memory_space<semaphore_mem>>) src(%arg19 : memref<16x128xf32, #tpu.memory_space<vmem>>) dst(%dma_wait3A_4504 : memref<16x128xf32, #tpu.memory_space<hbm>>)
      %add3A_4505 = arith.constant 2 : i32
      %add3A_4506 = arith.addi %add3A_2304, %add3A_4505 : i32
      %sub3A_4507 = arith.constant 1 : i32
      %sub3A_4508 = arith.subi %select_n3A, %sub3A_4507 : i32
      %min3A_4509 = arith.minsi %add3A_4506, %sub3A_4508 : i32
      %add3A_4510 = arith.addi %add3A_6, %min3A_4509 : i32
      %dma_start3A_4511 = arith.constant 0 : i32
      %dma_start3A_4512 = arith.constant 0 : i32
      %dma_start3A_4513 = tpu.memref_slice %arg2[%add3A_4510, %dma_start3A_4511, %dma_start3A_4512] : memref<1250x256x128xf32, #tpu.memory_space<hbm>> -> memref<1x256x128xf32, #tpu.memory_space<hbm>>
      %dma_start3A_4514 = tpu.memref_squeeze %dma_start3A_4513 : memref<1x256x128xf32, #tpu.memory_space<hbm>> -> memref<256x128xf32, #tpu.memory_space<hbm>>
      %dma_start3A_4515 = arith.constant 0 : i32
      %dma_start3A_4516 = arith.constant 0 : i32
      %dma_start3A_4517 = tpu.memref_slice %arg2[%add3A_4510, %dma_start3A_4515, %dma_start3A_4516] : memref<1250x256x128xf32, #tpu.memory_space<hbm>> -> memref<1x256x128xf32, #tpu.memory_space<hbm>>
      %dma_start3A_4518 = tpu.memref_squeeze %dma_start3A_4517 : memref<1x256x128xf32, #tpu.memory_space<hbm>> -> memref<256x128xf32, #tpu.memory_space<hbm>>
      tpu.enqueue_dma source(%dma_start3A_4518 : memref<256x128xf32, #tpu.memory_space<hbm>>) target(%arg14 : memref<256x128xf32, #tpu.memory_space<vmem>>) target_semaphore(%arg21 : memref<!tpu.dma_semaphore, #tpu.memory_space<semaphore_mem>>)
    }
    %scan3A_69 = arith.constant 20 : i32
    %dma_wait3A = arith.constant 0 : i32
    %dma_wait3A_70 = arith.constant 0 : i32
    %dma_wait3A_71 = arith.constant 0 : i32
    %dma_wait3A_72 = tpu.memref_slice %arg2[%dma_wait3A, %dma_wait3A_70, %dma_wait3A_71] : memref<1250x256x128xf32, #tpu.memory_space<hbm>> -> memref<1x256x128xf32, #tpu.memory_space<hbm>>
    %dma_wait3A_73 = tpu.memref_squeeze %dma_wait3A_72 : memref<1x256x128xf32, #tpu.memory_space<hbm>> -> memref<256x128xf32, #tpu.memory_space<hbm>>
    %dma_wait3A_74 = arith.constant 0 : i32
    %dma_wait3A_75 = arith.constant 0 : i32
    %dma_wait3A_76 = tpu.memref_slice %arg2[%dma_wait3A, %dma_wait3A_74, %dma_wait3A_75] : memref<1250x256x128xf32, #tpu.memory_space<hbm>> -> memref<1x256x128xf32, #tpu.memory_space<hbm>>
    %dma_wait3A_77 = tpu.memref_squeeze %dma_wait3A_76 : memref<1x256x128xf32, #tpu.memory_space<hbm>> -> memref<256x128xf32, #tpu.memory_space<hbm>>
    tpu.wait_dma2 semaphore(%arg20 : memref<!tpu.dma_semaphore, #tpu.memory_space<semaphore_mem>>) src(%dma_wait3A_77 : memref<256x128xf32, #tpu.memory_space<hbm>>) dst(%arg13 : memref<256x128xf32, #tpu.memory_space<vmem>>)
    %dma_wait3A_78 = arith.constant 0 : i32
    %dma_wait3A_79 = arith.constant 0 : i32
    %dma_wait3A_80 = arith.constant 0 : i32
    %dma_wait3A_81 = tpu.memref_slice %arg2[%dma_wait3A_78, %dma_wait3A_79, %dma_wait3A_80] : memref<1250x256x128xf32, #tpu.memory_space<hbm>> -> memref<1x256x128xf32, #tpu.memory_space<hbm>>
    %dma_wait3A_82 = tpu.memref_squeeze %dma_wait3A_81 : memref<1x256x128xf32, #tpu.memory_space<hbm>> -> memref<256x128xf32, #tpu.memory_space<hbm>>
    %dma_wait3A_83 = arith.constant 0 : i32
    %dma_wait3A_84 = arith.constant 0 : i32
    %dma_wait3A_85 = tpu.memref_slice %arg2[%dma_wait3A_78, %dma_wait3A_83, %dma_wait3A_84] : memref<1250x256x128xf32, #tpu.memory_space<hbm>> -> memref<1x256x128xf32, #tpu.memory_space<hbm>>
    %dma_wait3A_86 = tpu.memref_squeeze %dma_wait3A_85 : memref<1x256x128xf32, #tpu.memory_space<hbm>> -> memref<256x128xf32, #tpu.memory_space<hbm>>
    tpu.wait_dma2 semaphore(%arg21 : memref<!tpu.dma_semaphore, #tpu.memory_space<semaphore_mem>>) src(%dma_wait3A_86 : memref<256x128xf32, #tpu.memory_space<hbm>>) dst(%arg14 : memref<256x128xf32, #tpu.memory_space<vmem>>)
    %barrier3A_87 = arith.constant 0 : index
    tpu.barrier barrier_id(%barrier3A_87)
    "tpu.region"() ({
      %run_scoped3A = tpu.sem_alloc : memref<!tpu.dma_semaphore, #tpu.memory_space<semaphore_mem>>
      %dma_start3A_88 = arith.constant 0 : i32
      %dma_start3A_89 = tpu.memref_slice %arg8[%arg0, %mul3A_12, %dma_start3A_88] : memref<2x2304x128xf32, #tpu.memory_space<hbm>> -> memref<1x144x128xf32, #tpu.memory_space<hbm>>
      %dma_start3A_90 = tpu.memref_squeeze %dma_start3A_89 : memref<1x144x128xf32, #tpu.memory_space<hbm>> -> memref<144x128xf32, #tpu.memory_space<hbm>>
      %dma_start3A_91 = arith.constant 0 : i32
      %dma_start3A_92 = tpu.memref_slice %arg11[%mul3A_12, %dma_start3A_91] : memref<2304x128xf32, #tpu.memory_space<vmem_shared>> -> memref<144x128xf32, #tpu.memory_space<vmem_shared>>
      tpu.enqueue_dma source(%dma_start3A_92 : memref<144x128xf32, #tpu.memory_space<vmem_shared>>) target(%dma_start3A_90 : memref<144x128xf32, #tpu.memory_space<hbm>>) target_semaphore(%run_scoped3A : memref<!tpu.dma_semaphore, #tpu.memory_space<semaphore_mem>>)
      %dma_wait3A_93 = arith.constant 0 : i32
      %dma_wait3A_94 = tpu.memref_slice %arg8[%arg0, %mul3A_12, %dma_wait3A_93] : memref<2x2304x128xf32, #tpu.memory_space<hbm>> -> memref<1x144x128xf32, #tpu.memory_space<hbm>>
      %dma_wait3A_95 = tpu.memref_squeeze %dma_wait3A_94 : memref<1x144x128xf32, #tpu.memory_space<hbm>> -> memref<144x128xf32, #tpu.memory_space<hbm>>
      %dma_wait3A_96 = arith.constant 0 : i32
      %dma_wait3A_97 = tpu.memref_slice %arg11[%mul3A_12, %dma_wait3A_96] : memref<2304x128xf32, #tpu.memory_space<vmem_shared>> -> memref<144x128xf32, #tpu.memory_space<vmem_shared>>
      tpu.wait_dma2 semaphore(%run_scoped3A : memref<!tpu.dma_semaphore, #tpu.memory_space<semaphore_mem>>) src(%dma_wait3A_97 : memref<144x128xf32, #tpu.memory_space<vmem_shared>>) dst(%dma_wait3A_95 : memref<144x128xf32, #tpu.memory_space<hbm>>)
      tpu.yield
    }) : () -> ()
    "tpu.region"() ({
      %run_scoped3A = tpu.sem_alloc : memref<!tpu.dma_semaphore, #tpu.memory_space<semaphore_mem>>
      %dma_start3A_88 = arith.constant 0 : i32
      %dma_start3A_89 = tpu.memref_slice %arg9[%arg0, %mul3A_12, %dma_start3A_88] : memref<2x2304x16xf32, #tpu.memory_space<hbm>> -> memref<1x144x16xf32, #tpu.memory_space<hbm>>
      %dma_start3A_90 = tpu.memref_squeeze %dma_start3A_89 : memref<1x144x16xf32, #tpu.memory_space<hbm>> -> memref<144x16xf32, #tpu.memory_space<hbm>>
      %dma_start3A_91 = arith.constant 0 : i32
      %dma_start3A_92 = tpu.memref_slice %arg12[%mul3A_12, %dma_start3A_91] : memref<2304x16xf32, #tpu.memory_space<vmem_shared>> -> memref<144x16xf32, #tpu.memory_space<vmem_shared>>
      tpu.enqueue_dma source(%dma_start3A_92 : memref<144x16xf32, #tpu.memory_space<vmem_shared>>) target(%dma_start3A_90 : memref<144x16xf32, #tpu.memory_space<hbm>>) target_semaphore(%run_scoped3A : memref<!tpu.dma_semaphore, #tpu.memory_space<semaphore_mem>>)
      %dma_wait3A_93 = arith.constant 0 : i32
      %dma_wait3A_94 = tpu.memref_slice %arg9[%arg0, %mul3A_12, %dma_wait3A_93] : memref<2x2304x16xf32, #tpu.memory_space<hbm>> -> memref<1x144x16xf32, #tpu.memory_space<hbm>>
      %dma_wait3A_95 = tpu.memref_squeeze %dma_wait3A_94 : memref<1x144x16xf32, #tpu.memory_space<hbm>> -> memref<144x16xf32, #tpu.memory_space<hbm>>
      %dma_wait3A_96 = arith.constant 0 : i32
      %dma_wait3A_97 = tpu.memref_slice %arg12[%mul3A_12, %dma_wait3A_96] : memref<2304x16xf32, #tpu.memory_space<vmem_shared>> -> memref<144x16xf32, #tpu.memory_space<vmem_shared>>
      tpu.wait_dma2 semaphore(%run_scoped3A : memref<!tpu.dma_semaphore, #tpu.memory_space<semaphore_mem>>) src(%dma_wait3A_97 : memref<144x16xf32, #tpu.memory_space<vmem_shared>>) dst(%dma_wait3A_95 : memref<144x16xf32, #tpu.memory_space<hbm>>)
      tpu.yield
    }) : () -> ()
    return
  }
}

module attributes {stable_mosaic.version = 14 : i64} {
  func.func @_query_kernel(%arg0: i32, %arg1: memref<2x2304x128xf32, #tpu.memory_space<vmem>>, %arg2: memref<2x2304x16xf32, #tpu.memory_space<vmem>>, %arg3: memref<1000x256xf32, #tpu.memory_space<vmem>>, %arg4: memref<1000x16xi32, #tpu.memory_space<vmem>>, %arg5: memref<1x1xf32, #tpu.memory_space<vmem>>, %arg6: memref<1x1x1000xf32, #tpu.memory_space<vmem>>, %arg7: memref<512x256xf32, #tpu.memory_space<vmem>>) attributes {dimension_semantics = [#tpu.dimension_semantics<arbitrary>], iteration_bounds = array<i64: 10>, scalar_prefetch = 0 : i64, scratch_operands = 1 : i64, tpu.core_type = #tpu.core_type<tc>, window_params = [{pipeline_mode = #tpu.pipeline_mode<synchronous>, transform_indices = @transform_0, window_bounds = array<i64: 2, 2304, 128>}, {pipeline_mode = #tpu.pipeline_mode<synchronous>, transform_indices = @transform_1, window_bounds = array<i64: 2, 2304, 16>}, {transform_indices = @transform_2, window_bounds = array<i64: 1000, 256>}, {transform_indices = @transform_3, window_bounds = array<i64: 1000, 16>}, {pipeline_mode = #tpu.pipeline_mode<synchronous>, transform_indices = @transform_4, window_bounds = array<i64: 1, 1>}, {transform_indices = @transform_5, window_bounds = array<i64: 1, 1, 1000>}]} {
    %eq3A = arith.constant 0 : i32
    %eq3A_0 = arith.cmpi eq, %arg0, %eq3A : i32
    %convert_element_type3A = arith.extui %eq3A_0 : i1 to i32
    %cond3A = arith.constant 0 : i32
    %cond3A_1 = arith.cmpi ne, %convert_element_type3A, %cond3A : i32
    scf.if %cond3A_1 {
      %get3A_32 = arith.constant 0 : index
      %get3A_33 = arith.constant 0 : index
      %get3A_34 = arith.constant 0 : index
      %get3A_35 = vector.load %arg1[%get3A_32, %get3A_33, %get3A_34] : memref<2x2304x128xf32, #tpu.memory_space<vmem>>, vector<1x2304x128xf32>
      %get3A_36 = vector.shape_cast %get3A_35 : vector<1x2304x128xf32> to vector<2304x128xf32>
      %get3A_37 = arith.constant 1 : index
      %get3A_38 = arith.constant 0 : index
      %get3A_39 = arith.constant 0 : index
      %get3A_40 = vector.load %arg1[%get3A_37, %get3A_38, %get3A_39] : memref<2x2304x128xf32, #tpu.memory_space<vmem>>, vector<1x2304x128xf32>
      %get3A_41 = vector.shape_cast %get3A_40 : vector<1x2304x128xf32> to vector<2304x128xf32>
      %add3A = arith.addf %get3A_36, %get3A_41 : vector<2304x128xf32>
      %slice3A = vector.extract_strided_slice %add3A {offsets = [0, 0], sizes = [1024, 128], strides = [1, 1]} : vector<2304x128xf32> to vector<1024x128xf32>
      %slice3A_42 = vector.extract_strided_slice %add3A {offsets = [1152, 0], sizes = [1024, 128], strides = [1, 1]} : vector<2304x128xf32> to vector<1024x128xf32>
      %concatenate3A = tpu.concatenate %slice3A, %slice3A_42 in 1 : vector<1024x128xf32>, vector<1024x128xf32> -> vector<1024x256xf32>
      %get3A_43 = arith.constant 0 : index
      %get3A_44 = arith.constant 0 : index
      %get3A_45 = arith.constant 0 : index
      %get3A_46 = vector.load %arg2[%get3A_43, %get3A_44, %get3A_45] : memref<2x2304x16xf32, #tpu.memory_space<vmem>>, vector<1x2304x16xf32>
      %get3A_47 = vector.shape_cast %get3A_46 : vector<1x2304x16xf32> to vector<2304x16xf32>
      %get3A_48 = arith.constant 1 : index
      %get3A_49 = arith.constant 0 : index
      %get3A_50 = arith.constant 0 : index
      %get3A_51 = vector.load %arg2[%get3A_48, %get3A_49, %get3A_50] : memref<2x2304x16xf32, #tpu.memory_space<vmem>>, vector<1x2304x16xf32>
      %get3A_52 = vector.shape_cast %get3A_51 : vector<1x2304x16xf32> to vector<2304x16xf32>
      %add3A_53 = arith.addf %get3A_47, %get3A_52 : vector<2304x16xf32>
      %slice3A_54 = vector.extract_strided_slice %concatenate3A {offsets = [512, 0], sizes = [512, 256], strides = [1, 1]} : vector<1024x256xf32> to vector<512x256xf32>
      %slice3A_55 = vector.extract_strided_slice %concatenate3A {offsets = [0, 0], sizes = [512, 256], strides = [1, 1]} : vector<1024x256xf32> to vector<512x256xf32>
      %slice3A_56 = vector.extract_strided_slice %add3A_53 {offsets = [512, 0], sizes = [512, 1], strides = [1, 1]} : vector<2304x16xf32> to vector<512x1xf32>
      %slice3A_57 = vector.extract_strided_slice %add3A_53 {offsets = [0, 0], sizes = [512, 1], strides = [1, 1]} : vector<2304x16xf32> to vector<512x1xf32>
      %get3A_58 = arith.constant 0 : index
      %get3A_59 = arith.constant 0 : index
      %get3A_60 = vector.load %arg5[%get3A_58, %get3A_59] : memref<1x1xf32, #tpu.memory_space<vmem>>, vector<1x1xf32>
      %get3A_61 = vector.extract %get3A_60[0, 0] : f32 from vector<1x1xf32>
      %exp3A = math.exp %get3A_61 : f32
      %mul3A_62 = arith.mulf %slice3A_54, %slice3A_54 : vector<512x256xf32>
      %reduce_sum3A_63 = arith.constant dense<0.000000e+00> : vector<512xf32>
      %reduce_sum3A_64 = vector.multi_reduction <add>, %mul3A_62, %reduce_sum3A_63 [1] : vector<512x256xf32> to vector<512xf32>
      %broadcast_in_dim3A_65 = vector.shape_cast %reduce_sum3A_64 : vector<512xf32> to vector<512x1xf32>
      %gt3A_66 = arith.constant 0.000000e+00 : f32
      %gt3A_67 = vector.broadcast %gt3A_66 : f32 to vector<512x1xf32>
      %gt3A_68 = arith.cmpf ogt, %broadcast_in_dim3A_65, %gt3A_67 : vector<512x1xf32>
      %jit3A_69 = arith.constant 1.000000e+00 : f32
      %broadcast_in_dim3A_70 = vector.broadcast %jit3A_69 : f32 to vector<512x1xf32>
      %select_n3A_71 = arith.select %gt3A_68, %broadcast_in_dim3A_65, %broadcast_in_dim3A_70 : vector<512x1xi1>, vector<512x1xf32>
      %rsqrt3A_72 = math.rsqrt %select_n3A_71 : vector<512x1xf32>
      %jit3A_73 = arith.constant 0.000000e+00 : f32
      %broadcast_in_dim3A_74 = vector.broadcast %jit3A_73 : f32 to vector<512x1xf32>
      %select_n3A_75 = arith.select %gt3A_68, %rsqrt3A_72, %broadcast_in_dim3A_74 : vector<512x1xi1>, vector<512x1xf32>
      %mul3A_76 = vector.broadcast %select_n3A_75 : vector<512x1xf32> to vector<512x256xf32>
      %mul3A_77 = arith.mulf %slice3A_54, %mul3A_76 : vector<512x256xf32>
      %jit3A_78 = arith.constant 1.000000e+00 : f32
      %max3A = vector.broadcast %jit3A_78 : f32 to vector<512x1xf32>
      %max3A_79 = arith.maximumf %max3A, %slice3A_56 : vector<512x1xf32>
      %div3A = vector.broadcast %max3A_79 : vector<512x1xf32> to vector<512x256xf32>
      %div3A_80 = arith.divf %mul3A_77, %div3A : vector<512x256xf32>
      %mul3A_81 = arith.mulf %slice3A_55, %slice3A_55 : vector<512x256xf32>
      %reduce_sum3A_82 = arith.constant dense<0.000000e+00> : vector<512xf32>
      %reduce_sum3A_83 = vector.multi_reduction <add>, %mul3A_81, %reduce_sum3A_82 [1] : vector<512x256xf32> to vector<512xf32>
      %broadcast_in_dim3A_84 = vector.shape_cast %reduce_sum3A_83 : vector<512xf32> to vector<512x1xf32>
      %gt3A_85 = arith.constant 0.000000e+00 : f32
      %gt3A_86 = vector.broadcast %gt3A_85 : f32 to vector<512x1xf32>
      %gt3A_87 = arith.cmpf ogt, %broadcast_in_dim3A_84, %gt3A_86 : vector<512x1xf32>
      %jit3A_88 = arith.constant 1.000000e+00 : f32
      %broadcast_in_dim3A_89 = vector.broadcast %jit3A_88 : f32 to vector<512x1xf32>
      %select_n3A_90 = arith.select %gt3A_87, %broadcast_in_dim3A_84, %broadcast_in_dim3A_89 : vector<512x1xi1>, vector<512x1xf32>
      %rsqrt3A_91 = math.rsqrt %select_n3A_90 : vector<512x1xf32>
      %jit3A_92 = arith.constant 0.000000e+00 : f32
      %broadcast_in_dim3A_93 = vector.broadcast %jit3A_92 : f32 to vector<512x1xf32>
      %select_n3A_94 = arith.select %gt3A_87, %rsqrt3A_91, %broadcast_in_dim3A_93 : vector<512x1xi1>, vector<512x1xf32>
      %mul3A_95 = vector.broadcast %select_n3A_94 : vector<512x1xf32> to vector<512x256xf32>
      %mul3A_96 = arith.mulf %slice3A_55, %mul3A_95 : vector<512x256xf32>
      %jit3A_97 = arith.constant 1.000000e+00 : f32
      %max3A_98 = vector.broadcast %jit3A_97 : f32 to vector<512x1xf32>
      %max3A_99 = arith.maximumf %max3A_98, %slice3A_57 : vector<512x1xf32>
      %div3A_100 = vector.broadcast %max3A_99 : vector<512x1xf32> to vector<512x256xf32>
      %div3A_101 = arith.divf %mul3A_96, %div3A_100 : vector<512x256xf32>
      %sub3A = arith.subf %div3A_80, %div3A_101 : vector<512x256xf32>
      %mul3A_102 = vector.broadcast %exp3A : f32 to vector<512x256xf32>
      %mul3A_103 = arith.mulf %sub3A, %mul3A_102 : vector<512x256xf32>
      %swap3A_104 = arith.constant 0 : index
      %swap3A_105 = arith.constant 0 : index
      %swap3A_106 = vector.load %arg7[%swap3A_104, %swap3A_105] : memref<512x256xf32, #tpu.memory_space<vmem>>, vector<512x256xf32>
      tpu.vector_store %arg7[%swap3A_104, %swap3A_105], %mul3A_103 {strides = array<i32>} : memref<512x256xf32, #tpu.memory_space<vmem>>, vector<512x256xf32>,
    } else {
    }
    %get3A = arith.constant 0 : index
    %get3A_2 = arith.constant 0 : index
    %get3A_3 = vector.load %arg7[%get3A, %get3A_2] : memref<512x256xf32, #tpu.memory_space<vmem>>, vector<512x256xf32>
    %get3A_4 = arith.constant 0 : index
    %get3A_5 = arith.constant 0 : index
    %get3A_6 = vector.load %arg3[%get3A_4, %get3A_5] : memref<1000x256xf32, #tpu.memory_space<vmem>>, vector<1000x256xf32>
    %mul3A = arith.mulf %get3A_6, %get3A_6 : vector<1000x256xf32>
    %reduce_sum3A = arith.constant dense<0.000000e+00> : vector<1000xf32>
    %reduce_sum3A_7 = vector.multi_reduction <add>, %mul3A, %reduce_sum3A [1] : vector<1000x256xf32> to vector<1000xf32>
    %broadcast_in_dim3A = vector.shape_cast %reduce_sum3A_7 : vector<1000xf32> to vector<1000x1xf32>
    %gt3A = arith.constant 0.000000e+00 : f32
    %gt3A_8 = vector.broadcast %gt3A : f32 to vector<1000x1xf32>
    %gt3A_9 = arith.cmpf ogt, %broadcast_in_dim3A, %gt3A_8 : vector<1000x1xf32>
    %jit3A = arith.constant 1.000000e+00 : f32
    %broadcast_in_dim3A_10 = vector.broadcast %jit3A : f32 to vector<1000x1xf32>
    %select_n3A = arith.select %gt3A_9, %broadcast_in_dim3A, %broadcast_in_dim3A_10 : vector<1000x1xi1>, vector<1000x1xf32>
    %rsqrt3A = math.rsqrt %select_n3A : vector<1000x1xf32>
    %jit3A_11 = arith.constant 0.000000e+00 : f32
    %broadcast_in_dim3A_12 = vector.broadcast %jit3A_11 : f32 to vector<1000x1xf32>
    %select_n3A_13 = arith.select %gt3A_9, %rsqrt3A, %broadcast_in_dim3A_12 : vector<1000x1xi1>, vector<1000x1xf32>
    %mul3A_14 = vector.broadcast %select_n3A_13 : vector<1000x1xf32> to vector<1000x256xf32>
    %mul3A_15 = arith.mulf %get3A_6, %mul3A_14 : vector<1000x256xf32>
    %dot_general3A = arith.constant dense<0.000000e+00> : vector<1000x512xf32>
    %dot_general3A_16 = tpu.matmul %mul3A_15, %get3A_3, %dot_general3A {dimension_numbers = #tpu.dot_dimension_numbers<[1], [1], [0], [0], [0, 0, 1, 0], [], []>, transpose_lhs_hint = false} : vector<1000x256xf32>, vector<512x256xf32>, vector<1000x512xf32> -> vector<1000x512xf32>
    %get3A_17 = arith.constant 0 : index
    %get3A_18 = arith.constant 0 : index
    %get3A_19 = vector.load %arg4[%get3A_17, %get3A_18] : memref<1000x16xi32, #tpu.memory_space<vmem>>, vector<1000x1xi32>
    %iota3A = tpu.iota {dimensions = array<i32: 1>} : vector<1000x512xi32>
    %eq3A_20 = vector.broadcast %get3A_19 : vector<1000x1xi32> to vector<1000x512xi32>
    %eq3A_21 = arith.cmpi eq, %iota3A, %eq3A_20 : vector<1000x512xi32>
    %jit3A_22 = arith.constant 0.000000e+00 : f32
    %broadcast_in_dim3A_23 = vector.broadcast %jit3A_22 : f32 to vector<1000x512xf32>
    %select_n3A_24 = arith.select %eq3A_21, %dot_general3A_16, %broadcast_in_dim3A_23 : vector<1000x512xi1>, vector<1000x512xf32>
    %reduce_sum3A_25 = arith.constant dense<0.000000e+00> : vector<1000xf32>
    %reduce_sum3A_26 = vector.multi_reduction <add>, %select_n3A_24, %reduce_sum3A_25 [1] : vector<1000x512xf32> to vector<1000xf32>
    %swap3A = arith.constant 0 : index
    %swap3A_27 = arith.constant 0 : index
    %swap3A_28 = arith.constant 0 : index
    %swap3A_29 = vector.load %arg6[%swap3A, %swap3A_27, %swap3A_28] : memref<1x1x1000xf32, #tpu.memory_space<vmem>>, vector<1x1x1000xf32>
    %swap3A_30 = vector.shape_cast %swap3A_29 : vector<1x1x1000xf32> to vector<1000xf32>
    %swap3A_31 = vector.shape_cast %reduce_sum3A_26 : vector<1000xf32> to vector<1x1x1000xf32>
    tpu.vector_store %arg6[%swap3A, %swap3A_27, %swap3A_28], %swap3A_31 {strides = array<i32>} : memref<1x1x1000xf32, #tpu.memory_space<vmem>>, vector<1x1x1000xf32>,
    return
  }
  func.func @transform_0(%arg0: i32) -> (i32, i32, i32) {
    %c0_i32 = arith.constant 0 : i32
    %c0_i32_0 = arith.constant 0 : i32
    %c0_i32_1 = arith.constant 0 : i32
    %c0_i32_2 = arith.constant 0 : i32
    return %c0_i32, %c0_i32_0, %c0_i32_1 : i32, i32, i32
  }
  func.func @transform_1(%arg0: i32) -> (i32, i32, i32) {
    %c0_i32 = arith.constant 0 : i32
    %c0_i32_0 = arith.constant 0 : i32
    %c0_i32_1 = arith.constant 0 : i32
    %c0_i32_2 = arith.constant 0 : i32
    return %c0_i32, %c0_i32_0, %c0_i32_1 : i32, i32, i32
  }
  func.func @transform_2(%arg0: i32) -> (i32, i32) {
    %c0_i32 = arith.constant 0 : i32
    %c0_i32_0 = arith.constant 0 : i32
    return %arg0, %c0_i32 : i32, i32
  }
  func.func @transform_3(%arg0: i32) -> (i32, i32) {
    %c0_i32 = arith.constant 0 : i32
    %c0_i32_0 = arith.constant 0 : i32
    return %arg0, %c0_i32 : i32, i32
  }
  func.func @transform_4(%arg0: i32) -> (i32, i32) {
    %c0_i32 = arith.constant 0 : i32
    %c0_i32_0 = arith.constant 0 : i32
    %c0_i32_1 = arith.constant 0 : i32
    return %c0_i32, %c0_i32_0 : i32, i32
  }
  func.func @transform_5(%arg0: i32) -> (i32, i32, i32) {
    %c0_i32 = arith.constant 0 : i32
    %c0_i32_0 = arith.constant 0 : i32
    %c0_i32_1 = arith.constant 0 : i32
    return %arg0, %c0_i32, %c0_i32_0 : i32, i32, i32
  }
}

</mosaic_0001>

<sc_bundles>
// kernel: kernel.4.cloned.1.call-start
scs
__scs_entry_jumppad:
0x0: {  	(pc) =	sbr.rel $0x88, $3  }
0x1: {  	(tag) =	ssettag $0x0;
	lr =	simm.s32 $0x1  }
0x2: {  	[smem:$0x3F9D] =	sst lr;
	_ =	strace $0xD0000000  }
0x3: {  	_ = 	snop  }
0x4: {  	_ = 	snop  }
0x5: {  	_ = 	snop  }
0x6: {  	_ = 	snop  }
0x7: {  	_ = 	snop  }
__scs_overlays_trampoline_lowered:
0x8: {  	[smem:$0x3FAC] =	sst s0  }
0x9: {  	[smem:$0x3FAD] =	sst s1  }
0xa: {  	[smem:$0x3FAE] =	sst s2  }
0xb: {  	[smem:$0x3FAF] =	sst s3  }
0xc: {  	[smem:$0x3FB0] =	sst s4  }
0xd: {  	[smem:$0x3FB1] =	sst s5  }
0xe: {  	[smem:$0x3FB2] =	sst s6  }
0xf: {  	[smem:$0x3FB3] =	sst s7  }
0x10: {  	[smem:$0x3FB4] =	sst s8  }
0x11: {  	[smem:$0x3FB5] =	sst s9;
	s0 =	simm.s32 @!p0 $0x0  }
0x12: {  	s1 =	sld [smem:$0x3F9B];
	s0 =	simm.s32 @p0 $0x1  }
0x13: {  	[smem:$0x3FB6] =	sst s0;
	s0 =	simm.s32 @!p1 $0x0  }
0x14: {  	s2 =	sld [smem:$0x3F9A];
	s0 =	simm.s32 @p1 $0x1  }
0x15: {  	[smem:$0x3FB7] =	sst s0;
	s0 =	simm.s32 @!p2 $0x0  }
0x16: {  	s3 =	sld [smem:$0x3FDB];
	s0 =	simm.s32 @p2 $0x1  }
0x17: {  	s4 =	simm.s32 $0x1BF5;
	[smem:$0x3FB9] =	sst s0  }
0x18: {  	s0 =	sld [smem:$0x3F9C];
	_ =	swait.ge [sflag:s4], $0x0  }
0x19: {  	s7 =	sld [smem:$0x3F9D]  }
0x1a: {  	s8 =	sadd.s32 $0xFFFFE003, lr  }
0x1b: {  	s9 =	sadd.s32 $0xFFFFFEF7, lr;
	s5 =	simm.s32 $0xFFFFFFFF;
	p2 =	slt.u32 s8, $0xFFFFF086  }
0x1c: {  	p1 =	slt.u32 s9, $0xF7A;
	s5 =	simm.s32 @!p2 $0x0  }
0x1d: {  	s5 =	simm.s32 @p1 $0x1;
	p0 =	seq.s32 s7, s2  }
0x1e: {  	s7 =	smul.u32 @!p0 $0xF7A, s2;
	p2 =	seq.s32 @!p0 s5, $0x0  }
0x1f: {  	s9 =	smul.u32 $0xF7A, s1;
	s8 =	simm.s32 @!p0 $0x1BF5;
	p2 =	por !p2, p0  }
0x20: {  	[sflag:s8] =	ssyncset.s32 @!p0 $0xFFFFF086;
	s6 =	sadd.s32 @!p0 s3, s7;
	s7 =	simm.s32 @!p0 $0x108  }
0x21: {  	s3 =	sadd.s32 s3, s9;
	s6 =	sadd.s32 @!p0 $0x88, s6;
	s7 =	simm.s32 @p2 $0x1082  }
0x22: {  	[simem:s7], [sflag:s8] =	dma.local @!p0 [hbm:s6], $0xF7A  }
0x23: {  	s9 =	sor.u32 $0xD0000000, s2;
	s6 =	simm.s32 $0x108;
	_ =	swait.ge @!p0 [sflag:s8], $0x0  }
0x24: {  	s3 =	sadd.s32 $0x88, s3;
	s6 =	simm.s32 @!p1 $0x1082;
	[sflag:s4] =	ssyncset.s32 $0xFFFFF086  }
0x25: {  	[simem:s6], [sflag:s4] =	dma.local [hbm:s3], $0xF7A  }
0x26: {  	[smem:$0x3F9D] =	sst s1;
	(tag) =	ssettag s2;
	_ =	strace s9  }
0x27: {  	s1 =	sld [smem:$0x3FAD]  }
0x28: {  	s2 =	sld [smem:$0x3FAE]  }
0x29: {  	s4 =	sld [smem:$0x3FB0]  }
0x2a: {  	p0 =	seq.s32 s5, $0x0;
	s5 =	sld [smem:$0x3FB1]  }
0x2b: {  	s6 =	sld [smem:$0x3FB2]  }
0x2c: {  	s7 =	sld [smem:$0x3FB3]  }
0x2d: {  	s3 =	simm.s32 $0x108;
	s8 =	sld [smem:$0x3FB4]  }
0x2e: {  	s3 =	simm.s32 @!p0 $0x1082;
	s9 =	sld [smem:$0x3FB5]  }
0x2f: {  	lr =	sadd.s32 s0, s3;
	s0 =	sld [smem:$0x3FAC]  }
0x30: {  	s3 =	sld [smem:$0x3FAF]  }
0x31: {  	[smem:$0x3FB8] =	sst s10  }
0x32: {  	s10 =	sld [smem:$0x3FB6];
	_ =	sdelay $0x3  }
0x33: {  	p0 =	seq.s32 s10, $0x1;
	s10 =	sld [smem:$0x3FB8];
	_ =	sdelay $0x3  }
0x34: {  	[smem:$0x3FB8] =	sst s10  }
0x35: {  	s10 =	sld [smem:$0x3FB7];
	_ =	sdelay $0x3  }
0x36: {  	p1 =	seq.s32 s10, $0x1;
	s10 =	sld [smem:$0x3FB8];
	_ =	sdelay $0x3  }
0x37: {  	[smem:$0x3FB8] =	sst s10  }
0x38: {  	s10 =	sld [smem:$0x3FB9]  }
0x39: {  	_ = 	snop;
	(pc) =	sbr.ind lr, $3  }
0x3a: {  	_ = 	snop  }
0x3b: {  	_ = 	snop  }
0x3c: {  	p2 =	seq.s32 s10, $0x1;
	s10 =	sld [smem:$0x3FB8]  }
0x3d: {  	_ =	shalt  }
0x3e: {  	_ =	shalt  }
0x3f: {  	_ =	shalt  }
0x40: {  	_ =	shalt  }
0x41: {  	_ =	shalt  }
0x42: {  	_ =	shalt  }
0x43: {  	_ =	shalt  }
0x44: {  	_ =	shalt  }
0x45: {  	_ =	shalt  }
0x46: {  	_ =	shalt  }
0x47: {  	_ =	shalt  }
0x48: {  	_ =	shalt  }
0x49: {  	_ =	shalt  }
0x4a: {  	_ =	shalt  }
0x4b: {  	_ =	shalt  }
0x4c: {  	_ =	shalt  }
0x4d: {  	_ =	shalt  }
0x4e: {  	_ =	shalt  }
0x4f: {  	_ =	shalt  }
0x50: {  	_ =	shalt  }
0x51: {  	_ =	shalt  }
0x52: {  	_ =	shalt  }
0x53: {  	_ =	shalt  }
0x54: {  	_ =	shalt  }
0x55: {  	_ =	shalt  }
0x56: {  	_ =	shalt  }
0x57: {  	_ =	shalt  }
0x58: {  	_ =	shalt  }
0x59: {  	_ =	shalt  }
0x5a: {  	_ =	shalt  }
0x5b: {  	_ =	shalt  }
0x5c: {  	_ =	shalt  }
0x5d: {  	_ =	shalt  }
0x5e: {  	_ =	shalt  }
0x5f: {  	_ =	shalt  }
0x60: {  	_ =	shalt  }
0x61: {  	_ =	shalt  }
0x62: {  	_ =	shalt  }
0x63: {  	_ =	shalt  }
0x64: {  	_ =	shalt  }
0x65: {  	_ =	shalt  }
0x66: {  	_ =	shalt  }
0x67: {  	_ =	shalt  }
0x68: {  	_ =	shalt  }
0x69: {  	_ =	shalt  }
0x6a: {  	_ =	shalt  }
0x6b: {  	_ =	shalt  }
0x6c: {  	_ =	shalt  }
0x6d: {  	_ =	shalt  }
0x6e: {  	_ =	shalt  }
0x6f: {  	_ =	shalt  }
0x70: {  	_ =	shalt  }
0x71: {  	_ =	shalt  }
0x72: {  	_ =	shalt  }
0x73: {  	_ =	shalt  }
0x74: {  	_ =	shalt  }
0x75: {  	_ =	shalt  }
0x76: {  	_ =	shalt  }
0x77: {  	_ =	shalt  }
0x78: {  	_ =	shalt  }
0x79: {  	_ =	shalt  }
0x7a: {  	_ =	shalt  }
0x7b: {  	_ =	shalt  }
0x7c: {  	_ =	shalt  }
0x7d: {  	_ =	shalt  }
0x7e: {  	_ =	shalt  }
0x7f: {  	_ =	shalt  }
0x80: {  	_ =	shalt  }
0x81: {  	_ =	shalt  }
0x82: {  	_ =	shalt  }
0x83: {  	_ =	shalt  }
0x84: {  	_ =	shalt  }
0x85: {  	_ =	shalt  }
0x86: {  	_ =	shalt  }
0x87: {  	_ =	shalt  }
.Lfunc_end0:
.L_simem_size_0:
called_computation_lowered:
.L_overlay_start_0:
0x88: {  	s2 =	sld [smem:$0x3FD9]  }
0x89: {  	s3 =	sld [smem:$0x3FFE];
	_ =	sdelay $0x1  }
0x8a: {  	s1 =	srdreg.scid  }
0x8b: {  	s0 =	sand.u32 $0x1, s1  }
0x8c: {  	s17 =	sshll.u32 s0, $0xA;
	s2 =	sadd.s32 s3, s2  }
0x8d: {  	s2 =	sadd.s32 s2, s17  }
0x8e: {  	[smem:$0x3FC4] =	sst s2  }
0x8f: {  	_ = 	snop  }
0x90: {  	s2 =	sld [smem:$0x3FC9]  }
0x91: {  	s18 =	sld [smem:$0x3FC8]  }
0x92: {  	s4 =	sld [smem:$0x3FC7]  }
0x93: {  	s5 =	sld [smem:$0x3FD0];
	(tm) =	ssettm $0x1  }
0x94: {  	s6 =	sld [smem:$0x3FFB];
	_ =	sdelay $0x3  }
0x95: {  	_ =	strace s6  }
0x96: {  	s6 =	sld [smem:$0x3FFC];
	_ =	sdelay $0x3  }
0x97: {  	_ =	strace s6  }
0x98: {  	s6 =	sld [smem:$0x3FFD];
	_ =	sdelay $0x3  }
0x99: {  	_ =	strace s6  }
0x9a: {  	_ =	strace $0x8FFFFFFF  }
0x9b: {  	s19 =	sld [smem:$0x3FDB];
	_ =	sdelay $0x1  }
0x9c: {  	s7 =	simm.s32 $_scs_section_size  }
0x9d: {  	s8 =	simm.s32 $_size__tile_overlayer_lowered;
	s9 =	simm.s32 $_tile_overlayer_lowered  }
0x9e: {  	s22 =	simm.s32 $0x1BFF;
	s21 =	sshll.u32 s9, $0x1;
	s6 =	sadd.s32 s7, s19  }
0x9f: {  	s10 =	simm.s32 $0x0;
	s20 =	sshll.u32 s8, $0x1;
	s8 =	sadd.s32 s21, s6  }
0xa0: {  	[timem:s10], [sflag:s22] =	dma.local [hbm:s8], s20  }
0xa1: {  	_ =	swait.ge [sflag:s22], s20  }
0xa2: {  	s7 =	ssub.s32 $0x0, s20;
	[sflag:s22] =	ssyncset.done $0x0  }
0xa3: {  	[sflag:s22] =	ssyncadd.s32 s7;
	_ =	sdelay $0x1  }
0xa4: {  	s23 =	simm.s32 $0x1B8B  }
0xa5: {  	_ =	swait.ge [sflag:s23], $0x1  }
0xa6: {  	[sflag:s23] =	ssyncset.done $0x0  }
0xa7: {  	s25 =	simm.s32 $0x1B8E;
	s24 =	sld [smem:$0x3FFE];
	[sflag:s23] =	ssyncadd.s32 $0xFFFFFFFF  }
0xa8: {  	s26 =	simm.s32 $execute0_lowered;
	[smem:$0x3FD2] =	sst s25  }
0xa9: {  	s8 =	sshll.u32 s26, $0x1;
	_ =	strace $0x80000046;
	[dreg:$0x1] =	wrdreg $0xFFFFFFFF  }
0xaa: {  	s28 =	simm.s32 $_size_execute0_lowered;
	s6 =	sadd.s32 s6, s8;
	[dreg:$0x0] =	wrdreg $0x0  }
0xab: {  	s8 =	sshll.u32 s28, $0x1;
	[dreg:$0x2] =	wrdreg s6  }
0xac: {  	[dreg:$0x3] =	wrdreg s8  }
0xad: {  	[dreg:$0x4] =	wrdreg $0xC0  }
0xae: {  	_ =	task [dreg:s10], $0x5FFFF  }
0xaf: {  	[dreg:$0x1] =	wrdreg $0xFFFFFFFF  }
0xb0: {  	[dreg:$0x0] =	wrdreg $0x60  }
0xb1: {  	[dreg:$0x2] =	wrdreg s2  }
0xb2: {  	[dreg:$0x3] =	wrdreg s4  }
0xb3: {  	[dreg:$0x4] =	wrdreg s18  }
0xb4: {  	[dreg:$0x5] =	wrdreg s24  }
0xb5: {  	[dreg:$0x6] =	wrdreg s5  }
0xb6: {  	[dreg:$0x7] =	wrdreg $0x0  }
0xb7: {  	[dreg:$0x8] =	wrdreg $0x48000  }
0xb8: {  	[dreg:$0x9] =	wrdreg $0x9  }
0xb9: {  	_ =	task.clear_ibuf [dreg:s10], $0xAFFFF;
	_ =	strace $0x90000046  }
0xba: {  	s29 =	simm.s32 $0x9;
	_ =	strace $0x80000048  }
0xbb: {  	_ =	swait.ge [sflag:s29], $0x1  }
0xbc: {  	[sflag:s29] =	ssyncadd.s32 $0xFFFFFFFF  }
0xbd: {  	_ =	strace $0x90000048  }
0xbe: {  	_ =	sfence  }
0xbf: {  	s30 =	sld [smem:$0x0];
	_ =	sdelay $0x2  }
0xc0: {  	s31 =	sshll.u32 s1, $0xD;
	s1 =	sshrl.u32 s1, $0x2  }
0xc1: {  	s3 =	sand.u32 $0x4000, s31;
	s1 =	sadd.s32 s1, s30  }
0xc2: {  	s0 =	sor.u32 s3, s0;
	s1 =	sshll.u32 s1, $0x11  }
0xc3: {  	s0 =	sor.u32 s1, s0  }
0xc4: {  	s0 =	sadd.s32 $0x8F2B, s0  }
0xc5: {  	[sflag:s0] =	ssyncadd.remote.s32 $0x1  }
0xc6: {  	_ =	sfence.sel $0xFFFF  }
0xc7: {  	[dreg:$0x0] =	wrdreg $0xFFFFFFFF;
	(pc) =	sbr.abs _section_cstart, $3  }
0xc8: {  	[dreg:$0x1] =	wrdreg $0xFFFFFFFF  }
0xc9: {  	_ =	task.clear_ibuf [dreg:s10], $0x2FFFF;
	_ =	strace $0x9FFFFFFF  }
0xca: {  	(tm) =	ssettm $0x7FFFFFFF  }
0xcb: {  	_ =	shalt  }
tec
execute0_lowered:
.L_overlay_start_1:
0x0: {  	(tag) =	ssettag $0x1  }
0x1: {  	s0 =	rddreg [dreg:$0x0]  }
0x2: {  	s1 =	rddreg [dreg:$0x1]  }
0x3: {  	s2 =	rddreg [dreg:$0x2]  }
0x4: {  	s3 =	rddreg [dreg:$0x3]  }
0x5: {  	s4 =	rddreg [dreg:$0x5]  }
0x6: {  	s5 =	rddreg [dreg:$0x6]  }
0x7: {  	s20 =	stileid.u32;
	s6 =	simm.s32 $0x0;
	s7 =	srdreg.scid  }
0x8: {  	s30 =	simm.s32 $0x5100;
	s31 =	simm.s32 $0xD100;
	s28 =	simm.s32 $0x17B20  }
0x9: {  	s29 =	simm.s32 $0x17BA0;
	s10 =	smul.u32 $0x4800, s20;
	[smem:$0x7FF] =	sst s6  }
0xa: {  	s11 =	smul.u32 $0x900, s20;
	s13 =	sand.u32 $0x1, s7;
	s23 =	sshll.u32 s20, $0x1  }
0xb: {  	p0 =	seq.s32 s20, $0x0;
	_ =	strace $0x80000047;
	s8 =	smul.u32 $0x48000, s13  }
0xc: {  	s9 =	smul.u32 $0x9000, s13;
	s17 =	ssub.s32 $0x2, s13;
	s19 =	sshrl.u32 s10, $0x3  }
0xd: {  	s21 =	sshrl.u32 s11, $0x3;
	s26 =	sshrl.u32 s17, $0x1;
	s12 =	sadd.s32 s19, s3  }
0xe: {  	s14 =	sadd.s32 s21, s3;
	s22 =	sadd.s32 s10, s8;
	s9 =	sadd.s32 s11, s9  }
0xf: {  	s8 =	sor.u32 s13, s23;
	s10 =	sadd.s32 s10, s4;
	s23 =	smul.u32 $0x4E, s20  }
0x10: {  	s11 =	sadd.s32 s11, s5;
	s7 =	sshrl.u32 s22, $0x3;
	s24 =	sshrl.u32 s9, $0x3  }
0x11: {  	s25 =	smul.u32 $0x27, s8;
	s18 =	smin.u32 s8, $0x2;
	s9 =	simm.s32 $0x28  }
0x12: {  	[dreg:$0xa] =	wrdreg s10;
	s22 =	sshll.u32 s20, $0x6;
	s12 =	sadd.s32 $0xA00, s12  }
0x13: {  	[dreg:$0xc] =	wrdreg s11;
	s14 =	sadd.s32 $0x9A00, s14;
	s11 =	simm.s32 $0x4  }
0x14: {  	s15 =	sadd.s32 s7, s3;
	s16 =	sadd.s32 s24, s3;
	s7 =	sadd.s32 $0xD000, s3  }
0x15: {  	s3 =	ssub.s32 s17, s26;
	s9 =	simm.s32 @!p0 $0x27;
	[dreg:$0xb] =	wrdreg s12  }
0x16: {  	s12 =	sor.u32 $0x1C05, s22;
	s24 =	smul.u32 $0x27, s13;
	s26 =	sadd.s32 s23, s18  }
0x17: {  	[dreg:$0xd] =	wrdreg s14;
	s8 =	sadd.s32 s18, s25;
	s18 =	sadd.s32 $0xFFFFFFFF, s9  }
0x18: {  	s22 =	sadd.s32 $0xAC00, s16;
	s23 =	smax.u32 s3, $0x1;
	s3 =	simm.s32 $0x184A0  }
0x19: {  	s19 =	sshll.u32 s8, $0x7;
	s13 =	sadd.s32 s24, s26;
	[dreg:$0x13] =	wrdreg s22  }
0x1a: {  	s14 =	sshll.u32 s8, $0xC;
	[dreg:$0x14] =	wrdreg s23;
	s24 =	simm.s32 $0x9100  }
0x1b: {  	s26 =	simm.s32 $0x11100;
	s21 =	smin.u32 s19, $0x25C80;
	[dreg:$0x8] =	wrdreg s24  }
0x1c: {  	s10 =	sshll.u32 s13, $0x7;
	s17 =	sadd.s32 s0, s14;
	[dreg:$0x9] =	wrdreg s26  }
0x1d: {  	s26 =	simm.s32 $0x17CA0;
	s14 =	simm.s32 $0x2;
	s25 =	sshrl.u32 s21, $0x3  }
0x1e: {  	s19 =	smin.u32 s10, $0x25C80;
	[dreg:$0x10] =	wrdreg s17;
	s1 =	sadd.s32 s1, s25  }
0x1f: {  	s20 =	sadd.s32 $0x1000, s17;
	s2 =	sadd.s32 s2, s25;
	[dreg:$0xe] =	wrdreg s1  }
0x20: {  	[dreg:$0xf] =	wrdreg s2;
	s1 =	sshll.u32 s13, $0x9;
	s2 =	sshll.u32 s19, $0x2  }
0x21: {  	v0 =	vlaneseq.u32;
	s21 =	sadd.s32 $0x5B200, s15;
	s10 =	simm.s32 $0x17C20;
	s1 =	ssub.s32 s1, s2  }
0x22: {  	v1 =	vshrl.u32 v0, $0x3;
	s15 =	simm.s32 $0x0;
	[dreg:$0x11] =	wrdreg s20;
	s1 =	sshra.s32 s1, $0x2  }
0x23: {  	v1 =	vmul.u32 $0x480, v1;
	[dreg:$0x12] =	wrdreg s21;
	s13 =	simm.s32 $0x3;
	s25 =	sadd.s32 $0x16610, s1  }
0x24: {  	vm0 =	vcmask $0x2320;
	vm1 =	vcmask $0x300;
	s2 =	simm.s32 $0x80;
	s1 =	sadd.s32 $0x15100, s1;
	[dreg:$0x15] =	wrdreg s25  }
0x25: {  	v2 =	vand.u32 $0x7, v0;
	vm0 =	vmor vm1, vm0;
	v3 =	vadd.s32 $0x400, v1;
	[dreg:$0x16] =	wrdreg s1;
	s25 =	simm.s32 $0x5;
	s1 =	simm.s32 $0x1  }
.LBB2_1:
0x26: {  	s16 =	rddreg [dreg:$0xa]  }
0x27: {  	s17 =	rddreg [dreg:$0xb];
	s16 =	sshrl.u32 s16, $0x3  }
0x28: {  	[spmem:s16], [sflag:s12] =	dma.local [hbm:s17], $0x900  }
0x29: {  	_ =	swait.ge [sflag:s25], $0x900  }
0x2a: {  	[sflag:s25] =	ssyncset.done $0x0;
	s21 =	rddreg [dreg:$0xc]  }
0x2b: {  	s22 =	rddreg [dreg:$0xd];
	[sflag:s25] =	ssyncadd.s32 $0xFFFFF700;
	s19 =	sshrl.u32 s21, $0x3  }
0x2c: {  	[spmem:s19], [sflag:s12] =	dma.local [hbm:s22], $0x120  }
0x2d: {  	_ =	swait.ge [sflag:s25], $0x120  }
0x2e: {  	[sflag:s25] =	ssyncset.done $0x0  }
0x2f: {  	[sflag:s25] =	ssyncadd.s32 $0xFFFFFEE0  }
0x30: {  	s23 =	rddreg [dreg:$0x4]  }
0x31: {  	[tilespmem:s26], [sflag:$0x5] =	stream.linear.gather [hbm4b:s23+s6], $0x800, $0x38;
	[tilespmem:$0x18CA0] =	vst v63  }
0x32: {  	_ =	swait.ge [sflag:s25], $0x800  }
0x33: {  	[sflag:s25] =	ssyncset.done $0x0  }
0x34: {  	s20 =	simm.s32 $0x15100;
	s24 =	rddreg [dreg:$0xe];
	[sflag:s25] =	ssyncadd.s32 $0xFFFFF800  }
0x35: {  	[tilespmem:s20], [sflag:$0x5] =	stream.linear.gather [hbm4b:s24+s6], $0x1480, $0x38;
	[tilespmem:$0x18CA0] =	vst v63  }
0x36: {  	_ =	swait.ge [sflag:s25], $0x1480  }
0x37: {  	[sflag:s25] =	ssyncset.done $0x0  }
0x38: {  	s22 =	simm.s32 $0x16610;
	s21 =	rddreg [dreg:$0xf];
	[sflag:s25] =	ssyncadd.s32 $0xFFFFEB80  }
0x39: {  	[tilespmem:s22], [sflag:$0x5] =	stream.linear.gather [hbm4b:s21+s6], $0x1480, $0x38;
	[tilespmem:$0x18CA0] =	vst v63  }
0x3a: {  	_ =	swait.ge [sflag:s25], $0x1480  }
0x3b: {  	[sflag:s25] =	ssyncset.done $0x0  }
0x3c: {  	[sflag:s25] =	ssyncadd.s32 $0xFFFFEB80  }
0x3d: {  	[bflag:$0x0] =	sbarrier.arrive $0xFFFF  }
0x3e: {  	s23 =	rddreg [dreg:$0x10]  }
0x3f: {  	s24 =	rddreg [dreg:$0x11]  }
0x40: {  	[tilespmem:s30], [sflag:$0x1] =	stream.linear.gather [hbm4b:s23+s6], $0x8000, $0x38;
	[tilespmem:$0x18CA0] =	vst v63  }
0x41: {  	s23 =	rddreg [dreg:$0x15]  }
0x42: {  	[tilespmem:s31], [sflag:$0x2] =	stream.linear.gather [hbm4b:s24+s6], $0x8000, $0x38;
	[tilespmem:$0x18CA0] =	vst v63  }
0x43: {  	s22 =	simm.s32 $0x0;
	s24 =	rddreg [dreg:$0x16]  }
.LBB2_2:
0x44: {  	_ =	swait.ge [sflag:s1], $0x8000  }
0x45: {  	[sflag:s1] =	ssyncset.done $0x0  }
0x46: {  	[sflag:s1] =	ssyncadd.s32 $0xFFFF8000  }
0x47: {  	v4 =	vld [tilespmem:s23+$0x0]  }
0x48: {  	v5 =	vld [tilespmem:s24+$0x0];
	_ =	sdelay $0x3  }
0x49: {  	v4 =	vperm.xlane v4, v2  }
0x4a: {  	v5 =	vperm.xlane v5, v2  }
0x4b: {  	v4 =	vshll.u32 v4, $0x9  }
0x4c: {  	v4 =	vadd.s32 v5, v4  }
0x4d: {  	v4 =	vsel vm0, $0x400, v4  }
0x4e: {  	p0 =	slt.u32 s22, s9;
	v4 =	vadd.s32 v1, v4  }
0x4f: {  	v4 =	vpsel p0, v4, v3  }
0x50: {  	[tilespmem:$0x17B20] =	vst v4  }
0x51: {  	v4 =	vld [tilespmem:s23+$0x8]  }
0x52: {  	v5 =	vld [tilespmem:s24+$0x8];
	_ =	sdelay $0x3  }
0x53: {  	v4 =	vperm.xlane v4, v2  }
0x54: {  	v5 =	vperm.xlane v5, v2  }
0x55: {  	v4 =	vshll.u32 v4, $0x9  }
0x56: {  	v4 =	vadd.s32 v4, v5  }
0x57: {  	v4 =	vadd.s32 v1, v4  }
0x58: {  	v4 =	vpsel p0, v4, v3  }
0x59: {  	[tilespmem:$0x17B30] =	vst v4  }
0x5a: {  	v4 =	vld [tilespmem:s23+$0x10]  }
0x5b: {  	v5 =	vld [tilespmem:s24+$0x10];
	_ =	sdelay $0x3  }
0x5c: {  	v4 =	vperm.xlane v4, v2  }
0x5d: {  	v5 =	vperm.xlane v5, v2  }
0x5e: {  	v4 =	vshll.u32 v4, $0x9  }
0x5f: {  	v4 =	vadd.s32 v5, v4  }
0x60: {  	v4 =	vsel vm0, $0x400, v4  }
0x61: {  	v4 =	vadd.s32 v1, v4  }
0x62: {  	v4 =	vpsel p0, v4, v3  }
0x63: {  	[tilespmem:$0x17B40] =	vst v4  }
0x64: {  	v4 =	vld [tilespmem:s23+$0x18]  }
0x65: {  	v5 =	vld [tilespmem:s24+$0x18];
	_ =	sdelay $0x3  }
0x66: {  	v4 =	vperm.xlane v4, v2  }
0x67: {  	v5 =	vperm.xlane v5, v2  }
0x68: {  	v4 =	vshll.u32 v4, $0x9  }
0x69: {  	v4 =	vadd.s32 v4, v5  }
0x6a: {  	v4 =	vadd.s32 v1, v4  }
0x6b: {  	v4 =	vpsel p0, v4, v3  }
0x6c: {  	[tilespmem:$0x17B50] =	vst v4  }
0x6d: {  	v4 =	vld [tilespmem:s23+$0x20]  }
0x6e: {  	v5 =	vld [tilespmem:s24+$0x20];
	_ =	sdelay $0x3  }
0x6f: {  	v4 =	vperm.xlane v4, v2  }
0x70: {  	v5 =	vperm.xlane v5, v2  }
0x71: {  	v4 =	vshll.u32 v4, $0x9  }
0x72: {  	v4 =	vadd.s32 v5, v4  }
0x73: {  	v4 =	vsel vm0, $0x400, v4  }
0x74: {  	v4 =	vadd.s32 v1, v4  }
0x75: {  	v4 =	vpsel p0, v4, v3  }
0x76: {  	[tilespmem:$0x17B60] =	vst v4  }
0x77: {  	v4 =	vld [tilespmem:s23+$0x28]  }
0x78: {  	v5 =	vld [tilespmem:s24+$0x28];
	_ =	sdelay $0x3  }
0x79: {  	v4 =	vperm.xlane v4, v2  }
0x7a: {  	v5 =	vperm.xlane v5, v2  }
0x7b: {  	v4 =	vshll.u32 v4, $0x9  }
0x7c: {  	v4 =	vadd.s32 v4, v5  }
0x7d: {  	v4 =	vadd.s32 v1, v4  }
0x7e: {  	v4 =	vpsel p0, v4, v3  }
0x7f: {  	[tilespmem:$0x17B70] =	vst v4  }
0x80: {  	v4 =	vld [tilespmem:s23+$0x30]  }
0x81: {  	v5 =	vld [tilespmem:s24+$0x30];
	_ =	sdelay $0x3  }
0x82: {  	v4 =	vperm.xlane v4, v2  }
0x83: {  	v5 =	vperm.xlane v5, v2  }
0x84: {  	v4 =	vshll.u32 v4, $0x9  }
0x85: {  	v4 =	vadd.s32 v5, v4  }
0x86: {  	v4 =	vsel vm0, $0x400, v4  }
0x87: {  	v4 =	vadd.s32 v1, v4  }
0x88: {  	v4 =	vpsel p0, v4, v3  }
0x89: {  	[tilespmem:$0x17B80] =	vst v4  }
0x8a: {  	v4 =	vld [tilespmem:s23+$0x38]  }
0x8b: {  	v5 =	vld [tilespmem:s24+$0x38];
	_ =	sdelay $0x3  }
0x8c: {  	v4 =	vperm.xlane v4, v2  }
0x8d: {  	v5 =	vperm.xlane v5, v2  }
0x8e: {  	v4 =	vshll.u32 v4, $0x9  }
0x8f: {  	v4 =	vadd.s32 v4, v5  }
0x90: {  	v4 =	vadd.s32 v1, v4  }
0x91: {  	v4 =	vpsel p0, v4, v3  }
0x92: {  	[tilespmem:$0x17B90] =	vst v4  }
0x93: {  	v4 =	vld [tilespmem:s23+$0x40]  }
0x94: {  	v5 =	vld [tilespmem:s24+$0x40];
	_ =	sdelay $0x3  }
0x95: {  	v4 =	vperm.xlane v4, v2  }
0x96: {  	v5 =	vperm.xlane v5, v2  }
0x97: {  	v4 =	vshll.u32 v4, $0x9  }
0x98: {  	v4 =	vadd.s32 v5, v4  }
0x99: {  	v4 =	vsel vm0, $0x400, v4  }
0x9a: {  	v4 =	vadd.s32 v1, v4  }
0x9b: {  	v4 =	vpsel p0, v4, v3  }
0x9c: {  	[tilespmem:$0x17BA0] =	vst v4  }
0x9d: {  	v4 =	vld [tilespmem:s23+$0x48]  }
0x9e: {  	v5 =	vld [tilespmem:s24+$0x48];
	_ =	sdelay $0x3  }
0x9f: {  	v4 =	vperm.xlane v4, v2  }
0xa0: {  	v5 =	vperm.xlane v5, v2  }
0xa1: {  	v4 =	vshll.u32 v4, $0x9  }
0xa2: {  	v4 =	vadd.s32 v4, v5  }
0xa3: {  	v4 =	vadd.s32 v1, v4  }
0xa4: {  	v4 =	vpsel p0, v4, v3  }
0xa5: {  	[tilespmem:$0x17BB0] =	vst v4  }
0xa6: {  	v4 =	vld [tilespmem:s23+$0x50]  }
0xa7: {  	v5 =	vld [tilespmem:s24+$0x50];
	_ =	sdelay $0x3  }
0xa8: {  	v4 =	vperm.xlane v4, v2  }
0xa9: {  	v5 =	vperm.xlane v5, v2  }
0xaa: {  	v4 =	vshll.u32 v4, $0x9  }
0xab: {  	v4 =	vadd.s32 v5, v4  }
0xac: {  	v4 =	vsel vm0, $0x400, v4  }
0xad: {  	v4 =	vadd.s32 v1, v4  }
0xae: {  	v4 =	vpsel p0, v4, v3  }
0xaf: {  	[tilespmem:$0x17BC0] =	vst v4  }
0xb0: {  	v4 =	vld [tilespmem:s23+$0x58]  }
0xb1: {  	v5 =	vld [tilespmem:s24+$0x58];
	_ =	sdelay $0x3  }
0xb2: {  	v4 =	vperm.xlane v4, v2  }
0xb3: {  	v5 =	vperm.xlane v5, v2  }
0xb4: {  	v4 =	vshll.u32 v4, $0x9  }
0xb5: {  	v4 =	vadd.s32 v4, v5  }
0xb6: {  	v4 =	vadd.s32 v1, v4  }
0xb7: {  	v4 =	vpsel p0, v4, v3  }
0xb8: {  	[tilespmem:$0x17BD0] =	vst v4  }
0xb9: {  	v4 =	vld [tilespmem:s23+$0x60]  }
0xba: {  	v5 =	vld [tilespmem:s24+$0x60];
	_ =	sdelay $0x3  }
0xbb: {  	v4 =	vperm.xlane v4, v2  }
0xbc: {  	v5 =	vperm.xlane v5, v2  }
0xbd: {  	v4 =	vshll.u32 v4, $0x9  }
0xbe: {  	v4 =	vadd.s32 v5, v4  }
0xbf: {  	v4 =	vsel vm0, $0x400, v4  }
0xc0: {  	v4 =	vadd.s32 v1, v4  }
0xc1: {  	v4 =	vpsel p0, v4, v3  }
0xc2: {  	[tilespmem:$0x17BE0] =	vst v4  }
0xc3: {  	v4 =	vld [tilespmem:s23+$0x68]  }
0xc4: {  	v5 =	vld [tilespmem:s24+$0x68];
	_ =	sdelay $0x3  }
0xc5: {  	v4 =	vperm.xlane v4, v2  }
0xc6: {  	v5 =	vperm.xlane v5, v2  }
0xc7: {  	v4 =	vshll.u32 v4, $0x9  }
0xc8: {  	v4 =	vadd.s32 v4, v5  }
0xc9: {  	v4 =	vadd.s32 v1, v4  }
0xca: {  	v4 =	vpsel p0, v4, v3  }
0xcb: {  	[tilespmem:$0x17BF0] =	vst v4  }
0xcc: {  	v4 =	vld [tilespmem:s23+$0x70]  }
0xcd: {  	v5 =	vld [tilespmem:s24+$0x70];
	_ =	sdelay $0x3  }
0xce: {  	v4 =	vperm.xlane v4, v2  }
0xcf: {  	v5 =	vperm.xlane v5, v2  }
0xd0: {  	v4 =	vshll.u32 v4, $0x9  }
0xd1: {  	v4 =	vadd.s32 v5, v4  }
0xd2: {  	v4 =	vsel vm0, $0x400, v4  }
0xd3: {  	v4 =	vadd.s32 v1, v4  }
0xd4: {  	v4 =	vpsel p0, v4, v3  }
0xd5: {  	[tilespmem:$0x17C00] =	vst v4  }
0xd6: {  	v4 =	vld [tilespmem:s23+$0x78]  }
0xd7: {  	v5 =	vld [tilespmem:s24+$0x78];
	_ =	sdelay $0x3  }
0xd8: {  	v4 =	vperm.xlane v4, v2  }
0xd9: {  	v5 =	vperm.xlane v5, v2  }
0xda: {  	v4 =	vshll.u32 v4, $0x9  }
0xdb: {  	v4 =	vadd.s32 v4, v5  }
0xdc: {  	v4 =	vadd.s32 v1, v4  }
0xdd: {  	v4 =	vpsel p0, v4, v3  }
0xde: {  	[tilespmem:$0x17C10] =	vst v4  }
0xdf: {  	v4 =	vld [tilespmem:s23+$0x0]  }
0xe0: {  	v5 =	vld [tilespmem:s24+$0x0];
	_ =	sdelay $0x3  }
0xe1: {  	v4 =	vshll.u32 v4, $0x9  }
0xe2: {  	vm1 =	veq.s32 v0, $0x0;
	v4 =	vadd.s32 v5, v4  }
0xe3: {  	v4 =	vsel vm1, $0x400, v4  }
0xe4: {  	v4 =	vpsel !p0, $0x400, v4  }
0xe5: {  	[tilespmem:$0x17C20] =	vst v4  }
0xe6: {  	v4 =	vld [tilespmem:s23+$0x10]  }
0xe7: {  	v5 =	vld [tilespmem:s24+$0x10];
	_ =	sdelay $0x3  }
0xe8: {  	v4 =	vshll.u32 v4, $0x9  }
0xe9: {  	v4 =	vadd.s32 v5, v4  }
0xea: {  	v4 =	vsel vm1, $0x400, v4  }
0xeb: {  	v4 =	vpsel !p0, $0x400, v4  }
0xec: {  	[tilespmem:$0x17C30] =	vst v4  }
0xed: {  	v4 =	vld [tilespmem:s23+$0x20]  }
0xee: {  	v5 =	vld [tilespmem:s24+$0x20];
	_ =	sdelay $0x3  }
0xef: {  	v4 =	vshll.u32 v4, $0x9  }
0xf0: {  	v4 =	vadd.s32 v5, v4  }
0xf1: {  	v4 =	vsel vm1, $0x400, v4  }
0xf2: {  	v4 =	vpsel !p0, $0x400, v4  }
0xf3: {  	[tilespmem:$0x17C40] =	vst v4  }
0xf4: {  	v4 =	vld [tilespmem:s23+$0x30]  }
0xf5: {  	v5 =	vld [tilespmem:s24+$0x30];
	_ =	sdelay $0x3  }
0xf6: {  	v4 =	vshll.u32 v4, $0x9  }
0xf7: {  	v4 =	vadd.s32 v5, v4  }
0xf8: {  	v4 =	vsel vm1, $0x400, v4  }
0xf9: {  	v4 =	vpsel !p0, $0x400, v4  }
0xfa: {  	[tilespmem:$0x17C50] =	vst v4  }
0xfb: {  	v4 =	vld [tilespmem:s23+$0x40]  }
0xfc: {  	v5 =	vld [tilespmem:s24+$0x40];
	_ =	sdelay $0x3  }
0xfd: {  	v4 =	vshll.u32 v4, $0x9  }
0xfe: {  	v4 =	vadd.s32 v5, v4  }
0xff: {  	v4 =	vsel vm1, $0x400, v4  }
0x100: {  	v4 =	vpsel !p0, $0x400, v4  }
0x101: {  	[tilespmem:$0x17C60] =	vst v4  }
0x102: {  	v4 =	vld [tilespmem:s23+$0x50]  }
0x103: {  	v5 =	vld [tilespmem:s24+$0x50];
	_ =	sdelay $0x3  }
0x104: {  	v4 =	vshll.u32 v4, $0x9  }
0x105: {  	v4 =	vadd.s32 v5, v4  }
0x106: {  	v4 =	vsel vm1, $0x400, v4  }
0x107: {  	v4 =	vpsel !p0, $0x400, v4  }
0x108: {  	[tilespmem:$0x17C70] =	vst v4  }
0x109: {  	v4 =	vld [tilespmem:s23+$0x60]  }
0x10a: {  	v5 =	vld [tilespmem:s24+$0x60];
	_ =	sdelay $0x3  }
0x10b: {  	v4 =	vshll.u32 v4, $0x9  }
0x10c: {  	v4 =	vadd.s32 v5, v4  }
0x10d: {  	v4 =	vsel vm1, $0x400, v4  }
0x10e: {  	v4 =	vpsel !p0, $0x400, v4  }
0x10f: {  	[tilespmem:$0x17C80] =	vst v4  }
0x110: {  	v4 =	vld [tilespmem:s23+$0x70]  }
0x111: {  	v5 =	vld [tilespmem:s24+$0x70];
	_ =	sdelay $0x2  }
0x112: {  	v6 =	vld [tilespmem:$0x5100]  }
0x113: {  	v4 =	vshll.u32 v4, $0x9  }
0x114: {  	v4 =	vadd.s32 v5, v4;
	v5 =	vld [tilespmem:$0x5110]  }
0x115: {  	v7 =	vld [tilespmem:$0x5120]  }
0x116: {  	v8 =	vld [tilespmem:$0x5130];
	v4 =	vsel vm1, $0x400, v4  }
0x117: {  	v18 =	vld [tilespmem:$0x5150];
	[tilespmem:$0x184A0] =	vst v6;
	v4 =	vpsel !p0, $0x400, v4  }
0x118: {  	[tilespmem:$0x17C90] =	vst v4;
	v4 =	vld [tilespmem:$0x5140]  }
0x119: {  	[tilespmem:$0x184B0] =	vst v5;
	v5 =	vld [tilespmem:$0x5160]  }
0x11a: {  	v19 =	vld [tilespmem:$0x5170];
	[tilespmem:$0x184C0] =	vst v7  }
0x11b: {  	v20 =	vld [tilespmem:$0x6100];
	[tilespmem:$0x184D0] =	vst v8  }
0x11c: {  	v21 =	vld [tilespmem:$0x6120];
	[tilespmem:$0x184F0] =	vst v18  }
0x11d: {  	[tilespmem:$0x184E0] =	vst v4;
	v4 =	vld [tilespmem:$0x6110]  }
0x11e: {  	[tilespmem:$0x18500] =	vst v5;
	v5 =	vld [tilespmem:$0x6130]  }
0x11f: {  	v22 =	vld [tilespmem:$0x6140];
	[tilespmem:$0x18510] =	vst v19  }
0x120: {  	v23 =	vld [tilespmem:$0x6150];
	[tilespmem:$0x18520] =	vst v20  }
0x121: {  	v24 =	vld [tilespmem:$0x6170];
	[tilespmem:$0x18540] =	vst v21  }
0x122: {  	[tilespmem:$0x18530] =	vst v4;
	v4 =	vld [tilespmem:$0x6160]  }
0x123: {  	[tilespmem:$0x18550] =	vst v5;
	v5 =	vld [tilespmem:$0x7100]  }
0x124: {  	v25 =	vld [tilespmem:$0x7110];
	[tilespmem:$0x18560] =	vst v22  }
0x125: {  	v26 =	vld [tilespmem:$0x7120];
	[tilespmem:$0x18570] =	vst v23  }
0x126: {  	v27 =	vld [tilespmem:$0x7140];
	[tilespmem:$0x18590] =	vst v24  }
0x127: {  	[tilespmem:$0x18580] =	vst v4;
	v4 =	vld [tilespmem:$0x7130]  }
0x128: {  	[tilespmem:$0x185A0] =	vst v5;
	v5 =	vld [tilespmem:$0x7150]  }
0x129: {  	v28 =	vld [tilespmem:$0x7160];
	[tilespmem:$0x185B0] =	vst v25  }
0x12a: {  	v29 =	vld [tilespmem:$0x7170];
	[tilespmem:$0x185C0] =	vst v26  }
0x12b: {  	v30 =	vld [tilespmem:$0x8110];
	[tilespmem:$0x185E0] =	vst v27  }
0x12c: {  	[tilespmem:$0x185D0] =	vst v4;
	v4 =	vld [tilespmem:$0x8100]  }
0x12d: {  	[tilespmem:$0x185F0] =	vst v5;
	v5 =	vld [tilespmem:$0x8120]  }
0x12e: {  	v31 =	vld [tilespmem:$0x8130];
	[tilespmem:$0x18600] =	vst v28  }
0x12f: {  	v32 =	vld [tilespmem:$0x8140];
	[tilespmem:$0x18610] =	vst v29  }
0x130: {  	v33 =	vld [tilespmem:$0x8160];
	[tilespmem:$0x18630] =	vst v30  }
0x131: {  	[tilespmem:$0x18620] =	vst v4;
	v4 =	vld [tilespmem:$0x8150]  }
0x132: {  	[tilespmem:$0x18640] =	vst v5;
	v5 =	vld [tilespmem:$0x8170]  }
0x133: {  	v34 =	vld [tilespmem:$0x9100];
	[tilespmem:$0x18650] =	vst v31  }
0x134: {  	v35 =	vld [tilespmem:$0x9110];
	[tilespmem:$0x18660] =	vst v32  }
0x135: {  	v36 =	vld [tilespmem:$0x9130];
	[tilespmem:$0x18680] =	vst v33  }
0x136: {  	[tilespmem:$0x18670] =	vst v4;
	v4 =	vld [tilespmem:$0x9120]  }
0x137: {  	[tilespmem:$0x18690] =	vst v5;
	v5 =	vld [tilespmem:$0x9140]  }
0x138: {  	v37 =	vld [tilespmem:$0x9150];
	[tilespmem:$0x186A0] =	vst v34  }
0x139: {  	v38 =	vld [tilespmem:$0x9160];
	[tilespmem:$0x186B0] =	vst v35  }
0x13a: {  	v39 =	vld [tilespmem:$0xA100];
	[tilespmem:$0x186D0] =	vst v36  }
0x13b: {  	[tilespmem:$0x186C0] =	vst v4;
	v4 =	vld [tilespmem:$0x9170]  }
0x13c: {  	[tilespmem:$0x186E0] =	vst v5;
	v5 =	vld [tilespmem:$0xA110]  }
0x13d: {  	v40 =	vld [tilespmem:$0xA120];
	[tilespmem:$0x186F0] =	vst v37  }
0x13e: {  	v41 =	vld [tilespmem:$0xA130];
	[tilespmem:$0x18700] =	vst v38  }
0x13f: {  	v42 =	vld [tilespmem:$0xA150];
	[tilespmem:$0x18720] =	vst v39  }
0x140: {  	[tilespmem:$0x18710] =	vst v4;
	v4 =	vld [tilespmem:$0xA140]  }
0x141: {  	[tilespmem:$0x18730] =	vst v5;
	v5 =	vld [tilespmem:$0xA160]  }
0x142: {  	v43 =	vld [tilespmem:$0xA170];
	[tilespmem:$0x18740] =	vst v40  }
0x143: {  	v44 =	vld [tilespmem:$0xB100];
	[tilespmem:$0x18750] =	vst v41  }
0x144: {  	v45 =	vld [tilespmem:$0xB120];
	[tilespmem:$0x18770] =	vst v42  }
0x145: {  	[tilespmem:$0x18760] =	vst v4;
	v4 =	vld [tilespmem:$0xB110]  }
0x146: {  	[tilespmem:$0x18780] =	vst v5;
	v5 =	vld [tilespmem:$0xB130]  }
0x147: {  	v46 =	vld [tilespmem:$0xB140];
	[tilespmem:$0x18790] =	vst v43  }
0x148: {  	v47 =	vld [tilespmem:$0xB150];
	[tilespmem:$0x187A0] =	vst v44  }
0x149: {  	v48 =	vld [tilespmem:$0xB170];
	[tilespmem:$0x187C0] =	vst v45  }
0x14a: {  	[tilespmem:$0x187B0] =	vst v4;
	v4 =	vld [tilespmem:$0xB160]  }
0x14b: {  	[tilespmem:$0x187D0] =	vst v5;
	v5 =	vld [tilespmem:$0xC100]  }
0x14c: {  	[tilespmem:$0x187E0] =	vst v46  }
0x14d: {  	[tilespmem:$0x187F0] =	vst v47  }
0x14e: {  	[tilespmem:$0x18810] =	vst v48  }
0x14f: {  	[tilespmem:$0x18800] =	vst v4  }
0x150: {  	[tilespmem:$0x18820] =	vst v5  }
0x151: {  	v4 =	vld [tilespmem:$0xC110]  }
0x152: {  	v5 =	vld [tilespmem:$0xC120]  }
0x153: {  	v49 =	vld [tilespmem:$0xC130]  }
0x154: {  	v50 =	vld [tilespmem:$0xC140]  }
0x155: {  	v51 =	vld [tilespmem:$0xC150]  }
0x156: {  	[tilespmem:$0x18830] =	vst v4;
	v4 =	vld [tilespmem:$0xC160]  }
0x157: {  	v52 =	vld [tilespmem:$0x5500];
	[tilespmem:$0x18840] =	vst v5  }
0x158: {  	v53 =	vld [tilespmem:$0x5510];
	[tilespmem:$0x18850] =	vst v49  }
0x159: {  	v54 =	vld [tilespmem:$0x5520];
	[tilespmem:$0x18860] =	vst v50  }
0x15a: {  	v5 =	vld [tilespmem:$0xC170];
	[tilespmem:$0x18870] =	vst v51  }
0x15b: {  	[tilespmem:$0x18880] =	vst v4;
	v4 =	vld [tilespmem:$0x5530]  }
0x15c: {  	v55 =	vld [tilespmem:$0x5550];
	[tilespmem:$0x188A0] =	vst v52  }
0x15d: {  	v56 =	vld [tilespmem:$0x5560];
	[tilespmem:$0x188B0] =	vst v53  }
0x15e: {  	v57 =	vld [tilespmem:$0x5570];
	[tilespmem:$0x188C0] =	vst v54  }
0x15f: {  	[tilespmem:$0x18890] =	vst v5;
	v5 =	vld [tilespmem:$0x5540]  }
0x160: {  	[tilespmem:$0x188D0] =	vst v4;
	v4 =	vld [tilespmem:$0x6500]  }
0x161: {  	v58 =	vld [tilespmem:$0x6520];
	[tilespmem:$0x188F0] =	vst v55  }
0x162: {  	v59 =	vld [tilespmem:$0x6530];
	[tilespmem:$0x18900] =	vst v56  }
0x163: {  	v60 =	vld [tilespmem:$0x6540];
	[tilespmem:$0x18910] =	vst v57  }
0x164: {  	[tilespmem:$0x188E0] =	vst v5;
	v5 =	vld [tilespmem:$0x6510]  }
0x165: {  	[tilespmem:$0x18920] =	vst v4;
	v4 =	vld [tilespmem:$0x6550]  }
0x166: {  	v61 =	vld [tilespmem:$0x6570];
	[tilespmem:$0x18940] =	vst v58  }
0x167: {  	v62 =	vld [tilespmem:$0x7500];
	[tilespmem:$0x18950] =	vst v59  }
0x168: {  	v63 =	vld [tilespmem:$0x7510];
	[tilespmem:$0x18960] =	vst v60  }
0x169: {  	[tilespmem:$0x18930] =	vst v5;
	v5 =	vld [tilespmem:$0x6560]  }
0x16a: {  	[tilespmem:$0x18970] =	vst v4;
	v4 =	vld [tilespmem:$0x7520]  }
0x16b: {  	v12 =	vld [tilespmem:$0x7540];
	[tilespmem:$0x18990] =	vst v61  }
0x16c: {  	v13 =	vld [tilespmem:$0x7550];
	[tilespmem:$0x189A0] =	vst v62  }
0x16d: {  	v14 =	vld [tilespmem:$0x7560];
	[tilespmem:$0x189B0] =	vst v63  }
0x16e: {  	[tilespmem:$0x18980] =	vst v5;
	v5 =	vld [tilespmem:$0x7530]  }
0x16f: {  	[tilespmem:$0x189C0] =	vst v4;
	v4 =	vld [tilespmem:$0x7570]  }
0x170: {  	v15 =	vld [tilespmem:$0x8510];
	[tilespmem:$0x189E0] =	vst v12  }
0x171: {  	v16 =	vld [tilespmem:$0x8520];
	[tilespmem:$0x189F0] =	vst v13  }
0x172: {  	v17 =	vld [tilespmem:$0x8530];
	[tilespmem:$0x18A00] =	vst v14  }
0x173: {  	[tilespmem:$0x189D0] =	vst v5;
	v5 =	vld [tilespmem:$0x8500]  }
0x174: {  	[tilespmem:$0x18A10] =	vst v4;
	v4 =	vld [tilespmem:$0x8540]  }
0x175: {  	v18 =	vld [tilespmem:$0x8560];
	[tilespmem:$0x18A30] =	vst v15  }
0x176: {  	v19 =	vld [tilespmem:$0x8570];
	[tilespmem:$0x18A40] =	vst v16  }
0x177: {  	v20 =	vld [tilespmem:$0x9500];
	[tilespmem:$0x18A50] =	vst v17  }
0x178: {  	[tilespmem:$0x18A20] =	vst v5;
	v5 =	vld [tilespmem:$0x8550]  }
0x179: {  	[tilespmem:$0x18A60] =	vst v4;
	v4 =	vld [tilespmem:$0x9510]  }
0x17a: {  	v21 =	vld [tilespmem:$0x9530];
	[tilespmem:$0x18A80] =	vst v18  }
0x17b: {  	v22 =	vld [tilespmem:$0x9540];
	[tilespmem:$0x18A90] =	vst v19  }
0x17c: {  	v23 =	vld [tilespmem:$0x9550];
	[tilespmem:$0x18AA0] =	vst v20  }
0x17d: {  	[tilespmem:$0x18A70] =	vst v5;
	v5 =	vld [tilespmem:$0x9520]  }
0x17e: {  	[tilespmem:$0x18AB0] =	vst v4;
	v4 =	vld [tilespmem:$0x9560]  }
0x17f: {  	v24 =	vld [tilespmem:$0xA500];
	[tilespmem:$0x18AD0] =	vst v21  }
0x180: {  	v25 =	vld [tilespmem:$0xA510];
	[tilespmem:$0x18AE0] =	vst v22  }
0x181: {  	v26 =	vld [tilespmem:$0xA520];
	[tilespmem:$0x18AF0] =	vst v23  }
0x182: {  	[tilespmem:$0x18AC0] =	vst v5;
	v5 =	vld [tilespmem:$0x9570]  }
0x183: {  	[tilespmem:$0x18B00] =	vst v4;
	v4 =	vld [tilespmem:$0xA530]  }
0x184: {  	v27 =	vld [tilespmem:$0xA550];
	[tilespmem:$0x18B20] =	vst v24  }
0x185: {  	v28 =	vld [tilespmem:$0xA560];
	[tilespmem:$0x18B30] =	vst v25  }
0x186: {  	v29 =	vld [tilespmem:$0xA570];
	[tilespmem:$0x18B40] =	vst v26  }
0x187: {  	[tilespmem:$0x18B10] =	vst v5;
	v5 =	vld [tilespmem:$0xA540]  }
0x188: {  	[tilespmem:$0x18B50] =	vst v4;
	v4 =	vld [tilespmem:$0xB500]  }
0x189: {  	v30 =	vld [tilespmem:$0xB520];
	[tilespmem:$0x18B70] =	vst v27  }
0x18a: {  	v31 =	vld [tilespmem:$0xB530];
	[tilespmem:$0x18B80] =	vst v28  }
0x18b: {  	v32 =	vld [tilespmem:$0xB540];
	[tilespmem:$0x18B90] =	vst v29  }
0x18c: {  	[tilespmem:$0x18B60] =	vst v5;
	v5 =	vld [tilespmem:$0xB510]  }
0x18d: {  	[tilespmem:$0x18BA0] =	vst v4;
	v4 =	vld [tilespmem:$0xB550]  }
0x18e: {  	v33 =	vld [tilespmem:$0xB570];
	[tilespmem:$0x18BC0] =	vst v30  }
0x18f: {  	v34 =	vld [tilespmem:$0xC500];
	[tilespmem:$0x18BD0] =	vst v31  }
0x190: {  	v35 =	vld [tilespmem:$0xC510];
	[tilespmem:$0x18BE0] =	vst v32  }
0x191: {  	[tilespmem:$0x18BB0] =	vst v5;
	v5 =	vld [tilespmem:$0xB560]  }
0x192: {  	[tilespmem:$0x18BF0] =	vst v4;
	v4 =	vld [tilespmem:$0xC520]  }
0x193: {  	v36 =	vld [tilespmem:$0xC540];
	[tilespmem:$0x18C10] =	vst v33  }
0x194: {  	v37 =	vld [tilespmem:$0xC550];
	[tilespmem:$0x18C20] =	vst v34  }
0x195: {  	v38 =	vld [tilespmem:$0xC560];
	[tilespmem:$0x18C30] =	vst v35  }
0x196: {  	[tilespmem:$0x18C00] =	vst v5;
	v5 =	vld [tilespmem:$0xC530]  }
0x197: {  	s20 =	smov.u32 s18;
	p0 =	slt.s32 s22, s18;
	[tilespmem:$0x18C40] =	vst v4;
	v4 =	vld [tilespmem:$0xC570]  }
0x198: {  	s20 =	smov.u32 @p0 s22;
	[tilespmem:$0x18C60] =	vst v36  }
0x199: {  	s20 =	sadd.s32 s8, s20;
	[tilespmem:$0x18C70] =	vst v37  }
0x19a: {  	s20 =	sshll.u32 s20, $0x8;
	[tilespmem:$0x18C80] =	vst v38  }
0x19b: {  	s20 =	sand.u32 $0x1FFFFF00, s20;
	[tilespmem:$0x18C50] =	vst v5  }
0x19c: {  	s20 =	sadd.s32 s7, s20;
	[tilespmem:$0x18C90] =	vst v4  }
0x19d: {  	[hbm4b:s20+s6] =	stream.linear.scatter [tilespmem:s3], [sflag:$0x3], $0x800, $0x38;
	[tilespmem:$0x18CA0] =	vst v63  }
0x19e: {  	_ = 	snop  }
0x19f: {  	[spmem:s4] =	stream.indirect.scatter.add.f32 [tilespmem:s30], [sflag:$0x4], $0x80, s28, s2, $0xb8;
	[tilespmem:$0x18CA0] =	vst v63  }
0x1a0: {  	s17 =	rddreg [dreg:$0x8]  }
0x1a1: {  	[spmem:s4] =	stream.indirect.scatter.add.f32 [tilespmem:s17], [sflag:$0x5], $0x80, s29, s2, $0xb8;
	[tilespmem:$0x18CA0] =	vst v63  }
0x1a2: {  	_ =	swait.ge [sflag:s25], $0x4000  }
0x1a3: {  	[sflag:s25] =	ssyncset.done $0x0  }
0x1a4: {  	[sflag:s25] =	ssyncadd.s32 $0xFFFFC000  }
0x1a5: {  	[spmem:s5] =	stream.indirect.scatter.add.f32 [tilespmem:s26], [sflag:$0x5], $0x10, s10, s2, $0xb8;
	[tilespmem:$0x18CA0] =	vst v63  }
0x1a6: {  	_ =	swait.ge [sflag:s25], $0x800  }
0x1a7: {  	[sflag:s25] =	ssyncset.done $0x0  }
0x1a8: {  	s21 =	sadd.s32 $0x2, s22;
	[sflag:s25] =	ssyncadd.s32 $0xFFFFF800  }
0x1a9: {  	p0 =	slt.s32 s21, s18;
	s20 =	smov.u32 s18;
	_ =	swait.ge [sflag:s11], $0x4000  }
0x1aa: {  	s20 =	smov.u32 @p0 s21;
	[sflag:s11] =	ssyncset.done $0x0  }
0x1ab: {  	s20 =	sadd.s32 s8, s20;
	[sflag:s11] =	ssyncadd.s32 $0xFFFFC000  }
0x1ac: {  	s20 =	sshll.u32 s20, $0xC;
	_ =	swait.ge [sflag:s13], $0x800  }
0x1ad: {  	s20 =	sand.u32 $0x1FFFF000, s20;
	[sflag:s13] =	ssyncset.done $0x0  }
0x1ae: {  	s20 =	sadd.s32 s0, s20;
	[sflag:s13] =	ssyncadd.s32 $0xFFFFF800  }
0x1af: {  	[tilespmem:s30], [sflag:$0x1] =	stream.linear.gather [hbm4b:s20+s6], $0x8000, $0x38;
	[tilespmem:$0x18CA0] =	vst v63  }
0x1b0: {  	_ =	swait.ge [sflag:s14], $0x8000  }
0x1b1: {  	[sflag:s14] =	ssyncset.done $0x0  }
0x1b2: {  	[sflag:s14] =	ssyncadd.s32 $0xFFFF8000  }
0x1b3: {  	v4 =	vld [tilespmem:s23+$0x80]  }
0x1b4: {  	v5 =	vld [tilespmem:s24+$0x80];
	_ =	sdelay $0x3  }
0x1b5: {  	v4 =	vperm.xlane v4, v2  }
0x1b6: {  	v5 =	vperm.xlane v5, v2  }
0x1b7: {  	v4 =	vshll.u32 v4, $0x9  }
0x1b8: {  	v4 =	vadd.s32 v5, v4  }
0x1b9: {  	s20 =	sadd.s32 $0x1, s22;
	v4 =	vsel vm0, $0x400, v4  }
0x1ba: {  	p6 =	slt.u32 s20, s9;
	v4 =	vadd.s32 v1, v4  }
0x1bb: {  	v4 =	vpsel p6, v4, v3  }
0x1bc: {  	[tilespmem:$0x17B20] =	vst v4  }
0x1bd: {  	v4 =	vld [tilespmem:s23+$0x88]  }
0x1be: {  	v5 =	vld [tilespmem:s24+$0x88];
	_ =	sdelay $0x3  }
0x1bf: {  	v4 =	vperm.xlane v4, v2  }
0x1c0: {  	v5 =	vperm.xlane v5, v2  }
0x1c1: {  	v4 =	vshll.u32 v4, $0x9  }
0x1c2: {  	v4 =	vadd.s32 v4, v5  }
0x1c3: {  	v4 =	vadd.s32 v1, v4  }
0x1c4: {  	v4 =	vpsel p6, v4, v3  }
0x1c5: {  	[tilespmem:$0x17B30] =	vst v4  }
0x1c6: {  	v4 =	vld [tilespmem:s23+$0x90]  }
0x1c7: {  	v5 =	vld [tilespmem:s24+$0x90];
	_ =	sdelay $0x3  }
0x1c8: {  	v4 =	vperm.xlane v4, v2  }
0x1c9: {  	v5 =	vperm.xlane v5, v2  }
0x1ca: {  	v4 =	vshll.u32 v4, $0x9  }
0x1cb: {  	v4 =	vadd.s32 v5, v4  }
0x1cc: {  	v4 =	vsel vm0, $0x400, v4  }
0x1cd: {  	v4 =	vadd.s32 v1, v4  }
0x1ce: {  	v4 =	vpsel p6, v4, v3  }
0x1cf: {  	[tilespmem:$0x17B40] =	vst v4  }
0x1d0: {  	v4 =	vld [tilespmem:s23+$0x98]  }
0x1d1: {  	v5 =	vld [tilespmem:s24+$0x98];
	_ =	sdelay $0x3  }
0x1d2: {  	v4 =	vperm.xlane v4, v2  }
0x1d3: {  	v5 =	vperm.xlane v5, v2  }
0x1d4: {  	v4 =	vshll.u32 v4, $0x9  }
0x1d5: {  	v4 =	vadd.s32 v4, v5  }
0x1d6: {  	v4 =	vadd.s32 v1, v4  }
0x1d7: {  	v4 =	vpsel p6, v4, v3  }
0x1d8: {  	[tilespmem:$0x17B50] =	vst v4  }
0x1d9: {  	v4 =	vld [tilespmem:s23+$0xA0]  }
0x1da: {  	v5 =	vld [tilespmem:s24+$0xA0];
	_ =	sdelay $0x3  }
0x1db: {  	v4 =	vperm.xlane v4, v2  }
0x1dc: {  	v5 =	vperm.xlane v5, v2  }
0x1dd: {  	v4 =	vshll.u32 v4, $0x9  }
0x1de: {  	v4 =	vadd.s32 v5, v4  }
0x1df: {  	v4 =	vsel vm0, $0x400, v4  }
0x1e0: {  	v4 =	vadd.s32 v1, v4  }
0x1e1: {  	v4 =	vpsel p6, v4, v3  }
0x1e2: {  	[tilespmem:$0x17B60] =	vst v4  }
0x1e3: {  	v4 =	vld [tilespmem:s23+$0xA8]  }
0x1e4: {  	v5 =	vld [tilespmem:s24+$0xA8];
	_ =	sdelay $0x3  }
0x1e5: {  	v4 =	vperm.xlane v4, v2  }
0x1e6: {  	v5 =	vperm.xlane v5, v2  }
0x1e7: {  	v4 =	vshll.u32 v4, $0x9  }
0x1e8: {  	v4 =	vadd.s32 v4, v5  }
0x1e9: {  	v4 =	vadd.s32 v1, v4  }
0x1ea: {  	v4 =	vpsel p6, v4, v3  }
0x1eb: {  	[tilespmem:$0x17B70] =	vst v4  }
0x1ec: {  	v4 =	vld [tilespmem:s23+$0xB0]  }
0x1ed: {  	v5 =	vld [tilespmem:s24+$0xB0];
	_ =	sdelay $0x3  }
0x1ee: {  	v4 =	vperm.xlane v4, v2  }
0x1ef: {  	v5 =	vperm.xlane v5, v2  }
0x1f0: {  	v4 =	vshll.u32 v4, $0x9  }
0x1f1: {  	v4 =	vadd.s32 v5, v4  }
0x1f2: {  	v4 =	vsel vm0, $0x400, v4  }
0x1f3: {  	v4 =	vadd.s32 v1, v4  }
0x1f4: {  	v4 =	vpsel p6, v4, v3  }
0x1f5: {  	[tilespmem:$0x17B80] =	vst v4  }
0x1f6: {  	v4 =	vld [tilespmem:s23+$0xB8]  }
0x1f7: {  	v5 =	vld [tilespmem:s24+$0xB8];
	_ =	sdelay $0x3  }
0x1f8: {  	v4 =	vperm.xlane v4, v2  }
0x1f9: {  	v5 =	vperm.xlane v5, v2  }
0x1fa: {  	v4 =	vshll.u32 v4, $0x9  }
0x1fb: {  	v4 =	vadd.s32 v4, v5  }
0x1fc: {  	v4 =	vadd.s32 v1, v4  }
0x1fd: {  	v4 =	vpsel p6, v4, v3  }
0x1fe: {  	[tilespmem:$0x17B90] =	vst v4  }
0x1ff: {  	v4 =	vld [tilespmem:s23+$0xC0]  }
0x200: {  	v5 =	vld [tilespmem:s24+$0xC0];
	_ =	sdelay $0x3  }
0x201: {  	v4 =	vperm.xlane v4, v2  }
0x202: {  	v5 =	vperm.xlane v5, v2  }
0x203: {  	v4 =	vshll.u32 v4, $0x9  }
0x204: {  	v4 =	vadd.s32 v5, v4  }
0x205: {  	v4 =	vsel vm0, $0x400, v4  }
0x206: {  	v4 =	vadd.s32 v1, v4  }
0x207: {  	v4 =	vpsel p6, v4, v3  }
0x208: {  	[tilespmem:$0x17BA0] =	vst v4  }
0x209: {  	v4 =	vld [tilespmem:s23+$0xC8]  }
0x20a: {  	v5 =	vld [tilespmem:s24+$0xC8];
	_ =	sdelay $0x3  }
0x20b: {  	v4 =	vperm.xlane v4, v2  }
0x20c: {  	v5 =	vperm.xlane v5, v2  }
0x20d: {  	v4 =	vshll.u32 v4, $0x9  }
0x20e: {  	v4 =	vadd.s32 v4, v5  }
0x20f: {  	v4 =	vadd.s32 v1, v4  }
0x210: {  	v4 =	vpsel p6, v4, v3  }
0x211: {  	[tilespmem:$0x17BB0] =	vst v4  }
0x212: {  	v4 =	vld [tilespmem:s23+$0xD0]  }
0x213: {  	v5 =	vld [tilespmem:s24+$0xD0];
	_ =	sdelay $0x3  }
0x214: {  	v4 =	vperm.xlane v4, v2  }
0x215: {  	v5 =	vperm.xlane v5, v2  }
0x216: {  	v4 =	vshll.u32 v4, $0x9  }
0x217: {  	v4 =	vadd.s32 v5, v4  }
0x218: {  	v4 =	vsel vm0, $0x400, v4  }
0x219: {  	v4 =	vadd.s32 v1, v4  }
0x21a: {  	v4 =	vpsel p6, v4, v3  }
0x21b: {  	[tilespmem:$0x17BC0] =	vst v4  }
0x21c: {  	v4 =	vld [tilespmem:s23+$0xD8]  }
0x21d: {  	v5 =	vld [tilespmem:s24+$0xD8];
	_ =	sdelay $0x3  }
0x21e: {  	v4 =	vperm.xlane v4, v2  }
0x21f: {  	v5 =	vperm.xlane v5, v2  }
0x220: {  	v4 =	vshll.u32 v4, $0x9  }
0x221: {  	v4 =	vadd.s32 v4, v5  }
0x222: {  	v4 =	vadd.s32 v1, v4  }
0x223: {  	v4 =	vpsel p6, v4, v3  }
0x224: {  	[tilespmem:$0x17BD0] =	vst v4  }
0x225: {  	v4 =	vld [tilespmem:s23+$0xE0]  }
0x226: {  	v5 =	vld [tilespmem:s24+$0xE0];
	_ =	sdelay $0x3  }
0x227: {  	v4 =	vperm.xlane v4, v2  }
0x228: {  	v5 =	vperm.xlane v5, v2  }
0x229: {  	v4 =	vshll.u32 v4, $0x9  }
0x22a: {  	v4 =	vadd.s32 v5, v4  }
0x22b: {  	v4 =	vsel vm0, $0x400, v4  }
0x22c: {  	v4 =	vadd.s32 v1, v4  }
0x22d: {  	v4 =	vpsel p6, v4, v3  }
0x22e: {  	[tilespmem:$0x17BE0] =	vst v4  }
0x22f: {  	v4 =	vld [tilespmem:s23+$0xE8]  }
0x230: {  	v5 =	vld [tilespmem:s24+$0xE8];
	_ =	sdelay $0x3  }
0x231: {  	v4 =	vperm.xlane v4, v2  }
0x232: {  	v5 =	vperm.xlane v5, v2  }
0x233: {  	v4 =	vshll.u32 v4, $0x9  }
0x234: {  	v4 =	vadd.s32 v4, v5  }
0x235: {  	v4 =	vadd.s32 v1, v4  }
0x236: {  	v4 =	vpsel p6, v4, v3  }
0x237: {  	[tilespmem:$0x17BF0] =	vst v4  }
0x238: {  	v4 =	vld [tilespmem:s23+$0xF0]  }
0x239: {  	v5 =	vld [tilespmem:s24+$0xF0];
	_ =	sdelay $0x3  }
0x23a: {  	v4 =	vperm.xlane v4, v2  }
0x23b: {  	v5 =	vperm.xlane v5, v2  }
0x23c: {  	v4 =	vshll.u32 v4, $0x9  }
0x23d: {  	v4 =	vadd.s32 v5, v4  }
0x23e: {  	v4 =	vsel vm0, $0x400, v4  }
0x23f: {  	v4 =	vadd.s32 v1, v4  }
0x240: {  	v4 =	vpsel p6, v4, v3  }
0x241: {  	[tilespmem:$0x17C00] =	vst v4  }
0x242: {  	v4 =	vld [tilespmem:s23+$0xF8]  }
0x243: {  	v5 =	vld [tilespmem:s24+$0xF8];
	_ =	sdelay $0x3  }
0x244: {  	v4 =	vperm.xlane v4, v2  }
0x245: {  	v5 =	vperm.xlane v5, v2  }
0x246: {  	v4 =	vshll.u32 v4, $0x9  }
0x247: {  	v4 =	vadd.s32 v4, v5  }
0x248: {  	v4 =	vadd.s32 v1, v4  }
0x249: {  	v4 =	vpsel p6, v4, v3  }
0x24a: {  	[tilespmem:$0x17C10] =	vst v4  }
0x24b: {  	v4 =	vld [tilespmem:s23+$0x80]  }
0x24c: {  	v5 =	vld [tilespmem:s24+$0x80];
	_ =	sdelay $0x3  }
0x24d: {  	v4 =	vshll.u32 v4, $0x9  }
0x24e: {  	v4 =	vadd.s32 v5, v4  }
0x24f: {  	v4 =	vsel vm1, $0x400, v4  }
0x250: {  	v4 =	vpsel !p6, $0x400, v4  }
0x251: {  	[tilespmem:$0x17C20] =	vst v4  }
0x252: {  	v4 =	vld [tilespmem:s23+$0x90]  }
0x253: {  	v5 =	vld [tilespmem:s24+$0x90];
	_ =	sdelay $0x3  }
0x254: {  	v4 =	vshll.u32 v4, $0x9  }
0x255: {  	v4 =	vadd.s32 v5, v4  }
0x256: {  	v4 =	vsel vm1, $0x400, v4  }
0x257: {  	v4 =	vpsel !p6, $0x400, v4  }
0x258: {  	[tilespmem:$0x17C30] =	vst v4  }
0x259: {  	v4 =	vld [tilespmem:s23+$0xA0]  }
0x25a: {  	v5 =	vld [tilespmem:s24+$0xA0];
	_ =	sdelay $0x3  }
0x25b: {  	v4 =	vshll.u32 v4, $0x9  }
0x25c: {  	v4 =	vadd.s32 v5, v4  }
0x25d: {  	v4 =	vsel vm1, $0x400, v4  }
0x25e: {  	v4 =	vpsel !p6, $0x400, v4  }
0x25f: {  	[tilespmem:$0x17C40] =	vst v4  }
0x260: {  	v4 =	vld [tilespmem:s23+$0xB0]  }
0x261: {  	v5 =	vld [tilespmem:s24+$0xB0];
	_ =	sdelay $0x3  }
0x262: {  	v4 =	vshll.u32 v4, $0x9  }
0x263: {  	v4 =	vadd.s32 v5, v4  }
0x264: {  	v4 =	vsel vm1, $0x400, v4  }
0x265: {  	v4 =	vpsel !p6, $0x400, v4  }
0x266: {  	[tilespmem:$0x17C50] =	vst v4  }
0x267: {  	v4 =	vld [tilespmem:s23+$0xC0]  }
0x268: {  	v5 =	vld [tilespmem:s24+$0xC0];
	_ =	sdelay $0x3  }
0x269: {  	v4 =	vshll.u32 v4, $0x9  }
0x26a: {  	v4 =	vadd.s32 v5, v4  }
0x26b: {  	v4 =	vsel vm1, $0x400, v4  }
0x26c: {  	v4 =	vpsel !p6, $0x400, v4  }
0x26d: {  	[tilespmem:$0x17C60] =	vst v4  }
0x26e: {  	v4 =	vld [tilespmem:s23+$0xD0]  }
0x26f: {  	v5 =	vld [tilespmem:s24+$0xD0];
	_ =	sdelay $0x3  }
0x270: {  	v4 =	vshll.u32 v4, $0x9  }
0x271: {  	v4 =	vadd.s32 v5, v4  }
0x272: {  	v4 =	vsel vm1, $0x400, v4  }
0x273: {  	v4 =	vpsel !p6, $0x400, v4  }
0x274: {  	[tilespmem:$0x17C70] =	vst v4  }
0x275: {  	v4 =	vld [tilespmem:s23+$0xE0]  }
0x276: {  	v5 =	vld [tilespmem:s24+$0xE0];
	_ =	sdelay $0x3  }
0x277: {  	v4 =	vshll.u32 v4, $0x9  }
0x278: {  	v4 =	vadd.s32 v5, v4  }
0x279: {  	v4 =	vsel vm1, $0x400, v4  }
0x27a: {  	v4 =	vpsel !p6, $0x400, v4  }
0x27b: {  	[tilespmem:$0x17C80] =	vst v4  }
0x27c: {  	v4 =	vld [tilespmem:s23+$0xF0]  }
0x27d: {  	v5 =	vld [tilespmem:s24+$0xF0];
	_ =	sdelay $0x1  }
0x27e: {  	v39 =	vld [tilespmem:$0xD100]  }
0x27f: {  	v40 =	vld [tilespmem:$0xD120]  }
0x280: {  	v4 =	vshll.u32 v4, $0x9  }
0x281: {  	v4 =	vadd.s32 v5, v4;
	v5 =	vld [tilespmem:$0xD110]  }
0x282: {  	v41 =	vld [tilespmem:$0xD130]  }
0x283: {  	v42 =	vld [tilespmem:$0xD150];
	[tilespmem:$0x184A0] =	vst v39;
	v4 =	vsel vm1, $0x400, v4  }
0x284: {  	v43 =	vld [tilespmem:$0xD170];
	[tilespmem:$0x184C0] =	vst v40;
	v4 =	vpsel !p6, $0x400, v4  }
0x285: {  	[tilespmem:$0x17C90] =	vst v4;
	v4 =	vld [tilespmem:$0xD140]  }
0x286: {  	[tilespmem:$0x184B0] =	vst v5;
	v5 =	vld [tilespmem:$0xD160]  }
0x287: {  	v44 =	vld [tilespmem:$0xE100];
	[tilespmem:$0x184D0] =	vst v41  }
0x288: {  	v45 =	vld [tilespmem:$0xE120];
	[tilespmem:$0x184F0] =	vst v42  }
0x289: {  	v46 =	vld [tilespmem:$0xE140];
	[tilespmem:$0x18510] =	vst v43  }
0x28a: {  	[tilespmem:$0x184E0] =	vst v4;
	v4 =	vld [tilespmem:$0xE110]  }
0x28b: {  	[tilespmem:$0x18500] =	vst v5;
	v5 =	vld [tilespmem:$0xE130]  }
0x28c: {  	v47 =	vld [tilespmem:$0xE150];
	[tilespmem:$0x18520] =	vst v44  }
0x28d: {  	v48 =	vld [tilespmem:$0xE170];
	[tilespmem:$0x18540] =	vst v45  }
0x28e: {  	v49 =	vld [tilespmem:$0xF110];
	[tilespmem:$0x18560] =	vst v46  }
0x28f: {  	[tilespmem:$0x18530] =	vst v4;
	v4 =	vld [tilespmem:$0xE160]  }
0x290: {  	[tilespmem:$0x18550] =	vst v5;
	v5 =	vld [tilespmem:$0xF100]  }
0x291: {  	v50 =	vld [tilespmem:$0xF120];
	[tilespmem:$0x18570] =	vst v47  }
0x292: {  	v51 =	vld [tilespmem:$0xF140];
	[tilespmem:$0x18590] =	vst v48  }
0x293: {  	v52 =	vld [tilespmem:$0xF160];
	[tilespmem:$0x185B0] =	vst v49  }
0x294: {  	[tilespmem:$0x18580] =	vst v4;
	v4 =	vld [tilespmem:$0xF130]  }
0x295: {  	[tilespmem:$0x185A0] =	vst v5;
	v5 =	vld [tilespmem:$0xF150]  }
0x296: {  	v53 =	vld [tilespmem:$0xF170];
	[tilespmem:$0x185C0] =	vst v50  }
0x297: {  	v54 =	vld [tilespmem:$0x10110];
	[tilespmem:$0x185E0] =	vst v51  }
0x298: {  	v55 =	vld [tilespmem:$0x10130];
	[tilespmem:$0x18600] =	vst v52  }
0x299: {  	[tilespmem:$0x185D0] =	vst v4;
	v4 =	vld [tilespmem:$0x10100]  }
0x29a: {  	[tilespmem:$0x185F0] =	vst v5;
	v5 =	vld [tilespmem:$0x10120]  }
0x29b: {  	v56 =	vld [tilespmem:$0x10140];
	[tilespmem:$0x18610] =	vst v53  }
0x29c: {  	v57 =	vld [tilespmem:$0x10160];
	[tilespmem:$0x18630] =	vst v54  }
0x29d: {  	v58 =	vld [tilespmem:$0x11100];
	[tilespmem:$0x18650] =	vst v55  }
0x29e: {  	[tilespmem:$0x18620] =	vst v4;
	v4 =	vld [tilespmem:$0x10150]  }
0x29f: {  	[tilespmem:$0x18640] =	vst v5;
	v5 =	vld [tilespmem:$0x10170]  }
0x2a0: {  	v59 =	vld [tilespmem:$0x11110];
	[tilespmem:$0x18660] =	vst v56  }
0x2a1: {  	v60 =	vld [tilespmem:$0x11130];
	[tilespmem:$0x18680] =	vst v57  }
0x2a2: {  	v61 =	vld [tilespmem:$0x11150];
	[tilespmem:$0x186A0] =	vst v58  }
0x2a3: {  	[tilespmem:$0x18670] =	vst v4;
	v4 =	vld [tilespmem:$0x11120]  }
0x2a4: {  	[tilespmem:$0x18690] =	vst v5;
	v5 =	vld [tilespmem:$0x11140]  }
0x2a5: {  	v62 =	vld [tilespmem:$0x11160];
	[tilespmem:$0x186B0] =	vst v59  }
0x2a6: {  	v63 =	vld [tilespmem:$0x12100];
	[tilespmem:$0x186D0] =	vst v60  }
0x2a7: {  	v12 =	vld [tilespmem:$0x12120];
	[tilespmem:$0x186F0] =	vst v61  }
0x2a8: {  	[tilespmem:$0x186C0] =	vst v4;
	v4 =	vld [tilespmem:$0x11170]  }
0x2a9: {  	[tilespmem:$0x186E0] =	vst v5;
	v5 =	vld [tilespmem:$0x12110]  }
0x2aa: {  	v13 =	vld [tilespmem:$0x12130];
	[tilespmem:$0x18700] =	vst v62  }
0x2ab: {  	v14 =	vld [tilespmem:$0x12150];
	[tilespmem:$0x18720] =	vst v63  }
0x2ac: {  	v15 =	vld [tilespmem:$0x12170];
	[tilespmem:$0x18740] =	vst v12  }
0x2ad: {  	[tilespmem:$0x18710] =	vst v4;
	v4 =	vld [tilespmem:$0x12140]  }
0x2ae: {  	[tilespmem:$0x18730] =	vst v5;
	v5 =	vld [tilespmem:$0x12160]  }
0x2af: {  	v16 =	vld [tilespmem:$0x13100];
	[tilespmem:$0x18750] =	vst v13  }
0x2b0: {  	v17 =	vld [tilespmem:$0x13120];
	[tilespmem:$0x18770] =	vst v14  }
0x2b1: {  	v18 =	vld [tilespmem:$0x13140];
	[tilespmem:$0x18790] =	vst v15  }
0x2b2: {  	[tilespmem:$0x18760] =	vst v4;
	v4 =	vld [tilespmem:$0x13110]  }
0x2b3: {  	[tilespmem:$0x18780] =	vst v5;
	v5 =	vld [tilespmem:$0x13130]  }
0x2b4: {  	v19 =	vld [tilespmem:$0x13150];
	[tilespmem:$0x187A0] =	vst v16  }
0x2b5: {  	v20 =	vld [tilespmem:$0x13170];
	[tilespmem:$0x187C0] =	vst v17  }
0x2b6: {  	v21 =	vld [tilespmem:$0x14110];
	[tilespmem:$0x187E0] =	vst v18  }
0x2b7: {  	[tilespmem:$0x187B0] =	vst v4;
	v4 =	vld [tilespmem:$0x13160]  }
0x2b8: {  	[tilespmem:$0x187D0] =	vst v5;
	v5 =	vld [tilespmem:$0x14100]  }
0x2b9: {  	v22 =	vld [tilespmem:$0x14120];
	[tilespmem:$0x187F0] =	vst v19  }
0x2ba: {  	v23 =	vld [tilespmem:$0x14140];
	[tilespmem:$0x18810] =	vst v20  }
0x2bb: {  	v24 =	vld [tilespmem:$0x14160];
	[tilespmem:$0x18830] =	vst v21  }
0x2bc: {  	[tilespmem:$0x18800] =	vst v4;
	v4 =	vld [tilespmem:$0x14130]  }
0x2bd: {  	[tilespmem:$0x18820] =	vst v5;
	v5 =	vld [tilespmem:$0x14150]  }
0x2be: {  	v25 =	vld [tilespmem:$0x14170];
	[tilespmem:$0x18840] =	vst v22  }
0x2bf: {  	v26 =	vld [tilespmem:$0xD510];
	[tilespmem:$0x18860] =	vst v23  }
0x2c0: {  	v27 =	vld [tilespmem:$0xD530];
	[tilespmem:$0x18880] =	vst v24  }
0x2c1: {  	[tilespmem:$0x18850] =	vst v4;
	v4 =	vld [tilespmem:$0xD500]  }
0x2c2: {  	[tilespmem:$0x18870] =	vst v5;
	v5 =	vld [tilespmem:$0xD520]  }
0x2c3: {  	v28 =	vld [tilespmem:$0xD540];
	[tilespmem:$0x18890] =	vst v25  }
0x2c4: {  	v29 =	vld [tilespmem:$0xD560];
	[tilespmem:$0x188B0] =	vst v26  }
0x2c5: {  	v30 =	vld [tilespmem:$0xE500];
	[tilespmem:$0x188D0] =	vst v27  }
0x2c6: {  	[tilespmem:$0x188A0] =	vst v4;
	v4 =	vld [tilespmem:$0xD550]  }
0x2c7: {  	[tilespmem:$0x188C0] =	vst v5;
	v5 =	vld [tilespmem:$0xD570]  }
0x2c8: {  	v31 =	vld [tilespmem:$0xE510];
	[tilespmem:$0x188E0] =	vst v28  }
0x2c9: {  	v32 =	vld [tilespmem:$0xE530];
	[tilespmem:$0x18900] =	vst v29  }
0x2ca: {  	v33 =	vld [tilespmem:$0xE550];
	[tilespmem:$0x18920] =	vst v30  }
0x2cb: {  	[tilespmem:$0x188F0] =	vst v4;
	v4 =	vld [tilespmem:$0xE520]  }
0x2cc: {  	[tilespmem:$0x18910] =	vst v5;
	v5 =	vld [tilespmem:$0xE540]  }
0x2cd: {  	v34 =	vld [tilespmem:$0xE560];
	[tilespmem:$0x18930] =	vst v31  }
0x2ce: {  	v35 =	vld [tilespmem:$0xF500];
	[tilespmem:$0x18950] =	vst v32  }
0x2cf: {  	v36 =	vld [tilespmem:$0xF520];
	[tilespmem:$0x18970] =	vst v33  }
0x2d0: {  	[tilespmem:$0x18940] =	vst v4;
	v4 =	vld [tilespmem:$0xE570]  }
0x2d1: {  	[tilespmem:$0x18960] =	vst v5;
	v5 =	vld [tilespmem:$0xF510]  }
0x2d2: {  	v37 =	vld [tilespmem:$0xF530];
	[tilespmem:$0x18980] =	vst v34  }
0x2d3: {  	v38 =	vld [tilespmem:$0xF550];
	[tilespmem:$0x189A0] =	vst v35  }
0x2d4: {  	[tilespmem:$0x189C0] =	vst v36;
	v39 =	vld [tilespmem:$0xF570]  }
0x2d5: {  	[tilespmem:$0x18990] =	vst v4;
	v4 =	vld [tilespmem:$0xF540]  }
0x2d6: {  	[tilespmem:$0x189B0] =	vst v5;
	v5 =	vld [tilespmem:$0xF560]  }
0x2d7: {  	[tilespmem:$0x189D0] =	vst v37;
	v40 =	vld [tilespmem:$0x10500]  }
0x2d8: {  	[tilespmem:$0x189F0] =	vst v38;
	v41 =	vld [tilespmem:$0x10520]  }
0x2d9: {  	v42 =	vld [tilespmem:$0x10540];
	[tilespmem:$0x18A10] =	vst v39  }
0x2da: {  	[tilespmem:$0x189E0] =	vst v4;
	v4 =	vld [tilespmem:$0x10510]  }
0x2db: {  	[tilespmem:$0x18A00] =	vst v5;
	v5 =	vld [tilespmem:$0x10530]  }
0x2dc: {  	v43 =	vld [tilespmem:$0x10550];
	[tilespmem:$0x18A20] =	vst v40  }
0x2dd: {  	v44 =	vld [tilespmem:$0x10570];
	[tilespmem:$0x18A40] =	vst v41  }
0x2de: {  	v45 =	vld [tilespmem:$0x11510];
	[tilespmem:$0x18A60] =	vst v42  }
0x2df: {  	[tilespmem:$0x18A30] =	vst v4;
	v4 =	vld [tilespmem:$0x10560]  }
0x2e0: {  	[tilespmem:$0x18A50] =	vst v5;
	v5 =	vld [tilespmem:$0x11500]  }
0x2e1: {  	v46 =	vld [tilespmem:$0x11520];
	[tilespmem:$0x18A70] =	vst v43  }
0x2e2: {  	v47 =	vld [tilespmem:$0x11540];
	[tilespmem:$0x18A90] =	vst v44  }
0x2e3: {  	v48 =	vld [tilespmem:$0x11560];
	[tilespmem:$0x18AB0] =	vst v45  }
0x2e4: {  	[tilespmem:$0x18A80] =	vst v4;
	v4 =	vld [tilespmem:$0x11530]  }
0x2e5: {  	[tilespmem:$0x18AA0] =	vst v5;
	v5 =	vld [tilespmem:$0x11550]  }
0x2e6: {  	v49 =	vld [tilespmem:$0x11570];
	[tilespmem:$0x18AC0] =	vst v46  }
0x2e7: {  	v50 =	vld [tilespmem:$0x12510];
	[tilespmem:$0x18AE0] =	vst v47  }
0x2e8: {  	v51 =	vld [tilespmem:$0x12530];
	[tilespmem:$0x18B00] =	vst v48  }
0x2e9: {  	[tilespmem:$0x18AD0] =	vst v4;
	v4 =	vld [tilespmem:$0x12500]  }
0x2ea: {  	[tilespmem:$0x18AF0] =	vst v5;
	v5 =	vld [tilespmem:$0x12520]  }
0x2eb: {  	v52 =	vld [tilespmem:$0x12540];
	[tilespmem:$0x18B10] =	vst v49  }
0x2ec: {  	v53 =	vld [tilespmem:$0x12560];
	[tilespmem:$0x18B30] =	vst v50  }
0x2ed: {  	v54 =	vld [tilespmem:$0x13500];
	[tilespmem:$0x18B50] =	vst v51  }
0x2ee: {  	[tilespmem:$0x18B20] =	vst v4;
	v4 =	vld [tilespmem:$0x12550]  }
0x2ef: {  	[tilespmem:$0x18B40] =	vst v5;
	v5 =	vld [tilespmem:$0x12570]  }
0x2f0: {  	v55 =	vld [tilespmem:$0x13510];
	[tilespmem:$0x18B60] =	vst v52  }
0x2f1: {  	v56 =	vld [tilespmem:$0x13530];
	[tilespmem:$0x18B80] =	vst v53  }
0x2f2: {  	v57 =	vld [tilespmem:$0x13550];
	[tilespmem:$0x18BA0] =	vst v54  }
0x2f3: {  	[tilespmem:$0x18B70] =	vst v4;
	v4 =	vld [tilespmem:$0x13520]  }
0x2f4: {  	[tilespmem:$0x18B90] =	vst v5;
	v5 =	vld [tilespmem:$0x13540]  }
0x2f5: {  	v58 =	vld [tilespmem:$0x13560];
	[tilespmem:$0x18BB0] =	vst v55  }
0x2f6: {  	v59 =	vld [tilespmem:$0x14500];
	[tilespmem:$0x18BD0] =	vst v56  }
0x2f7: {  	v60 =	vld [tilespmem:$0x14520];
	[tilespmem:$0x18BF0] =	vst v57  }
0x2f8: {  	[tilespmem:$0x18BC0] =	vst v4;
	v4 =	vld [tilespmem:$0x13570]  }
0x2f9: {  	[tilespmem:$0x18BE0] =	vst v5;
	v5 =	vld [tilespmem:$0x14510]  }
0x2fa: {  	v61 =	vld [tilespmem:$0x14530];
	[tilespmem:$0x18C00] =	vst v58  }
0x2fb: {  	v62 =	vld [tilespmem:$0x14550];
	[tilespmem:$0x18C20] =	vst v59  }
0x2fc: {  	v63 =	vld [tilespmem:$0x14570];
	[tilespmem:$0x18C40] =	vst v60  }
0x2fd: {  	[tilespmem:$0x18C10] =	vst v4;
	v4 =	vld [tilespmem:$0x14540]  }
0x2fe: {  	s17 =	smov.u32 s18;
	p0 =	slt.s32 s20, s18;
	[tilespmem:$0x18C30] =	vst v5;
	v5 =	vld [tilespmem:$0x14560]  }
0x2ff: {  	s17 =	smov.u32 @p0 s20;
	[tilespmem:$0x18C50] =	vst v61  }
0x300: {  	s17 =	sadd.s32 s8, s17;
	[tilespmem:$0x18C70] =	vst v62  }
0x301: {  	s17 =	sshll.u32 s17, $0x8;
	[tilespmem:$0x18C90] =	vst v63  }
0x302: {  	s17 =	sand.u32 $0x1FFFFF00, s17;
	[tilespmem:$0x18C60] =	vst v4  }
0x303: {  	s17 =	sadd.s32 s7, s17;
	[tilespmem:$0x18C80] =	vst v5  }
0x304: {  	[hbm4b:s17+s6] =	stream.linear.scatter [tilespmem:s3], [sflag:$0x3], $0x800, $0x38;
	[tilespmem:$0x18CA0] =	vst v63  }
0x305: {  	_ = 	snop  }
0x306: {  	[spmem:s4] =	stream.indirect.scatter.add.f32 [tilespmem:s31], [sflag:$0x4], $0x80, s28, s2, $0xb8;
	[tilespmem:$0x18CA0] =	vst v63  }
0x307: {  	s20 =	rddreg [dreg:$0x9]  }
0x308: {  	[spmem:s4] =	stream.indirect.scatter.add.f32 [tilespmem:s20], [sflag:$0x5], $0x80, s29, s2, $0xb8;
	[tilespmem:$0x18CA0] =	vst v63  }
0x309: {  	_ =	swait.ge [sflag:s25], $0x4000  }
0x30a: {  	[sflag:s25] =	ssyncset.done $0x0  }
0x30b: {  	[sflag:s25] =	ssyncadd.s32 $0xFFFFC000  }
0x30c: {  	[spmem:s5] =	stream.indirect.scatter.add.f32 [tilespmem:s26], [sflag:$0x5], $0x10, s10, s2, $0xb8;
	[tilespmem:$0x18CA0] =	vst v63  }
0x30d: {  	_ =	swait.ge [sflag:s25], $0x800  }
0x30e: {  	[sflag:s25] =	ssyncset.done $0x0  }
0x30f: {  	s17 =	sadd.s32 $0x3, s22;
	[sflag:s25] =	ssyncadd.s32 $0xFFFFF800  }
0x310: {  	p0 =	slt.s32 s17, s18;
	s20 =	smov.u32 s18;
	_ =	swait.ge [sflag:s11], $0x4000  }
0x311: {  	s20 =	smov.u32 @p0 s17;
	p0 =	sne.s32 s22, $0x26;
	[sflag:s11] =	ssyncset.done $0x0  }
.Ltmp0:
0x312: {  	s17 =	sadd.s32 s8, s20;
	[sflag:s11] =	ssyncadd.s32 $0xFFFFC000;
	(pc) =	sbr.rel @p0 .LBB2_2-.Ltmp0, $4  }
0x313: {  	s23 =	sadd.s32 $0x100, s23;
	s17 =	sshll.u32 s17, $0xC;
	_ =	swait.ge [sflag:s13], $0x800  }
0x314: {  	s24 =	sadd.s32 $0x100, s24;
	s17 =	sand.u32 $0x1FFFF000, s17;
	[sflag:s13] =	ssyncset.done $0x0  }
0x315: {  	s22 =	smov.u32 s21;
	s17 =	sadd.s32 s0, s17;
	[sflag:s13] =	ssyncadd.s32 $0xFFFFF800  }
0x316: {  	[tilespmem:s31], [sflag:$0x2] =	stream.linear.gather [hbm4b:s17+s6], $0x8000, $0x38;
	[tilespmem:$0x18CA0] =	vst v63  }
0x317: {  	_ =	swait.ge [sflag:s1], $0x8000  }
0x318: {  	[sflag:s1] =	ssyncset.done $0x0  }
0x319: {  	[sflag:s1] =	ssyncadd.s32 $0xFFFF8000  }
0x31a: {  	_ =	swait.ge [sflag:s14], $0x8000  }
0x31b: {  	[sflag:s14] =	ssyncset.done $0x0  }
0x31c: {  	[sflag:s14] =	ssyncadd.s32 $0xFFFF8000  }
0x31d: {  	[bflag:$0x0] =	sbarrier.arrive $0xFFFF  }
0x31e: {  	s17 =	rddreg [dreg:$0x12]  }
0x31f: {  	[hbm:s17], [sflag:s12] =	dma.local [spmem:s16], $0x900  }
0x320: {  	_ =	swait.ge [sflag:s25], $0x900  }
0x321: {  	[sflag:s25] =	ssyncset.done $0x0  }
0x322: {  	s23 =	rddreg [dreg:$0x13];
	[sflag:s25] =	ssyncadd.s32 $0xFFFFF700  }
0x323: {  	[hbm:s23], [sflag:s12] =	dma.local [spmem:s19], $0x120  }
0x324: {  	_ =	swait.ge [sflag:s25], $0x120  }
0x325: {  	s15 =	sadd.s32 $0x1, s15;
	s24 =	rddreg [dreg:$0x14]  }
0x326: {  	p0 =	sne.s32 s15, s24  }
.Ltmp1:
0x327: {  	_ = 	snop;
	(pc) =	sbr.rel @p0 .LBB2_1-.Ltmp1, $3  }
0x328: {  	_ =	sdelay $0x1  }
0x329: {  	[sflag:s25] =	ssyncset.done $0x0  }
0x32a: {  	[sflag:s25] =	ssyncadd.s32 $0xFFFFFEE0  }
0x32b: {  	_ =	sfence.sel $0x180000  }
0x32c: {  	[bflag:$0x0] =	sbarrier.arrive $0xFFFF  }
0x32d: {  	_ =	strace $0x90000047  }
0x32e: {  	s0 =	stileid.u32;
	[bflag:$0x2] =	sbarrier.arrive $0xFFFF  }
0x32f: {  	p0 =	sne.s32 s0, $0x0;
	s0 =	rddreg [dreg:$0x7]  }
0x330: {  	s0 =	sadd.s32 @!p0 $0x100000, s0  }
0x331: {  	[sflag:s0] =	ssyncadd.tile.s32 @!p0 $0x1;
	_ =	shalt  }
.Lfunc_end2:
_tile_overlayer_lowered:
.L_overlay_start_2:
0x332: {  	(tag) =	ssettag $0x2  }
0x333: {  	s0 =	rddreg [dreg:$0x0];
	s2 =	stileid.u32  }
0x334: {  	s1 =	rddreg [dreg:$0x1];
	p0 =	sne.s32 s2, $0x0  }
0x335: {  	s3 =	rddreg [dreg:$0x2];
	[bflag:$0x3] =	sbarrier.arrive $0xFFFF;
	s2 =	simm.s32 @!p0 $0x1C05  }
0x336: {  	[timem:s3], [sflag:s2] =	dma.local @!p0 [hbm:s0], s1  }
0x337: {  	s0 =	simm.s32 @!p0 $0x5  }
0x338: {  	_ =	swait.ge @!p0 [sflag:s0], s1  }
0x339: {  	s1 =	ssub.s32 @!p0 $0x0, s1;
	[sflag:s0] =	ssyncset.done @!p0 $0x0  }
0x33a: {  	[sflag:s0] =	ssyncadd.s32 @!p0 s1  }
0x33b: {  	[bflag:$0x3] =	sbarrier.arrive $0xFFFF  }
0x33c: {  	_ =	shalt  }

</sc_bundles>
